<compile_context>
chip_gen: v7x
topology: tpu7x:2x2x1
jax: 0.10.2.dev20260603
libtpu: 0.0.44.dev20260713+nightly
codegen_flags: <defaults>
</compile_context>

<pallas_src>
import functools

import numpy as np
import jax
import jax.numpy as jnp
from jax import lax
from jax.experimental import pallas as pl
from jax.experimental.pallas import tpu as pltpu
from jax.experimental.pallas import tpu_sc as plsc

_L = 32
_AG = 32
_B = 4096
_N = _AG + _L
_C = _N * (_N - 1) // 2

_G = 64
_triu = np.stack(np.triu_indices(_N, k=1)).astype(np.int32)
_TB_NP = (np.tile(_triu, (1, _G))
          + (np.arange(_G, dtype=np.int32).repeat(_C) * _N)[None, :])



def _ei_body(tb_ref, ei_ref):
    off = pl.program_id(0) * (_G * _N)
    ei_ref[...] = tb_ref[...] + off


_ei_call = pl.pallas_call(
    _ei_body,
    grid=(_B // _G,),
    in_specs=[pl.BlockSpec((2, _G * _C), lambda i: (0, 0))],
    out_specs=pl.BlockSpec((2, _G * _C), lambda i: (0, i)),
    out_shape=jax.ShapeDtypeStruct((2, _B * _C), jnp.int32),
)


_BB = 256
_OBS = 4 + 2 * _L + 2 * (_AG - 1) + (_AG - 1)
_SD = _OBS + 3


def _build_selectors():
    m1 = np.zeros((_SD, _N * 8), np.float32)
    m2 = np.zeros((_SD, _N * 8), np.float32)
    m3 = np.zeros((_SD, _N * 8), np.float32)
    one_c = _OBS + 2
    inv_c = (_OBS, _OBS + 1)
    m1[2, 0] = 1.0
    m1[3, 1] = 1.0
    m1[0, 2] = 1.0
    m1[1, 3] = 1.0
    m1[one_c, 6] = 2.0
    for n in range(1, _N):
        w = 8 * n
        if n <= _L:
            base = 4 + 2 * (n - 1)
        else:
            base = 4 + 2 * _L + 2 * (n - 1 - _L)
        for d in range(2):
            m1[2 + d, w + d] = 1.0
            m1[base + d, w + d] = 1.0
            m1[base + d, w + 2 + d] = 1.0
            m2[base + d, w + 4 + d] = 1.0
            m3[inv_c[d], w + 4 + d] = 1.0
        if n > _L:
            j = n - 1 - _L
            m1[one_c, w + 6] = 1.0
            m1[4 + 2 * _L + 2 * (_AG - 1) + j, w + 7] = 1.0
    return m1, m2, m3


_M1_NP, _M2_NP, _M3_NP = _build_selectors()


def _tc_body(obs_ref, m1_ref, m2_ref, m3_ref, x_ref, ea_ref):
    obs = obs_ref[...]
    vel = obs[:, 0:2]
    inv = 1.0 / (0.001 + vel)
    one = jnp.ones((_BB, 1), jnp.float32)
    s = jnp.concatenate([obs, inv, one], axis=1)
    dn = (((1,), (0,)), ((), ()))
    hi = jax.lax.Precision.HIGHEST
    a = jax.lax.dot_general(s, m1_ref[...], dn, precision=hi)
    b = jax.lax.dot_general(s, m2_ref[...], dn, precision=hi)
    c = jax.lax.dot_general(s, m3_ref[...], dn, precision=hi)
    x512 = a + b * c
    x_ref[...] = x512.reshape(_BB, _N, 8)

    d1 = x512[:, 0:8] - x512[:, 8:16]
    d2 = x512[:, 0:8] - x512[:, 16:24]
    e1 = jnp.sum(d1 * d1, axis=1, keepdims=True)
    e2 = jnp.sum(d2 * d2, axis=1, keepdims=True)
    ea_ref[...] = jnp.sqrt(jnp.concatenate([e1, e2], axis=1))


_tc_call = pl.pallas_call(
    _tc_body,
    grid=(_B // _BB,),
    in_specs=[
        pl.BlockSpec((_BB, _OBS), lambda i: (i, 0)),
        pl.BlockSpec((_SD, _N * 8), lambda i: (0, 0)),
        pl.BlockSpec((_SD, _N * 8), lambda i: (0, 0)),
        pl.BlockSpec((_SD, _N * 8), lambda i: (0, 0)),
    ],
    out_specs=[
        pl.BlockSpec((_BB, _N, 8), lambda i: (i, 0, 0)),
        pl.BlockSpec((_BB, 2), lambda i: (i, 0)),
    ],
    out_shape=[
        jax.ShapeDtypeStruct((_B, _N, 8), jnp.float32),
        jax.ShapeDtypeStruct((_B, 2), jnp.float32),
    ],
)


_NW = 32
_BPW = _B // _NW


def _sc_bv_body(bv_hbm, buf):
    core = lax.axis_index("c")
    sub = lax.axis_index("s")
    wid = sub * 2 + core
    i0 = wid * _BPW
    zero16 = lax.broadcasted_iota(jnp.int32, (16,), 0) * 0
    for k in range(_BPW):
        val = zero16 + (i0 + k)
        for v in range(_N // 16):
            buf[pl.ds(k * _N + v * 16, 16)] = val
    pltpu.sync_copy(buf, bv_hbm.at[pl.ds(i0 * _N, _BPW * _N)])


@functools.lru_cache(maxsize=None)
def _sc_bv_call():
    return pl.kernel(
        _sc_bv_body,
        out_type=jax.ShapeDtypeStruct((_B * _N,), jnp.int32),
        mesh=plsc.VectorSubcoreMesh(core_axis_name="c", subcore_axis_name="s"),
        scratch_types=[pltpu.VMEM((_BPW * _N,), jnp.int32)],
    )



def kernel(batch_observations):
    obs = batch_observations

    ei = _ei_call(jnp.asarray(_TB_NP))
    x3, ea = _tc_call(obs, jnp.asarray(_M1_NP), jnp.asarray(_M2_NP),
                      jnp.asarray(_M3_NP))
    bv = _sc_bv_call()()

    return (x3.reshape(_B * _N, 8),
            ei,
            ea.reshape(-1),
            bv)

# --- scband reference (transcript-rebuilt; emitter-appended) ---
"""Pipeline reference for scband-multi-agent-graph-17231408792282 (READ-ONLY COPY).

The authoritative reference and input builder live on the scoring server;
editing this copy changes nothing except your own understanding.
"""

import jax, jax.numpy as jnp
import numpy as np

L = 32
A = 32
B = 4096
N = A + L
OBS_DIM = 4 + 2 * L + 2 * (A - 1) + (A - 1)


def setup_inputs(seed: int = 0) -> dict:
    key = jax.random.key(seed)
    batch_observations = jax.random.normal(key, (B, OBS_DIM), dtype=jnp.float32)
    return {"batch_observations": batch_observations}


def reference(batch_observations):
    b = batch_observations.shape[0]
    vel = batch_observations[:, :2]
    pos = batch_observations[:, 2:4]
    rel_landmarks = batch_observations[:, 4:4 + 2 * L].reshape(b, L, 2)
    rel_others = batch_observations[:, 4 + 2 * L:4 + 2 * (L + A - 1)].reshape(b, A - 1, 2)
    comm = batch_observations[:, -(A - 1):].reshape(b, A - 1, 1)
    abs_landmarks = pos[:, None, :] + rel_landmarks
    abs_others = pos[:, None, :] + rel_others
    denom = (0.001 + vel)[:, None, :]
    landmark_features = jnp.concatenate([
        abs_landmarks, rel_landmarks, rel_landmarks / denom,
        jnp.zeros((b, L, 2), dtype=jnp.float32)], axis=2)
    other_features = jnp.concatenate([
        abs_others, rel_others, rel_others / denom,
        jnp.ones((b, A - 1, 1), dtype=jnp.float32), comm], axis=2)
    agent_features = jnp.concatenate([
        pos[:, None, :], vel[:, None, :],
        jnp.zeros((b, 1, 2), dtype=jnp.float32),
        2.0 * jnp.ones((b, 1, 1), dtype=jnp.float32),
        jnp.zeros((b, 1, 1), dtype=jnp.float32)], axis=2)
    x = jnp.concatenate([agent_features, landmark_features, other_features], axis=1)  # [b, N, 8]
    # torch.combinations(arange(N), r=2).t() == upper-triangular (i<j) pairs in lex order
    r, c = jnp.triu_indices(N, k=1)
    edge_index = jnp.stack([jnp.asarray(r, dtype=jnp.int64 if jax.config.jax_enable_x64 else jnp.int32),
                            jnp.asarray(c, dtype=jnp.int64 if jax.config.jax_enable_x64 else jnp.int32)], axis=0)  # [2, C]
    C = edge_index.shape[1]
    # faithful to original: node_features[edge_index[0]][:2] takes the FIRST TWO edges' rows
    src = x[:, edge_index[0][:2], :]  # [b, 2, 8]
    dst = x[:, edge_index[1][:2], :]
    edge_attr = jnp.sqrt(jnp.sum((src - dst) ** 2, axis=-1))  # [b, 2]
    # Batch.from_data_list equivalent: concat node features, offset edge indices, concat edge_attr
    x_batched = x.reshape(b * N, 8)
    offsets = (jnp.arange(b, dtype=edge_index.dtype) * N)[:, None, None]
    edge_index_batched = (edge_index[None, :, :] + offsets).transpose(1, 0, 2).reshape(2, b * C)
    edge_attr_batched = edge_attr.reshape(-1)
    batch_vector = jnp.repeat(jnp.arange(b, dtype=jnp.int32), N)
    return x_batched, edge_index_batched, edge_attr_batched, batch_vector

if __name__ == "__main__":
    import jax
    _d = setup_inputs()
    print(jax.jit(kernel)(*tuple(_d.values())))

</pallas_src>

<mosaic_0001>
#map = affine_map<(d0, d1) -> (0)>
module attributes {stable_mosaic.version = 14 : i64} {
  func.func @_sc_bv_body(%arg0: i32, %arg1: i32, %arg2: memref<262144xi32, #tpu.memory_space<hbm>>, %arg3: memref<8192xi32, #tpu.memory_space<vmem>>) attributes {dimension_semantics = [#tpu.dimension_semantics<core_parallel>, #tpu.dimension_semantics<subcore_parallel>], iteration_bounds = array<i64: 2, 16>, scalar_prefetch = 0 : i64, scratch_operands = 1 : i64, tpu.core_type = #tpu.core_type<sc_vector_subcore>, window_params = [{transform_indices = #map}]} {
    %mul3A = arith.constant 2 : i32
    %mul3A_0 = arith.muli %arg1, %mul3A : i32
    %add3A = arith.addi %mul3A_0, %arg0 : i32
    %mul3A_1 = arith.constant 128 : i32
    %mul3A_2 = arith.muli %add3A, %mul3A_1 : i32
    %iota3A = tpu.iota {dimensions = array<i32: 0>} : vector<16xi32>
    %mul3A_3 = arith.constant 0 : i32
    %mul3A_4 = vector.broadcast %mul3A_3 : i32 to vector<16xi32>
    %mul3A_5 = arith.muli %iota3A, %mul3A_4 : vector<16xi32>
    %add3A_6 = arith.constant 0 : i32
    %add3A_7 = arith.addi %mul3A_2, %add3A_6 : i32
    %add3A_8 = vector.broadcast %add3A_7 : i32 to vector<16xi32>
    %add3A_9 = arith.addi %mul3A_5, %add3A_8 : vector<16xi32>
    %swap3A = arith.constant 0 : index
    %swap3A_10 = tpu.vector_load %arg3[%swap3A] {strides = array<i32>} : memref<8192xi32, #tpu.memory_space<vmem>>, vector<16xi32>,
    %swap3A_11 = vector.shape_cast %swap3A_10 : vector<16xi32> to vector<16xi32>
    %swap3A_12 = vector.shape_cast %add3A_9 : vector<16xi32> to vector<16xi32>
    tpu.vector_store %arg3[%swap3A], %swap3A_12 {strides = array<i32>} : memref<8192xi32, #tpu.memory_space<vmem>>, vector<16xi32>,
    %swap3A_13 = arith.constant 16 : index
    %swap3A_14 = tpu.vector_load %arg3[%swap3A_13] {strides = array<i32>} : memref<8192xi32, #tpu.memory_space<vmem>>, vector<16xi32>,
    %swap3A_15 = vector.shape_cast %swap3A_14 : vector<16xi32> to vector<16xi32>
    %swap3A_16 = vector.shape_cast %add3A_9 : vector<16xi32> to vector<16xi32>
    tpu.vector_store %arg3[%swap3A_13], %swap3A_16 {strides = array<i32>} : memref<8192xi32, #tpu.memory_space<vmem>>, vector<16xi32>,
    %swap3A_17 = arith.constant 32 : index
    %swap3A_18 = tpu.vector_load %arg3[%swap3A_17] {strides = array<i32>} : memref<8192xi32, #tpu.memory_space<vmem>>, vector<16xi32>,
    %swap3A_19 = vector.shape_cast %swap3A_18 : vector<16xi32> to vector<16xi32>
    %swap3A_20 = vector.shape_cast %add3A_9 : vector<16xi32> to vector<16xi32>
    tpu.vector_store %arg3[%swap3A_17], %swap3A_20 {strides = array<i32>} : memref<8192xi32, #tpu.memory_space<vmem>>, vector<16xi32>,
    %swap3A_21 = arith.constant 48 : index
    %swap3A_22 = tpu.vector_load %arg3[%swap3A_21] {strides = array<i32>} : memref<8192xi32, #tpu.memory_space<vmem>>, vector<16xi32>,
    %swap3A_23 = vector.shape_cast %swap3A_22 : vector<16xi32> to vector<16xi32>
    %swap3A_24 = vector.shape_cast %add3A_9 : vector<16xi32> to vector<16xi32>
    tpu.vector_store %arg3[%swap3A_21], %swap3A_24 {strides = array<i32>} : memref<8192xi32, #tpu.memory_space<vmem>>, vector<16xi32>,
    %add3A_25 = arith.constant 1 : i32
    %add3A_26 = arith.addi %mul3A_2, %add3A_25 : i32
    %add3A_27 = vector.broadcast %add3A_26 : i32 to vector<16xi32>
    %add3A_28 = arith.addi %mul3A_5, %add3A_27 : vector<16xi32>
    %swap3A_29 = arith.constant 64 : index
    %swap3A_30 = tpu.vector_load %arg3[%swap3A_29] {strides = array<i32>} : memref<8192xi32, #tpu.memory_space<vmem>>, vector<16xi32>,
    %swap3A_31 = vector.shape_cast %swap3A_30 : vector<16xi32> to vector<16xi32>
    %swap3A_32 = vector.shape_cast %add3A_28 : vector<16xi32> to vector<16xi32>
    tpu.vector_store %arg3[%swap3A_29], %swap3A_32 {strides = array<i32>} : memref<8192xi32, #tpu.memory_space<vmem>>, vector<16xi32>,
    %swap3A_33 = arith.constant 80 : index
    %swap3A_34 = tpu.vector_load %arg3[%swap3A_33] {strides = array<i32>} : memref<8192xi32, #tpu.memory_space<vmem>>, vector<16xi32>,
    %swap3A_35 = vector.shape_cast %swap3A_34 : vector<16xi32> to vector<16xi32>
    %swap3A_36 = vector.shape_cast %add3A_28 : vector<16xi32> to vector<16xi32>
    tpu.vector_store %arg3[%swap3A_33], %swap3A_36 {strides = array<i32>} : memref<8192xi32, #tpu.memory_space<vmem>>, vector<16xi32>,
    %swap3A_37 = arith.constant 96 : index
    %swap3A_38 = tpu.vector_load %arg3[%swap3A_37] {strides = array<i32>} : memref<8192xi32, #tpu.memory_space<vmem>>, vector<16xi32>,
    %swap3A_39 = vector.shape_cast %swap3A_38 : vector<16xi32> to vector<16xi32>
    %swap3A_40 = vector.shape_cast %add3A_28 : vector<16xi32> to vector<16xi32>
    tpu.vector_store %arg3[%swap3A_37], %swap3A_40 {strides = array<i32>} : memref<8192xi32, #tpu.memory_space<vmem>>, vector<16xi32>,
    %swap3A_41 = arith.constant 112 : index
    %swap3A_42 = tpu.vector_load %arg3[%swap3A_41] {strides = array<i32>} : memref<8192xi32, #tpu.memory_space<vmem>>, vector<16xi32>,
    %swap3A_43 = vector.shape_cast %swap3A_42 : vector<16xi32> to vector<16xi32>
    %swap3A_44 = vector.shape_cast %add3A_28 : vector<16xi32> to vector<16xi32>
    tpu.vector_store %arg3[%swap3A_41], %swap3A_44 {strides = array<i32>} : memref<8192xi32, #tpu.memory_space<vmem>>, vector<16xi32>,
    %add3A_45 = arith.constant 2 : i32
    %add3A_46 = arith.addi %mul3A_2, %add3A_45 : i32
    %add3A_47 = vector.broadcast %add3A_46 : i32 to vector<16xi32>
    %add3A_48 = arith.addi %mul3A_5, %add3A_47 : vector<16xi32>
    %swap3A_49 = arith.constant 128 : index
    %swap3A_50 = tpu.vector_load %arg3[%swap3A_49] {strides = array<i32>} : memref<8192xi32, #tpu.memory_space<vmem>>, vector<16xi32>,
    %swap3A_51 = vector.shape_cast %swap3A_50 : vector<16xi32> to vector<16xi32>
    %swap3A_52 = vector.shape_cast %add3A_48 : vector<16xi32> to vector<16xi32>
    tpu.vector_store %arg3[%swap3A_49], %swap3A_52 {strides = array<i32>} : memref<8192xi32, #tpu.memory_space<vmem>>, vector<16xi32>,
    %swap3A_53 = arith.constant 144 : index
    %swap3A_54 = tpu.vector_load %arg3[%swap3A_53] {strides = array<i32>} : memref<8192xi32, #tpu.memory_space<vmem>>, vector<16xi32>,
    %swap3A_55 = vector.shape_cast %swap3A_54 : vector<16xi32> to vector<16xi32>
    %swap3A_56 = vector.shape_cast %add3A_48 : vector<16xi32> to vector<16xi32>
    tpu.vector_store %arg3[%swap3A_53], %swap3A_56 {strides = array<i32>} : memref<8192xi32, #tpu.memory_space<vmem>>, vector<16xi32>,
    %swap3A_57 = arith.constant 160 : index
    %swap3A_58 = tpu.vector_load %arg3[%swap3A_57] {strides = array<i32>} : memref<8192xi32, #tpu.memory_space<vmem>>, vector<16xi32>,
    %swap3A_59 = vector.shape_cast %swap3A_58 : vector<16xi32> to vector<16xi32>
    %swap3A_60 = vector.shape_cast %add3A_48 : vector<16xi32> to vector<16xi32>
    tpu.vector_store %arg3[%swap3A_57], %swap3A_60 {strides = array<i32>} : memref<8192xi32, #tpu.memory_space<vmem>>, vector<16xi32>,
    %swap3A_61 = arith.constant 176 : index
    %swap3A_62 = tpu.vector_load %arg3[%swap3A_61] {strides = array<i32>} : memref<8192xi32, #tpu.memory_space<vmem>>, vector<16xi32>,
    %swap3A_63 = vector.shape_cast %swap3A_62 : vector<16xi32> to vector<16xi32>
    %swap3A_64 = vector.shape_cast %add3A_48 : vector<16xi32> to vector<16xi32>
    tpu.vector_store %arg3[%swap3A_61], %swap3A_64 {strides = array<i32>} : memref<8192xi32, #tpu.memory_space<vmem>>, vector<16xi32>,
    %add3A_65 = arith.constant 3 : i32
    %add3A_66 = arith.addi %mul3A_2, %add3A_65 : i32
    %add3A_67 = vector.broadcast %add3A_66 : i32 to vector<16xi32>
    %add3A_68 = arith.addi %mul3A_5, %add3A_67 : vector<16xi32>
    %swap3A_69 = arith.constant 192 : index
    %swap3A_70 = tpu.vector_load %arg3[%swap3A_69] {strides = array<i32>} : memref<8192xi32, #tpu.memory_space<vmem>>, vector<16xi32>,
    %swap3A_71 = vector.shape_cast %swap3A_70 : vector<16xi32> to vector<16xi32>
    %swap3A_72 = vector.shape_cast %add3A_68 : vector<16xi32> to vector<16xi32>
    tpu.vector_store %arg3[%swap3A_69], %swap3A_72 {strides = array<i32>} : memref<8192xi32, #tpu.memory_space<vmem>>, vector<16xi32>,
    %swap3A_73 = arith.constant 208 : index
    %swap3A_74 = tpu.vector_load %arg3[%swap3A_73] {strides = array<i32>} : memref<8192xi32, #tpu.memory_space<vmem>>, vector<16xi32>,
    %swap3A_75 = vector.shape_cast %swap3A_74 : vector<16xi32> to vector<16xi32>
    %swap3A_76 = vector.shape_cast %add3A_68 : vector<16xi32> to vector<16xi32>
    tpu.vector_store %arg3[%swap3A_73], %swap3A_76 {strides = array<i32>} : memref<8192xi32, #tpu.memory_space<vmem>>, vector<16xi32>,
    %swap3A_77 = arith.constant 224 : index
    %swap3A_78 = tpu.vector_load %arg3[%swap3A_77] {strides = array<i32>} : memref<8192xi32, #tpu.memory_space<vmem>>, vector<16xi32>,
    %swap3A_79 = vector.shape_cast %swap3A_78 : vector<16xi32> to vector<16xi32>
    %swap3A_80 = vector.shape_cast %add3A_68 : vector<16xi32> to vector<16xi32>
    tpu.vector_store %arg3[%swap3A_77], %swap3A_80 {strides = array<i32>} : memref<8192xi32, #tpu.memory_space<vmem>>, vector<16xi32>,
    %swap3A_81 = arith.constant 240 : index
    %swap3A_82 = tpu.vector_load %arg3[%swap3A_81] {strides = array<i32>} : memref<8192xi32, #tpu.memory_space<vmem>>, vector<16xi32>,
    %swap3A_83 = vector.shape_cast %swap3A_82 : vector<16xi32> to vector<16xi32>
    %swap3A_84 = vector.shape_cast %add3A_68 : vector<16xi32> to vector<16xi32>
    tpu.vector_store %arg3[%swap3A_81], %swap3A_84 {strides = array<i32>} : memref<8192xi32, #tpu.memory_space<vmem>>, vector<16xi32>,
    %add3A_85 = arith.constant 4 : i32
    %add3A_86 = arith.addi %mul3A_2, %add3A_85 : i32
    %add3A_87 = vector.broadcast %add3A_86 : i32 to vector<16xi32>
    %add3A_88 = arith.addi %mul3A_5, %add3A_87 : vector<16xi32>
    %swap3A_89 = arith.constant 256 : index
    %swap3A_90 = tpu.vector_load %arg3[%swap3A_89] {strides = array<i32>} : memref<8192xi32, #tpu.memory_space<vmem>>, vector<16xi32>,
    %swap3A_91 = vector.shape_cast %swap3A_90 : vector<16xi32> to vector<16xi32>
    %swap3A_92 = vector.shape_cast %add3A_88 : vector<16xi32> to vector<16xi32>
    tpu.vector_store %arg3[%swap3A_89], %swap3A_92 {strides = array<i32>} : memref<8192xi32, #tpu.memory_space<vmem>>, vector<16xi32>,
    %swap3A_93 = arith.constant 272 : index
    %swap3A_94 = tpu.vector_load %arg3[%swap3A_93] {strides = array<i32>} : memref<8192xi32, #tpu.memory_space<vmem>>, vector<16xi32>,
    %swap3A_95 = vector.shape_cast %swap3A_94 : vector<16xi32> to vector<16xi32>
    %swap3A_96 = vector.shape_cast %add3A_88 : vector<16xi32> to vector<16xi32>
    tpu.vector_store %arg3[%swap3A_93], %swap3A_96 {strides = array<i32>} : memref<8192xi32, #tpu.memory_space<vmem>>, vector<16xi32>,
    %swap3A_97 = arith.constant 288 : index
    %swap3A_98 = tpu.vector_load %arg3[%swap3A_97] {strides = array<i32>} : memref<8192xi32, #tpu.memory_space<vmem>>, vector<16xi32>,
    %swap3A_99 = vector.shape_cast %swap3A_98 : vector<16xi32> to vector<16xi32>
    %swap3A_100 = vector.shape_cast %add3A_88 : vector<16xi32> to vector<16xi32>
    tpu.vector_store %arg3[%swap3A_97], %swap3A_100 {strides = array<i32>} : memref<8192xi32, #tpu.memory_space<vmem>>, vector<16xi32>,
    %swap3A_101 = arith.constant 304 : index
    %swap3A_102 = tpu.vector_load %arg3[%swap3A_101] {strides = array<i32>} : memref<8192xi32, #tpu.memory_space<vmem>>, vector<16xi32>,
    %swap3A_103 = vector.shape_cast %swap3A_102 : vector<16xi32> to vector<16xi32>
    %swap3A_104 = vector.shape_cast %add3A_88 : vector<16xi32> to vector<16xi32>
    tpu.vector_store %arg3[%swap3A_101], %swap3A_104 {strides = array<i32>} : memref<8192xi32, #tpu.memory_space<vmem>>, vector<16xi32>,
    %add3A_105 = arith.constant 5 : i32
    %add3A_106 = arith.addi %mul3A_2, %add3A_105 : i32
    %add3A_107 = vector.broadcast %add3A_106 : i32 to vector<16xi32>
    %add3A_108 = arith.addi %mul3A_5, %add3A_107 : vector<16xi32>
    %swap3A_109 = arith.constant 320 : index
    %swap3A_110 = tpu.vector_load %arg3[%swap3A_109] {strides = array<i32>} : memref<8192xi32, #tpu.memory_space<vmem>>, vector<16xi32>,
    %swap3A_111 = vector.shape_cast %swap3A_110 : vector<16xi32> to vector<16xi32>
    %swap3A_112 = vector.shape_cast %add3A_108 : vector<16xi32> to vector<16xi32>
    tpu.vector_store %arg3[%swap3A_109], %swap3A_112 {strides = array<i32>} : memref<8192xi32, #tpu.memory_space<vmem>>, vector<16xi32>,
    %swap3A_113 = arith.constant 336 : index
    %swap3A_114 = tpu.vector_load %arg3[%swap3A_113] {strides = array<i32>} : memref<8192xi32, #tpu.memory_space<vmem>>, vector<16xi32>,
    %swap3A_115 = vector.shape_cast %swap3A_114 : vector<16xi32> to vector<16xi32>
    %swap3A_116 = vector.shape_cast %add3A_108 : vector<16xi32> to vector<16xi32>
    tpu.vector_store %arg3[%swap3A_113], %swap3A_116 {strides = array<i32>} : memref<8192xi32, #tpu.memory_space<vmem>>, vector<16xi32>,
    %swap3A_117 = arith.constant 352 : index
    %swap3A_118 = tpu.vector_load %arg3[%swap3A_117] {strides = array<i32>} : memref<8192xi32, #tpu.memory_space<vmem>>, vector<16xi32>,
    %swap3A_119 = vector.shape_cast %swap3A_118 : vector<16xi32> to vector<16xi32>
    %swap3A_120 = vector.shape_cast %add3A_108 : vector<16xi32> to vector<16xi32>
    tpu.vector_store %arg3[%swap3A_117], %swap3A_120 {strides = array<i32>} : memref<8192xi32, #tpu.memory_space<vmem>>, vector<16xi32>,
    %swap3A_121 = arith.constant 368 : index
    %swap3A_122 = tpu.vector_load %arg3[%swap3A_121] {strides = array<i32>} : memref<8192xi32, #tpu.memory_space<vmem>>, vector<16xi32>,
    %swap3A_123 = vector.shape_cast %swap3A_122 : vector<16xi32> to vector<16xi32>
    %swap3A_124 = vector.shape_cast %add3A_108 : vector<16xi32> to vector<16xi32>
    tpu.vector_store %arg3[%swap3A_121], %swap3A_124 {strides = array<i32>} : memref<8192xi32, #tpu.memory_space<vmem>>, vector<16xi32>,
    %add3A_125 = arith.constant 6 : i32
    %add3A_126 = arith.addi %mul3A_2, %add3A_125 : i32
    %add3A_127 = vector.broadcast %add3A_126 : i32 to vector<16xi32>
    %add3A_128 = arith.addi %mul3A_5, %add3A_127 : vector<16xi32>
    %swap3A_129 = arith.constant 384 : index
    %swap3A_130 = tpu.vector_load %arg3[%swap3A_129] {strides = array<i32>} : memref<8192xi32, #tpu.memory_space<vmem>>, vector<16xi32>,
    %swap3A_131 = vector.shape_cast %swap3A_130 : vector<16xi32> to vector<16xi32>
    %swap3A_132 = vector.shape_cast %add3A_128 : vector<16xi32> to vector<16xi32>
    tpu.vector_store %arg3[%swap3A_129], %swap3A_132 {strides = array<i32>} : memref<8192xi32, #tpu.memory_space<vmem>>, vector<16xi32>,
    %swap3A_133 = arith.constant 400 : index
    %swap3A_134 = tpu.vector_load %arg3[%swap3A_133] {strides = array<i32>} : memref<8192xi32, #tpu.memory_space<vmem>>, vector<16xi32>,
    %swap3A_135 = vector.shape_cast %swap3A_134 : vector<16xi32> to vector<16xi32>
    %swap3A_136 = vector.shape_cast %add3A_128 : vector<16xi32> to vector<16xi32>
    tpu.vector_store %arg3[%swap3A_133], %swap3A_136 {strides = array<i32>} : memref<8192xi32, #tpu.memory_space<vmem>>, vector<16xi32>,
    %swap3A_137 = arith.constant 416 : index
    %swap3A_138 = tpu.vector_load %arg3[%swap3A_137] {strides = array<i32>} : memref<8192xi32, #tpu.memory_space<vmem>>, vector<16xi32>,
    %swap3A_139 = vector.shape_cast %swap3A_138 : vector<16xi32> to vector<16xi32>
    %swap3A_140 = vector.shape_cast %add3A_128 : vector<16xi32> to vector<16xi32>
    tpu.vector_store %arg3[%swap3A_137], %swap3A_140 {strides = array<i32>} : memref<8192xi32, #tpu.memory_space<vmem>>, vector<16xi32>,
    %swap3A_141 = arith.constant 432 : index
    %swap3A_142 = tpu.vector_load %arg3[%swap3A_141] {strides = array<i32>} : memref<8192xi32, #tpu.memory_space<vmem>>, vector<16xi32>,
    %swap3A_143 = vector.shape_cast %swap3A_142 : vector<16xi32> to vector<16xi32>
    %swap3A_144 = vector.shape_cast %add3A_128 : vector<16xi32> to vector<16xi32>
    tpu.vector_store %arg3[%swap3A_141], %swap3A_144 {strides = array<i32>} : memref<8192xi32, #tpu.memory_space<vmem>>, vector<16xi32>,
    %add3A_145 = arith.constant 7 : i32
    %add3A_146 = arith.addi %mul3A_2, %add3A_145 : i32
    %add3A_147 = vector.broadcast %add3A_146 : i32 to vector<16xi32>
    %add3A_148 = arith.addi %mul3A_5, %add3A_147 : vector<16xi32>
    %swap3A_149 = arith.constant 448 : index
    %swap3A_150 = tpu.vector_load %arg3[%swap3A_149] {strides = array<i32>} : memref<8192xi32, #tpu.memory_space<vmem>>, vector<16xi32>,
    %swap3A_151 = vector.shape_cast %swap3A_150 : vector<16xi32> to vector<16xi32>
    %swap3A_152 = vector.shape_cast %add3A_148 : vector<16xi32> to vector<16xi32>
    tpu.vector_store %arg3[%swap3A_149], %swap3A_152 {strides = array<i32>} : memref<8192xi32, #tpu.memory_space<vmem>>, vector<16xi32>,
    %swap3A_153 = arith.constant 464 : index
    %swap3A_154 = tpu.vector_load %arg3[%swap3A_153] {strides = array<i32>} : memref<8192xi32, #tpu.memory_space<vmem>>, vector<16xi32>,
    %swap3A_155 = vector.shape_cast %swap3A_154 : vector<16xi32> to vector<16xi32>
    %swap3A_156 = vector.shape_cast %add3A_148 : vector<16xi32> to vector<16xi32>
    tpu.vector_store %arg3[%swap3A_153], %swap3A_156 {strides = array<i32>} : memref<8192xi32, #tpu.memory_space<vmem>>, vector<16xi32>,
    %swap3A_157 = arith.constant 480 : index
    %swap3A_158 = tpu.vector_load %arg3[%swap3A_157] {strides = array<i32>} : memref<8192xi32, #tpu.memory_space<vmem>>, vector<16xi32>,
    %swap3A_159 = vector.shape_cast %swap3A_158 : vector<16xi32> to vector<16xi32>
    %swap3A_160 = vector.shape_cast %add3A_148 : vector<16xi32> to vector<16xi32>
    tpu.vector_store %arg3[%swap3A_157], %swap3A_160 {strides = array<i32>} : memref<8192xi32, #tpu.memory_space<vmem>>, vector<16xi32>,
    %swap3A_161 = arith.constant 496 : index
    %swap3A_162 = tpu.vector_load %arg3[%swap3A_161] {strides = array<i32>} : memref<8192xi32, #tpu.memory_space<vmem>>, vector<16xi32>,
    %swap3A_163 = vector.shape_cast %swap3A_162 : vector<16xi32> to vector<16xi32>
    %swap3A_164 = vector.shape_cast %add3A_148 : vector<16xi32> to vector<16xi32>
    tpu.vector_store %arg3[%swap3A_161], %swap3A_164 {strides = array<i32>} : memref<8192xi32, #tpu.memory_space<vmem>>, vector<16xi32>,
    %add3A_165 = arith.constant 8 : i32
    %add3A_166 = arith.addi %mul3A_2, %add3A_165 : i32
    %add3A_167 = vector.broadcast %add3A_166 : i32 to vector<16xi32>
    %add3A_168 = arith.addi %mul3A_5, %add3A_167 : vector<16xi32>
    %swap3A_169 = arith.constant 512 : index
    %swap3A_170 = tpu.vector_load %arg3[%swap3A_169] {strides = array<i32>} : memref<8192xi32, #tpu.memory_space<vmem>>, vector<16xi32>,
    %swap3A_171 = vector.shape_cast %swap3A_170 : vector<16xi32> to vector<16xi32>
    %swap3A_172 = vector.shape_cast %add3A_168 : vector<16xi32> to vector<16xi32>
    tpu.vector_store %arg3[%swap3A_169], %swap3A_172 {strides = array<i32>} : memref<8192xi32, #tpu.memory_space<vmem>>, vector<16xi32>,
    %swap3A_173 = arith.constant 528 : index
    %swap3A_174 = tpu.vector_load %arg3[%swap3A_173] {strides = array<i32>} : memref<8192xi32, #tpu.memory_space<vmem>>, vector<16xi32>,
    %swap3A_175 = vector.shape_cast %swap3A_174 : vector<16xi32> to vector<16xi32>
    %swap3A_176 = vector.shape_cast %add3A_168 : vector<16xi32> to vector<16xi32>
    tpu.vector_store %arg3[%swap3A_173], %swap3A_176 {strides = array<i32>} : memref<8192xi32, #tpu.memory_space<vmem>>, vector<16xi32>,
    %swap3A_177 = arith.constant 544 : index
    %swap3A_178 = tpu.vector_load %arg3[%swap3A_177] {strides = array<i32>} : memref<8192xi32, #tpu.memory_space<vmem>>, vector<16xi32>,
    %swap3A_179 = vector.shape_cast %swap3A_178 : vector<16xi32> to vector<16xi32>
    %swap3A_180 = vector.shape_cast %add3A_168 : vector<16xi32> to vector<16xi32>
    tpu.vector_store %arg3[%swap3A_177], %swap3A_180 {strides = array<i32>} : memref<8192xi32, #tpu.memory_space<vmem>>, vector<16xi32>,
    %swap3A_181 = arith.constant 560 : index
    %swap3A_182 = tpu.vector_load %arg3[%swap3A_181] {strides = array<i32>} : memref<8192xi32, #tpu.memory_space<vmem>>, vector<16xi32>,
    %swap3A_183 = vector.shape_cast %swap3A_182 : vector<16xi32> to vector<16xi32>
    %swap3A_184 = vector.shape_cast %add3A_168 : vector<16xi32> to vector<16xi32>
    tpu.vector_store %arg3[%swap3A_181], %swap3A_184 {strides = array<i32>} : memref<8192xi32, #tpu.memory_space<vmem>>, vector<16xi32>,
    %add3A_185 = arith.constant 9 : i32
    %add3A_186 = arith.addi %mul3A_2, %add3A_185 : i32
    %add3A_187 = vector.broadcast %add3A_186 : i32 to vector<16xi32>
    %add3A_188 = arith.addi %mul3A_5, %add3A_187 : vector<16xi32>
    %swap3A_189 = arith.constant 576 : index
    %swap3A_190 = tpu.vector_load %arg3[%swap3A_189] {strides = array<i32>} : memref<8192xi32, #tpu.memory_space<vmem>>, vector<16xi32>,
    %swap3A_191 = vector.shape_cast %swap3A_190 : vector<16xi32> to vector<16xi32>
    %swap3A_192 = vector.shape_cast %add3A_188 : vector<16xi32> to vector<16xi32>
    tpu.vector_store %arg3[%swap3A_189], %swap3A_192 {strides = array<i32>} : memref<8192xi32, #tpu.memory_space<vmem>>, vector<16xi32>,
    %swap3A_193 = arith.constant 592 : index
    %swap3A_194 = tpu.vector_load %arg3[%swap3A_193] {strides = array<i32>} : memref<8192xi32, #tpu.memory_space<vmem>>, vector<16xi32>,
    %swap3A_195 = vector.shape_cast %swap3A_194 : vector<16xi32> to vector<16xi32>
    %swap3A_196 = vector.shape_cast %add3A_188 : vector<16xi32> to vector<16xi32>
    tpu.vector_store %arg3[%swap3A_193], %swap3A_196 {strides = array<i32>} : memref<8192xi32, #tpu.memory_space<vmem>>, vector<16xi32>,
    %swap3A_197 = arith.constant 608 : index
    %swap3A_198 = tpu.vector_load %arg3[%swap3A_197] {strides = array<i32>} : memref<8192xi32, #tpu.memory_space<vmem>>, vector<16xi32>,
    %swap3A_199 = vector.shape_cast %swap3A_198 : vector<16xi32> to vector<16xi32>
    %swap3A_200 = vector.shape_cast %add3A_188 : vector<16xi32> to vector<16xi32>
    tpu.vector_store %arg3[%swap3A_197], %swap3A_200 {strides = array<i32>} : memref<8192xi32, #tpu.memory_space<vmem>>, vector<16xi32>,
    %swap3A_201 = arith.constant 624 : index
    %swap3A_202 = tpu.vector_load %arg3[%swap3A_201] {strides = array<i32>} : memref<8192xi32, #tpu.memory_space<vmem>>, vector<16xi32>,
    %swap3A_203 = vector.shape_cast %swap3A_202 : vector<16xi32> to vector<16xi32>
    %swap3A_204 = vector.shape_cast %add3A_188 : vector<16xi32> to vector<16xi32>
    tpu.vector_store %arg3[%swap3A_201], %swap3A_204 {strides = array<i32>} : memref<8192xi32, #tpu.memory_space<vmem>>, vector<16xi32>,
    %add3A_205 = arith.constant 10 : i32
    %add3A_206 = arith.addi %mul3A_2, %add3A_205 : i32
    %add3A_207 = vector.broadcast %add3A_206 : i32 to vector<16xi32>
    %add3A_208 = arith.addi %mul3A_5, %add3A_207 : vector<16xi32>
    %swap3A_209 = arith.constant 640 : index
    %swap3A_210 = tpu.vector_load %arg3[%swap3A_209] {strides = array<i32>} : memref<8192xi32, #tpu.memory_space<vmem>>, vector<16xi32>,
    %swap3A_211 = vector.shape_cast %swap3A_210 : vector<16xi32> to vector<16xi32>
    %swap3A_212 = vector.shape_cast %add3A_208 : vector<16xi32> to vector<16xi32>
    tpu.vector_store %arg3[%swap3A_209], %swap3A_212 {strides = array<i32>} : memref<8192xi32, #tpu.memory_space<vmem>>, vector<16xi32>,
    %swap3A_213 = arith.constant 656 : index
    %swap3A_214 = tpu.vector_load %arg3[%swap3A_213] {strides = array<i32>} : memref<8192xi32, #tpu.memory_space<vmem>>, vector<16xi32>,
    %swap3A_215 = vector.shape_cast %swap3A_214 : vector<16xi32> to vector<16xi32>
    %swap3A_216 = vector.shape_cast %add3A_208 : vector<16xi32> to vector<16xi32>
    tpu.vector_store %arg3[%swap3A_213], %swap3A_216 {strides = array<i32>} : memref<8192xi32, #tpu.memory_space<vmem>>, vector<16xi32>,
    %swap3A_217 = arith.constant 672 : index
    %swap3A_218 = tpu.vector_load %arg3[%swap3A_217] {strides = array<i32>} : memref<8192xi32, #tpu.memory_space<vmem>>, vector<16xi32>,
    %swap3A_219 = vector.shape_cast %swap3A_218 : vector<16xi32> to vector<16xi32>
    %swap3A_220 = vector.shape_cast %add3A_208 : vector<16xi32> to vector<16xi32>
    tpu.vector_store %arg3[%swap3A_217], %swap3A_220 {strides = array<i32>} : memref<8192xi32, #tpu.memory_space<vmem>>, vector<16xi32>,
    %swap3A_221 = arith.constant 688 : index
    %swap3A_222 = tpu.vector_load %arg3[%swap3A_221] {strides = array<i32>} : memref<8192xi32, #tpu.memory_space<vmem>>, vector<16xi32>,
    %swap3A_223 = vector.shape_cast %swap3A_222 : vector<16xi32> to vector<16xi32>
    %swap3A_224 = vector.shape_cast %add3A_208 : vector<16xi32> to vector<16xi32>
    tpu.vector_store %arg3[%swap3A_221], %swap3A_224 {strides = array<i32>} : memref<8192xi32, #tpu.memory_space<vmem>>, vector<16xi32>,
    %add3A_225 = arith.constant 11 : i32
    %add3A_226 = arith.addi %mul3A_2, %add3A_225 : i32
    %add3A_227 = vector.broadcast %add3A_226 : i32 to vector<16xi32>
    %add3A_228 = arith.addi %mul3A_5, %add3A_227 : vector<16xi32>
    %swap3A_229 = arith.constant 704 : index
    %swap3A_230 = tpu.vector_load %arg3[%swap3A_229] {strides = array<i32>} : memref<8192xi32, #tpu.memory_space<vmem>>, vector<16xi32>,
    %swap3A_231 = vector.shape_cast %swap3A_230 : vector<16xi32> to vector<16xi32>
    %swap3A_232 = vector.shape_cast %add3A_228 : vector<16xi32> to vector<16xi32>
    tpu.vector_store %arg3[%swap3A_229], %swap3A_232 {strides = array<i32>} : memref<8192xi32, #tpu.memory_space<vmem>>, vector<16xi32>,
    %swap3A_233 = arith.constant 720 : index
    %swap3A_234 = tpu.vector_load %arg3[%swap3A_233] {strides = array<i32>} : memref<8192xi32, #tpu.memory_space<vmem>>, vector<16xi32>,
    %swap3A_235 = vector.shape_cast %swap3A_234 : vector<16xi32> to vector<16xi32>
    %swap3A_236 = vector.shape_cast %add3A_228 : vector<16xi32> to vector<16xi32>
    tpu.vector_store %arg3[%swap3A_233], %swap3A_236 {strides = array<i32>} : memref<8192xi32, #tpu.memory_space<vmem>>, vector<16xi32>,
    %swap3A_237 = arith.constant 736 : index
    %swap3A_238 = tpu.vector_load %arg3[%swap3A_237] {strides = array<i32>} : memref<8192xi32, #tpu.memory_space<vmem>>, vector<16xi32>,
    %swap3A_239 = vector.shape_cast %swap3A_238 : vector<16xi32> to vector<16xi32>
    %swap3A_240 = vector.shape_cast %add3A_228 : vector<16xi32> to vector<16xi32>
    tpu.vector_store %arg3[%swap3A_237], %swap3A_240 {strides = array<i32>} : memref<8192xi32, #tpu.memory_space<vmem>>, vector<16xi32>,
    %swap3A_241 = arith.constant 752 : index
    %swap3A_242 = tpu.vector_load %arg3[%swap3A_241] {strides = array<i32>} : memref<8192xi32, #tpu.memory_space<vmem>>, vector<16xi32>,
    %swap3A_243 = vector.shape_cast %swap3A_242 : vector<16xi32> to vector<16xi32>
    %swap3A_244 = vector.shape_cast %add3A_228 : vector<16xi32> to vector<16xi32>
    tpu.vector_store %arg3[%swap3A_241], %swap3A_244 {strides = array<i32>} : memref<8192xi32, #tpu.memory_space<vmem>>, vector<16xi32>,
    %add3A_245 = arith.constant 12 : i32
    %add3A_246 = arith.addi %mul3A_2, %add3A_245 : i32
    %add3A_247 = vector.broadcast %add3A_246 : i32 to vector<16xi32>
    %add3A_248 = arith.addi %mul3A_5, %add3A_247 : vector<16xi32>
    %swap3A_249 = arith.constant 768 : index
    %swap3A_250 = tpu.vector_load %arg3[%swap3A_249] {strides = array<i32>} : memref<8192xi32, #tpu.memory_space<vmem>>, vector<16xi32>,
    %swap3A_251 = vector.shape_cast %swap3A_250 : vector<16xi32> to vector<16xi32>
    %swap3A_252 = vector.shape_cast %add3A_248 : vector<16xi32> to vector<16xi32>
    tpu.vector_store %arg3[%swap3A_249], %swap3A_252 {strides = array<i32>} : memref<8192xi32, #tpu.memory_space<vmem>>, vector<16xi32>,
    %swap3A_253 = arith.constant 784 : index
    %swap3A_254 = tpu.vector_load %arg3[%swap3A_253] {strides = array<i32>} : memref<8192xi32, #tpu.memory_space<vmem>>, vector<16xi32>,
    %swap3A_255 = vector.shape_cast %swap3A_254 : vector<16xi32> to vector<16xi32>
    %swap3A_256 = vector.shape_cast %add3A_248 : vector<16xi32> to vector<16xi32>
    tpu.vector_store %arg3[%swap3A_253], %swap3A_256 {strides = array<i32>} : memref<8192xi32, #tpu.memory_space<vmem>>, vector<16xi32>,
    %swap3A_257 = arith.constant 800 : index
    %swap3A_258 = tpu.vector_load %arg3[%swap3A_257] {strides = array<i32>} : memref<8192xi32, #tpu.memory_space<vmem>>, vector<16xi32>,
    %swap3A_259 = vector.shape_cast %swap3A_258 : vector<16xi32> to vector<16xi32>
    %swap3A_260 = vector.shape_cast %add3A_248 : vector<16xi32> to vector<16xi32>
    tpu.vector_store %arg3[%swap3A_257], %swap3A_260 {strides = array<i32>} : memref<8192xi32, #tpu.memory_space<vmem>>, vector<16xi32>,
    %swap3A_261 = arith.constant 816 : index
    %swap3A_262 = tpu.vector_load %arg3[%swap3A_261] {strides = array<i32>} : memref<8192xi32, #tpu.memory_space<vmem>>, vector<16xi32>,
    %swap3A_263 = vector.shape_cast %swap3A_262 : vector<16xi32> to vector<16xi32>
    %swap3A_264 = vector.shape_cast %add3A_248 : vector<16xi32> to vector<16xi32>
    tpu.vector_store %arg3[%swap3A_261], %swap3A_264 {strides = array<i32>} : memref<8192xi32, #tpu.memory_space<vmem>>, vector<16xi32>,
    %add3A_265 = arith.constant 13 : i32
    %add3A_266 = arith.addi %mul3A_2, %add3A_265 : i32
    %add3A_267 = vector.broadcast %add3A_266 : i32 to vector<16xi32>
    %add3A_268 = arith.addi %mul3A_5, %add3A_267 : vector<16xi32>
    %swap3A_269 = arith.constant 832 : index
    %swap3A_270 = tpu.vector_load %arg3[%swap3A_269] {strides = array<i32>} : memref<8192xi32, #tpu.memory_space<vmem>>, vector<16xi32>,
    %swap3A_271 = vector.shape_cast %swap3A_270 : vector<16xi32> to vector<16xi32>
    %swap3A_272 = vector.shape_cast %add3A_268 : vector<16xi32> to vector<16xi32>
    tpu.vector_store %arg3[%swap3A_269], %swap3A_272 {strides = array<i32>} : memref<8192xi32, #tpu.memory_space<vmem>>, vector<16xi32>,
    %swap3A_273 = arith.constant 848 : index
    %swap3A_274 = tpu.vector_load %arg3[%swap3A_273] {strides = array<i32>} : memref<8192xi32, #tpu.memory_space<vmem>>, vector<16xi32>,
    %swap3A_275 = vector.shape_cast %swap3A_274 : vector<16xi32> to vector<16xi32>
    %swap3A_276 = vector.shape_cast %add3A_268 : vector<16xi32> to vector<16xi32>
    tpu.vector_store %arg3[%swap3A_273], %swap3A_276 {strides = array<i32>} : memref<8192xi32, #tpu.memory_space<vmem>>, vector<16xi32>,
    %swap3A_277 = arith.constant 864 : index
    %swap3A_278 = tpu.vector_load %arg3[%swap3A_277] {strides = array<i32>} : memref<8192xi32, #tpu.memory_space<vmem>>, vector<16xi32>,
    %swap3A_279 = vector.shape_cast %swap3A_278 : vector<16xi32> to vector<16xi32>
    %swap3A_280 = vector.shape_cast %add3A_268 : vector<16xi32> to vector<16xi32>
    tpu.vector_store %arg3[%swap3A_277], %swap3A_280 {strides = array<i32>} : memref<8192xi32, #tpu.memory_space<vmem>>, vector<16xi32>,
    %swap3A_281 = arith.constant 880 : index
    %swap3A_282 = tpu.vector_load %arg3[%swap3A_281] {strides = array<i32>} : memref<8192xi32, #tpu.memory_space<vmem>>, vector<16xi32>,
    %swap3A_283 = vector.shape_cast %swap3A_282 : vector<16xi32> to vector<16xi32>
    %swap3A_284 = vector.shape_cast %add3A_268 : vector<16xi32> to vector<16xi32>
    tpu.vector_store %arg3[%swap3A_281], %swap3A_284 {strides = array<i32>} : memref<8192xi32, #tpu.memory_space<vmem>>, vector<16xi32>,
    %add3A_285 = arith.constant 14 : i32
    %add3A_286 = arith.addi %mul3A_2, %add3A_285 : i32
    %add3A_287 = vector.broadcast %add3A_286 : i32 to vector<16xi32>
    %add3A_288 = arith.addi %mul3A_5, %add3A_287 : vector<16xi32>
    %swap3A_289 = arith.constant 896 : index
    %swap3A_290 = tpu.vector_load %arg3[%swap3A_289] {strides = array<i32>} : memref<8192xi32, #tpu.memory_space<vmem>>, vector<16xi32>,
    %swap3A_291 = vector.shape_cast %swap3A_290 : vector<16xi32> to vector<16xi32>
    %swap3A_292 = vector.shape_cast %add3A_288 : vector<16xi32> to vector<16xi32>
    tpu.vector_store %arg3[%swap3A_289], %swap3A_292 {strides = array<i32>} : memref<8192xi32, #tpu.memory_space<vmem>>, vector<16xi32>,
    %swap3A_293 = arith.constant 912 : index
    %swap3A_294 = tpu.vector_load %arg3[%swap3A_293] {strides = array<i32>} : memref<8192xi32, #tpu.memory_space<vmem>>, vector<16xi32>,
    %swap3A_295 = vector.shape_cast %swap3A_294 : vector<16xi32> to vector<16xi32>
    %swap3A_296 = vector.shape_cast %add3A_288 : vector<16xi32> to vector<16xi32>
    tpu.vector_store %arg3[%swap3A_293], %swap3A_296 {strides = array<i32>} : memref<8192xi32, #tpu.memory_space<vmem>>, vector<16xi32>,
    %swap3A_297 = arith.constant 928 : index
    %swap3A_298 = tpu.vector_load %arg3[%swap3A_297] {strides = array<i32>} : memref<8192xi32, #tpu.memory_space<vmem>>, vector<16xi32>,
    %swap3A_299 = vector.shape_cast %swap3A_298 : vector<16xi32> to vector<16xi32>
    %swap3A_300 = vector.shape_cast %add3A_288 : vector<16xi32> to vector<16xi32>
    tpu.vector_store %arg3[%swap3A_297], %swap3A_300 {strides = array<i32>} : memref<8192xi32, #tpu.memory_space<vmem>>, vector<16xi32>,
    %swap3A_301 = arith.constant 944 : index
    %swap3A_302 = tpu.vector_load %arg3[%swap3A_301] {strides = array<i32>} : memref<8192xi32, #tpu.memory_space<vmem>>, vector<16xi32>,
    %swap3A_303 = vector.shape_cast %swap3A_302 : vector<16xi32> to vector<16xi32>
    %swap3A_304 = vector.shape_cast %add3A_288 : vector<16xi32> to vector<16xi32>
    tpu.vector_store %arg3[%swap3A_301], %swap3A_304 {strides = array<i32>} : memref<8192xi32, #tpu.memory_space<vmem>>, vector<16xi32>,
    %add3A_305 = arith.constant 15 : i32
    %add3A_306 = arith.addi %mul3A_2, %add3A_305 : i32
    %add3A_307 = vector.broadcast %add3A_306 : i32 to vector<16xi32>
    %add3A_308 = arith.addi %mul3A_5, %add3A_307 : vector<16xi32>
    %swap3A_309 = arith.constant 960 : index
    %swap3A_310 = tpu.vector_load %arg3[%swap3A_309] {strides = array<i32>} : memref<8192xi32, #tpu.memory_space<vmem>>, vector<16xi32>,
    %swap3A_311 = vector.shape_cast %swap3A_310 : vector<16xi32> to vector<16xi32>
    %swap3A_312 = vector.shape_cast %add3A_308 : vector<16xi32> to vector<16xi32>
    tpu.vector_store %arg3[%swap3A_309], %swap3A_312 {strides = array<i32>} : memref<8192xi32, #tpu.memory_space<vmem>>, vector<16xi32>,
    %swap3A_313 = arith.constant 976 : index
    %swap3A_314 = tpu.vector_load %arg3[%swap3A_313] {strides = array<i32>} : memref<8192xi32, #tpu.memory_space<vmem>>, vector<16xi32>,
    %swap3A_315 = vector.shape_cast %swap3A_314 : vector<16xi32> to vector<16xi32>
    %swap3A_316 = vector.shape_cast %add3A_308 : vector<16xi32> to vector<16xi32>
    tpu.vector_store %arg3[%swap3A_313], %swap3A_316 {strides = array<i32>} : memref<8192xi32, #tpu.memory_space<vmem>>, vector<16xi32>,
    %swap3A_317 = arith.constant 992 : index
    %swap3A_318 = tpu.vector_load %arg3[%swap3A_317] {strides = array<i32>} : memref<8192xi32, #tpu.memory_space<vmem>>, vector<16xi32>,
    %swap3A_319 = vector.shape_cast %swap3A_318 : vector<16xi32> to vector<16xi32>
    %swap3A_320 = vector.shape_cast %add3A_308 : vector<16xi32> to vector<16xi32>
    tpu.vector_store %arg3[%swap3A_317], %swap3A_320 {strides = array<i32>} : memref<8192xi32, #tpu.memory_space<vmem>>, vector<16xi32>,
    %swap3A_321 = arith.constant 1008 : index
    %swap3A_322 = tpu.vector_load %arg3[%swap3A_321] {strides = array<i32>} : memref<8192xi32, #tpu.memory_space<vmem>>, vector<16xi32>,
    %swap3A_323 = vector.shape_cast %swap3A_322 : vector<16xi32> to vector<16xi32>
    %swap3A_324 = vector.shape_cast %add3A_308 : vector<16xi32> to vector<16xi32>
    tpu.vector_store %arg3[%swap3A_321], %swap3A_324 {strides = array<i32>} : memref<8192xi32, #tpu.memory_space<vmem>>, vector<16xi32>,
    %add3A_325 = arith.constant 16 : i32
    %add3A_326 = arith.addi %mul3A_2, %add3A_325 : i32
    %add3A_327 = vector.broadcast %add3A_326 : i32 to vector<16xi32>
    %add3A_328 = arith.addi %mul3A_5, %add3A_327 : vector<16xi32>
    %swap3A_329 = arith.constant 1024 : index
    %swap3A_330 = tpu.vector_load %arg3[%swap3A_329] {strides = array<i32>} : memref<8192xi32, #tpu.memory_space<vmem>>, vector<16xi32>,
    %swap3A_331 = vector.shape_cast %swap3A_330 : vector<16xi32> to vector<16xi32>
    %swap3A_332 = vector.shape_cast %add3A_328 : vector<16xi32> to vector<16xi32>
    tpu.vector_store %arg3[%swap3A_329], %swap3A_332 {strides = array<i32>} : memref<8192xi32, #tpu.memory_space<vmem>>, vector<16xi32>,
    %swap3A_333 = arith.constant 1040 : index
    %swap3A_334 = tpu.vector_load %arg3[%swap3A_333] {strides = array<i32>} : memref<8192xi32, #tpu.memory_space<vmem>>, vector<16xi32>,
    %swap3A_335 = vector.shape_cast %swap3A_334 : vector<16xi32> to vector<16xi32>
    %swap3A_336 = vector.shape_cast %add3A_328 : vector<16xi32> to vector<16xi32>
    tpu.vector_store %arg3[%swap3A_333], %swap3A_336 {strides = array<i32>} : memref<8192xi32, #tpu.memory_space<vmem>>, vector<16xi32>,
    %swap3A_337 = arith.constant 1056 : index
    %swap3A_338 = tpu.vector_load %arg3[%swap3A_337] {strides = array<i32>} : memref<8192xi32, #tpu.memory_space<vmem>>, vector<16xi32>,
    %swap3A_339 = vector.shape_cast %swap3A_338 : vector<16xi32> to vector<16xi32>
    %swap3A_340 = vector.shape_cast %add3A_328 : vector<16xi32> to vector<16xi32>
    tpu.vector_store %arg3[%swap3A_337], %swap3A_340 {strides = array<i32>} : memref<8192xi32, #tpu.memory_space<vmem>>, vector<16xi32>,
    %swap3A_341 = arith.constant 1072 : index
    %swap3A_342 = tpu.vector_load %arg3[%swap3A_341] {strides = array<i32>} : memref<8192xi32, #tpu.memory_space<vmem>>, vector<16xi32>,
    %swap3A_343 = vector.shape_cast %swap3A_342 : vector<16xi32> to vector<16xi32>
    %swap3A_344 = vector.shape_cast %add3A_328 : vector<16xi32> to vector<16xi32>
    tpu.vector_store %arg3[%swap3A_341], %swap3A_344 {strides = array<i32>} : memref<8192xi32, #tpu.memory_space<vmem>>, vector<16xi32>,
    %add3A_345 = arith.constant 17 : i32
    %add3A_346 = arith.addi %mul3A_2, %add3A_345 : i32
    %add3A_347 = vector.broadcast %add3A_346 : i32 to vector<16xi32>
    %add3A_348 = arith.addi %mul3A_5, %add3A_347 : vector<16xi32>
    %swap3A_349 = arith.constant 1088 : index
    %swap3A_350 = tpu.vector_load %arg3[%swap3A_349] {strides = array<i32>} : memref<8192xi32, #tpu.memory_space<vmem>>, vector<16xi32>,
    %swap3A_351 = vector.shape_cast %swap3A_350 : vector<16xi32> to vector<16xi32>
    %swap3A_352 = vector.shape_cast %add3A_348 : vector<16xi32> to vector<16xi32>
    tpu.vector_store %arg3[%swap3A_349], %swap3A_352 {strides = array<i32>} : memref<8192xi32, #tpu.memory_space<vmem>>, vector<16xi32>,
    %swap3A_353 = arith.constant 1104 : index
    %swap3A_354 = tpu.vector_load %arg3[%swap3A_353] {strides = array<i32>} : memref<8192xi32, #tpu.memory_space<vmem>>, vector<16xi32>,
    %swap3A_355 = vector.shape_cast %swap3A_354 : vector<16xi32> to vector<16xi32>
    %swap3A_356 = vector.shape_cast %add3A_348 : vector<16xi32> to vector<16xi32>
    tpu.vector_store %arg3[%swap3A_353], %swap3A_356 {strides = array<i32>} : memref<8192xi32, #tpu.memory_space<vmem>>, vector<16xi32>,
    %swap3A_357 = arith.constant 1120 : index
    %swap3A_358 = tpu.vector_load %arg3[%swap3A_357] {strides = array<i32>} : memref<8192xi32, #tpu.memory_space<vmem>>, vector<16xi32>,
    %swap3A_359 = vector.shape_cast %swap3A_358 : vector<16xi32> to vector<16xi32>
    %swap3A_360 = vector.shape_cast %add3A_348 : vector<16xi32> to vector<16xi32>
    tpu.vector_store %arg3[%swap3A_357], %swap3A_360 {strides = array<i32>} : memref<8192xi32, #tpu.memory_space<vmem>>, vector<16xi32>,
    %swap3A_361 = arith.constant 1136 : index
    %swap3A_362 = tpu.vector_load %arg3[%swap3A_361] {strides = array<i32>} : memref<8192xi32, #tpu.memory_space<vmem>>, vector<16xi32>,
    %swap3A_363 = vector.shape_cast %swap3A_362 : vector<16xi32> to vector<16xi32>
    %swap3A_364 = vector.shape_cast %add3A_348 : vector<16xi32> to vector<16xi32>
    tpu.vector_store %arg3[%swap3A_361], %swap3A_364 {strides = array<i32>} : memref<8192xi32, #tpu.memory_space<vmem>>, vector<16xi32>,
    %add3A_365 = arith.constant 18 : i32
    %add3A_366 = arith.addi %mul3A_2, %add3A_365 : i32
    %add3A_367 = vector.broadcast %add3A_366 : i32 to vector<16xi32>
    %add3A_368 = arith.addi %mul3A_5, %add3A_367 : vector<16xi32>
    %swap3A_369 = arith.constant 1152 : index
    %swap3A_370 = tpu.vector_load %arg3[%swap3A_369] {strides = array<i32>} : memref<8192xi32, #tpu.memory_space<vmem>>, vector<16xi32>,
    %swap3A_371 = vector.shape_cast %swap3A_370 : vector<16xi32> to vector<16xi32>
    %swap3A_372 = vector.shape_cast %add3A_368 : vector<16xi32> to vector<16xi32>
    tpu.vector_store %arg3[%swap3A_369], %swap3A_372 {strides = array<i32>} : memref<8192xi32, #tpu.memory_space<vmem>>, vector<16xi32>,
    %swap3A_373 = arith.constant 1168 : index
    %swap3A_374 = tpu.vector_load %arg3[%swap3A_373] {strides = array<i32>} : memref<8192xi32, #tpu.memory_space<vmem>>, vector<16xi32>,
    %swap3A_375 = vector.shape_cast %swap3A_374 : vector<16xi32> to vector<16xi32>
    %swap3A_376 = vector.shape_cast %add3A_368 : vector<16xi32> to vector<16xi32>
    tpu.vector_store %arg3[%swap3A_373], %swap3A_376 {strides = array<i32>} : memref<8192xi32, #tpu.memory_space<vmem>>, vector<16xi32>,
    %swap3A_377 = arith.constant 1184 : index
    %swap3A_378 = tpu.vector_load %arg3[%swap3A_377] {strides = array<i32>} : memref<8192xi32, #tpu.memory_space<vmem>>, vector<16xi32>,
    %swap3A_379 = vector.shape_cast %swap3A_378 : vector<16xi32> to vector<16xi32>
    %swap3A_380 = vector.shape_cast %add3A_368 : vector<16xi32> to vector<16xi32>
    tpu.vector_store %arg3[%swap3A_377], %swap3A_380 {strides = array<i32>} : memref<8192xi32, #tpu.memory_space<vmem>>, vector<16xi32>,
    %swap3A_381 = arith.constant 1200 : index
    %swap3A_382 = tpu.vector_load %arg3[%swap3A_381] {strides = array<i32>} : memref<8192xi32, #tpu.memory_space<vmem>>, vector<16xi32>,
    %swap3A_383 = vector.shape_cast %swap3A_382 : vector<16xi32> to vector<16xi32>
    %swap3A_384 = vector.shape_cast %add3A_368 : vector<16xi32> to vector<16xi32>
    tpu.vector_store %arg3[%swap3A_381], %swap3A_384 {strides = array<i32>} : memref<8192xi32, #tpu.memory_space<vmem>>, vector<16xi32>,
    %add3A_385 = arith.constant 19 : i32
    %add3A_386 = arith.addi %mul3A_2, %add3A_385 : i32
    %add3A_387 = vector.broadcast %add3A_386 : i32 to vector<16xi32>
    %add3A_388 = arith.addi %mul3A_5, %add3A_387 : vector<16xi32>
    %swap3A_389 = arith.constant 1216 : index
    %swap3A_390 = tpu.vector_load %arg3[%swap3A_389] {strides = array<i32>} : memref<8192xi32, #tpu.memory_space<vmem>>, vector<16xi32>,
    %swap3A_391 = vector.shape_cast %swap3A_390 : vector<16xi32> to vector<16xi32>
    %swap3A_392 = vector.shape_cast %add3A_388 : vector<16xi32> to vector<16xi32>
    tpu.vector_store %arg3[%swap3A_389], %swap3A_392 {strides = array<i32>} : memref<8192xi32, #tpu.memory_space<vmem>>, vector<16xi32>,
    %swap3A_393 = arith.constant 1232 : index
    %swap3A_394 = tpu.vector_load %arg3[%swap3A_393] {strides = array<i32>} : memref<8192xi32, #tpu.memory_space<vmem>>, vector<16xi32>,
    %swap3A_395 = vector.shape_cast %swap3A_394 : vector<16xi32> to vector<16xi32>
    %swap3A_396 = vector.shape_cast %add3A_388 : vector<16xi32> to vector<16xi32>
    tpu.vector_store %arg3[%swap3A_393], %swap3A_396 {strides = array<i32>} : memref<8192xi32, #tpu.memory_space<vmem>>, vector<16xi32>,
    %swap3A_397 = arith.constant 1248 : index
    %swap3A_398 = tpu.vector_load %arg3[%swap3A_397] {strides = array<i32>} : memref<8192xi32, #tpu.memory_space<vmem>>, vector<16xi32>,
    %swap3A_399 = vector.shape_cast %swap3A_398 : vector<16xi32> to vector<16xi32>
    %swap3A_400 = vector.shape_cast %add3A_388 : vector<16xi32> to vector<16xi32>
    tpu.vector_store %arg3[%swap3A_397], %swap3A_400 {strides = array<i32>} : memref<8192xi32, #tpu.memory_space<vmem>>, vector<16xi32>,
    %swap3A_401 = arith.constant 1264 : index
    %swap3A_402 = tpu.vector_load %arg3[%swap3A_401] {strides = array<i32>} : memref<8192xi32, #tpu.memory_space<vmem>>, vector<16xi32>,
    %swap3A_403 = vector.shape_cast %swap3A_402 : vector<16xi32> to vector<16xi32>
    %swap3A_404 = vector.shape_cast %add3A_388 : vector<16xi32> to vector<16xi32>
    tpu.vector_store %arg3[%swap3A_401], %swap3A_404 {strides = array<i32>} : memref<8192xi32, #tpu.memory_space<vmem>>, vector<16xi32>,
    %add3A_405 = arith.constant 20 : i32
    %add3A_406 = arith.addi %mul3A_2, %add3A_405 : i32
    %add3A_407 = vector.broadcast %add3A_406 : i32 to vector<16xi32>
    %add3A_408 = arith.addi %mul3A_5, %add3A_407 : vector<16xi32>
    %swap3A_409 = arith.constant 1280 : index
    %swap3A_410 = tpu.vector_load %arg3[%swap3A_409] {strides = array<i32>} : memref<8192xi32, #tpu.memory_space<vmem>>, vector<16xi32>,
    %swap3A_411 = vector.shape_cast %swap3A_410 : vector<16xi32> to vector<16xi32>
    %swap3A_412 = vector.shape_cast %add3A_408 : vector<16xi32> to vector<16xi32>
    tpu.vector_store %arg3[%swap3A_409], %swap3A_412 {strides = array<i32>} : memref<8192xi32, #tpu.memory_space<vmem>>, vector<16xi32>,
    %swap3A_413 = arith.constant 1296 : index
    %swap3A_414 = tpu.vector_load %arg3[%swap3A_413] {strides = array<i32>} : memref<8192xi32, #tpu.memory_space<vmem>>, vector<16xi32>,
    %swap3A_415 = vector.shape_cast %swap3A_414 : vector<16xi32> to vector<16xi32>
    %swap3A_416 = vector.shape_cast %add3A_408 : vector<16xi32> to vector<16xi32>
    tpu.vector_store %arg3[%swap3A_413], %swap3A_416 {strides = array<i32>} : memref<8192xi32, #tpu.memory_space<vmem>>, vector<16xi32>,
    %swap3A_417 = arith.constant 1312 : index
    %swap3A_418 = tpu.vector_load %arg3[%swap3A_417] {strides = array<i32>} : memref<8192xi32, #tpu.memory_space<vmem>>, vector<16xi32>,
    %swap3A_419 = vector.shape_cast %swap3A_418 : vector<16xi32> to vector<16xi32>
    %swap3A_420 = vector.shape_cast %add3A_408 : vector<16xi32> to vector<16xi32>
    tpu.vector_store %arg3[%swap3A_417], %swap3A_420 {strides = array<i32>} : memref<8192xi32, #tpu.memory_space<vmem>>, vector<16xi32>,
    %swap3A_421 = arith.constant 1328 : index
    %swap3A_422 = tpu.vector_load %arg3[%swap3A_421] {strides = array<i32>} : memref<8192xi32, #tpu.memory_space<vmem>>, vector<16xi32>,
    %swap3A_423 = vector.shape_cast %swap3A_422 : vector<16xi32> to vector<16xi32>
    %swap3A_424 = vector.shape_cast %add3A_408 : vector<16xi32> to vector<16xi32>
    tpu.vector_store %arg3[%swap3A_421], %swap3A_424 {strides = array<i32>} : memref<8192xi32, #tpu.memory_space<vmem>>, vector<16xi32>,
    %add3A_425 = arith.constant 21 : i32
    %add3A_426 = arith.addi %mul3A_2, %add3A_425 : i32
    %add3A_427 = vector.broadcast %add3A_426 : i32 to vector<16xi32>
    %add3A_428 = arith.addi %mul3A_5, %add3A_427 : vector<16xi32>
    %swap3A_429 = arith.constant 1344 : index
    %swap3A_430 = tpu.vector_load %arg3[%swap3A_429] {strides = array<i32>} : memref<8192xi32, #tpu.memory_space<vmem>>, vector<16xi32>,
    %swap3A_431 = vector.shape_cast %swap3A_430 : vector<16xi32> to vector<16xi32>
    %swap3A_432 = vector.shape_cast %add3A_428 : vector<16xi32> to vector<16xi32>
    tpu.vector_store %arg3[%swap3A_429], %swap3A_432 {strides = array<i32>} : memref<8192xi32, #tpu.memory_space<vmem>>, vector<16xi32>,
    %swap3A_433 = arith.constant 1360 : index
    %swap3A_434 = tpu.vector_load %arg3[%swap3A_433] {strides = array<i32>} : memref<8192xi32, #tpu.memory_space<vmem>>, vector<16xi32>,
    %swap3A_435 = vector.shape_cast %swap3A_434 : vector<16xi32> to vector<16xi32>
    %swap3A_436 = vector.shape_cast %add3A_428 : vector<16xi32> to vector<16xi32>
    tpu.vector_store %arg3[%swap3A_433], %swap3A_436 {strides = array<i32>} : memref<8192xi32, #tpu.memory_space<vmem>>, vector<16xi32>,
    %swap3A_437 = arith.constant 1376 : index
    %swap3A_438 = tpu.vector_load %arg3[%swap3A_437] {strides = array<i32>} : memref<8192xi32, #tpu.memory_space<vmem>>, vector<16xi32>,
    %swap3A_439 = vector.shape_cast %swap3A_438 : vector<16xi32> to vector<16xi32>
    %swap3A_440 = vector.shape_cast %add3A_428 : vector<16xi32> to vector<16xi32>
    tpu.vector_store %arg3[%swap3A_437], %swap3A_440 {strides = array<i32>} : memref<8192xi32, #tpu.memory_space<vmem>>, vector<16xi32>,
    %swap3A_441 = arith.constant 1392 : index
    %swap3A_442 = tpu.vector_load %arg3[%swap3A_441] {strides = array<i32>} : memref<8192xi32, #tpu.memory_space<vmem>>, vector<16xi32>,
    %swap3A_443 = vector.shape_cast %swap3A_442 : vector<16xi32> to vector<16xi32>
    %swap3A_444 = vector.shape_cast %add3A_428 : vector<16xi32> to vector<16xi32>
    tpu.vector_store %arg3[%swap3A_441], %swap3A_444 {strides = array<i32>} : memref<8192xi32, #tpu.memory_space<vmem>>, vector<16xi32>,
    %add3A_445 = arith.constant 22 : i32
    %add3A_446 = arith.addi %mul3A_2, %add3A_445 : i32
    %add3A_447 = vector.broadcast %add3A_446 : i32 to vector<16xi32>
    %add3A_448 = arith.addi %mul3A_5, %add3A_447 : vector<16xi32>
    %swap3A_449 = arith.constant 1408 : index
    %swap3A_450 = tpu.vector_load %arg3[%swap3A_449] {strides = array<i32>} : memref<8192xi32, #tpu.memory_space<vmem>>, vector<16xi32>,
    %swap3A_451 = vector.shape_cast %swap3A_450 : vector<16xi32> to vector<16xi32>
    %swap3A_452 = vector.shape_cast %add3A_448 : vector<16xi32> to vector<16xi32>
    tpu.vector_store %arg3[%swap3A_449], %swap3A_452 {strides = array<i32>} : memref<8192xi32, #tpu.memory_space<vmem>>, vector<16xi32>,
    %swap3A_453 = arith.constant 1424 : index
    %swap3A_454 = tpu.vector_load %arg3[%swap3A_453] {strides = array<i32>} : memref<8192xi32, #tpu.memory_space<vmem>>, vector<16xi32>,
    %swap3A_455 = vector.shape_cast %swap3A_454 : vector<16xi32> to vector<16xi32>
    %swap3A_456 = vector.shape_cast %add3A_448 : vector<16xi32> to vector<16xi32>
    tpu.vector_store %arg3[%swap3A_453], %swap3A_456 {strides = array<i32>} : memref<8192xi32, #tpu.memory_space<vmem>>, vector<16xi32>,
    %swap3A_457 = arith.constant 1440 : index
    %swap3A_458 = tpu.vector_load %arg3[%swap3A_457] {strides = array<i32>} : memref<8192xi32, #tpu.memory_space<vmem>>, vector<16xi32>,
    %swap3A_459 = vector.shape_cast %swap3A_458 : vector<16xi32> to vector<16xi32>
    %swap3A_460 = vector.shape_cast %add3A_448 : vector<16xi32> to vector<16xi32>
    tpu.vector_store %arg3[%swap3A_457], %swap3A_460 {strides = array<i32>} : memref<8192xi32, #tpu.memory_space<vmem>>, vector<16xi32>,
    %swap3A_461 = arith.constant 1456 : index
    %swap3A_462 = tpu.vector_load %arg3[%swap3A_461] {strides = array<i32>} : memref<8192xi32, #tpu.memory_space<vmem>>, vector<16xi32>,
    %swap3A_463 = vector.shape_cast %swap3A_462 : vector<16xi32> to vector<16xi32>
    %swap3A_464 = vector.shape_cast %add3A_448 : vector<16xi32> to vector<16xi32>
    tpu.vector_store %arg3[%swap3A_461], %swap3A_464 {strides = array<i32>} : memref<8192xi32, #tpu.memory_space<vmem>>, vector<16xi32>,
    %add3A_465 = arith.constant 23 : i32
    %add3A_466 = arith.addi %mul3A_2, %add3A_465 : i32
    %add3A_467 = vector.broadcast %add3A_466 : i32 to vector<16xi32>
    %add3A_468 = arith.addi %mul3A_5, %add3A_467 : vector<16xi32>
    %swap3A_469 = arith.constant 1472 : index
    %swap3A_470 = tpu.vector_load %arg3[%swap3A_469] {strides = array<i32>} : memref<8192xi32, #tpu.memory_space<vmem>>, vector<16xi32>,
    %swap3A_471 = vector.shape_cast %swap3A_470 : vector<16xi32> to vector<16xi32>
    %swap3A_472 = vector.shape_cast %add3A_468 : vector<16xi32> to vector<16xi32>
    tpu.vector_store %arg3[%swap3A_469], %swap3A_472 {strides = array<i32>} : memref<8192xi32, #tpu.memory_space<vmem>>, vector<16xi32>,
    %swap3A_473 = arith.constant 1488 : index
    %swap3A_474 = tpu.vector_load %arg3[%swap3A_473] {strides = array<i32>} : memref<8192xi32, #tpu.memory_space<vmem>>, vector<16xi32>,
    %swap3A_475 = vector.shape_cast %swap3A_474 : vector<16xi32> to vector<16xi32>
    %swap3A_476 = vector.shape_cast %add3A_468 : vector<16xi32> to vector<16xi32>
    tpu.vector_store %arg3[%swap3A_473], %swap3A_476 {strides = array<i32>} : memref<8192xi32, #tpu.memory_space<vmem>>, vector<16xi32>,
    %swap3A_477 = arith.constant 1504 : index
    %swap3A_478 = tpu.vector_load %arg3[%swap3A_477] {strides = array<i32>} : memref<8192xi32, #tpu.memory_space<vmem>>, vector<16xi32>,
    %swap3A_479 = vector.shape_cast %swap3A_478 : vector<16xi32> to vector<16xi32>
    %swap3A_480 = vector.shape_cast %add3A_468 : vector<16xi32> to vector<16xi32>
    tpu.vector_store %arg3[%swap3A_477], %swap3A_480 {strides = array<i32>} : memref<8192xi32, #tpu.memory_space<vmem>>, vector<16xi32>,
    %swap3A_481 = arith.constant 1520 : index
    %swap3A_482 = tpu.vector_load %arg3[%swap3A_481] {strides = array<i32>} : memref<8192xi32, #tpu.memory_space<vmem>>, vector<16xi32>,
    %swap3A_483 = vector.shape_cast %swap3A_482 : vector<16xi32> to vector<16xi32>
    %swap3A_484 = vector.shape_cast %add3A_468 : vector<16xi32> to vector<16xi32>
    tpu.vector_store %arg3[%swap3A_481], %swap3A_484 {strides = array<i32>} : memref<8192xi32, #tpu.memory_space<vmem>>, vector<16xi32>,
    %add3A_485 = arith.constant 24 : i32
    %add3A_486 = arith.addi %mul3A_2, %add3A_485 : i32
    %add3A_487 = vector.broadcast %add3A_486 : i32 to vector<16xi32>
    %add3A_488 = arith.addi %mul3A_5, %add3A_487 : vector<16xi32>
    %swap3A_489 = arith.constant 1536 : index
    %swap3A_490 = tpu.vector_load %arg3[%swap3A_489] {strides = array<i32>} : memref<8192xi32, #tpu.memory_space<vmem>>, vector<16xi32>,
    %swap3A_491 = vector.shape_cast %swap3A_490 : vector<16xi32> to vector<16xi32>
    %swap3A_492 = vector.shape_cast %add3A_488 : vector<16xi32> to vector<16xi32>
    tpu.vector_store %arg3[%swap3A_489], %swap3A_492 {strides = array<i32>} : memref<8192xi32, #tpu.memory_space<vmem>>, vector<16xi32>,
    %swap3A_493 = arith.constant 1552 : index
    %swap3A_494 = tpu.vector_load %arg3[%swap3A_493] {strides = array<i32>} : memref<8192xi32, #tpu.memory_space<vmem>>, vector<16xi32>,
    %swap3A_495 = vector.shape_cast %swap3A_494 : vector<16xi32> to vector<16xi32>
    %swap3A_496 = vector.shape_cast %add3A_488 : vector<16xi32> to vector<16xi32>
    tpu.vector_store %arg3[%swap3A_493], %swap3A_496 {strides = array<i32>} : memref<8192xi32, #tpu.memory_space<vmem>>, vector<16xi32>,
    %swap3A_497 = arith.constant 1568 : index
    %swap3A_498 = tpu.vector_load %arg3[%swap3A_497] {strides = array<i32>} : memref<8192xi32, #tpu.memory_space<vmem>>, vector<16xi32>,
    %swap3A_499 = vector.shape_cast %swap3A_498 : vector<16xi32> to vector<16xi32>
    %swap3A_500 = vector.shape_cast %add3A_488 : vector<16xi32> to vector<16xi32>
    tpu.vector_store %arg3[%swap3A_497], %swap3A_500 {strides = array<i32>} : memref<8192xi32, #tpu.memory_space<vmem>>, vector<16xi32>,
    %swap3A_501 = arith.constant 1584 : index
    %swap3A_502 = tpu.vector_load %arg3[%swap3A_501] {strides = array<i32>} : memref<8192xi32, #tpu.memory_space<vmem>>, vector<16xi32>,
    %swap3A_503 = vector.shape_cast %swap3A_502 : vector<16xi32> to vector<16xi32>
    %swap3A_504 = vector.shape_cast %add3A_488 : vector<16xi32> to vector<16xi32>
    tpu.vector_store %arg3[%swap3A_501], %swap3A_504 {strides = array<i32>} : memref<8192xi32, #tpu.memory_space<vmem>>, vector<16xi32>,
    %add3A_505 = arith.constant 25 : i32
    %add3A_506 = arith.addi %mul3A_2, %add3A_505 : i32
    %add3A_507 = vector.broadcast %add3A_506 : i32 to vector<16xi32>
    %add3A_508 = arith.addi %mul3A_5, %add3A_507 : vector<16xi32>
    %swap3A_509 = arith.constant 1600 : index
    %swap3A_510 = tpu.vector_load %arg3[%swap3A_509] {strides = array<i32>} : memref<8192xi32, #tpu.memory_space<vmem>>, vector<16xi32>,
    %swap3A_511 = vector.shape_cast %swap3A_510 : vector<16xi32> to vector<16xi32>
    %swap3A_512 = vector.shape_cast %add3A_508 : vector<16xi32> to vector<16xi32>
    tpu.vector_store %arg3[%swap3A_509], %swap3A_512 {strides = array<i32>} : memref<8192xi32, #tpu.memory_space<vmem>>, vector<16xi32>,
    %swap3A_513 = arith.constant 1616 : index
    %swap3A_514 = tpu.vector_load %arg3[%swap3A_513] {strides = array<i32>} : memref<8192xi32, #tpu.memory_space<vmem>>, vector<16xi32>,
    %swap3A_515 = vector.shape_cast %swap3A_514 : vector<16xi32> to vector<16xi32>
    %swap3A_516 = vector.shape_cast %add3A_508 : vector<16xi32> to vector<16xi32>
    tpu.vector_store %arg3[%swap3A_513], %swap3A_516 {strides = array<i32>} : memref<8192xi32, #tpu.memory_space<vmem>>, vector<16xi32>,
    %swap3A_517 = arith.constant 1632 : index
    %swap3A_518 = tpu.vector_load %arg3[%swap3A_517] {strides = array<i32>} : memref<8192xi32, #tpu.memory_space<vmem>>, vector<16xi32>,
    %swap3A_519 = vector.shape_cast %swap3A_518 : vector<16xi32> to vector<16xi32>
    %swap3A_520 = vector.shape_cast %add3A_508 : vector<16xi32> to vector<16xi32>
    tpu.vector_store %arg3[%swap3A_517], %swap3A_520 {strides = array<i32>} : memref<8192xi32, #tpu.memory_space<vmem>>, vector<16xi32>,
    %swap3A_521 = arith.constant 1648 : index
    %swap3A_522 = tpu.vector_load %arg3[%swap3A_521] {strides = array<i32>} : memref<8192xi32, #tpu.memory_space<vmem>>, vector<16xi32>,
    %swap3A_523 = vector.shape_cast %swap3A_522 : vector<16xi32> to vector<16xi32>
    %swap3A_524 = vector.shape_cast %add3A_508 : vector<16xi32> to vector<16xi32>
    tpu.vector_store %arg3[%swap3A_521], %swap3A_524 {strides = array<i32>} : memref<8192xi32, #tpu.memory_space<vmem>>, vector<16xi32>,
    %add3A_525 = arith.constant 26 : i32
    %add3A_526 = arith.addi %mul3A_2, %add3A_525 : i32
    %add3A_527 = vector.broadcast %add3A_526 : i32 to vector<16xi32>
    %add3A_528 = arith.addi %mul3A_5, %add3A_527 : vector<16xi32>
    %swap3A_529 = arith.constant 1664 : index
    %swap3A_530 = tpu.vector_load %arg3[%swap3A_529] {strides = array<i32>} : memref<8192xi32, #tpu.memory_space<vmem>>, vector<16xi32>,
    %swap3A_531 = vector.shape_cast %swap3A_530 : vector<16xi32> to vector<16xi32>
    %swap3A_532 = vector.shape_cast %add3A_528 : vector<16xi32> to vector<16xi32>
    tpu.vector_store %arg3[%swap3A_529], %swap3A_532 {strides = array<i32>} : memref<8192xi32, #tpu.memory_space<vmem>>, vector<16xi32>,
    %swap3A_533 = arith.constant 1680 : index
    %swap3A_534 = tpu.vector_load %arg3[%swap3A_533] {strides = array<i32>} : memref<8192xi32, #tpu.memory_space<vmem>>, vector<16xi32>,
    %swap3A_535 = vector.shape_cast %swap3A_534 : vector<16xi32> to vector<16xi32>
    %swap3A_536 = vector.shape_cast %add3A_528 : vector<16xi32> to vector<16xi32>
    tpu.vector_store %arg3[%swap3A_533], %swap3A_536 {strides = array<i32>} : memref<8192xi32, #tpu.memory_space<vmem>>, vector<16xi32>,
    %swap3A_537 = arith.constant 1696 : index
    %swap3A_538 = tpu.vector_load %arg3[%swap3A_537] {strides = array<i32>} : memref<8192xi32, #tpu.memory_space<vmem>>, vector<16xi32>,
    %swap3A_539 = vector.shape_cast %swap3A_538 : vector<16xi32> to vector<16xi32>
    %swap3A_540 = vector.shape_cast %add3A_528 : vector<16xi32> to vector<16xi32>
    tpu.vector_store %arg3[%swap3A_537], %swap3A_540 {strides = array<i32>} : memref<8192xi32, #tpu.memory_space<vmem>>, vector<16xi32>,
    %swap3A_541 = arith.constant 1712 : index
    %swap3A_542 = tpu.vector_load %arg3[%swap3A_541] {strides = array<i32>} : memref<8192xi32, #tpu.memory_space<vmem>>, vector<16xi32>,
    %swap3A_543 = vector.shape_cast %swap3A_542 : vector<16xi32> to vector<16xi32>
    %swap3A_544 = vector.shape_cast %add3A_528 : vector<16xi32> to vector<16xi32>
    tpu.vector_store %arg3[%swap3A_541], %swap3A_544 {strides = array<i32>} : memref<8192xi32, #tpu.memory_space<vmem>>, vector<16xi32>,
    %add3A_545 = arith.constant 27 : i32
    %add3A_546 = arith.addi %mul3A_2, %add3A_545 : i32
    %add3A_547 = vector.broadcast %add3A_546 : i32 to vector<16xi32>
    %add3A_548 = arith.addi %mul3A_5, %add3A_547 : vector<16xi32>
    %swap3A_549 = arith.constant 1728 : index
    %swap3A_550 = tpu.vector_load %arg3[%swap3A_549] {strides = array<i32>} : memref<8192xi32, #tpu.memory_space<vmem>>, vector<16xi32>,
    %swap3A_551 = vector.shape_cast %swap3A_550 : vector<16xi32> to vector<16xi32>
    %swap3A_552 = vector.shape_cast %add3A_548 : vector<16xi32> to vector<16xi32>
    tpu.vector_store %arg3[%swap3A_549], %swap3A_552 {strides = array<i32>} : memref<8192xi32, #tpu.memory_space<vmem>>, vector<16xi32>,
    %swap3A_553 = arith.constant 1744 : index
    %swap3A_554 = tpu.vector_load %arg3[%swap3A_553] {strides = array<i32>} : memref<8192xi32, #tpu.memory_space<vmem>>, vector<16xi32>,
    %swap3A_555 = vector.shape_cast %swap3A_554 : vector<16xi32> to vector<16xi32>
    %swap3A_556 = vector.shape_cast %add3A_548 : vector<16xi32> to vector<16xi32>
    tpu.vector_store %arg3[%swap3A_553], %swap3A_556 {strides = array<i32>} : memref<8192xi32, #tpu.memory_space<vmem>>, vector<16xi32>,
    %swap3A_557 = arith.constant 1760 : index
    %swap3A_558 = tpu.vector_load %arg3[%swap3A_557] {strides = array<i32>} : memref<8192xi32, #tpu.memory_space<vmem>>, vector<16xi32>,
    %swap3A_559 = vector.shape_cast %swap3A_558 : vector<16xi32> to vector<16xi32>
    %swap3A_560 = vector.shape_cast %add3A_548 : vector<16xi32> to vector<16xi32>
    tpu.vector_store %arg3[%swap3A_557], %swap3A_560 {strides = array<i32>} : memref<8192xi32, #tpu.memory_space<vmem>>, vector<16xi32>,
    %swap3A_561 = arith.constant 1776 : index
    %swap3A_562 = tpu.vector_load %arg3[%swap3A_561] {strides = array<i32>} : memref<8192xi32, #tpu.memory_space<vmem>>, vector<16xi32>,
    %swap3A_563 = vector.shape_cast %swap3A_562 : vector<16xi32> to vector<16xi32>
    %swap3A_564 = vector.shape_cast %add3A_548 : vector<16xi32> to vector<16xi32>
    tpu.vector_store %arg3[%swap3A_561], %swap3A_564 {strides = array<i32>} : memref<8192xi32, #tpu.memory_space<vmem>>, vector<16xi32>,
    %add3A_565 = arith.constant 28 : i32
    %add3A_566 = arith.addi %mul3A_2, %add3A_565 : i32
    %add3A_567 = vector.broadcast %add3A_566 : i32 to vector<16xi32>
    %add3A_568 = arith.addi %mul3A_5, %add3A_567 : vector<16xi32>
    %swap3A_569 = arith.constant 1792 : index
    %swap3A_570 = tpu.vector_load %arg3[%swap3A_569] {strides = array<i32>} : memref<8192xi32, #tpu.memory_space<vmem>>, vector<16xi32>,
    %swap3A_571 = vector.shape_cast %swap3A_570 : vector<16xi32> to vector<16xi32>
    %swap3A_572 = vector.shape_cast %add3A_568 : vector<16xi32> to vector<16xi32>
    tpu.vector_store %arg3[%swap3A_569], %swap3A_572 {strides = array<i32>} : memref<8192xi32, #tpu.memory_space<vmem>>, vector<16xi32>,
    %swap3A_573 = arith.constant 1808 : index
    %swap3A_574 = tpu.vector_load %arg3[%swap3A_573] {strides = array<i32>} : memref<8192xi32, #tpu.memory_space<vmem>>, vector<16xi32>,
    %swap3A_575 = vector.shape_cast %swap3A_574 : vector<16xi32> to vector<16xi32>
    %swap3A_576 = vector.shape_cast %add3A_568 : vector<16xi32> to vector<16xi32>
    tpu.vector_store %arg3[%swap3A_573], %swap3A_576 {strides = array<i32>} : memref<8192xi32, #tpu.memory_space<vmem>>, vector<16xi32>,
    %swap3A_577 = arith.constant 1824 : index
    %swap3A_578 = tpu.vector_load %arg3[%swap3A_577] {strides = array<i32>} : memref<8192xi32, #tpu.memory_space<vmem>>, vector<16xi32>,
    %swap3A_579 = vector.shape_cast %swap3A_578 : vector<16xi32> to vector<16xi32>
    %swap3A_580 = vector.shape_cast %add3A_568 : vector<16xi32> to vector<16xi32>
    tpu.vector_store %arg3[%swap3A_577], %swap3A_580 {strides = array<i32>} : memref<8192xi32, #tpu.memory_space<vmem>>, vector<16xi32>,
    %swap3A_581 = arith.constant 1840 : index
    %swap3A_582 = tpu.vector_load %arg3[%swap3A_581] {strides = array<i32>} : memref<8192xi32, #tpu.memory_space<vmem>>, vector<16xi32>,
    %swap3A_583 = vector.shape_cast %swap3A_582 : vector<16xi32> to vector<16xi32>
    %swap3A_584 = vector.shape_cast %add3A_568 : vector<16xi32> to vector<16xi32>
    tpu.vector_store %arg3[%swap3A_581], %swap3A_584 {strides = array<i32>} : memref<8192xi32, #tpu.memory_space<vmem>>, vector<16xi32>,
    %add3A_585 = arith.constant 29 : i32
    %add3A_586 = arith.addi %mul3A_2, %add3A_585 : i32
    %add3A_587 = vector.broadcast %add3A_586 : i32 to vector<16xi32>
    %add3A_588 = arith.addi %mul3A_5, %add3A_587 : vector<16xi32>
    %swap3A_589 = arith.constant 1856 : index
    %swap3A_590 = tpu.vector_load %arg3[%swap3A_589] {strides = array<i32>} : memref<8192xi32, #tpu.memory_space<vmem>>, vector<16xi32>,
    %swap3A_591 = vector.shape_cast %swap3A_590 : vector<16xi32> to vector<16xi32>
    %swap3A_592 = vector.shape_cast %add3A_588 : vector<16xi32> to vector<16xi32>
    tpu.vector_store %arg3[%swap3A_589], %swap3A_592 {strides = array<i32>} : memref<8192xi32, #tpu.memory_space<vmem>>, vector<16xi32>,
    %swap3A_593 = arith.constant 1872 : index
    %swap3A_594 = tpu.vector_load %arg3[%swap3A_593] {strides = array<i32>} : memref<8192xi32, #tpu.memory_space<vmem>>, vector<16xi32>,
    %swap3A_595 = vector.shape_cast %swap3A_594 : vector<16xi32> to vector<16xi32>
    %swap3A_596 = vector.shape_cast %add3A_588 : vector<16xi32> to vector<16xi32>
    tpu.vector_store %arg3[%swap3A_593], %swap3A_596 {strides = array<i32>} : memref<8192xi32, #tpu.memory_space<vmem>>, vector<16xi32>,
    %swap3A_597 = arith.constant 1888 : index
    %swap3A_598 = tpu.vector_load %arg3[%swap3A_597] {strides = array<i32>} : memref<8192xi32, #tpu.memory_space<vmem>>, vector<16xi32>,
    %swap3A_599 = vector.shape_cast %swap3A_598 : vector<16xi32> to vector<16xi32>
    %swap3A_600 = vector.shape_cast %add3A_588 : vector<16xi32> to vector<16xi32>
    tpu.vector_store %arg3[%swap3A_597], %swap3A_600 {strides = array<i32>} : memref<8192xi32, #tpu.memory_space<vmem>>, vector<16xi32>,
    %swap3A_601 = arith.constant 1904 : index
    %swap3A_602 = tpu.vector_load %arg3[%swap3A_601] {strides = array<i32>} : memref<8192xi32, #tpu.memory_space<vmem>>, vector<16xi32>,
    %swap3A_603 = vector.shape_cast %swap3A_602 : vector<16xi32> to vector<16xi32>
    %swap3A_604 = vector.shape_cast %add3A_588 : vector<16xi32> to vector<16xi32>
    tpu.vector_store %arg3[%swap3A_601], %swap3A_604 {strides = array<i32>} : memref<8192xi32, #tpu.memory_space<vmem>>, vector<16xi32>,
    %add3A_605 = arith.constant 30 : i32
    %add3A_606 = arith.addi %mul3A_2, %add3A_605 : i32
    %add3A_607 = vector.broadcast %add3A_606 : i32 to vector<16xi32>
    %add3A_608 = arith.addi %mul3A_5, %add3A_607 : vector<16xi32>
    %swap3A_609 = arith.constant 1920 : index
    %swap3A_610 = tpu.vector_load %arg3[%swap3A_609] {strides = array<i32>} : memref<8192xi32, #tpu.memory_space<vmem>>, vector<16xi32>,
    %swap3A_611 = vector.shape_cast %swap3A_610 : vector<16xi32> to vector<16xi32>
    %swap3A_612 = vector.shape_cast %add3A_608 : vector<16xi32> to vector<16xi32>
    tpu.vector_store %arg3[%swap3A_609], %swap3A_612 {strides = array<i32>} : memref<8192xi32, #tpu.memory_space<vmem>>, vector<16xi32>,
    %swap3A_613 = arith.constant 1936 : index
    %swap3A_614 = tpu.vector_load %arg3[%swap3A_613] {strides = array<i32>} : memref<8192xi32, #tpu.memory_space<vmem>>, vector<16xi32>,
    %swap3A_615 = vector.shape_cast %swap3A_614 : vector<16xi32> to vector<16xi32>
    %swap3A_616 = vector.shape_cast %add3A_608 : vector<16xi32> to vector<16xi32>
    tpu.vector_store %arg3[%swap3A_613], %swap3A_616 {strides = array<i32>} : memref<8192xi32, #tpu.memory_space<vmem>>, vector<16xi32>,
    %swap3A_617 = arith.constant 1952 : index
    %swap3A_618 = tpu.vector_load %arg3[%swap3A_617] {strides = array<i32>} : memref<8192xi32, #tpu.memory_space<vmem>>, vector<16xi32>,
    %swap3A_619 = vector.shape_cast %swap3A_618 : vector<16xi32> to vector<16xi32>
    %swap3A_620 = vector.shape_cast %add3A_608 : vector<16xi32> to vector<16xi32>
    tpu.vector_store %arg3[%swap3A_617], %swap3A_620 {strides = array<i32>} : memref<8192xi32, #tpu.memory_space<vmem>>, vector<16xi32>,
    %swap3A_621 = arith.constant 1968 : index
    %swap3A_622 = tpu.vector_load %arg3[%swap3A_621] {strides = array<i32>} : memref<8192xi32, #tpu.memory_space<vmem>>, vector<16xi32>,
    %swap3A_623 = vector.shape_cast %swap3A_622 : vector<16xi32> to vector<16xi32>
    %swap3A_624 = vector.shape_cast %add3A_608 : vector<16xi32> to vector<16xi32>
    tpu.vector_store %arg3[%swap3A_621], %swap3A_624 {strides = array<i32>} : memref<8192xi32, #tpu.memory_space<vmem>>, vector<16xi32>,
    %add3A_625 = arith.constant 31 : i32
    %add3A_626 = arith.addi %mul3A_2, %add3A_625 : i32
    %add3A_627 = vector.broadcast %add3A_626 : i32 to vector<16xi32>
    %add3A_628 = arith.addi %mul3A_5, %add3A_627 : vector<16xi32>
    %swap3A_629 = arith.constant 1984 : index
    %swap3A_630 = tpu.vector_load %arg3[%swap3A_629] {strides = array<i32>} : memref<8192xi32, #tpu.memory_space<vmem>>, vector<16xi32>,
    %swap3A_631 = vector.shape_cast %swap3A_630 : vector<16xi32> to vector<16xi32>
    %swap3A_632 = vector.shape_cast %add3A_628 : vector<16xi32> to vector<16xi32>
    tpu.vector_store %arg3[%swap3A_629], %swap3A_632 {strides = array<i32>} : memref<8192xi32, #tpu.memory_space<vmem>>, vector<16xi32>,
    %swap3A_633 = arith.constant 2000 : index
    %swap3A_634 = tpu.vector_load %arg3[%swap3A_633] {strides = array<i32>} : memref<8192xi32, #tpu.memory_space<vmem>>, vector<16xi32>,
    %swap3A_635 = vector.shape_cast %swap3A_634 : vector<16xi32> to vector<16xi32>
    %swap3A_636 = vector.shape_cast %add3A_628 : vector<16xi32> to vector<16xi32>
    tpu.vector_store %arg3[%swap3A_633], %swap3A_636 {strides = array<i32>} : memref<8192xi32, #tpu.memory_space<vmem>>, vector<16xi32>,
    %swap3A_637 = arith.constant 2016 : index
    %swap3A_638 = tpu.vector_load %arg3[%swap3A_637] {strides = array<i32>} : memref<8192xi32, #tpu.memory_space<vmem>>, vector<16xi32>,
    %swap3A_639 = vector.shape_cast %swap3A_638 : vector<16xi32> to vector<16xi32>
    %swap3A_640 = vector.shape_cast %add3A_628 : vector<16xi32> to vector<16xi32>
    tpu.vector_store %arg3[%swap3A_637], %swap3A_640 {strides = array<i32>} : memref<8192xi32, #tpu.memory_space<vmem>>, vector<16xi32>,
    %swap3A_641 = arith.constant 2032 : index
    %swap3A_642 = tpu.vector_load %arg3[%swap3A_641] {strides = array<i32>} : memref<8192xi32, #tpu.memory_space<vmem>>, vector<16xi32>,
    %swap3A_643 = vector.shape_cast %swap3A_642 : vector<16xi32> to vector<16xi32>
    %swap3A_644 = vector.shape_cast %add3A_628 : vector<16xi32> to vector<16xi32>
    tpu.vector_store %arg3[%swap3A_641], %swap3A_644 {strides = array<i32>} : memref<8192xi32, #tpu.memory_space<vmem>>, vector<16xi32>,
    %add3A_645 = arith.constant 32 : i32
    %add3A_646 = arith.addi %mul3A_2, %add3A_645 : i32
    %add3A_647 = vector.broadcast %add3A_646 : i32 to vector<16xi32>
    %add3A_648 = arith.addi %mul3A_5, %add3A_647 : vector<16xi32>
    %swap3A_649 = arith.constant 2048 : index
    %swap3A_650 = tpu.vector_load %arg3[%swap3A_649] {strides = array<i32>} : memref<8192xi32, #tpu.memory_space<vmem>>, vector<16xi32>,
    %swap3A_651 = vector.shape_cast %swap3A_650 : vector<16xi32> to vector<16xi32>
    %swap3A_652 = vector.shape_cast %add3A_648 : vector<16xi32> to vector<16xi32>
    tpu.vector_store %arg3[%swap3A_649], %swap3A_652 {strides = array<i32>} : memref<8192xi32, #tpu.memory_space<vmem>>, vector<16xi32>,
    %swap3A_653 = arith.constant 2064 : index
    %swap3A_654 = tpu.vector_load %arg3[%swap3A_653] {strides = array<i32>} : memref<8192xi32, #tpu.memory_space<vmem>>, vector<16xi32>,
    %swap3A_655 = vector.shape_cast %swap3A_654 : vector<16xi32> to vector<16xi32>
    %swap3A_656 = vector.shape_cast %add3A_648 : vector<16xi32> to vector<16xi32>
    tpu.vector_store %arg3[%swap3A_653], %swap3A_656 {strides = array<i32>} : memref<8192xi32, #tpu.memory_space<vmem>>, vector<16xi32>,
    %swap3A_657 = arith.constant 2080 : index
    %swap3A_658 = tpu.vector_load %arg3[%swap3A_657] {strides = array<i32>} : memref<8192xi32, #tpu.memory_space<vmem>>, vector<16xi32>,
    %swap3A_659 = vector.shape_cast %swap3A_658 : vector<16xi32> to vector<16xi32>
    %swap3A_660 = vector.shape_cast %add3A_648 : vector<16xi32> to vector<16xi32>
    tpu.vector_store %arg3[%swap3A_657], %swap3A_660 {strides = array<i32>} : memref<8192xi32, #tpu.memory_space<vmem>>, vector<16xi32>,
    %swap3A_661 = arith.constant 2096 : index
    %swap3A_662 = tpu.vector_load %arg3[%swap3A_661] {strides = array<i32>} : memref<8192xi32, #tpu.memory_space<vmem>>, vector<16xi32>,
    %swap3A_663 = vector.shape_cast %swap3A_662 : vector<16xi32> to vector<16xi32>
    %swap3A_664 = vector.shape_cast %add3A_648 : vector<16xi32> to vector<16xi32>
    tpu.vector_store %arg3[%swap3A_661], %swap3A_664 {strides = array<i32>} : memref<8192xi32, #tpu.memory_space<vmem>>, vector<16xi32>,
    %add3A_665 = arith.constant 33 : i32
    %add3A_666 = arith.addi %mul3A_2, %add3A_665 : i32
    %add3A_667 = vector.broadcast %add3A_666 : i32 to vector<16xi32>
    %add3A_668 = arith.addi %mul3A_5, %add3A_667 : vector<16xi32>
    %swap3A_669 = arith.constant 2112 : index
    %swap3A_670 = tpu.vector_load %arg3[%swap3A_669] {strides = array<i32>} : memref<8192xi32, #tpu.memory_space<vmem>>, vector<16xi32>,
    %swap3A_671 = vector.shape_cast %swap3A_670 : vector<16xi32> to vector<16xi32>
    %swap3A_672 = vector.shape_cast %add3A_668 : vector<16xi32> to vector<16xi32>
    tpu.vector_store %arg3[%swap3A_669], %swap3A_672 {strides = array<i32>} : memref<8192xi32, #tpu.memory_space<vmem>>, vector<16xi32>,
    %swap3A_673 = arith.constant 2128 : index
    %swap3A_674 = tpu.vector_load %arg3[%swap3A_673] {strides = array<i32>} : memref<8192xi32, #tpu.memory_space<vmem>>, vector<16xi32>,
    %swap3A_675 = vector.shape_cast %swap3A_674 : vector<16xi32> to vector<16xi32>
    %swap3A_676 = vector.shape_cast %add3A_668 : vector<16xi32> to vector<16xi32>
    tpu.vector_store %arg3[%swap3A_673], %swap3A_676 {strides = array<i32>} : memref<8192xi32, #tpu.memory_space<vmem>>, vector<16xi32>,
    %swap3A_677 = arith.constant 2144 : index
    %swap3A_678 = tpu.vector_load %arg3[%swap3A_677] {strides = array<i32>} : memref<8192xi32, #tpu.memory_space<vmem>>, vector<16xi32>,
    %swap3A_679 = vector.shape_cast %swap3A_678 : vector<16xi32> to vector<16xi32>
    %swap3A_680 = vector.shape_cast %add3A_668 : vector<16xi32> to vector<16xi32>
    tpu.vector_store %arg3[%swap3A_677], %swap3A_680 {strides = array<i32>} : memref<8192xi32, #tpu.memory_space<vmem>>, vector<16xi32>,
    %swap3A_681 = arith.constant 2160 : index
    %swap3A_682 = tpu.vector_load %arg3[%swap3A_681] {strides = array<i32>} : memref<8192xi32, #tpu.memory_space<vmem>>, vector<16xi32>,
    %swap3A_683 = vector.shape_cast %swap3A_682 : vector<16xi32> to vector<16xi32>
    %swap3A_684 = vector.shape_cast %add3A_668 : vector<16xi32> to vector<16xi32>
    tpu.vector_store %arg3[%swap3A_681], %swap3A_684 {strides = array<i32>} : memref<8192xi32, #tpu.memory_space<vmem>>, vector<16xi32>,
    %add3A_685 = arith.constant 34 : i32
    %add3A_686 = arith.addi %mul3A_2, %add3A_685 : i32
    %add3A_687 = vector.broadcast %add3A_686 : i32 to vector<16xi32>
    %add3A_688 = arith.addi %mul3A_5, %add3A_687 : vector<16xi32>
    %swap3A_689 = arith.constant 2176 : index
    %swap3A_690 = tpu.vector_load %arg3[%swap3A_689] {strides = array<i32>} : memref<8192xi32, #tpu.memory_space<vmem>>, vector<16xi32>,
    %swap3A_691 = vector.shape_cast %swap3A_690 : vector<16xi32> to vector<16xi32>
    %swap3A_692 = vector.shape_cast %add3A_688 : vector<16xi32> to vector<16xi32>
    tpu.vector_store %arg3[%swap3A_689], %swap3A_692 {strides = array<i32>} : memref<8192xi32, #tpu.memory_space<vmem>>, vector<16xi32>,
    %swap3A_693 = arith.constant 2192 : index
    %swap3A_694 = tpu.vector_load %arg3[%swap3A_693] {strides = array<i32>} : memref<8192xi32, #tpu.memory_space<vmem>>, vector<16xi32>,
    %swap3A_695 = vector.shape_cast %swap3A_694 : vector<16xi32> to vector<16xi32>
    %swap3A_696 = vector.shape_cast %add3A_688 : vector<16xi32> to vector<16xi32>
    tpu.vector_store %arg3[%swap3A_693], %swap3A_696 {strides = array<i32>} : memref<8192xi32, #tpu.memory_space<vmem>>, vector<16xi32>,
    %swap3A_697 = arith.constant 2208 : index
    %swap3A_698 = tpu.vector_load %arg3[%swap3A_697] {strides = array<i32>} : memref<8192xi32, #tpu.memory_space<vmem>>, vector<16xi32>,
    %swap3A_699 = vector.shape_cast %swap3A_698 : vector<16xi32> to vector<16xi32>
    %swap3A_700 = vector.shape_cast %add3A_688 : vector<16xi32> to vector<16xi32>
    tpu.vector_store %arg3[%swap3A_697], %swap3A_700 {strides = array<i32>} : memref<8192xi32, #tpu.memory_space<vmem>>, vector<16xi32>,
    %swap3A_701 = arith.constant 2224 : index
    %swap3A_702 = tpu.vector_load %arg3[%swap3A_701] {strides = array<i32>} : memref<8192xi32, #tpu.memory_space<vmem>>, vector<16xi32>,
    %swap3A_703 = vector.shape_cast %swap3A_702 : vector<16xi32> to vector<16xi32>
    %swap3A_704 = vector.shape_cast %add3A_688 : vector<16xi32> to vector<16xi32>
    tpu.vector_store %arg3[%swap3A_701], %swap3A_704 {strides = array<i32>} : memref<8192xi32, #tpu.memory_space<vmem>>, vector<16xi32>,
    %add3A_705 = arith.constant 35 : i32
    %add3A_706 = arith.addi %mul3A_2, %add3A_705 : i32
    %add3A_707 = vector.broadcast %add3A_706 : i32 to vector<16xi32>
    %add3A_708 = arith.addi %mul3A_5, %add3A_707 : vector<16xi32>
    %swap3A_709 = arith.constant 2240 : index
    %swap3A_710 = tpu.vector_load %arg3[%swap3A_709] {strides = array<i32>} : memref<8192xi32, #tpu.memory_space<vmem>>, vector<16xi32>,
    %swap3A_711 = vector.shape_cast %swap3A_710 : vector<16xi32> to vector<16xi32>
    %swap3A_712 = vector.shape_cast %add3A_708 : vector<16xi32> to vector<16xi32>
    tpu.vector_store %arg3[%swap3A_709], %swap3A_712 {strides = array<i32>} : memref<8192xi32, #tpu.memory_space<vmem>>, vector<16xi32>,
    %swap3A_713 = arith.constant 2256 : index
    %swap3A_714 = tpu.vector_load %arg3[%swap3A_713] {strides = array<i32>} : memref<8192xi32, #tpu.memory_space<vmem>>, vector<16xi32>,
    %swap3A_715 = vector.shape_cast %swap3A_714 : vector<16xi32> to vector<16xi32>
    %swap3A_716 = vector.shape_cast %add3A_708 : vector<16xi32> to vector<16xi32>
    tpu.vector_store %arg3[%swap3A_713], %swap3A_716 {strides = array<i32>} : memref<8192xi32, #tpu.memory_space<vmem>>, vector<16xi32>,
    %swap3A_717 = arith.constant 2272 : index
    %swap3A_718 = tpu.vector_load %arg3[%swap3A_717] {strides = array<i32>} : memref<8192xi32, #tpu.memory_space<vmem>>, vector<16xi32>,
    %swap3A_719 = vector.shape_cast %swap3A_718 : vector<16xi32> to vector<16xi32>
    %swap3A_720 = vector.shape_cast %add3A_708 : vector<16xi32> to vector<16xi32>
    tpu.vector_store %arg3[%swap3A_717], %swap3A_720 {strides = array<i32>} : memref<8192xi32, #tpu.memory_space<vmem>>, vector<16xi32>,
    %swap3A_721 = arith.constant 2288 : index
    %swap3A_722 = tpu.vector_load %arg3[%swap3A_721] {strides = array<i32>} : memref<8192xi32, #tpu.memory_space<vmem>>, vector<16xi32>,
    %swap3A_723 = vector.shape_cast %swap3A_722 : vector<16xi32> to vector<16xi32>
    %swap3A_724 = vector.shape_cast %add3A_708 : vector<16xi32> to vector<16xi32>
    tpu.vector_store %arg3[%swap3A_721], %swap3A_724 {strides = array<i32>} : memref<8192xi32, #tpu.memory_space<vmem>>, vector<16xi32>,
    %add3A_725 = arith.constant 36 : i32
    %add3A_726 = arith.addi %mul3A_2, %add3A_725 : i32
    %add3A_727 = vector.broadcast %add3A_726 : i32 to vector<16xi32>
    %add3A_728 = arith.addi %mul3A_5, %add3A_727 : vector<16xi32>
    %swap3A_729 = arith.constant 2304 : index
    %swap3A_730 = tpu.vector_load %arg3[%swap3A_729] {strides = array<i32>} : memref<8192xi32, #tpu.memory_space<vmem>>, vector<16xi32>,
    %swap3A_731 = vector.shape_cast %swap3A_730 : vector<16xi32> to vector<16xi32>
    %swap3A_732 = vector.shape_cast %add3A_728 : vector<16xi32> to vector<16xi32>
    tpu.vector_store %arg3[%swap3A_729], %swap3A_732 {strides = array<i32>} : memref<8192xi32, #tpu.memory_space<vmem>>, vector<16xi32>,
    %swap3A_733 = arith.constant 2320 : index
    %swap3A_734 = tpu.vector_load %arg3[%swap3A_733] {strides = array<i32>} : memref<8192xi32, #tpu.memory_space<vmem>>, vector<16xi32>,
    %swap3A_735 = vector.shape_cast %swap3A_734 : vector<16xi32> to vector<16xi32>
    %swap3A_736 = vector.shape_cast %add3A_728 : vector<16xi32> to vector<16xi32>
    tpu.vector_store %arg3[%swap3A_733], %swap3A_736 {strides = array<i32>} : memref<8192xi32, #tpu.memory_space<vmem>>, vector<16xi32>,
    %swap3A_737 = arith.constant 2336 : index
    %swap3A_738 = tpu.vector_load %arg3[%swap3A_737] {strides = array<i32>} : memref<8192xi32, #tpu.memory_space<vmem>>, vector<16xi32>,
    %swap3A_739 = vector.shape_cast %swap3A_738 : vector<16xi32> to vector<16xi32>
    %swap3A_740 = vector.shape_cast %add3A_728 : vector<16xi32> to vector<16xi32>
    tpu.vector_store %arg3[%swap3A_737], %swap3A_740 {strides = array<i32>} : memref<8192xi32, #tpu.memory_space<vmem>>, vector<16xi32>,
    %swap3A_741 = arith.constant 2352 : index
    %swap3A_742 = tpu.vector_load %arg3[%swap3A_741] {strides = array<i32>} : memref<8192xi32, #tpu.memory_space<vmem>>, vector<16xi32>,
    %swap3A_743 = vector.shape_cast %swap3A_742 : vector<16xi32> to vector<16xi32>
    %swap3A_744 = vector.shape_cast %add3A_728 : vector<16xi32> to vector<16xi32>
    tpu.vector_store %arg3[%swap3A_741], %swap3A_744 {strides = array<i32>} : memref<8192xi32, #tpu.memory_space<vmem>>, vector<16xi32>,
    %add3A_745 = arith.constant 37 : i32
    %add3A_746 = arith.addi %mul3A_2, %add3A_745 : i32
    %add3A_747 = vector.broadcast %add3A_746 : i32 to vector<16xi32>
    %add3A_748 = arith.addi %mul3A_5, %add3A_747 : vector<16xi32>
    %swap3A_749 = arith.constant 2368 : index
    %swap3A_750 = tpu.vector_load %arg3[%swap3A_749] {strides = array<i32>} : memref<8192xi32, #tpu.memory_space<vmem>>, vector<16xi32>,
    %swap3A_751 = vector.shape_cast %swap3A_750 : vector<16xi32> to vector<16xi32>
    %swap3A_752 = vector.shape_cast %add3A_748 : vector<16xi32> to vector<16xi32>
    tpu.vector_store %arg3[%swap3A_749], %swap3A_752 {strides = array<i32>} : memref<8192xi32, #tpu.memory_space<vmem>>, vector<16xi32>,
    %swap3A_753 = arith.constant 2384 : index
    %swap3A_754 = tpu.vector_load %arg3[%swap3A_753] {strides = array<i32>} : memref<8192xi32, #tpu.memory_space<vmem>>, vector<16xi32>,
    %swap3A_755 = vector.shape_cast %swap3A_754 : vector<16xi32> to vector<16xi32>
    %swap3A_756 = vector.shape_cast %add3A_748 : vector<16xi32> to vector<16xi32>
    tpu.vector_store %arg3[%swap3A_753], %swap3A_756 {strides = array<i32>} : memref<8192xi32, #tpu.memory_space<vmem>>, vector<16xi32>,
    %swap3A_757 = arith.constant 2400 : index
    %swap3A_758 = tpu.vector_load %arg3[%swap3A_757] {strides = array<i32>} : memref<8192xi32, #tpu.memory_space<vmem>>, vector<16xi32>,
    %swap3A_759 = vector.shape_cast %swap3A_758 : vector<16xi32> to vector<16xi32>
    %swap3A_760 = vector.shape_cast %add3A_748 : vector<16xi32> to vector<16xi32>
    tpu.vector_store %arg3[%swap3A_757], %swap3A_760 {strides = array<i32>} : memref<8192xi32, #tpu.memory_space<vmem>>, vector<16xi32>,
    %swap3A_761 = arith.constant 2416 : index
    %swap3A_762 = tpu.vector_load %arg3[%swap3A_761] {strides = array<i32>} : memref<8192xi32, #tpu.memory_space<vmem>>, vector<16xi32>,
    %swap3A_763 = vector.shape_cast %swap3A_762 : vector<16xi32> to vector<16xi32>
    %swap3A_764 = vector.shape_cast %add3A_748 : vector<16xi32> to vector<16xi32>
    tpu.vector_store %arg3[%swap3A_761], %swap3A_764 {strides = array<i32>} : memref<8192xi32, #tpu.memory_space<vmem>>, vector<16xi32>,
    %add3A_765 = arith.constant 38 : i32
    %add3A_766 = arith.addi %mul3A_2, %add3A_765 : i32
    %add3A_767 = vector.broadcast %add3A_766 : i32 to vector<16xi32>
    %add3A_768 = arith.addi %mul3A_5, %add3A_767 : vector<16xi32>
    %swap3A_769 = arith.constant 2432 : index
    %swap3A_770 = tpu.vector_load %arg3[%swap3A_769] {strides = array<i32>} : memref<8192xi32, #tpu.memory_space<vmem>>, vector<16xi32>,
    %swap3A_771 = vector.shape_cast %swap3A_770 : vector<16xi32> to vector<16xi32>
    %swap3A_772 = vector.shape_cast %add3A_768 : vector<16xi32> to vector<16xi32>
    tpu.vector_store %arg3[%swap3A_769], %swap3A_772 {strides = array<i32>} : memref<8192xi32, #tpu.memory_space<vmem>>, vector<16xi32>,
    %swap3A_773 = arith.constant 2448 : index
    %swap3A_774 = tpu.vector_load %arg3[%swap3A_773] {strides = array<i32>} : memref<8192xi32, #tpu.memory_space<vmem>>, vector<16xi32>,
    %swap3A_775 = vector.shape_cast %swap3A_774 : vector<16xi32> to vector<16xi32>
    %swap3A_776 = vector.shape_cast %add3A_768 : vector<16xi32> to vector<16xi32>
    tpu.vector_store %arg3[%swap3A_773], %swap3A_776 {strides = array<i32>} : memref<8192xi32, #tpu.memory_space<vmem>>, vector<16xi32>,
    %swap3A_777 = arith.constant 2464 : index
    %swap3A_778 = tpu.vector_load %arg3[%swap3A_777] {strides = array<i32>} : memref<8192xi32, #tpu.memory_space<vmem>>, vector<16xi32>,
    %swap3A_779 = vector.shape_cast %swap3A_778 : vector<16xi32> to vector<16xi32>
    %swap3A_780 = vector.shape_cast %add3A_768 : vector<16xi32> to vector<16xi32>
    tpu.vector_store %arg3[%swap3A_777], %swap3A_780 {strides = array<i32>} : memref<8192xi32, #tpu.memory_space<vmem>>, vector<16xi32>,
    %swap3A_781 = arith.constant 2480 : index
    %swap3A_782 = tpu.vector_load %arg3[%swap3A_781] {strides = array<i32>} : memref<8192xi32, #tpu.memory_space<vmem>>, vector<16xi32>,
    %swap3A_783 = vector.shape_cast %swap3A_782 : vector<16xi32> to vector<16xi32>
    %swap3A_784 = vector.shape_cast %add3A_768 : vector<16xi32> to vector<16xi32>
    tpu.vector_store %arg3[%swap3A_781], %swap3A_784 {strides = array<i32>} : memref<8192xi32, #tpu.memory_space<vmem>>, vector<16xi32>,
    %add3A_785 = arith.constant 39 : i32
    %add3A_786 = arith.addi %mul3A_2, %add3A_785 : i32
    %add3A_787 = vector.broadcast %add3A_786 : i32 to vector<16xi32>
    %add3A_788 = arith.addi %mul3A_5, %add3A_787 : vector<16xi32>
    %swap3A_789 = arith.constant 2496 : index
    %swap3A_790 = tpu.vector_load %arg3[%swap3A_789] {strides = array<i32>} : memref<8192xi32, #tpu.memory_space<vmem>>, vector<16xi32>,
    %swap3A_791 = vector.shape_cast %swap3A_790 : vector<16xi32> to vector<16xi32>
    %swap3A_792 = vector.shape_cast %add3A_788 : vector<16xi32> to vector<16xi32>
    tpu.vector_store %arg3[%swap3A_789], %swap3A_792 {strides = array<i32>} : memref<8192xi32, #tpu.memory_space<vmem>>, vector<16xi32>,
    %swap3A_793 = arith.constant 2512 : index
    %swap3A_794 = tpu.vector_load %arg3[%swap3A_793] {strides = array<i32>} : memref<8192xi32, #tpu.memory_space<vmem>>, vector<16xi32>,
    %swap3A_795 = vector.shape_cast %swap3A_794 : vector<16xi32> to vector<16xi32>
    %swap3A_796 = vector.shape_cast %add3A_788 : vector<16xi32> to vector<16xi32>
    tpu.vector_store %arg3[%swap3A_793], %swap3A_796 {strides = array<i32>} : memref<8192xi32, #tpu.memory_space<vmem>>, vector<16xi32>,
    %swap3A_797 = arith.constant 2528 : index
    %swap3A_798 = tpu.vector_load %arg3[%swap3A_797] {strides = array<i32>} : memref<8192xi32, #tpu.memory_space<vmem>>, vector<16xi32>,
    %swap3A_799 = vector.shape_cast %swap3A_798 : vector<16xi32> to vector<16xi32>
    %swap3A_800 = vector.shape_cast %add3A_788 : vector<16xi32> to vector<16xi32>
    tpu.vector_store %arg3[%swap3A_797], %swap3A_800 {strides = array<i32>} : memref<8192xi32, #tpu.memory_space<vmem>>, vector<16xi32>,
    %swap3A_801 = arith.constant 2544 : index
    %swap3A_802 = tpu.vector_load %arg3[%swap3A_801] {strides = array<i32>} : memref<8192xi32, #tpu.memory_space<vmem>>, vector<16xi32>,
    %swap3A_803 = vector.shape_cast %swap3A_802 : vector<16xi32> to vector<16xi32>
    %swap3A_804 = vector.shape_cast %add3A_788 : vector<16xi32> to vector<16xi32>
    tpu.vector_store %arg3[%swap3A_801], %swap3A_804 {strides = array<i32>} : memref<8192xi32, #tpu.memory_space<vmem>>, vector<16xi32>,
    %add3A_805 = arith.constant 40 : i32
    %add3A_806 = arith.addi %mul3A_2, %add3A_805 : i32
    %add3A_807 = vector.broadcast %add3A_806 : i32 to vector<16xi32>
    %add3A_808 = arith.addi %mul3A_5, %add3A_807 : vector<16xi32>
    %swap3A_809 = arith.constant 2560 : index
    %swap3A_810 = tpu.vector_load %arg3[%swap3A_809] {strides = array<i32>} : memref<8192xi32, #tpu.memory_space<vmem>>, vector<16xi32>,
    %swap3A_811 = vector.shape_cast %swap3A_810 : vector<16xi32> to vector<16xi32>
    %swap3A_812 = vector.shape_cast %add3A_808 : vector<16xi32> to vector<16xi32>
    tpu.vector_store %arg3[%swap3A_809], %swap3A_812 {strides = array<i32>} : memref<8192xi32, #tpu.memory_space<vmem>>, vector<16xi32>,
    %swap3A_813 = arith.constant 2576 : index
    %swap3A_814 = tpu.vector_load %arg3[%swap3A_813] {strides = array<i32>} : memref<8192xi32, #tpu.memory_space<vmem>>, vector<16xi32>,
    %swap3A_815 = vector.shape_cast %swap3A_814 : vector<16xi32> to vector<16xi32>
    %swap3A_816 = vector.shape_cast %add3A_808 : vector<16xi32> to vector<16xi32>
    tpu.vector_store %arg3[%swap3A_813], %swap3A_816 {strides = array<i32>} : memref<8192xi32, #tpu.memory_space<vmem>>, vector<16xi32>,
    %swap3A_817 = arith.constant 2592 : index
    %swap3A_818 = tpu.vector_load %arg3[%swap3A_817] {strides = array<i32>} : memref<8192xi32, #tpu.memory_space<vmem>>, vector<16xi32>,
    %swap3A_819 = vector.shape_cast %swap3A_818 : vector<16xi32> to vector<16xi32>
    %swap3A_820 = vector.shape_cast %add3A_808 : vector<16xi32> to vector<16xi32>
    tpu.vector_store %arg3[%swap3A_817], %swap3A_820 {strides = array<i32>} : memref<8192xi32, #tpu.memory_space<vmem>>, vector<16xi32>,
    %swap3A_821 = arith.constant 2608 : index
    %swap3A_822 = tpu.vector_load %arg3[%swap3A_821] {strides = array<i32>} : memref<8192xi32, #tpu.memory_space<vmem>>, vector<16xi32>,
    %swap3A_823 = vector.shape_cast %swap3A_822 : vector<16xi32> to vector<16xi32>
    %swap3A_824 = vector.shape_cast %add3A_808 : vector<16xi32> to vector<16xi32>
    tpu.vector_store %arg3[%swap3A_821], %swap3A_824 {strides = array<i32>} : memref<8192xi32, #tpu.memory_space<vmem>>, vector<16xi32>,
    %add3A_825 = arith.constant 41 : i32
    %add3A_826 = arith.addi %mul3A_2, %add3A_825 : i32
    %add3A_827 = vector.broadcast %add3A_826 : i32 to vector<16xi32>
    %add3A_828 = arith.addi %mul3A_5, %add3A_827 : vector<16xi32>
    %swap3A_829 = arith.constant 2624 : index
    %swap3A_830 = tpu.vector_load %arg3[%swap3A_829] {strides = array<i32>} : memref<8192xi32, #tpu.memory_space<vmem>>, vector<16xi32>,
    %swap3A_831 = vector.shape_cast %swap3A_830 : vector<16xi32> to vector<16xi32>
    %swap3A_832 = vector.shape_cast %add3A_828 : vector<16xi32> to vector<16xi32>
    tpu.vector_store %arg3[%swap3A_829], %swap3A_832 {strides = array<i32>} : memref<8192xi32, #tpu.memory_space<vmem>>, vector<16xi32>,
    %swap3A_833 = arith.constant 2640 : index
    %swap3A_834 = tpu.vector_load %arg3[%swap3A_833] {strides = array<i32>} : memref<8192xi32, #tpu.memory_space<vmem>>, vector<16xi32>,
    %swap3A_835 = vector.shape_cast %swap3A_834 : vector<16xi32> to vector<16xi32>
    %swap3A_836 = vector.shape_cast %add3A_828 : vector<16xi32> to vector<16xi32>
    tpu.vector_store %arg3[%swap3A_833], %swap3A_836 {strides = array<i32>} : memref<8192xi32, #tpu.memory_space<vmem>>, vector<16xi32>,
    %swap3A_837 = arith.constant 2656 : index
    %swap3A_838 = tpu.vector_load %arg3[%swap3A_837] {strides = array<i32>} : memref<8192xi32, #tpu.memory_space<vmem>>, vector<16xi32>,
    %swap3A_839 = vector.shape_cast %swap3A_838 : vector<16xi32> to vector<16xi32>
    %swap3A_840 = vector.shape_cast %add3A_828 : vector<16xi32> to vector<16xi32>
    tpu.vector_store %arg3[%swap3A_837], %swap3A_840 {strides = array<i32>} : memref<8192xi32, #tpu.memory_space<vmem>>, vector<16xi32>,
    %swap3A_841 = arith.constant 2672 : index
    %swap3A_842 = tpu.vector_load %arg3[%swap3A_841] {strides = array<i32>} : memref<8192xi32, #tpu.memory_space<vmem>>, vector<16xi32>,
    %swap3A_843 = vector.shape_cast %swap3A_842 : vector<16xi32> to vector<16xi32>
    %swap3A_844 = vector.shape_cast %add3A_828 : vector<16xi32> to vector<16xi32>
    tpu.vector_store %arg3[%swap3A_841], %swap3A_844 {strides = array<i32>} : memref<8192xi32, #tpu.memory_space<vmem>>, vector<16xi32>,
    %add3A_845 = arith.constant 42 : i32
    %add3A_846 = arith.addi %mul3A_2, %add3A_845 : i32
    %add3A_847 = vector.broadcast %add3A_846 : i32 to vector<16xi32>
    %add3A_848 = arith.addi %mul3A_5, %add3A_847 : vector<16xi32>
    %swap3A_849 = arith.constant 2688 : index
    %swap3A_850 = tpu.vector_load %arg3[%swap3A_849] {strides = array<i32>} : memref<8192xi32, #tpu.memory_space<vmem>>, vector<16xi32>,
    %swap3A_851 = vector.shape_cast %swap3A_850 : vector<16xi32> to vector<16xi32>
    %swap3A_852 = vector.shape_cast %add3A_848 : vector<16xi32> to vector<16xi32>
    tpu.vector_store %arg3[%swap3A_849], %swap3A_852 {strides = array<i32>} : memref<8192xi32, #tpu.memory_space<vmem>>, vector<16xi32>,
    %swap3A_853 = arith.constant 2704 : index
    %swap3A_854 = tpu.vector_load %arg3[%swap3A_853] {strides = array<i32>} : memref<8192xi32, #tpu.memory_space<vmem>>, vector<16xi32>,
    %swap3A_855 = vector.shape_cast %swap3A_854 : vector<16xi32> to vector<16xi32>
    %swap3A_856 = vector.shape_cast %add3A_848 : vector<16xi32> to vector<16xi32>
    tpu.vector_store %arg3[%swap3A_853], %swap3A_856 {strides = array<i32>} : memref<8192xi32, #tpu.memory_space<vmem>>, vector<16xi32>,
    %swap3A_857 = arith.constant 2720 : index
    %swap3A_858 = tpu.vector_load %arg3[%swap3A_857] {strides = array<i32>} : memref<8192xi32, #tpu.memory_space<vmem>>, vector<16xi32>,
    %swap3A_859 = vector.shape_cast %swap3A_858 : vector<16xi32> to vector<16xi32>
    %swap3A_860 = vector.shape_cast %add3A_848 : vector<16xi32> to vector<16xi32>
    tpu.vector_store %arg3[%swap3A_857], %swap3A_860 {strides = array<i32>} : memref<8192xi32, #tpu.memory_space<vmem>>, vector<16xi32>,
    %swap3A_861 = arith.constant 2736 : index
    %swap3A_862 = tpu.vector_load %arg3[%swap3A_861] {strides = array<i32>} : memref<8192xi32, #tpu.memory_space<vmem>>, vector<16xi32>,
    %swap3A_863 = vector.shape_cast %swap3A_862 : vector<16xi32> to vector<16xi32>
    %swap3A_864 = vector.shape_cast %add3A_848 : vector<16xi32> to vector<16xi32>
    tpu.vector_store %arg3[%swap3A_861], %swap3A_864 {strides = array<i32>} : memref<8192xi32, #tpu.memory_space<vmem>>, vector<16xi32>,
    %add3A_865 = arith.constant 43 : i32
    %add3A_866 = arith.addi %mul3A_2, %add3A_865 : i32
    %add3A_867 = vector.broadcast %add3A_866 : i32 to vector<16xi32>
    %add3A_868 = arith.addi %mul3A_5, %add3A_867 : vector<16xi32>
    %swap3A_869 = arith.constant 2752 : index
    %swap3A_870 = tpu.vector_load %arg3[%swap3A_869] {strides = array<i32>} : memref<8192xi32, #tpu.memory_space<vmem>>, vector<16xi32>,
    %swap3A_871 = vector.shape_cast %swap3A_870 : vector<16xi32> to vector<16xi32>
    %swap3A_872 = vector.shape_cast %add3A_868 : vector<16xi32> to vector<16xi32>
    tpu.vector_store %arg3[%swap3A_869], %swap3A_872 {strides = array<i32>} : memref<8192xi32, #tpu.memory_space<vmem>>, vector<16xi32>,
    %swap3A_873 = arith.constant 2768 : index
    %swap3A_874 = tpu.vector_load %arg3[%swap3A_873] {strides = array<i32>} : memref<8192xi32, #tpu.memory_space<vmem>>, vector<16xi32>,
    %swap3A_875 = vector.shape_cast %swap3A_874 : vector<16xi32> to vector<16xi32>
    %swap3A_876 = vector.shape_cast %add3A_868 : vector<16xi32> to vector<16xi32>
    tpu.vector_store %arg3[%swap3A_873], %swap3A_876 {strides = array<i32>} : memref<8192xi32, #tpu.memory_space<vmem>>, vector<16xi32>,
    %swap3A_877 = arith.constant 2784 : index
    %swap3A_878 = tpu.vector_load %arg3[%swap3A_877] {strides = array<i32>} : memref<8192xi32, #tpu.memory_space<vmem>>, vector<16xi32>,
    %swap3A_879 = vector.shape_cast %swap3A_878 : vector<16xi32> to vector<16xi32>
    %swap3A_880 = vector.shape_cast %add3A_868 : vector<16xi32> to vector<16xi32>
    tpu.vector_store %arg3[%swap3A_877], %swap3A_880 {strides = array<i32>} : memref<8192xi32, #tpu.memory_space<vmem>>, vector<16xi32>,
    %swap3A_881 = arith.constant 2800 : index
    %swap3A_882 = tpu.vector_load %arg3[%swap3A_881] {strides = array<i32>} : memref<8192xi32, #tpu.memory_space<vmem>>, vector<16xi32>,
    %swap3A_883 = vector.shape_cast %swap3A_882 : vector<16xi32> to vector<16xi32>
    %swap3A_884 = vector.shape_cast %add3A_868 : vector<16xi32> to vector<16xi32>
    tpu.vector_store %arg3[%swap3A_881], %swap3A_884 {strides = array<i32>} : memref<8192xi32, #tpu.memory_space<vmem>>, vector<16xi32>,
    %add3A_885 = arith.constant 44 : i32
    %add3A_886 = arith.addi %mul3A_2, %add3A_885 : i32
    %add3A_887 = vector.broadcast %add3A_886 : i32 to vector<16xi32>
    %add3A_888 = arith.addi %mul3A_5, %add3A_887 : vector<16xi32>
    %swap3A_889 = arith.constant 2816 : index
    %swap3A_890 = tpu.vector_load %arg3[%swap3A_889] {strides = array<i32>} : memref<8192xi32, #tpu.memory_space<vmem>>, vector<16xi32>,
    %swap3A_891 = vector.shape_cast %swap3A_890 : vector<16xi32> to vector<16xi32>
    %swap3A_892 = vector.shape_cast %add3A_888 : vector<16xi32> to vector<16xi32>
    tpu.vector_store %arg3[%swap3A_889], %swap3A_892 {strides = array<i32>} : memref<8192xi32, #tpu.memory_space<vmem>>, vector<16xi32>,
    %swap3A_893 = arith.constant 2832 : index
    %swap3A_894 = tpu.vector_load %arg3[%swap3A_893] {strides = array<i32>} : memref<8192xi32, #tpu.memory_space<vmem>>, vector<16xi32>,
    %swap3A_895 = vector.shape_cast %swap3A_894 : vector<16xi32> to vector<16xi32>
    %swap3A_896 = vector.shape_cast %add3A_888 : vector<16xi32> to vector<16xi32>
    tpu.vector_store %arg3[%swap3A_893], %swap3A_896 {strides = array<i32>} : memref<8192xi32, #tpu.memory_space<vmem>>, vector<16xi32>,
    %swap3A_897 = arith.constant 2848 : index
    %swap3A_898 = tpu.vector_load %arg3[%swap3A_897] {strides = array<i32>} : memref<8192xi32, #tpu.memory_space<vmem>>, vector<16xi32>,
    %swap3A_899 = vector.shape_cast %swap3A_898 : vector<16xi32> to vector<16xi32>
    %swap3A_900 = vector.shape_cast %add3A_888 : vector<16xi32> to vector<16xi32>
    tpu.vector_store %arg3[%swap3A_897], %swap3A_900 {strides = array<i32>} : memref<8192xi32, #tpu.memory_space<vmem>>, vector<16xi32>,
    %swap3A_901 = arith.constant 2864 : index
    %swap3A_902 = tpu.vector_load %arg3[%swap3A_901] {strides = array<i32>} : memref<8192xi32, #tpu.memory_space<vmem>>, vector<16xi32>,
    %swap3A_903 = vector.shape_cast %swap3A_902 : vector<16xi32> to vector<16xi32>
    %swap3A_904 = vector.shape_cast %add3A_888 : vector<16xi32> to vector<16xi32>
    tpu.vector_store %arg3[%swap3A_901], %swap3A_904 {strides = array<i32>} : memref<8192xi32, #tpu.memory_space<vmem>>, vector<16xi32>,
    %add3A_905 = arith.constant 45 : i32
    %add3A_906 = arith.addi %mul3A_2, %add3A_905 : i32
    %add3A_907 = vector.broadcast %add3A_906 : i32 to vector<16xi32>
    %add3A_908 = arith.addi %mul3A_5, %add3A_907 : vector<16xi32>
    %swap3A_909 = arith.constant 2880 : index
    %swap3A_910 = tpu.vector_load %arg3[%swap3A_909] {strides = array<i32>} : memref<8192xi32, #tpu.memory_space<vmem>>, vector<16xi32>,
    %swap3A_911 = vector.shape_cast %swap3A_910 : vector<16xi32> to vector<16xi32>
    %swap3A_912 = vector.shape_cast %add3A_908 : vector<16xi32> to vector<16xi32>
    tpu.vector_store %arg3[%swap3A_909], %swap3A_912 {strides = array<i32>} : memref<8192xi32, #tpu.memory_space<vmem>>, vector<16xi32>,
    %swap3A_913 = arith.constant 2896 : index
    %swap3A_914 = tpu.vector_load %arg3[%swap3A_913] {strides = array<i32>} : memref<8192xi32, #tpu.memory_space<vmem>>, vector<16xi32>,
    %swap3A_915 = vector.shape_cast %swap3A_914 : vector<16xi32> to vector<16xi32>
    %swap3A_916 = vector.shape_cast %add3A_908 : vector<16xi32> to vector<16xi32>
    tpu.vector_store %arg3[%swap3A_913], %swap3A_916 {strides = array<i32>} : memref<8192xi32, #tpu.memory_space<vmem>>, vector<16xi32>,
    %swap3A_917 = arith.constant 2912 : index
    %swap3A_918 = tpu.vector_load %arg3[%swap3A_917] {strides = array<i32>} : memref<8192xi32, #tpu.memory_space<vmem>>, vector<16xi32>,
    %swap3A_919 = vector.shape_cast %swap3A_918 : vector<16xi32> to vector<16xi32>
    %swap3A_920 = vector.shape_cast %add3A_908 : vector<16xi32> to vector<16xi32>
    tpu.vector_store %arg3[%swap3A_917], %swap3A_920 {strides = array<i32>} : memref<8192xi32, #tpu.memory_space<vmem>>, vector<16xi32>,
    %swap3A_921 = arith.constant 2928 : index
    %swap3A_922 = tpu.vector_load %arg3[%swap3A_921] {strides = array<i32>} : memref<8192xi32, #tpu.memory_space<vmem>>, vector<16xi32>,
    %swap3A_923 = vector.shape_cast %swap3A_922 : vector<16xi32> to vector<16xi32>
    %swap3A_924 = vector.shape_cast %add3A_908 : vector<16xi32> to vector<16xi32>
    tpu.vector_store %arg3[%swap3A_921], %swap3A_924 {strides = array<i32>} : memref<8192xi32, #tpu.memory_space<vmem>>, vector<16xi32>,
    %add3A_925 = arith.constant 46 : i32
    %add3A_926 = arith.addi %mul3A_2, %add3A_925 : i32
    %add3A_927 = vector.broadcast %add3A_926 : i32 to vector<16xi32>
    %add3A_928 = arith.addi %mul3A_5, %add3A_927 : vector<16xi32>
    %swap3A_929 = arith.constant 2944 : index
    %swap3A_930 = tpu.vector_load %arg3[%swap3A_929] {strides = array<i32>} : memref<8192xi32, #tpu.memory_space<vmem>>, vector<16xi32>,
    %swap3A_931 = vector.shape_cast %swap3A_930 : vector<16xi32> to vector<16xi32>
    %swap3A_932 = vector.shape_cast %add3A_928 : vector<16xi32> to vector<16xi32>
    tpu.vector_store %arg3[%swap3A_929], %swap3A_932 {strides = array<i32>} : memref<8192xi32, #tpu.memory_space<vmem>>, vector<16xi32>,
    %swap3A_933 = arith.constant 2960 : index
    %swap3A_934 = tpu.vector_load %arg3[%swap3A_933] {strides = array<i32>} : memref<8192xi32, #tpu.memory_space<vmem>>, vector<16xi32>,
    %swap3A_935 = vector.shape_cast %swap3A_934 : vector<16xi32> to vector<16xi32>
    %swap3A_936 = vector.shape_cast %add3A_928 : vector<16xi32> to vector<16xi32>
    tpu.vector_store %arg3[%swap3A_933], %swap3A_936 {strides = array<i32>} : memref<8192xi32, #tpu.memory_space<vmem>>, vector<16xi32>,
    %swap3A_937 = arith.constant 2976 : index
    %swap3A_938 = tpu.vector_load %arg3[%swap3A_937] {strides = array<i32>} : memref<8192xi32, #tpu.memory_space<vmem>>, vector<16xi32>,
    %swap3A_939 = vector.shape_cast %swap3A_938 : vector<16xi32> to vector<16xi32>
    %swap3A_940 = vector.shape_cast %add3A_928 : vector<16xi32> to vector<16xi32>
    tpu.vector_store %arg3[%swap3A_937], %swap3A_940 {strides = array<i32>} : memref<8192xi32, #tpu.memory_space<vmem>>, vector<16xi32>,
    %swap3A_941 = arith.constant 2992 : index
    %swap3A_942 = tpu.vector_load %arg3[%swap3A_941] {strides = array<i32>} : memref<8192xi32, #tpu.memory_space<vmem>>, vector<16xi32>,
    %swap3A_943 = vector.shape_cast %swap3A_942 : vector<16xi32> to vector<16xi32>
    %swap3A_944 = vector.shape_cast %add3A_928 : vector<16xi32> to vector<16xi32>
    tpu.vector_store %arg3[%swap3A_941], %swap3A_944 {strides = array<i32>} : memref<8192xi32, #tpu.memory_space<vmem>>, vector<16xi32>,
    %add3A_945 = arith.constant 47 : i32
    %add3A_946 = arith.addi %mul3A_2, %add3A_945 : i32
    %add3A_947 = vector.broadcast %add3A_946 : i32 to vector<16xi32>
    %add3A_948 = arith.addi %mul3A_5, %add3A_947 : vector<16xi32>
    %swap3A_949 = arith.constant 3008 : index
    %swap3A_950 = tpu.vector_load %arg3[%swap3A_949] {strides = array<i32>} : memref<8192xi32, #tpu.memory_space<vmem>>, vector<16xi32>,
    %swap3A_951 = vector.shape_cast %swap3A_950 : vector<16xi32> to vector<16xi32>
    %swap3A_952 = vector.shape_cast %add3A_948 : vector<16xi32> to vector<16xi32>
    tpu.vector_store %arg3[%swap3A_949], %swap3A_952 {strides = array<i32>} : memref<8192xi32, #tpu.memory_space<vmem>>, vector<16xi32>,
    %swap3A_953 = arith.constant 3024 : index
    %swap3A_954 = tpu.vector_load %arg3[%swap3A_953] {strides = array<i32>} : memref<8192xi32, #tpu.memory_space<vmem>>, vector<16xi32>,
    %swap3A_955 = vector.shape_cast %swap3A_954 : vector<16xi32> to vector<16xi32>
    %swap3A_956 = vector.shape_cast %add3A_948 : vector<16xi32> to vector<16xi32>
    tpu.vector_store %arg3[%swap3A_953], %swap3A_956 {strides = array<i32>} : memref<8192xi32, #tpu.memory_space<vmem>>, vector<16xi32>,
    %swap3A_957 = arith.constant 3040 : index
    %swap3A_958 = tpu.vector_load %arg3[%swap3A_957] {strides = array<i32>} : memref<8192xi32, #tpu.memory_space<vmem>>, vector<16xi32>,
    %swap3A_959 = vector.shape_cast %swap3A_958 : vector<16xi32> to vector<16xi32>
    %swap3A_960 = vector.shape_cast %add3A_948 : vector<16xi32> to vector<16xi32>
    tpu.vector_store %arg3[%swap3A_957], %swap3A_960 {strides = array<i32>} : memref<8192xi32, #tpu.memory_space<vmem>>, vector<16xi32>,
    %swap3A_961 = arith.constant 3056 : index
    %swap3A_962 = tpu.vector_load %arg3[%swap3A_961] {strides = array<i32>} : memref<8192xi32, #tpu.memory_space<vmem>>, vector<16xi32>,
    %swap3A_963 = vector.shape_cast %swap3A_962 : vector<16xi32> to vector<16xi32>
    %swap3A_964 = vector.shape_cast %add3A_948 : vector<16xi32> to vector<16xi32>
    tpu.vector_store %arg3[%swap3A_961], %swap3A_964 {strides = array<i32>} : memref<8192xi32, #tpu.memory_space<vmem>>, vector<16xi32>,
    %add3A_965 = arith.constant 48 : i32
    %add3A_966 = arith.addi %mul3A_2, %add3A_965 : i32
    %add3A_967 = vector.broadcast %add3A_966 : i32 to vector<16xi32>
    %add3A_968 = arith.addi %mul3A_5, %add3A_967 : vector<16xi32>
    %swap3A_969 = arith.constant 3072 : index
    %swap3A_970 = tpu.vector_load %arg3[%swap3A_969] {strides = array<i32>} : memref<8192xi32, #tpu.memory_space<vmem>>, vector<16xi32>,
    %swap3A_971 = vector.shape_cast %swap3A_970 : vector<16xi32> to vector<16xi32>
    %swap3A_972 = vector.shape_cast %add3A_968 : vector<16xi32> to vector<16xi32>
    tpu.vector_store %arg3[%swap3A_969], %swap3A_972 {strides = array<i32>} : memref<8192xi32, #tpu.memory_space<vmem>>, vector<16xi32>,
    %swap3A_973 = arith.constant 3088 : index
    %swap3A_974 = tpu.vector_load %arg3[%swap3A_973] {strides = array<i32>} : memref<8192xi32, #tpu.memory_space<vmem>>, vector<16xi32>,
    %swap3A_975 = vector.shape_cast %swap3A_974 : vector<16xi32> to vector<16xi32>
    %swap3A_976 = vector.shape_cast %add3A_968 : vector<16xi32> to vector<16xi32>
    tpu.vector_store %arg3[%swap3A_973], %swap3A_976 {strides = array<i32>} : memref<8192xi32, #tpu.memory_space<vmem>>, vector<16xi32>,
    %swap3A_977 = arith.constant 3104 : index
    %swap3A_978 = tpu.vector_load %arg3[%swap3A_977] {strides = array<i32>} : memref<8192xi32, #tpu.memory_space<vmem>>, vector<16xi32>,
    %swap3A_979 = vector.shape_cast %swap3A_978 : vector<16xi32> to vector<16xi32>
    %swap3A_980 = vector.shape_cast %add3A_968 : vector<16xi32> to vector<16xi32>
    tpu.vector_store %arg3[%swap3A_977], %swap3A_980 {strides = array<i32>} : memref<8192xi32, #tpu.memory_space<vmem>>, vector<16xi32>,
    %swap3A_981 = arith.constant 3120 : index
    %swap3A_982 = tpu.vector_load %arg3[%swap3A_981] {strides = array<i32>} : memref<8192xi32, #tpu.memory_space<vmem>>, vector<16xi32>,
    %swap3A_983 = vector.shape_cast %swap3A_982 : vector<16xi32> to vector<16xi32>
    %swap3A_984 = vector.shape_cast %add3A_968 : vector<16xi32> to vector<16xi32>
    tpu.vector_store %arg3[%swap3A_981], %swap3A_984 {strides = array<i32>} : memref<8192xi32, #tpu.memory_space<vmem>>, vector<16xi32>,
    %add3A_985 = arith.constant 49 : i32
    %add3A_986 = arith.addi %mul3A_2, %add3A_985 : i32
    %add3A_987 = vector.broadcast %add3A_986 : i32 to vector<16xi32>
    %add3A_988 = arith.addi %mul3A_5, %add3A_987 : vector<16xi32>
    %swap3A_989 = arith.constant 3136 : index
    %swap3A_990 = tpu.vector_load %arg3[%swap3A_989] {strides = array<i32>} : memref<8192xi32, #tpu.memory_space<vmem>>, vector<16xi32>,
    %swap3A_991 = vector.shape_cast %swap3A_990 : vector<16xi32> to vector<16xi32>
    %swap3A_992 = vector.shape_cast %add3A_988 : vector<16xi32> to vector<16xi32>
    tpu.vector_store %arg3[%swap3A_989], %swap3A_992 {strides = array<i32>} : memref<8192xi32, #tpu.memory_space<vmem>>, vector<16xi32>,
    %swap3A_993 = arith.constant 3152 : index
    %swap3A_994 = tpu.vector_load %arg3[%swap3A_993] {strides = array<i32>} : memref<8192xi32, #tpu.memory_space<vmem>>, vector<16xi32>,
    %swap3A_995 = vector.shape_cast %swap3A_994 : vector<16xi32> to vector<16xi32>
    %swap3A_996 = vector.shape_cast %add3A_988 : vector<16xi32> to vector<16xi32>
    tpu.vector_store %arg3[%swap3A_993], %swap3A_996 {strides = array<i32>} : memref<8192xi32, #tpu.memory_space<vmem>>, vector<16xi32>,
    %swap3A_997 = arith.constant 3168 : index
    %swap3A_998 = tpu.vector_load %arg3[%swap3A_997] {strides = array<i32>} : memref<8192xi32, #tpu.memory_space<vmem>>, vector<16xi32>,
    %swap3A_999 = vector.shape_cast %swap3A_998 : vector<16xi32> to vector<16xi32>
    %swap3A_1000 = vector.shape_cast %add3A_988 : vector<16xi32> to vector<16xi32>
    tpu.vector_store %arg3[%swap3A_997], %swap3A_1000 {strides = array<i32>} : memref<8192xi32, #tpu.memory_space<vmem>>, vector<16xi32>,
    %swap3A_1001 = arith.constant 3184 : index
    %swap3A_1002 = tpu.vector_load %arg3[%swap3A_1001] {strides = array<i32>} : memref<8192xi32, #tpu.memory_space<vmem>>, vector<16xi32>,
    %swap3A_1003 = vector.shape_cast %swap3A_1002 : vector<16xi32> to vector<16xi32>
    %swap3A_1004 = vector.shape_cast %add3A_988 : vector<16xi32> to vector<16xi32>
    tpu.vector_store %arg3[%swap3A_1001], %swap3A_1004 {strides = array<i32>} : memref<8192xi32, #tpu.memory_space<vmem>>, vector<16xi32>,
    %add3A_1005 = arith.constant 50 : i32
    %add3A_1006 = arith.addi %mul3A_2, %add3A_1005 : i32
    %add3A_1007 = vector.broadcast %add3A_1006 : i32 to vector<16xi32>
    %add3A_1008 = arith.addi %mul3A_5, %add3A_1007 : vector<16xi32>
    %swap3A_1009 = arith.constant 3200 : index
    %swap3A_1010 = tpu.vector_load %arg3[%swap3A_1009] {strides = array<i32>} : memref<8192xi32, #tpu.memory_space<vmem>>, vector<16xi32>,
    %swap3A_1011 = vector.shape_cast %swap3A_1010 : vector<16xi32> to vector<16xi32>
    %swap3A_1012 = vector.shape_cast %add3A_1008 : vector<16xi32> to vector<16xi32>
    tpu.vector_store %arg3[%swap3A_1009], %swap3A_1012 {strides = array<i32>} : memref<8192xi32, #tpu.memory_space<vmem>>, vector<16xi32>,
    %swap3A_1013 = arith.constant 3216 : index
    %swap3A_1014 = tpu.vector_load %arg3[%swap3A_1013] {strides = array<i32>} : memref<8192xi32, #tpu.memory_space<vmem>>, vector<16xi32>,
    %swap3A_1015 = vector.shape_cast %swap3A_1014 : vector<16xi32> to vector<16xi32>
    %swap3A_1016 = vector.shape_cast %add3A_1008 : vector<16xi32> to vector<16xi32>
    tpu.vector_store %arg3[%swap3A_1013], %swap3A_1016 {strides = array<i32>} : memref<8192xi32, #tpu.memory_space<vmem>>, vector<16xi32>,
    %swap3A_1017 = arith.constant 3232 : index
    %swap3A_1018 = tpu.vector_load %arg3[%swap3A_1017] {strides = array<i32>} : memref<8192xi32, #tpu.memory_space<vmem>>, vector<16xi32>,
    %swap3A_1019 = vector.shape_cast %swap3A_1018 : vector<16xi32> to vector<16xi32>
    %swap3A_1020 = vector.shape_cast %add3A_1008 : vector<16xi32> to vector<16xi32>
    tpu.vector_store %arg3[%swap3A_1017], %swap3A_1020 {strides = array<i32>} : memref<8192xi32, #tpu.memory_space<vmem>>, vector<16xi32>,
    %swap3A_1021 = arith.constant 3248 : index
    %swap3A_1022 = tpu.vector_load %arg3[%swap3A_1021] {strides = array<i32>} : memref<8192xi32, #tpu.memory_space<vmem>>, vector<16xi32>,
    %swap3A_1023 = vector.shape_cast %swap3A_1022 : vector<16xi32> to vector<16xi32>
    %swap3A_1024 = vector.shape_cast %add3A_1008 : vector<16xi32> to vector<16xi32>
    tpu.vector_store %arg3[%swap3A_1021], %swap3A_1024 {strides = array<i32>} : memref<8192xi32, #tpu.memory_space<vmem>>, vector<16xi32>,
    %add3A_1025 = arith.constant 51 : i32
    %add3A_1026 = arith.addi %mul3A_2, %add3A_1025 : i32
    %add3A_1027 = vector.broadcast %add3A_1026 : i32 to vector<16xi32>
    %add3A_1028 = arith.addi %mul3A_5, %add3A_1027 : vector<16xi32>
    %swap3A_1029 = arith.constant 3264 : index
    %swap3A_1030 = tpu.vector_load %arg3[%swap3A_1029] {strides = array<i32>} : memref<8192xi32, #tpu.memory_space<vmem>>, vector<16xi32>,
    %swap3A_1031 = vector.shape_cast %swap3A_1030 : vector<16xi32> to vector<16xi32>
    %swap3A_1032 = vector.shape_cast %add3A_1028 : vector<16xi32> to vector<16xi32>
    tpu.vector_store %arg3[%swap3A_1029], %swap3A_1032 {strides = array<i32>} : memref<8192xi32, #tpu.memory_space<vmem>>, vector<16xi32>,
    %swap3A_1033 = arith.constant 3280 : index
    %swap3A_1034 = tpu.vector_load %arg3[%swap3A_1033] {strides = array<i32>} : memref<8192xi32, #tpu.memory_space<vmem>>, vector<16xi32>,
    %swap3A_1035 = vector.shape_cast %swap3A_1034 : vector<16xi32> to vector<16xi32>
    %swap3A_1036 = vector.shape_cast %add3A_1028 : vector<16xi32> to vector<16xi32>
    tpu.vector_store %arg3[%swap3A_1033], %swap3A_1036 {strides = array<i32>} : memref<8192xi32, #tpu.memory_space<vmem>>, vector<16xi32>,
    %swap3A_1037 = arith.constant 3296 : index
    %swap3A_1038 = tpu.vector_load %arg3[%swap3A_1037] {strides = array<i32>} : memref<8192xi32, #tpu.memory_space<vmem>>, vector<16xi32>,
    %swap3A_1039 = vector.shape_cast %swap3A_1038 : vector<16xi32> to vector<16xi32>
    %swap3A_1040 = vector.shape_cast %add3A_1028 : vector<16xi32> to vector<16xi32>
    tpu.vector_store %arg3[%swap3A_1037], %swap3A_1040 {strides = array<i32>} : memref<8192xi32, #tpu.memory_space<vmem>>, vector<16xi32>,
    %swap3A_1041 = arith.constant 3312 : index
    %swap3A_1042 = tpu.vector_load %arg3[%swap3A_1041] {strides = array<i32>} : memref<8192xi32, #tpu.memory_space<vmem>>, vector<16xi32>,
    %swap3A_1043 = vector.shape_cast %swap3A_1042 : vector<16xi32> to vector<16xi32>
    %swap3A_1044 = vector.shape_cast %add3A_1028 : vector<16xi32> to vector<16xi32>
    tpu.vector_store %arg3[%swap3A_1041], %swap3A_1044 {strides = array<i32>} : memref<8192xi32, #tpu.memory_space<vmem>>, vector<16xi32>,
    %add3A_1045 = arith.constant 52 : i32
    %add3A_1046 = arith.addi %mul3A_2, %add3A_1045 : i32
    %add3A_1047 = vector.broadcast %add3A_1046 : i32 to vector<16xi32>
    %add3A_1048 = arith.addi %mul3A_5, %add3A_1047 : vector<16xi32>
    %swap3A_1049 = arith.constant 3328 : index
    %swap3A_1050 = tpu.vector_load %arg3[%swap3A_1049] {strides = array<i32>} : memref<8192xi32, #tpu.memory_space<vmem>>, vector<16xi32>,
    %swap3A_1051 = vector.shape_cast %swap3A_1050 : vector<16xi32> to vector<16xi32>
    %swap3A_1052 = vector.shape_cast %add3A_1048 : vector<16xi32> to vector<16xi32>
    tpu.vector_store %arg3[%swap3A_1049], %swap3A_1052 {strides = array<i32>} : memref<8192xi32, #tpu.memory_space<vmem>>, vector<16xi32>,
    %swap3A_1053 = arith.constant 3344 : index
    %swap3A_1054 = tpu.vector_load %arg3[%swap3A_1053] {strides = array<i32>} : memref<8192xi32, #tpu.memory_space<vmem>>, vector<16xi32>,
    %swap3A_1055 = vector.shape_cast %swap3A_1054 : vector<16xi32> to vector<16xi32>
    %swap3A_1056 = vector.shape_cast %add3A_1048 : vector<16xi32> to vector<16xi32>
    tpu.vector_store %arg3[%swap3A_1053], %swap3A_1056 {strides = array<i32>} : memref<8192xi32, #tpu.memory_space<vmem>>, vector<16xi32>,
    %swap3A_1057 = arith.constant 3360 : index
    %swap3A_1058 = tpu.vector_load %arg3[%swap3A_1057] {strides = array<i32>} : memref<8192xi32, #tpu.memory_space<vmem>>, vector<16xi32>,
    %swap3A_1059 = vector.shape_cast %swap3A_1058 : vector<16xi32> to vector<16xi32>
    %swap3A_1060 = vector.shape_cast %add3A_1048 : vector<16xi32> to vector<16xi32>
    tpu.vector_store %arg3[%swap3A_1057], %swap3A_1060 {strides = array<i32>} : memref<8192xi32, #tpu.memory_space<vmem>>, vector<16xi32>,
    %swap3A_1061 = arith.constant 3376 : index
    %swap3A_1062 = tpu.vector_load %arg3[%swap3A_1061] {strides = array<i32>} : memref<8192xi32, #tpu.memory_space<vmem>>, vector<16xi32>,
    %swap3A_1063 = vector.shape_cast %swap3A_1062 : vector<16xi32> to vector<16xi32>
    %swap3A_1064 = vector.shape_cast %add3A_1048 : vector<16xi32> to vector<16xi32>
    tpu.vector_store %arg3[%swap3A_1061], %swap3A_1064 {strides = array<i32>} : memref<8192xi32, #tpu.memory_space<vmem>>, vector<16xi32>,
    %add3A_1065 = arith.constant 53 : i32
    %add3A_1066 = arith.addi %mul3A_2, %add3A_1065 : i32
    %add3A_1067 = vector.broadcast %add3A_1066 : i32 to vector<16xi32>
    %add3A_1068 = arith.addi %mul3A_5, %add3A_1067 : vector<16xi32>
    %swap3A_1069 = arith.constant 3392 : index
    %swap3A_1070 = tpu.vector_load %arg3[%swap3A_1069] {strides = array<i32>} : memref<8192xi32, #tpu.memory_space<vmem>>, vector<16xi32>,
    %swap3A_1071 = vector.shape_cast %swap3A_1070 : vector<16xi32> to vector<16xi32>
    %swap3A_1072 = vector.shape_cast %add3A_1068 : vector<16xi32> to vector<16xi32>
    tpu.vector_store %arg3[%swap3A_1069], %swap3A_1072 {strides = array<i32>} : memref<8192xi32, #tpu.memory_space<vmem>>, vector<16xi32>,
    %swap3A_1073 = arith.constant 3408 : index
    %swap3A_1074 = tpu.vector_load %arg3[%swap3A_1073] {strides = array<i32>} : memref<8192xi32, #tpu.memory_space<vmem>>, vector<16xi32>,
    %swap3A_1075 = vector.shape_cast %swap3A_1074 : vector<16xi32> to vector<16xi32>
    %swap3A_1076 = vector.shape_cast %add3A_1068 : vector<16xi32> to vector<16xi32>
    tpu.vector_store %arg3[%swap3A_1073], %swap3A_1076 {strides = array<i32>} : memref<8192xi32, #tpu.memory_space<vmem>>, vector<16xi32>,
    %swap3A_1077 = arith.constant 3424 : index
    %swap3A_1078 = tpu.vector_load %arg3[%swap3A_1077] {strides = array<i32>} : memref<8192xi32, #tpu.memory_space<vmem>>, vector<16xi32>,
    %swap3A_1079 = vector.shape_cast %swap3A_1078 : vector<16xi32> to vector<16xi32>
    %swap3A_1080 = vector.shape_cast %add3A_1068 : vector<16xi32> to vector<16xi32>
    tpu.vector_store %arg3[%swap3A_1077], %swap3A_1080 {strides = array<i32>} : memref<8192xi32, #tpu.memory_space<vmem>>, vector<16xi32>,
    %swap3A_1081 = arith.constant 3440 : index
    %swap3A_1082 = tpu.vector_load %arg3[%swap3A_1081] {strides = array<i32>} : memref<8192xi32, #tpu.memory_space<vmem>>, vector<16xi32>,
    %swap3A_1083 = vector.shape_cast %swap3A_1082 : vector<16xi32> to vector<16xi32>
    %swap3A_1084 = vector.shape_cast %add3A_1068 : vector<16xi32> to vector<16xi32>
    tpu.vector_store %arg3[%swap3A_1081], %swap3A_1084 {strides = array<i32>} : memref<8192xi32, #tpu.memory_space<vmem>>, vector<16xi32>,
    %add3A_1085 = arith.constant 54 : i32
    %add3A_1086 = arith.addi %mul3A_2, %add3A_1085 : i32
    %add3A_1087 = vector.broadcast %add3A_1086 : i32 to vector<16xi32>
    %add3A_1088 = arith.addi %mul3A_5, %add3A_1087 : vector<16xi32>
    %swap3A_1089 = arith.constant 3456 : index
    %swap3A_1090 = tpu.vector_load %arg3[%swap3A_1089] {strides = array<i32>} : memref<8192xi32, #tpu.memory_space<vmem>>, vector<16xi32>,
    %swap3A_1091 = vector.shape_cast %swap3A_1090 : vector<16xi32> to vector<16xi32>
    %swap3A_1092 = vector.shape_cast %add3A_1088 : vector<16xi32> to vector<16xi32>
    tpu.vector_store %arg3[%swap3A_1089], %swap3A_1092 {strides = array<i32>} : memref<8192xi32, #tpu.memory_space<vmem>>, vector<16xi32>,
    %swap3A_1093 = arith.constant 3472 : index
    %swap3A_1094 = tpu.vector_load %arg3[%swap3A_1093] {strides = array<i32>} : memref<8192xi32, #tpu.memory_space<vmem>>, vector<16xi32>,
    %swap3A_1095 = vector.shape_cast %swap3A_1094 : vector<16xi32> to vector<16xi32>
    %swap3A_1096 = vector.shape_cast %add3A_1088 : vector<16xi32> to vector<16xi32>
    tpu.vector_store %arg3[%swap3A_1093], %swap3A_1096 {strides = array<i32>} : memref<8192xi32, #tpu.memory_space<vmem>>, vector<16xi32>,
    %swap3A_1097 = arith.constant 3488 : index
    %swap3A_1098 = tpu.vector_load %arg3[%swap3A_1097] {strides = array<i32>} : memref<8192xi32, #tpu.memory_space<vmem>>, vector<16xi32>,
    %swap3A_1099 = vector.shape_cast %swap3A_1098 : vector<16xi32> to vector<16xi32>
    %swap3A_1100 = vector.shape_cast %add3A_1088 : vector<16xi32> to vector<16xi32>
    tpu.vector_store %arg3[%swap3A_1097], %swap3A_1100 {strides = array<i32>} : memref<8192xi32, #tpu.memory_space<vmem>>, vector<16xi32>,
    %swap3A_1101 = arith.constant 3504 : index
    %swap3A_1102 = tpu.vector_load %arg3[%swap3A_1101] {strides = array<i32>} : memref<8192xi32, #tpu.memory_space<vmem>>, vector<16xi32>,
    %swap3A_1103 = vector.shape_cast %swap3A_1102 : vector<16xi32> to vector<16xi32>
    %swap3A_1104 = vector.shape_cast %add3A_1088 : vector<16xi32> to vector<16xi32>
    tpu.vector_store %arg3[%swap3A_1101], %swap3A_1104 {strides = array<i32>} : memref<8192xi32, #tpu.memory_space<vmem>>, vector<16xi32>,
    %add3A_1105 = arith.constant 55 : i32
    %add3A_1106 = arith.addi %mul3A_2, %add3A_1105 : i32
    %add3A_1107 = vector.broadcast %add3A_1106 : i32 to vector<16xi32>
    %add3A_1108 = arith.addi %mul3A_5, %add3A_1107 : vector<16xi32>
    %swap3A_1109 = arith.constant 3520 : index
    %swap3A_1110 = tpu.vector_load %arg3[%swap3A_1109] {strides = array<i32>} : memref<8192xi32, #tpu.memory_space<vmem>>, vector<16xi32>,
    %swap3A_1111 = vector.shape_cast %swap3A_1110 : vector<16xi32> to vector<16xi32>
    %swap3A_1112 = vector.shape_cast %add3A_1108 : vector<16xi32> to vector<16xi32>
    tpu.vector_store %arg3[%swap3A_1109], %swap3A_1112 {strides = array<i32>} : memref<8192xi32, #tpu.memory_space<vmem>>, vector<16xi32>,
    %swap3A_1113 = arith.constant 3536 : index
    %swap3A_1114 = tpu.vector_load %arg3[%swap3A_1113] {strides = array<i32>} : memref<8192xi32, #tpu.memory_space<vmem>>, vector<16xi32>,
    %swap3A_1115 = vector.shape_cast %swap3A_1114 : vector<16xi32> to vector<16xi32>
    %swap3A_1116 = vector.shape_cast %add3A_1108 : vector<16xi32> to vector<16xi32>
    tpu.vector_store %arg3[%swap3A_1113], %swap3A_1116 {strides = array<i32>} : memref<8192xi32, #tpu.memory_space<vmem>>, vector<16xi32>,
    %swap3A_1117 = arith.constant 3552 : index
    %swap3A_1118 = tpu.vector_load %arg3[%swap3A_1117] {strides = array<i32>} : memref<8192xi32, #tpu.memory_space<vmem>>, vector<16xi32>,
    %swap3A_1119 = vector.shape_cast %swap3A_1118 : vector<16xi32> to vector<16xi32>
    %swap3A_1120 = vector.shape_cast %add3A_1108 : vector<16xi32> to vector<16xi32>
    tpu.vector_store %arg3[%swap3A_1117], %swap3A_1120 {strides = array<i32>} : memref<8192xi32, #tpu.memory_space<vmem>>, vector<16xi32>,
    %swap3A_1121 = arith.constant 3568 : index
    %swap3A_1122 = tpu.vector_load %arg3[%swap3A_1121] {strides = array<i32>} : memref<8192xi32, #tpu.memory_space<vmem>>, vector<16xi32>,
    %swap3A_1123 = vector.shape_cast %swap3A_1122 : vector<16xi32> to vector<16xi32>
    %swap3A_1124 = vector.shape_cast %add3A_1108 : vector<16xi32> to vector<16xi32>
    tpu.vector_store %arg3[%swap3A_1121], %swap3A_1124 {strides = array<i32>} : memref<8192xi32, #tpu.memory_space<vmem>>, vector<16xi32>,
    %add3A_1125 = arith.constant 56 : i32
    %add3A_1126 = arith.addi %mul3A_2, %add3A_1125 : i32
    %add3A_1127 = vector.broadcast %add3A_1126 : i32 to vector<16xi32>
    %add3A_1128 = arith.addi %mul3A_5, %add3A_1127 : vector<16xi32>
    %swap3A_1129 = arith.constant 3584 : index
    %swap3A_1130 = tpu.vector_load %arg3[%swap3A_1129] {strides = array<i32>} : memref<8192xi32, #tpu.memory_space<vmem>>, vector<16xi32>,
    %swap3A_1131 = vector.shape_cast %swap3A_1130 : vector<16xi32> to vector<16xi32>
    %swap3A_1132 = vector.shape_cast %add3A_1128 : vector<16xi32> to vector<16xi32>
    tpu.vector_store %arg3[%swap3A_1129], %swap3A_1132 {strides = array<i32>} : memref<8192xi32, #tpu.memory_space<vmem>>, vector<16xi32>,
    %swap3A_1133 = arith.constant 3600 : index
    %swap3A_1134 = tpu.vector_load %arg3[%swap3A_1133] {strides = array<i32>} : memref<8192xi32, #tpu.memory_space<vmem>>, vector<16xi32>,
    %swap3A_1135 = vector.shape_cast %swap3A_1134 : vector<16xi32> to vector<16xi32>
    %swap3A_1136 = vector.shape_cast %add3A_1128 : vector<16xi32> to vector<16xi32>
    tpu.vector_store %arg3[%swap3A_1133], %swap3A_1136 {strides = array<i32>} : memref<8192xi32, #tpu.memory_space<vmem>>, vector<16xi32>,
    %swap3A_1137 = arith.constant 3616 : index
    %swap3A_1138 = tpu.vector_load %arg3[%swap3A_1137] {strides = array<i32>} : memref<8192xi32, #tpu.memory_space<vmem>>, vector<16xi32>,
    %swap3A_1139 = vector.shape_cast %swap3A_1138 : vector<16xi32> to vector<16xi32>
    %swap3A_1140 = vector.shape_cast %add3A_1128 : vector<16xi32> to vector<16xi32>
    tpu.vector_store %arg3[%swap3A_1137], %swap3A_1140 {strides = array<i32>} : memref<8192xi32, #tpu.memory_space<vmem>>, vector<16xi32>,
    %swap3A_1141 = arith.constant 3632 : index
    %swap3A_1142 = tpu.vector_load %arg3[%swap3A_1141] {strides = array<i32>} : memref<8192xi32, #tpu.memory_space<vmem>>, vector<16xi32>,
    %swap3A_1143 = vector.shape_cast %swap3A_1142 : vector<16xi32> to vector<16xi32>
    %swap3A_1144 = vector.shape_cast %add3A_1128 : vector<16xi32> to vector<16xi32>
    tpu.vector_store %arg3[%swap3A_1141], %swap3A_1144 {strides = array<i32>} : memref<8192xi32, #tpu.memory_space<vmem>>, vector<16xi32>,
    %add3A_1145 = arith.constant 57 : i32
    %add3A_1146 = arith.addi %mul3A_2, %add3A_1145 : i32
    %add3A_1147 = vector.broadcast %add3A_1146 : i32 to vector<16xi32>
    %add3A_1148 = arith.addi %mul3A_5, %add3A_1147 : vector<16xi32>
    %swap3A_1149 = arith.constant 3648 : index
    %swap3A_1150 = tpu.vector_load %arg3[%swap3A_1149] {strides = array<i32>} : memref<8192xi32, #tpu.memory_space<vmem>>, vector<16xi32>,
    %swap3A_1151 = vector.shape_cast %swap3A_1150 : vector<16xi32> to vector<16xi32>
    %swap3A_1152 = vector.shape_cast %add3A_1148 : vector<16xi32> to vector<16xi32>
    tpu.vector_store %arg3[%swap3A_1149], %swap3A_1152 {strides = array<i32>} : memref<8192xi32, #tpu.memory_space<vmem>>, vector<16xi32>,
    %swap3A_1153 = arith.constant 3664 : index
    %swap3A_1154 = tpu.vector_load %arg3[%swap3A_1153] {strides = array<i32>} : memref<8192xi32, #tpu.memory_space<vmem>>, vector<16xi32>,
    %swap3A_1155 = vector.shape_cast %swap3A_1154 : vector<16xi32> to vector<16xi32>
    %swap3A_1156 = vector.shape_cast %add3A_1148 : vector<16xi32> to vector<16xi32>
    tpu.vector_store %arg3[%swap3A_1153], %swap3A_1156 {strides = array<i32>} : memref<8192xi32, #tpu.memory_space<vmem>>, vector<16xi32>,
    %swap3A_1157 = arith.constant 3680 : index
    %swap3A_1158 = tpu.vector_load %arg3[%swap3A_1157] {strides = array<i32>} : memref<8192xi32, #tpu.memory_space<vmem>>, vector<16xi32>,
    %swap3A_1159 = vector.shape_cast %swap3A_1158 : vector<16xi32> to vector<16xi32>
    %swap3A_1160 = vector.shape_cast %add3A_1148 : vector<16xi32> to vector<16xi32>
    tpu.vector_store %arg3[%swap3A_1157], %swap3A_1160 {strides = array<i32>} : memref<8192xi32, #tpu.memory_space<vmem>>, vector<16xi32>,
    %swap3A_1161 = arith.constant 3696 : index
    %swap3A_1162 = tpu.vector_load %arg3[%swap3A_1161] {strides = array<i32>} : memref<8192xi32, #tpu.memory_space<vmem>>, vector<16xi32>,
    %swap3A_1163 = vector.shape_cast %swap3A_1162 : vector<16xi32> to vector<16xi32>
    %swap3A_1164 = vector.shape_cast %add3A_1148 : vector<16xi32> to vector<16xi32>
    tpu.vector_store %arg3[%swap3A_1161], %swap3A_1164 {strides = array<i32>} : memref<8192xi32, #tpu.memory_space<vmem>>, vector<16xi32>,
    %add3A_1165 = arith.constant 58 : i32
    %add3A_1166 = arith.addi %mul3A_2, %add3A_1165 : i32
    %add3A_1167 = vector.broadcast %add3A_1166 : i32 to vector<16xi32>
    %add3A_1168 = arith.addi %mul3A_5, %add3A_1167 : vector<16xi32>
    %swap3A_1169 = arith.constant 3712 : index
    %swap3A_1170 = tpu.vector_load %arg3[%swap3A_1169] {strides = array<i32>} : memref<8192xi32, #tpu.memory_space<vmem>>, vector<16xi32>,
    %swap3A_1171 = vector.shape_cast %swap3A_1170 : vector<16xi32> to vector<16xi32>
    %swap3A_1172 = vector.shape_cast %add3A_1168 : vector<16xi32> to vector<16xi32>
    tpu.vector_store %arg3[%swap3A_1169], %swap3A_1172 {strides = array<i32>} : memref<8192xi32, #tpu.memory_space<vmem>>, vector<16xi32>,
    %swap3A_1173 = arith.constant 3728 : index
    %swap3A_1174 = tpu.vector_load %arg3[%swap3A_1173] {strides = array<i32>} : memref<8192xi32, #tpu.memory_space<vmem>>, vector<16xi32>,
    %swap3A_1175 = vector.shape_cast %swap3A_1174 : vector<16xi32> to vector<16xi32>
    %swap3A_1176 = vector.shape_cast %add3A_1168 : vector<16xi32> to vector<16xi32>
    tpu.vector_store %arg3[%swap3A_1173], %swap3A_1176 {strides = array<i32>} : memref<8192xi32, #tpu.memory_space<vmem>>, vector<16xi32>,
    %swap3A_1177 = arith.constant 3744 : index
    %swap3A_1178 = tpu.vector_load %arg3[%swap3A_1177] {strides = array<i32>} : memref<8192xi32, #tpu.memory_space<vmem>>, vector<16xi32>,
    %swap3A_1179 = vector.shape_cast %swap3A_1178 : vector<16xi32> to vector<16xi32>
    %swap3A_1180 = vector.shape_cast %add3A_1168 : vector<16xi32> to vector<16xi32>
    tpu.vector_store %arg3[%swap3A_1177], %swap3A_1180 {strides = array<i32>} : memref<8192xi32, #tpu.memory_space<vmem>>, vector<16xi32>,
    %swap3A_1181 = arith.constant 3760 : index
    %swap3A_1182 = tpu.vector_load %arg3[%swap3A_1181] {strides = array<i32>} : memref<8192xi32, #tpu.memory_space<vmem>>, vector<16xi32>,
    %swap3A_1183 = vector.shape_cast %swap3A_1182 : vector<16xi32> to vector<16xi32>
    %swap3A_1184 = vector.shape_cast %add3A_1168 : vector<16xi32> to vector<16xi32>
    tpu.vector_store %arg3[%swap3A_1181], %swap3A_1184 {strides = array<i32>} : memref<8192xi32, #tpu.memory_space<vmem>>, vector<16xi32>,
    %add3A_1185 = arith.constant 59 : i32
    %add3A_1186 = arith.addi %mul3A_2, %add3A_1185 : i32
    %add3A_1187 = vector.broadcast %add3A_1186 : i32 to vector<16xi32>
    %add3A_1188 = arith.addi %mul3A_5, %add3A_1187 : vector<16xi32>
    %swap3A_1189 = arith.constant 3776 : index
    %swap3A_1190 = tpu.vector_load %arg3[%swap3A_1189] {strides = array<i32>} : memref<8192xi32, #tpu.memory_space<vmem>>, vector<16xi32>,
    %swap3A_1191 = vector.shape_cast %swap3A_1190 : vector<16xi32> to vector<16xi32>
    %swap3A_1192 = vector.shape_cast %add3A_1188 : vector<16xi32> to vector<16xi32>
    tpu.vector_store %arg3[%swap3A_1189], %swap3A_1192 {strides = array<i32>} : memref<8192xi32, #tpu.memory_space<vmem>>, vector<16xi32>,
    %swap3A_1193 = arith.constant 3792 : index
    %swap3A_1194 = tpu.vector_load %arg3[%swap3A_1193] {strides = array<i32>} : memref<8192xi32, #tpu.memory_space<vmem>>, vector<16xi32>,
    %swap3A_1195 = vector.shape_cast %swap3A_1194 : vector<16xi32> to vector<16xi32>
    %swap3A_1196 = vector.shape_cast %add3A_1188 : vector<16xi32> to vector<16xi32>
    tpu.vector_store %arg3[%swap3A_1193], %swap3A_1196 {strides = array<i32>} : memref<8192xi32, #tpu.memory_space<vmem>>, vector<16xi32>,
    %swap3A_1197 = arith.constant 3808 : index
    %swap3A_1198 = tpu.vector_load %arg3[%swap3A_1197] {strides = array<i32>} : memref<8192xi32, #tpu.memory_space<vmem>>, vector<16xi32>,
    %swap3A_1199 = vector.shape_cast %swap3A_1198 : vector<16xi32> to vector<16xi32>
    %swap3A_1200 = vector.shape_cast %add3A_1188 : vector<16xi32> to vector<16xi32>
    tpu.vector_store %arg3[%swap3A_1197], %swap3A_1200 {strides = array<i32>} : memref<8192xi32, #tpu.memory_space<vmem>>, vector<16xi32>,
    %swap3A_1201 = arith.constant 3824 : index
    %swap3A_1202 = tpu.vector_load %arg3[%swap3A_1201] {strides = array<i32>} : memref<8192xi32, #tpu.memory_space<vmem>>, vector<16xi32>,
    %swap3A_1203 = vector.shape_cast %swap3A_1202 : vector<16xi32> to vector<16xi32>
    %swap3A_1204 = vector.shape_cast %add3A_1188 : vector<16xi32> to vector<16xi32>
    tpu.vector_store %arg3[%swap3A_1201], %swap3A_1204 {strides = array<i32>} : memref<8192xi32, #tpu.memory_space<vmem>>, vector<16xi32>,
    %add3A_1205 = arith.constant 60 : i32
    %add3A_1206 = arith.addi %mul3A_2, %add3A_1205 : i32
    %add3A_1207 = vector.broadcast %add3A_1206 : i32 to vector<16xi32>
    %add3A_1208 = arith.addi %mul3A_5, %add3A_1207 : vector<16xi32>
    %swap3A_1209 = arith.constant 3840 : index
    %swap3A_1210 = tpu.vector_load %arg3[%swap3A_1209] {strides = array<i32>} : memref<8192xi32, #tpu.memory_space<vmem>>, vector<16xi32>,
    %swap3A_1211 = vector.shape_cast %swap3A_1210 : vector<16xi32> to vector<16xi32>
    %swap3A_1212 = vector.shape_cast %add3A_1208 : vector<16xi32> to vector<16xi32>
    tpu.vector_store %arg3[%swap3A_1209], %swap3A_1212 {strides = array<i32>} : memref<8192xi32, #tpu.memory_space<vmem>>, vector<16xi32>,
    %swap3A_1213 = arith.constant 3856 : index
    %swap3A_1214 = tpu.vector_load %arg3[%swap3A_1213] {strides = array<i32>} : memref<8192xi32, #tpu.memory_space<vmem>>, vector<16xi32>,
    %swap3A_1215 = vector.shape_cast %swap3A_1214 : vector<16xi32> to vector<16xi32>
    %swap3A_1216 = vector.shape_cast %add3A_1208 : vector<16xi32> to vector<16xi32>
    tpu.vector_store %arg3[%swap3A_1213], %swap3A_1216 {strides = array<i32>} : memref<8192xi32, #tpu.memory_space<vmem>>, vector<16xi32>,
    %swap3A_1217 = arith.constant 3872 : index
    %swap3A_1218 = tpu.vector_load %arg3[%swap3A_1217] {strides = array<i32>} : memref<8192xi32, #tpu.memory_space<vmem>>, vector<16xi32>,
    %swap3A_1219 = vector.shape_cast %swap3A_1218 : vector<16xi32> to vector<16xi32>
    %swap3A_1220 = vector.shape_cast %add3A_1208 : vector<16xi32> to vector<16xi32>
    tpu.vector_store %arg3[%swap3A_1217], %swap3A_1220 {strides = array<i32>} : memref<8192xi32, #tpu.memory_space<vmem>>, vector<16xi32>,
    %swap3A_1221 = arith.constant 3888 : index
    %swap3A_1222 = tpu.vector_load %arg3[%swap3A_1221] {strides = array<i32>} : memref<8192xi32, #tpu.memory_space<vmem>>, vector<16xi32>,
    %swap3A_1223 = vector.shape_cast %swap3A_1222 : vector<16xi32> to vector<16xi32>
    %swap3A_1224 = vector.shape_cast %add3A_1208 : vector<16xi32> to vector<16xi32>
    tpu.vector_store %arg3[%swap3A_1221], %swap3A_1224 {strides = array<i32>} : memref<8192xi32, #tpu.memory_space<vmem>>, vector<16xi32>,
    %add3A_1225 = arith.constant 61 : i32
    %add3A_1226 = arith.addi %mul3A_2, %add3A_1225 : i32
    %add3A_1227 = vector.broadcast %add3A_1226 : i32 to vector<16xi32>
    %add3A_1228 = arith.addi %mul3A_5, %add3A_1227 : vector<16xi32>
    %swap3A_1229 = arith.constant 3904 : index
    %swap3A_1230 = tpu.vector_load %arg3[%swap3A_1229] {strides = array<i32>} : memref<8192xi32, #tpu.memory_space<vmem>>, vector<16xi32>,
    %swap3A_1231 = vector.shape_cast %swap3A_1230 : vector<16xi32> to vector<16xi32>
    %swap3A_1232 = vector.shape_cast %add3A_1228 : vector<16xi32> to vector<16xi32>
    tpu.vector_store %arg3[%swap3A_1229], %swap3A_1232 {strides = array<i32>} : memref<8192xi32, #tpu.memory_space<vmem>>, vector<16xi32>,
    %swap3A_1233 = arith.constant 3920 : index
    %swap3A_1234 = tpu.vector_load %arg3[%swap3A_1233] {strides = array<i32>} : memref<8192xi32, #tpu.memory_space<vmem>>, vector<16xi32>,
    %swap3A_1235 = vector.shape_cast %swap3A_1234 : vector<16xi32> to vector<16xi32>
    %swap3A_1236 = vector.shape_cast %add3A_1228 : vector<16xi32> to vector<16xi32>
    tpu.vector_store %arg3[%swap3A_1233], %swap3A_1236 {strides = array<i32>} : memref<8192xi32, #tpu.memory_space<vmem>>, vector<16xi32>,
    %swap3A_1237 = arith.constant 3936 : index
    %swap3A_1238 = tpu.vector_load %arg3[%swap3A_1237] {strides = array<i32>} : memref<8192xi32, #tpu.memory_space<vmem>>, vector<16xi32>,
    %swap3A_1239 = vector.shape_cast %swap3A_1238 : vector<16xi32> to vector<16xi32>
    %swap3A_1240 = vector.shape_cast %add3A_1228 : vector<16xi32> to vector<16xi32>
    tpu.vector_store %arg3[%swap3A_1237], %swap3A_1240 {strides = array<i32>} : memref<8192xi32, #tpu.memory_space<vmem>>, vector<16xi32>,
    %swap3A_1241 = arith.constant 3952 : index
    %swap3A_1242 = tpu.vector_load %arg3[%swap3A_1241] {strides = array<i32>} : memref<8192xi32, #tpu.memory_space<vmem>>, vector<16xi32>,
    %swap3A_1243 = vector.shape_cast %swap3A_1242 : vector<16xi32> to vector<16xi32>
    %swap3A_1244 = vector.shape_cast %add3A_1228 : vector<16xi32> to vector<16xi32>
    tpu.vector_store %arg3[%swap3A_1241], %swap3A_1244 {strides = array<i32>} : memref<8192xi32, #tpu.memory_space<vmem>>, vector<16xi32>,
    %add3A_1245 = arith.constant 62 : i32
    %add3A_1246 = arith.addi %mul3A_2, %add3A_1245 : i32
    %add3A_1247 = vector.broadcast %add3A_1246 : i32 to vector<16xi32>
    %add3A_1248 = arith.addi %mul3A_5, %add3A_1247 : vector<16xi32>
    %swap3A_1249 = arith.constant 3968 : index
    %swap3A_1250 = tpu.vector_load %arg3[%swap3A_1249] {strides = array<i32>} : memref<8192xi32, #tpu.memory_space<vmem>>, vector<16xi32>,
    %swap3A_1251 = vector.shape_cast %swap3A_1250 : vector<16xi32> to vector<16xi32>
    %swap3A_1252 = vector.shape_cast %add3A_1248 : vector<16xi32> to vector<16xi32>
    tpu.vector_store %arg3[%swap3A_1249], %swap3A_1252 {strides = array<i32>} : memref<8192xi32, #tpu.memory_space<vmem>>, vector<16xi32>,
    %swap3A_1253 = arith.constant 3984 : index
    %swap3A_1254 = tpu.vector_load %arg3[%swap3A_1253] {strides = array<i32>} : memref<8192xi32, #tpu.memory_space<vmem>>, vector<16xi32>,
    %swap3A_1255 = vector.shape_cast %swap3A_1254 : vector<16xi32> to vector<16xi32>
    %swap3A_1256 = vector.shape_cast %add3A_1248 : vector<16xi32> to vector<16xi32>
    tpu.vector_store %arg3[%swap3A_1253], %swap3A_1256 {strides = array<i32>} : memref<8192xi32, #tpu.memory_space<vmem>>, vector<16xi32>,
    %swap3A_1257 = arith.constant 4000 : index
    %swap3A_1258 = tpu.vector_load %arg3[%swap3A_1257] {strides = array<i32>} : memref<8192xi32, #tpu.memory_space<vmem>>, vector<16xi32>,
    %swap3A_1259 = vector.shape_cast %swap3A_1258 : vector<16xi32> to vector<16xi32>
    %swap3A_1260 = vector.shape_cast %add3A_1248 : vector<16xi32> to vector<16xi32>
    tpu.vector_store %arg3[%swap3A_1257], %swap3A_1260 {strides = array<i32>} : memref<8192xi32, #tpu.memory_space<vmem>>, vector<16xi32>,
    %swap3A_1261 = arith.constant 4016 : index
    %swap3A_1262 = tpu.vector_load %arg3[%swap3A_1261] {strides = array<i32>} : memref<8192xi32, #tpu.memory_space<vmem>>, vector<16xi32>,
    %swap3A_1263 = vector.shape_cast %swap3A_1262 : vector<16xi32> to vector<16xi32>
    %swap3A_1264 = vector.shape_cast %add3A_1248 : vector<16xi32> to vector<16xi32>
    tpu.vector_store %arg3[%swap3A_1261], %swap3A_1264 {strides = array<i32>} : memref<8192xi32, #tpu.memory_space<vmem>>, vector<16xi32>,
    %add3A_1265 = arith.constant 63 : i32
    %add3A_1266 = arith.addi %mul3A_2, %add3A_1265 : i32
    %add3A_1267 = vector.broadcast %add3A_1266 : i32 to vector<16xi32>
    %add3A_1268 = arith.addi %mul3A_5, %add3A_1267 : vector<16xi32>
    %swap3A_1269 = arith.constant 4032 : index
    %swap3A_1270 = tpu.vector_load %arg3[%swap3A_1269] {strides = array<i32>} : memref<8192xi32, #tpu.memory_space<vmem>>, vector<16xi32>,
    %swap3A_1271 = vector.shape_cast %swap3A_1270 : vector<16xi32> to vector<16xi32>
    %swap3A_1272 = vector.shape_cast %add3A_1268 : vector<16xi32> to vector<16xi32>
    tpu.vector_store %arg3[%swap3A_1269], %swap3A_1272 {strides = array<i32>} : memref<8192xi32, #tpu.memory_space<vmem>>, vector<16xi32>,
    %swap3A_1273 = arith.constant 4048 : index
    %swap3A_1274 = tpu.vector_load %arg3[%swap3A_1273] {strides = array<i32>} : memref<8192xi32, #tpu.memory_space<vmem>>, vector<16xi32>,
    %swap3A_1275 = vector.shape_cast %swap3A_1274 : vector<16xi32> to vector<16xi32>
    %swap3A_1276 = vector.shape_cast %add3A_1268 : vector<16xi32> to vector<16xi32>
    tpu.vector_store %arg3[%swap3A_1273], %swap3A_1276 {strides = array<i32>} : memref<8192xi32, #tpu.memory_space<vmem>>, vector<16xi32>,
    %swap3A_1277 = arith.constant 4064 : index
    %swap3A_1278 = tpu.vector_load %arg3[%swap3A_1277] {strides = array<i32>} : memref<8192xi32, #tpu.memory_space<vmem>>, vector<16xi32>,
    %swap3A_1279 = vector.shape_cast %swap3A_1278 : vector<16xi32> to vector<16xi32>
    %swap3A_1280 = vector.shape_cast %add3A_1268 : vector<16xi32> to vector<16xi32>
    tpu.vector_store %arg3[%swap3A_1277], %swap3A_1280 {strides = array<i32>} : memref<8192xi32, #tpu.memory_space<vmem>>, vector<16xi32>,
    %swap3A_1281 = arith.constant 4080 : index
    %swap3A_1282 = tpu.vector_load %arg3[%swap3A_1281] {strides = array<i32>} : memref<8192xi32, #tpu.memory_space<vmem>>, vector<16xi32>,
    %swap3A_1283 = vector.shape_cast %swap3A_1282 : vector<16xi32> to vector<16xi32>
    %swap3A_1284 = vector.shape_cast %add3A_1268 : vector<16xi32> to vector<16xi32>
    tpu.vector_store %arg3[%swap3A_1281], %swap3A_1284 {strides = array<i32>} : memref<8192xi32, #tpu.memory_space<vmem>>, vector<16xi32>,
    %add3A_1285 = arith.constant 64 : i32
    %add3A_1286 = arith.addi %mul3A_2, %add3A_1285 : i32
    %add3A_1287 = vector.broadcast %add3A_1286 : i32 to vector<16xi32>
    %add3A_1288 = arith.addi %mul3A_5, %add3A_1287 : vector<16xi32>
    %swap3A_1289 = arith.constant 4096 : index
    %swap3A_1290 = tpu.vector_load %arg3[%swap3A_1289] {strides = array<i32>} : memref<8192xi32, #tpu.memory_space<vmem>>, vector<16xi32>,
    %swap3A_1291 = vector.shape_cast %swap3A_1290 : vector<16xi32> to vector<16xi32>
    %swap3A_1292 = vector.shape_cast %add3A_1288 : vector<16xi32> to vector<16xi32>
    tpu.vector_store %arg3[%swap3A_1289], %swap3A_1292 {strides = array<i32>} : memref<8192xi32, #tpu.memory_space<vmem>>, vector<16xi32>,
    %swap3A_1293 = arith.constant 4112 : index
    %swap3A_1294 = tpu.vector_load %arg3[%swap3A_1293] {strides = array<i32>} : memref<8192xi32, #tpu.memory_space<vmem>>, vector<16xi32>,
    %swap3A_1295 = vector.shape_cast %swap3A_1294 : vector<16xi32> to vector<16xi32>
    %swap3A_1296 = vector.shape_cast %add3A_1288 : vector<16xi32> to vector<16xi32>
    tpu.vector_store %arg3[%swap3A_1293], %swap3A_1296 {strides = array<i32>} : memref<8192xi32, #tpu.memory_space<vmem>>, vector<16xi32>,
    %swap3A_1297 = arith.constant 4128 : index
    %swap3A_1298 = tpu.vector_load %arg3[%swap3A_1297] {strides = array<i32>} : memref<8192xi32, #tpu.memory_space<vmem>>, vector<16xi32>,
    %swap3A_1299 = vector.shape_cast %swap3A_1298 : vector<16xi32> to vector<16xi32>
    %swap3A_1300 = vector.shape_cast %add3A_1288 : vector<16xi32> to vector<16xi32>
    tpu.vector_store %arg3[%swap3A_1297], %swap3A_1300 {strides = array<i32>} : memref<8192xi32, #tpu.memory_space<vmem>>, vector<16xi32>,
    %swap3A_1301 = arith.constant 4144 : index
    %swap3A_1302 = tpu.vector_load %arg3[%swap3A_1301] {strides = array<i32>} : memref<8192xi32, #tpu.memory_space<vmem>>, vector<16xi32>,
    %swap3A_1303 = vector.shape_cast %swap3A_1302 : vector<16xi32> to vector<16xi32>
    %swap3A_1304 = vector.shape_cast %add3A_1288 : vector<16xi32> to vector<16xi32>
    tpu.vector_store %arg3[%swap3A_1301], %swap3A_1304 {strides = array<i32>} : memref<8192xi32, #tpu.memory_space<vmem>>, vector<16xi32>,
    %add3A_1305 = arith.constant 65 : i32
    %add3A_1306 = arith.addi %mul3A_2, %add3A_1305 : i32
    %add3A_1307 = vector.broadcast %add3A_1306 : i32 to vector<16xi32>
    %add3A_1308 = arith.addi %mul3A_5, %add3A_1307 : vector<16xi32>
    %swap3A_1309 = arith.constant 4160 : index
    %swap3A_1310 = tpu.vector_load %arg3[%swap3A_1309] {strides = array<i32>} : memref<8192xi32, #tpu.memory_space<vmem>>, vector<16xi32>,
    %swap3A_1311 = vector.shape_cast %swap3A_1310 : vector<16xi32> to vector<16xi32>
    %swap3A_1312 = vector.shape_cast %add3A_1308 : vector<16xi32> to vector<16xi32>
    tpu.vector_store %arg3[%swap3A_1309], %swap3A_1312 {strides = array<i32>} : memref<8192xi32, #tpu.memory_space<vmem>>, vector<16xi32>,
    %swap3A_1313 = arith.constant 4176 : index
    %swap3A_1314 = tpu.vector_load %arg3[%swap3A_1313] {strides = array<i32>} : memref<8192xi32, #tpu.memory_space<vmem>>, vector<16xi32>,
    %swap3A_1315 = vector.shape_cast %swap3A_1314 : vector<16xi32> to vector<16xi32>
    %swap3A_1316 = vector.shape_cast %add3A_1308 : vector<16xi32> to vector<16xi32>
    tpu.vector_store %arg3[%swap3A_1313], %swap3A_1316 {strides = array<i32>} : memref<8192xi32, #tpu.memory_space<vmem>>, vector<16xi32>,
    %swap3A_1317 = arith.constant 4192 : index
    %swap3A_1318 = tpu.vector_load %arg3[%swap3A_1317] {strides = array<i32>} : memref<8192xi32, #tpu.memory_space<vmem>>, vector<16xi32>,
    %swap3A_1319 = vector.shape_cast %swap3A_1318 : vector<16xi32> to vector<16xi32>
    %swap3A_1320 = vector.shape_cast %add3A_1308 : vector<16xi32> to vector<16xi32>
    tpu.vector_store %arg3[%swap3A_1317], %swap3A_1320 {strides = array<i32>} : memref<8192xi32, #tpu.memory_space<vmem>>, vector<16xi32>,
    %swap3A_1321 = arith.constant 4208 : index
    %swap3A_1322 = tpu.vector_load %arg3[%swap3A_1321] {strides = array<i32>} : memref<8192xi32, #tpu.memory_space<vmem>>, vector<16xi32>,
    %swap3A_1323 = vector.shape_cast %swap3A_1322 : vector<16xi32> to vector<16xi32>
    %swap3A_1324 = vector.shape_cast %add3A_1308 : vector<16xi32> to vector<16xi32>
    tpu.vector_store %arg3[%swap3A_1321], %swap3A_1324 {strides = array<i32>} : memref<8192xi32, #tpu.memory_space<vmem>>, vector<16xi32>,
    %add3A_1325 = arith.constant 66 : i32
    %add3A_1326 = arith.addi %mul3A_2, %add3A_1325 : i32
    %add3A_1327 = vector.broadcast %add3A_1326 : i32 to vector<16xi32>
    %add3A_1328 = arith.addi %mul3A_5, %add3A_1327 : vector<16xi32>
    %swap3A_1329 = arith.constant 4224 : index
    %swap3A_1330 = tpu.vector_load %arg3[%swap3A_1329] {strides = array<i32>} : memref<8192xi32, #tpu.memory_space<vmem>>, vector<16xi32>,
    %swap3A_1331 = vector.shape_cast %swap3A_1330 : vector<16xi32> to vector<16xi32>
    %swap3A_1332 = vector.shape_cast %add3A_1328 : vector<16xi32> to vector<16xi32>
    tpu.vector_store %arg3[%swap3A_1329], %swap3A_1332 {strides = array<i32>} : memref<8192xi32, #tpu.memory_space<vmem>>, vector<16xi32>,
    %swap3A_1333 = arith.constant 4240 : index
    %swap3A_1334 = tpu.vector_load %arg3[%swap3A_1333] {strides = array<i32>} : memref<8192xi32, #tpu.memory_space<vmem>>, vector<16xi32>,
    %swap3A_1335 = vector.shape_cast %swap3A_1334 : vector<16xi32> to vector<16xi32>
    %swap3A_1336 = vector.shape_cast %add3A_1328 : vector<16xi32> to vector<16xi32>
    tpu.vector_store %arg3[%swap3A_1333], %swap3A_1336 {strides = array<i32>} : memref<8192xi32, #tpu.memory_space<vmem>>, vector<16xi32>,
    %swap3A_1337 = arith.constant 4256 : index
    %swap3A_1338 = tpu.vector_load %arg3[%swap3A_1337] {strides = array<i32>} : memref<8192xi32, #tpu.memory_space<vmem>>, vector<16xi32>,
    %swap3A_1339 = vector.shape_cast %swap3A_1338 : vector<16xi32> to vector<16xi32>
    %swap3A_1340 = vector.shape_cast %add3A_1328 : vector<16xi32> to vector<16xi32>
    tpu.vector_store %arg3[%swap3A_1337], %swap3A_1340 {strides = array<i32>} : memref<8192xi32, #tpu.memory_space<vmem>>, vector<16xi32>,
    %swap3A_1341 = arith.constant 4272 : index
    %swap3A_1342 = tpu.vector_load %arg3[%swap3A_1341] {strides = array<i32>} : memref<8192xi32, #tpu.memory_space<vmem>>, vector<16xi32>,
    %swap3A_1343 = vector.shape_cast %swap3A_1342 : vector<16xi32> to vector<16xi32>
    %swap3A_1344 = vector.shape_cast %add3A_1328 : vector<16xi32> to vector<16xi32>
    tpu.vector_store %arg3[%swap3A_1341], %swap3A_1344 {strides = array<i32>} : memref<8192xi32, #tpu.memory_space<vmem>>, vector<16xi32>,
    %add3A_1345 = arith.constant 67 : i32
    %add3A_1346 = arith.addi %mul3A_2, %add3A_1345 : i32
    %add3A_1347 = vector.broadcast %add3A_1346 : i32 to vector<16xi32>
    %add3A_1348 = arith.addi %mul3A_5, %add3A_1347 : vector<16xi32>
    %swap3A_1349 = arith.constant 4288 : index
    %swap3A_1350 = tpu.vector_load %arg3[%swap3A_1349] {strides = array<i32>} : memref<8192xi32, #tpu.memory_space<vmem>>, vector<16xi32>,
    %swap3A_1351 = vector.shape_cast %swap3A_1350 : vector<16xi32> to vector<16xi32>
    %swap3A_1352 = vector.shape_cast %add3A_1348 : vector<16xi32> to vector<16xi32>
    tpu.vector_store %arg3[%swap3A_1349], %swap3A_1352 {strides = array<i32>} : memref<8192xi32, #tpu.memory_space<vmem>>, vector<16xi32>,
    %swap3A_1353 = arith.constant 4304 : index
    %swap3A_1354 = tpu.vector_load %arg3[%swap3A_1353] {strides = array<i32>} : memref<8192xi32, #tpu.memory_space<vmem>>, vector<16xi32>,
    %swap3A_1355 = vector.shape_cast %swap3A_1354 : vector<16xi32> to vector<16xi32>
    %swap3A_1356 = vector.shape_cast %add3A_1348 : vector<16xi32> to vector<16xi32>
    tpu.vector_store %arg3[%swap3A_1353], %swap3A_1356 {strides = array<i32>} : memref<8192xi32, #tpu.memory_space<vmem>>, vector<16xi32>,
    %swap3A_1357 = arith.constant 4320 : index
    %swap3A_1358 = tpu.vector_load %arg3[%swap3A_1357] {strides = array<i32>} : memref<8192xi32, #tpu.memory_space<vmem>>, vector<16xi32>,
    %swap3A_1359 = vector.shape_cast %swap3A_1358 : vector<16xi32> to vector<16xi32>
    %swap3A_1360 = vector.shape_cast %add3A_1348 : vector<16xi32> to vector<16xi32>
    tpu.vector_store %arg3[%swap3A_1357], %swap3A_1360 {strides = array<i32>} : memref<8192xi32, #tpu.memory_space<vmem>>, vector<16xi32>,
    %swap3A_1361 = arith.constant 4336 : index
    %swap3A_1362 = tpu.vector_load %arg3[%swap3A_1361] {strides = array<i32>} : memref<8192xi32, #tpu.memory_space<vmem>>, vector<16xi32>,
    %swap3A_1363 = vector.shape_cast %swap3A_1362 : vector<16xi32> to vector<16xi32>
    %swap3A_1364 = vector.shape_cast %add3A_1348 : vector<16xi32> to vector<16xi32>
    tpu.vector_store %arg3[%swap3A_1361], %swap3A_1364 {strides = array<i32>} : memref<8192xi32, #tpu.memory_space<vmem>>, vector<16xi32>,
    %add3A_1365 = arith.constant 68 : i32
    %add3A_1366 = arith.addi %mul3A_2, %add3A_1365 : i32
    %add3A_1367 = vector.broadcast %add3A_1366 : i32 to vector<16xi32>
    %add3A_1368 = arith.addi %mul3A_5, %add3A_1367 : vector<16xi32>
    %swap3A_1369 = arith.constant 4352 : index
    %swap3A_1370 = tpu.vector_load %arg3[%swap3A_1369] {strides = array<i32>} : memref<8192xi32, #tpu.memory_space<vmem>>, vector<16xi32>,
    %swap3A_1371 = vector.shape_cast %swap3A_1370 : vector<16xi32> to vector<16xi32>
    %swap3A_1372 = vector.shape_cast %add3A_1368 : vector<16xi32> to vector<16xi32>
    tpu.vector_store %arg3[%swap3A_1369], %swap3A_1372 {strides = array<i32>} : memref<8192xi32, #tpu.memory_space<vmem>>, vector<16xi32>,
    %swap3A_1373 = arith.constant 4368 : index
    %swap3A_1374 = tpu.vector_load %arg3[%swap3A_1373] {strides = array<i32>} : memref<8192xi32, #tpu.memory_space<vmem>>, vector<16xi32>,
    %swap3A_1375 = vector.shape_cast %swap3A_1374 : vector<16xi32> to vector<16xi32>
    %swap3A_1376 = vector.shape_cast %add3A_1368 : vector<16xi32> to vector<16xi32>
    tpu.vector_store %arg3[%swap3A_1373], %swap3A_1376 {strides = array<i32>} : memref<8192xi32, #tpu.memory_space<vmem>>, vector<16xi32>,
    %swap3A_1377 = arith.constant 4384 : index
    %swap3A_1378 = tpu.vector_load %arg3[%swap3A_1377] {strides = array<i32>} : memref<8192xi32, #tpu.memory_space<vmem>>, vector<16xi32>,
    %swap3A_1379 = vector.shape_cast %swap3A_1378 : vector<16xi32> to vector<16xi32>
    %swap3A_1380 = vector.shape_cast %add3A_1368 : vector<16xi32> to vector<16xi32>
    tpu.vector_store %arg3[%swap3A_1377], %swap3A_1380 {strides = array<i32>} : memref<8192xi32, #tpu.memory_space<vmem>>, vector<16xi32>,
    %swap3A_1381 = arith.constant 4400 : index
    %swap3A_1382 = tpu.vector_load %arg3[%swap3A_1381] {strides = array<i32>} : memref<8192xi32, #tpu.memory_space<vmem>>, vector<16xi32>,
    %swap3A_1383 = vector.shape_cast %swap3A_1382 : vector<16xi32> to vector<16xi32>
    %swap3A_1384 = vector.shape_cast %add3A_1368 : vector<16xi32> to vector<16xi32>
    tpu.vector_store %arg3[%swap3A_1381], %swap3A_1384 {strides = array<i32>} : memref<8192xi32, #tpu.memory_space<vmem>>, vector<16xi32>,
    %add3A_1385 = arith.constant 69 : i32
    %add3A_1386 = arith.addi %mul3A_2, %add3A_1385 : i32
    %add3A_1387 = vector.broadcast %add3A_1386 : i32 to vector<16xi32>
    %add3A_1388 = arith.addi %mul3A_5, %add3A_1387 : vector<16xi32>
    %swap3A_1389 = arith.constant 4416 : index
    %swap3A_1390 = tpu.vector_load %arg3[%swap3A_1389] {strides = array<i32>} : memref<8192xi32, #tpu.memory_space<vmem>>, vector<16xi32>,
    %swap3A_1391 = vector.shape_cast %swap3A_1390 : vector<16xi32> to vector<16xi32>
    %swap3A_1392 = vector.shape_cast %add3A_1388 : vector<16xi32> to vector<16xi32>
    tpu.vector_store %arg3[%swap3A_1389], %swap3A_1392 {strides = array<i32>} : memref<8192xi32, #tpu.memory_space<vmem>>, vector<16xi32>,
    %swap3A_1393 = arith.constant 4432 : index
    %swap3A_1394 = tpu.vector_load %arg3[%swap3A_1393] {strides = array<i32>} : memref<8192xi32, #tpu.memory_space<vmem>>, vector<16xi32>,
    %swap3A_1395 = vector.shape_cast %swap3A_1394 : vector<16xi32> to vector<16xi32>
    %swap3A_1396 = vector.shape_cast %add3A_1388 : vector<16xi32> to vector<16xi32>
    tpu.vector_store %arg3[%swap3A_1393], %swap3A_1396 {strides = array<i32>} : memref<8192xi32, #tpu.memory_space<vmem>>, vector<16xi32>,
    %swap3A_1397 = arith.constant 4448 : index
    %swap3A_1398 = tpu.vector_load %arg3[%swap3A_1397] {strides = array<i32>} : memref<8192xi32, #tpu.memory_space<vmem>>, vector<16xi32>,
    %swap3A_1399 = vector.shape_cast %swap3A_1398 : vector<16xi32> to vector<16xi32>
    %swap3A_1400 = vector.shape_cast %add3A_1388 : vector<16xi32> to vector<16xi32>
    tpu.vector_store %arg3[%swap3A_1397], %swap3A_1400 {strides = array<i32>} : memref<8192xi32, #tpu.memory_space<vmem>>, vector<16xi32>,
    %swap3A_1401 = arith.constant 4464 : index
    %swap3A_1402 = tpu.vector_load %arg3[%swap3A_1401] {strides = array<i32>} : memref<8192xi32, #tpu.memory_space<vmem>>, vector<16xi32>,
    %swap3A_1403 = vector.shape_cast %swap3A_1402 : vector<16xi32> to vector<16xi32>
    %swap3A_1404 = vector.shape_cast %add3A_1388 : vector<16xi32> to vector<16xi32>
    tpu.vector_store %arg3[%swap3A_1401], %swap3A_1404 {strides = array<i32>} : memref<8192xi32, #tpu.memory_space<vmem>>, vector<16xi32>,
    %add3A_1405 = arith.constant 70 : i32
    %add3A_1406 = arith.addi %mul3A_2, %add3A_1405 : i32
    %add3A_1407 = vector.broadcast %add3A_1406 : i32 to vector<16xi32>
    %add3A_1408 = arith.addi %mul3A_5, %add3A_1407 : vector<16xi32>
    %swap3A_1409 = arith.constant 4480 : index
    %swap3A_1410 = tpu.vector_load %arg3[%swap3A_1409] {strides = array<i32>} : memref<8192xi32, #tpu.memory_space<vmem>>, vector<16xi32>,
    %swap3A_1411 = vector.shape_cast %swap3A_1410 : vector<16xi32> to vector<16xi32>
    %swap3A_1412 = vector.shape_cast %add3A_1408 : vector<16xi32> to vector<16xi32>
    tpu.vector_store %arg3[%swap3A_1409], %swap3A_1412 {strides = array<i32>} : memref<8192xi32, #tpu.memory_space<vmem>>, vector<16xi32>,
    %swap3A_1413 = arith.constant 4496 : index
    %swap3A_1414 = tpu.vector_load %arg3[%swap3A_1413] {strides = array<i32>} : memref<8192xi32, #tpu.memory_space<vmem>>, vector<16xi32>,
    %swap3A_1415 = vector.shape_cast %swap3A_1414 : vector<16xi32> to vector<16xi32>
    %swap3A_1416 = vector.shape_cast %add3A_1408 : vector<16xi32> to vector<16xi32>
    tpu.vector_store %arg3[%swap3A_1413], %swap3A_1416 {strides = array<i32>} : memref<8192xi32, #tpu.memory_space<vmem>>, vector<16xi32>,
    %swap3A_1417 = arith.constant 4512 : index
    %swap3A_1418 = tpu.vector_load %arg3[%swap3A_1417] {strides = array<i32>} : memref<8192xi32, #tpu.memory_space<vmem>>, vector<16xi32>,
    %swap3A_1419 = vector.shape_cast %swap3A_1418 : vector<16xi32> to vector<16xi32>
    %swap3A_1420 = vector.shape_cast %add3A_1408 : vector<16xi32> to vector<16xi32>
    tpu.vector_store %arg3[%swap3A_1417], %swap3A_1420 {strides = array<i32>} : memref<8192xi32, #tpu.memory_space<vmem>>, vector<16xi32>,
    %swap3A_1421 = arith.constant 4528 : index
    %swap3A_1422 = tpu.vector_load %arg3[%swap3A_1421] {strides = array<i32>} : memref<8192xi32, #tpu.memory_space<vmem>>, vector<16xi32>,
    %swap3A_1423 = vector.shape_cast %swap3A_1422 : vector<16xi32> to vector<16xi32>
    %swap3A_1424 = vector.shape_cast %add3A_1408 : vector<16xi32> to vector<16xi32>
    tpu.vector_store %arg3[%swap3A_1421], %swap3A_1424 {strides = array<i32>} : memref<8192xi32, #tpu.memory_space<vmem>>, vector<16xi32>,
    %add3A_1425 = arith.constant 71 : i32
    %add3A_1426 = arith.addi %mul3A_2, %add3A_1425 : i32
    %add3A_1427 = vector.broadcast %add3A_1426 : i32 to vector<16xi32>
    %add3A_1428 = arith.addi %mul3A_5, %add3A_1427 : vector<16xi32>
    %swap3A_1429 = arith.constant 4544 : index
    %swap3A_1430 = tpu.vector_load %arg3[%swap3A_1429] {strides = array<i32>} : memref<8192xi32, #tpu.memory_space<vmem>>, vector<16xi32>,
    %swap3A_1431 = vector.shape_cast %swap3A_1430 : vector<16xi32> to vector<16xi32>
    %swap3A_1432 = vector.shape_cast %add3A_1428 : vector<16xi32> to vector<16xi32>
    tpu.vector_store %arg3[%swap3A_1429], %swap3A_1432 {strides = array<i32>} : memref<8192xi32, #tpu.memory_space<vmem>>, vector<16xi32>,
    %swap3A_1433 = arith.constant 4560 : index
    %swap3A_1434 = tpu.vector_load %arg3[%swap3A_1433] {strides = array<i32>} : memref<8192xi32, #tpu.memory_space<vmem>>, vector<16xi32>,
    %swap3A_1435 = vector.shape_cast %swap3A_1434 : vector<16xi32> to vector<16xi32>
    %swap3A_1436 = vector.shape_cast %add3A_1428 : vector<16xi32> to vector<16xi32>
    tpu.vector_store %arg3[%swap3A_1433], %swap3A_1436 {strides = array<i32>} : memref<8192xi32, #tpu.memory_space<vmem>>, vector<16xi32>,
    %swap3A_1437 = arith.constant 4576 : index
    %swap3A_1438 = tpu.vector_load %arg3[%swap3A_1437] {strides = array<i32>} : memref<8192xi32, #tpu.memory_space<vmem>>, vector<16xi32>,
    %swap3A_1439 = vector.shape_cast %swap3A_1438 : vector<16xi32> to vector<16xi32>
    %swap3A_1440 = vector.shape_cast %add3A_1428 : vector<16xi32> to vector<16xi32>
    tpu.vector_store %arg3[%swap3A_1437], %swap3A_1440 {strides = array<i32>} : memref<8192xi32, #tpu.memory_space<vmem>>, vector<16xi32>,
    %swap3A_1441 = arith.constant 4592 : index
    %swap3A_1442 = tpu.vector_load %arg3[%swap3A_1441] {strides = array<i32>} : memref<8192xi32, #tpu.memory_space<vmem>>, vector<16xi32>,
    %swap3A_1443 = vector.shape_cast %swap3A_1442 : vector<16xi32> to vector<16xi32>
    %swap3A_1444 = vector.shape_cast %add3A_1428 : vector<16xi32> to vector<16xi32>
    tpu.vector_store %arg3[%swap3A_1441], %swap3A_1444 {strides = array<i32>} : memref<8192xi32, #tpu.memory_space<vmem>>, vector<16xi32>,
    %add3A_1445 = arith.constant 72 : i32
    %add3A_1446 = arith.addi %mul3A_2, %add3A_1445 : i32
    %add3A_1447 = vector.broadcast %add3A_1446 : i32 to vector<16xi32>
    %add3A_1448 = arith.addi %mul3A_5, %add3A_1447 : vector<16xi32>
    %swap3A_1449 = arith.constant 4608 : index
    %swap3A_1450 = tpu.vector_load %arg3[%swap3A_1449] {strides = array<i32>} : memref<8192xi32, #tpu.memory_space<vmem>>, vector<16xi32>,
    %swap3A_1451 = vector.shape_cast %swap3A_1450 : vector<16xi32> to vector<16xi32>
    %swap3A_1452 = vector.shape_cast %add3A_1448 : vector<16xi32> to vector<16xi32>
    tpu.vector_store %arg3[%swap3A_1449], %swap3A_1452 {strides = array<i32>} : memref<8192xi32, #tpu.memory_space<vmem>>, vector<16xi32>,
    %swap3A_1453 = arith.constant 4624 : index
    %swap3A_1454 = tpu.vector_load %arg3[%swap3A_1453] {strides = array<i32>} : memref<8192xi32, #tpu.memory_space<vmem>>, vector<16xi32>,
    %swap3A_1455 = vector.shape_cast %swap3A_1454 : vector<16xi32> to vector<16xi32>
    %swap3A_1456 = vector.shape_cast %add3A_1448 : vector<16xi32> to vector<16xi32>
    tpu.vector_store %arg3[%swap3A_1453], %swap3A_1456 {strides = array<i32>} : memref<8192xi32, #tpu.memory_space<vmem>>, vector<16xi32>,
    %swap3A_1457 = arith.constant 4640 : index
    %swap3A_1458 = tpu.vector_load %arg3[%swap3A_1457] {strides = array<i32>} : memref<8192xi32, #tpu.memory_space<vmem>>, vector<16xi32>,
    %swap3A_1459 = vector.shape_cast %swap3A_1458 : vector<16xi32> to vector<16xi32>
    %swap3A_1460 = vector.shape_cast %add3A_1448 : vector<16xi32> to vector<16xi32>
    tpu.vector_store %arg3[%swap3A_1457], %swap3A_1460 {strides = array<i32>} : memref<8192xi32, #tpu.memory_space<vmem>>, vector<16xi32>,
    %swap3A_1461 = arith.constant 4656 : index
    %swap3A_1462 = tpu.vector_load %arg3[%swap3A_1461] {strides = array<i32>} : memref<8192xi32, #tpu.memory_space<vmem>>, vector<16xi32>,
    %swap3A_1463 = vector.shape_cast %swap3A_1462 : vector<16xi32> to vector<16xi32>
    %swap3A_1464 = vector.shape_cast %add3A_1448 : vector<16xi32> to vector<16xi32>
    tpu.vector_store %arg3[%swap3A_1461], %swap3A_1464 {strides = array<i32>} : memref<8192xi32, #tpu.memory_space<vmem>>, vector<16xi32>,
    %add3A_1465 = arith.constant 73 : i32
    %add3A_1466 = arith.addi %mul3A_2, %add3A_1465 : i32
    %add3A_1467 = vector.broadcast %add3A_1466 : i32 to vector<16xi32>
    %add3A_1468 = arith.addi %mul3A_5, %add3A_1467 : vector<16xi32>
    %swap3A_1469 = arith.constant 4672 : index
    %swap3A_1470 = tpu.vector_load %arg3[%swap3A_1469] {strides = array<i32>} : memref<8192xi32, #tpu.memory_space<vmem>>, vector<16xi32>,
    %swap3A_1471 = vector.shape_cast %swap3A_1470 : vector<16xi32> to vector<16xi32>
    %swap3A_1472 = vector.shape_cast %add3A_1468 : vector<16xi32> to vector<16xi32>
    tpu.vector_store %arg3[%swap3A_1469], %swap3A_1472 {strides = array<i32>} : memref<8192xi32, #tpu.memory_space<vmem>>, vector<16xi32>,
    %swap3A_1473 = arith.constant 4688 : index
    %swap3A_1474 = tpu.vector_load %arg3[%swap3A_1473] {strides = array<i32>} : memref<8192xi32, #tpu.memory_space<vmem>>, vector<16xi32>,
    %swap3A_1475 = vector.shape_cast %swap3A_1474 : vector<16xi32> to vector<16xi32>
    %swap3A_1476 = vector.shape_cast %add3A_1468 : vector<16xi32> to vector<16xi32>
    tpu.vector_store %arg3[%swap3A_1473], %swap3A_1476 {strides = array<i32>} : memref<8192xi32, #tpu.memory_space<vmem>>, vector<16xi32>,
    %swap3A_1477 = arith.constant 4704 : index
    %swap3A_1478 = tpu.vector_load %arg3[%swap3A_1477] {strides = array<i32>} : memref<8192xi32, #tpu.memory_space<vmem>>, vector<16xi32>,
    %swap3A_1479 = vector.shape_cast %swap3A_1478 : vector<16xi32> to vector<16xi32>
    %swap3A_1480 = vector.shape_cast %add3A_1468 : vector<16xi32> to vector<16xi32>
    tpu.vector_store %arg3[%swap3A_1477], %swap3A_1480 {strides = array<i32>} : memref<8192xi32, #tpu.memory_space<vmem>>, vector<16xi32>,
    %swap3A_1481 = arith.constant 4720 : index
    %swap3A_1482 = tpu.vector_load %arg3[%swap3A_1481] {strides = array<i32>} : memref<8192xi32, #tpu.memory_space<vmem>>, vector<16xi32>,
    %swap3A_1483 = vector.shape_cast %swap3A_1482 : vector<16xi32> to vector<16xi32>
    %swap3A_1484 = vector.shape_cast %add3A_1468 : vector<16xi32> to vector<16xi32>
    tpu.vector_store %arg3[%swap3A_1481], %swap3A_1484 {strides = array<i32>} : memref<8192xi32, #tpu.memory_space<vmem>>, vector<16xi32>,
    %add3A_1485 = arith.constant 74 : i32
    %add3A_1486 = arith.addi %mul3A_2, %add3A_1485 : i32
    %add3A_1487 = vector.broadcast %add3A_1486 : i32 to vector<16xi32>
    %add3A_1488 = arith.addi %mul3A_5, %add3A_1487 : vector<16xi32>
    %swap3A_1489 = arith.constant 4736 : index
    %swap3A_1490 = tpu.vector_load %arg3[%swap3A_1489] {strides = array<i32>} : memref<8192xi32, #tpu.memory_space<vmem>>, vector<16xi32>,
    %swap3A_1491 = vector.shape_cast %swap3A_1490 : vector<16xi32> to vector<16xi32>
    %swap3A_1492 = vector.shape_cast %add3A_1488 : vector<16xi32> to vector<16xi32>
    tpu.vector_store %arg3[%swap3A_1489], %swap3A_1492 {strides = array<i32>} : memref<8192xi32, #tpu.memory_space<vmem>>, vector<16xi32>,
    %swap3A_1493 = arith.constant 4752 : index
    %swap3A_1494 = tpu.vector_load %arg3[%swap3A_1493] {strides = array<i32>} : memref<8192xi32, #tpu.memory_space<vmem>>, vector<16xi32>,
    %swap3A_1495 = vector.shape_cast %swap3A_1494 : vector<16xi32> to vector<16xi32>
    %swap3A_1496 = vector.shape_cast %add3A_1488 : vector<16xi32> to vector<16xi32>
    tpu.vector_store %arg3[%swap3A_1493], %swap3A_1496 {strides = array<i32>} : memref<8192xi32, #tpu.memory_space<vmem>>, vector<16xi32>,
    %swap3A_1497 = arith.constant 4768 : index
    %swap3A_1498 = tpu.vector_load %arg3[%swap3A_1497] {strides = array<i32>} : memref<8192xi32, #tpu.memory_space<vmem>>, vector<16xi32>,
    %swap3A_1499 = vector.shape_cast %swap3A_1498 : vector<16xi32> to vector<16xi32>
    %swap3A_1500 = vector.shape_cast %add3A_1488 : vector<16xi32> to vector<16xi32>
    tpu.vector_store %arg3[%swap3A_1497], %swap3A_1500 {strides = array<i32>} : memref<8192xi32, #tpu.memory_space<vmem>>, vector<16xi32>,
    %swap3A_1501 = arith.constant 4784 : index
    %swap3A_1502 = tpu.vector_load %arg3[%swap3A_1501] {strides = array<i32>} : memref<8192xi32, #tpu.memory_space<vmem>>, vector<16xi32>,
    %swap3A_1503 = vector.shape_cast %swap3A_1502 : vector<16xi32> to vector<16xi32>
    %swap3A_1504 = vector.shape_cast %add3A_1488 : vector<16xi32> to vector<16xi32>
    tpu.vector_store %arg3[%swap3A_1501], %swap3A_1504 {strides = array<i32>} : memref<8192xi32, #tpu.memory_space<vmem>>, vector<16xi32>,
    %add3A_1505 = arith.constant 75 : i32
    %add3A_1506 = arith.addi %mul3A_2, %add3A_1505 : i32
    %add3A_1507 = vector.broadcast %add3A_1506 : i32 to vector<16xi32>
    %add3A_1508 = arith.addi %mul3A_5, %add3A_1507 : vector<16xi32>
    %swap3A_1509 = arith.constant 4800 : index
    %swap3A_1510 = tpu.vector_load %arg3[%swap3A_1509] {strides = array<i32>} : memref<8192xi32, #tpu.memory_space<vmem>>, vector<16xi32>,
    %swap3A_1511 = vector.shape_cast %swap3A_1510 : vector<16xi32> to vector<16xi32>
    %swap3A_1512 = vector.shape_cast %add3A_1508 : vector<16xi32> to vector<16xi32>
    tpu.vector_store %arg3[%swap3A_1509], %swap3A_1512 {strides = array<i32>} : memref<8192xi32, #tpu.memory_space<vmem>>, vector<16xi32>,
    %swap3A_1513 = arith.constant 4816 : index
    %swap3A_1514 = tpu.vector_load %arg3[%swap3A_1513] {strides = array<i32>} : memref<8192xi32, #tpu.memory_space<vmem>>, vector<16xi32>,
    %swap3A_1515 = vector.shape_cast %swap3A_1514 : vector<16xi32> to vector<16xi32>
    %swap3A_1516 = vector.shape_cast %add3A_1508 : vector<16xi32> to vector<16xi32>
    tpu.vector_store %arg3[%swap3A_1513], %swap3A_1516 {strides = array<i32>} : memref<8192xi32, #tpu.memory_space<vmem>>, vector<16xi32>,
    %swap3A_1517 = arith.constant 4832 : index
    %swap3A_1518 = tpu.vector_load %arg3[%swap3A_1517] {strides = array<i32>} : memref<8192xi32, #tpu.memory_space<vmem>>, vector<16xi32>,
    %swap3A_1519 = vector.shape_cast %swap3A_1518 : vector<16xi32> to vector<16xi32>
    %swap3A_1520 = vector.shape_cast %add3A_1508 : vector<16xi32> to vector<16xi32>
    tpu.vector_store %arg3[%swap3A_1517], %swap3A_1520 {strides = array<i32>} : memref<8192xi32, #tpu.memory_space<vmem>>, vector<16xi32>,
    %swap3A_1521 = arith.constant 4848 : index
    %swap3A_1522 = tpu.vector_load %arg3[%swap3A_1521] {strides = array<i32>} : memref<8192xi32, #tpu.memory_space<vmem>>, vector<16xi32>,
    %swap3A_1523 = vector.shape_cast %swap3A_1522 : vector<16xi32> to vector<16xi32>
    %swap3A_1524 = vector.shape_cast %add3A_1508 : vector<16xi32> to vector<16xi32>
    tpu.vector_store %arg3[%swap3A_1521], %swap3A_1524 {strides = array<i32>} : memref<8192xi32, #tpu.memory_space<vmem>>, vector<16xi32>,
    %add3A_1525 = arith.constant 76 : i32
    %add3A_1526 = arith.addi %mul3A_2, %add3A_1525 : i32
    %add3A_1527 = vector.broadcast %add3A_1526 : i32 to vector<16xi32>
    %add3A_1528 = arith.addi %mul3A_5, %add3A_1527 : vector<16xi32>
    %swap3A_1529 = arith.constant 4864 : index
    %swap3A_1530 = tpu.vector_load %arg3[%swap3A_1529] {strides = array<i32>} : memref<8192xi32, #tpu.memory_space<vmem>>, vector<16xi32>,
    %swap3A_1531 = vector.shape_cast %swap3A_1530 : vector<16xi32> to vector<16xi32>
    %swap3A_1532 = vector.shape_cast %add3A_1528 : vector<16xi32> to vector<16xi32>
    tpu.vector_store %arg3[%swap3A_1529], %swap3A_1532 {strides = array<i32>} : memref<8192xi32, #tpu.memory_space<vmem>>, vector<16xi32>,
    %swap3A_1533 = arith.constant 4880 : index
    %swap3A_1534 = tpu.vector_load %arg3[%swap3A_1533] {strides = array<i32>} : memref<8192xi32, #tpu.memory_space<vmem>>, vector<16xi32>,
    %swap3A_1535 = vector.shape_cast %swap3A_1534 : vector<16xi32> to vector<16xi32>
    %swap3A_1536 = vector.shape_cast %add3A_1528 : vector<16xi32> to vector<16xi32>
    tpu.vector_store %arg3[%swap3A_1533], %swap3A_1536 {strides = array<i32>} : memref<8192xi32, #tpu.memory_space<vmem>>, vector<16xi32>,
    %swap3A_1537 = arith.constant 4896 : index
    %swap3A_1538 = tpu.vector_load %arg3[%swap3A_1537] {strides = array<i32>} : memref<8192xi32, #tpu.memory_space<vmem>>, vector<16xi32>,
    %swap3A_1539 = vector.shape_cast %swap3A_1538 : vector<16xi32> to vector<16xi32>
    %swap3A_1540 = vector.shape_cast %add3A_1528 : vector<16xi32> to vector<16xi32>
    tpu.vector_store %arg3[%swap3A_1537], %swap3A_1540 {strides = array<i32>} : memref<8192xi32, #tpu.memory_space<vmem>>, vector<16xi32>,
    %swap3A_1541 = arith.constant 4912 : index
    %swap3A_1542 = tpu.vector_load %arg3[%swap3A_1541] {strides = array<i32>} : memref<8192xi32, #tpu.memory_space<vmem>>, vector<16xi32>,
    %swap3A_1543 = vector.shape_cast %swap3A_1542 : vector<16xi32> to vector<16xi32>
    %swap3A_1544 = vector.shape_cast %add3A_1528 : vector<16xi32> to vector<16xi32>
    tpu.vector_store %arg3[%swap3A_1541], %swap3A_1544 {strides = array<i32>} : memref<8192xi32, #tpu.memory_space<vmem>>, vector<16xi32>,
    %add3A_1545 = arith.constant 77 : i32
    %add3A_1546 = arith.addi %mul3A_2, %add3A_1545 : i32
    %add3A_1547 = vector.broadcast %add3A_1546 : i32 to vector<16xi32>
    %add3A_1548 = arith.addi %mul3A_5, %add3A_1547 : vector<16xi32>
    %swap3A_1549 = arith.constant 4928 : index
    %swap3A_1550 = tpu.vector_load %arg3[%swap3A_1549] {strides = array<i32>} : memref<8192xi32, #tpu.memory_space<vmem>>, vector<16xi32>,
    %swap3A_1551 = vector.shape_cast %swap3A_1550 : vector<16xi32> to vector<16xi32>
    %swap3A_1552 = vector.shape_cast %add3A_1548 : vector<16xi32> to vector<16xi32>
    tpu.vector_store %arg3[%swap3A_1549], %swap3A_1552 {strides = array<i32>} : memref<8192xi32, #tpu.memory_space<vmem>>, vector<16xi32>,
    %swap3A_1553 = arith.constant 4944 : index
    %swap3A_1554 = tpu.vector_load %arg3[%swap3A_1553] {strides = array<i32>} : memref<8192xi32, #tpu.memory_space<vmem>>, vector<16xi32>,
    %swap3A_1555 = vector.shape_cast %swap3A_1554 : vector<16xi32> to vector<16xi32>
    %swap3A_1556 = vector.shape_cast %add3A_1548 : vector<16xi32> to vector<16xi32>
    tpu.vector_store %arg3[%swap3A_1553], %swap3A_1556 {strides = array<i32>} : memref<8192xi32, #tpu.memory_space<vmem>>, vector<16xi32>,
    %swap3A_1557 = arith.constant 4960 : index
    %swap3A_1558 = tpu.vector_load %arg3[%swap3A_1557] {strides = array<i32>} : memref<8192xi32, #tpu.memory_space<vmem>>, vector<16xi32>,
    %swap3A_1559 = vector.shape_cast %swap3A_1558 : vector<16xi32> to vector<16xi32>
    %swap3A_1560 = vector.shape_cast %add3A_1548 : vector<16xi32> to vector<16xi32>
    tpu.vector_store %arg3[%swap3A_1557], %swap3A_1560 {strides = array<i32>} : memref<8192xi32, #tpu.memory_space<vmem>>, vector<16xi32>,
    %swap3A_1561 = arith.constant 4976 : index
    %swap3A_1562 = tpu.vector_load %arg3[%swap3A_1561] {strides = array<i32>} : memref<8192xi32, #tpu.memory_space<vmem>>, vector<16xi32>,
    %swap3A_1563 = vector.shape_cast %swap3A_1562 : vector<16xi32> to vector<16xi32>
    %swap3A_1564 = vector.shape_cast %add3A_1548 : vector<16xi32> to vector<16xi32>
    tpu.vector_store %arg3[%swap3A_1561], %swap3A_1564 {strides = array<i32>} : memref<8192xi32, #tpu.memory_space<vmem>>, vector<16xi32>,
    %add3A_1565 = arith.constant 78 : i32
    %add3A_1566 = arith.addi %mul3A_2, %add3A_1565 : i32
    %add3A_1567 = vector.broadcast %add3A_1566 : i32 to vector<16xi32>
    %add3A_1568 = arith.addi %mul3A_5, %add3A_1567 : vector<16xi32>
    %swap3A_1569 = arith.constant 4992 : index
    %swap3A_1570 = tpu.vector_load %arg3[%swap3A_1569] {strides = array<i32>} : memref<8192xi32, #tpu.memory_space<vmem>>, vector<16xi32>,
    %swap3A_1571 = vector.shape_cast %swap3A_1570 : vector<16xi32> to vector<16xi32>
    %swap3A_1572 = vector.shape_cast %add3A_1568 : vector<16xi32> to vector<16xi32>
    tpu.vector_store %arg3[%swap3A_1569], %swap3A_1572 {strides = array<i32>} : memref<8192xi32, #tpu.memory_space<vmem>>, vector<16xi32>,
    %swap3A_1573 = arith.constant 5008 : index
    %swap3A_1574 = tpu.vector_load %arg3[%swap3A_1573] {strides = array<i32>} : memref<8192xi32, #tpu.memory_space<vmem>>, vector<16xi32>,
    %swap3A_1575 = vector.shape_cast %swap3A_1574 : vector<16xi32> to vector<16xi32>
    %swap3A_1576 = vector.shape_cast %add3A_1568 : vector<16xi32> to vector<16xi32>
    tpu.vector_store %arg3[%swap3A_1573], %swap3A_1576 {strides = array<i32>} : memref<8192xi32, #tpu.memory_space<vmem>>, vector<16xi32>,
    %swap3A_1577 = arith.constant 5024 : index
    %swap3A_1578 = tpu.vector_load %arg3[%swap3A_1577] {strides = array<i32>} : memref<8192xi32, #tpu.memory_space<vmem>>, vector<16xi32>,
    %swap3A_1579 = vector.shape_cast %swap3A_1578 : vector<16xi32> to vector<16xi32>
    %swap3A_1580 = vector.shape_cast %add3A_1568 : vector<16xi32> to vector<16xi32>
    tpu.vector_store %arg3[%swap3A_1577], %swap3A_1580 {strides = array<i32>} : memref<8192xi32, #tpu.memory_space<vmem>>, vector<16xi32>,
    %swap3A_1581 = arith.constant 5040 : index
    %swap3A_1582 = tpu.vector_load %arg3[%swap3A_1581] {strides = array<i32>} : memref<8192xi32, #tpu.memory_space<vmem>>, vector<16xi32>,
    %swap3A_1583 = vector.shape_cast %swap3A_1582 : vector<16xi32> to vector<16xi32>
    %swap3A_1584 = vector.shape_cast %add3A_1568 : vector<16xi32> to vector<16xi32>
    tpu.vector_store %arg3[%swap3A_1581], %swap3A_1584 {strides = array<i32>} : memref<8192xi32, #tpu.memory_space<vmem>>, vector<16xi32>,
    %add3A_1585 = arith.constant 79 : i32
    %add3A_1586 = arith.addi %mul3A_2, %add3A_1585 : i32
    %add3A_1587 = vector.broadcast %add3A_1586 : i32 to vector<16xi32>
    %add3A_1588 = arith.addi %mul3A_5, %add3A_1587 : vector<16xi32>
    %swap3A_1589 = arith.constant 5056 : index
    %swap3A_1590 = tpu.vector_load %arg3[%swap3A_1589] {strides = array<i32>} : memref<8192xi32, #tpu.memory_space<vmem>>, vector<16xi32>,
    %swap3A_1591 = vector.shape_cast %swap3A_1590 : vector<16xi32> to vector<16xi32>
    %swap3A_1592 = vector.shape_cast %add3A_1588 : vector<16xi32> to vector<16xi32>
    tpu.vector_store %arg3[%swap3A_1589], %swap3A_1592 {strides = array<i32>} : memref<8192xi32, #tpu.memory_space<vmem>>, vector<16xi32>,
    %swap3A_1593 = arith.constant 5072 : index
    %swap3A_1594 = tpu.vector_load %arg3[%swap3A_1593] {strides = array<i32>} : memref<8192xi32, #tpu.memory_space<vmem>>, vector<16xi32>,
    %swap3A_1595 = vector.shape_cast %swap3A_1594 : vector<16xi32> to vector<16xi32>
    %swap3A_1596 = vector.shape_cast %add3A_1588 : vector<16xi32> to vector<16xi32>
    tpu.vector_store %arg3[%swap3A_1593], %swap3A_1596 {strides = array<i32>} : memref<8192xi32, #tpu.memory_space<vmem>>, vector<16xi32>,
    %swap3A_1597 = arith.constant 5088 : index
    %swap3A_1598 = tpu.vector_load %arg3[%swap3A_1597] {strides = array<i32>} : memref<8192xi32, #tpu.memory_space<vmem>>, vector<16xi32>,
    %swap3A_1599 = vector.shape_cast %swap3A_1598 : vector<16xi32> to vector<16xi32>
    %swap3A_1600 = vector.shape_cast %add3A_1588 : vector<16xi32> to vector<16xi32>
    tpu.vector_store %arg3[%swap3A_1597], %swap3A_1600 {strides = array<i32>} : memref<8192xi32, #tpu.memory_space<vmem>>, vector<16xi32>,
    %swap3A_1601 = arith.constant 5104 : index
    %swap3A_1602 = tpu.vector_load %arg3[%swap3A_1601] {strides = array<i32>} : memref<8192xi32, #tpu.memory_space<vmem>>, vector<16xi32>,
    %swap3A_1603 = vector.shape_cast %swap3A_1602 : vector<16xi32> to vector<16xi32>
    %swap3A_1604 = vector.shape_cast %add3A_1588 : vector<16xi32> to vector<16xi32>
    tpu.vector_store %arg3[%swap3A_1601], %swap3A_1604 {strides = array<i32>} : memref<8192xi32, #tpu.memory_space<vmem>>, vector<16xi32>,
    %add3A_1605 = arith.constant 80 : i32
    %add3A_1606 = arith.addi %mul3A_2, %add3A_1605 : i32
    %add3A_1607 = vector.broadcast %add3A_1606 : i32 to vector<16xi32>
    %add3A_1608 = arith.addi %mul3A_5, %add3A_1607 : vector<16xi32>
    %swap3A_1609 = arith.constant 5120 : index
    %swap3A_1610 = tpu.vector_load %arg3[%swap3A_1609] {strides = array<i32>} : memref<8192xi32, #tpu.memory_space<vmem>>, vector<16xi32>,
    %swap3A_1611 = vector.shape_cast %swap3A_1610 : vector<16xi32> to vector<16xi32>
    %swap3A_1612 = vector.shape_cast %add3A_1608 : vector<16xi32> to vector<16xi32>
    tpu.vector_store %arg3[%swap3A_1609], %swap3A_1612 {strides = array<i32>} : memref<8192xi32, #tpu.memory_space<vmem>>, vector<16xi32>,
    %swap3A_1613 = arith.constant 5136 : index
    %swap3A_1614 = tpu.vector_load %arg3[%swap3A_1613] {strides = array<i32>} : memref<8192xi32, #tpu.memory_space<vmem>>, vector<16xi32>,
    %swap3A_1615 = vector.shape_cast %swap3A_1614 : vector<16xi32> to vector<16xi32>
    %swap3A_1616 = vector.shape_cast %add3A_1608 : vector<16xi32> to vector<16xi32>
    tpu.vector_store %arg3[%swap3A_1613], %swap3A_1616 {strides = array<i32>} : memref<8192xi32, #tpu.memory_space<vmem>>, vector<16xi32>,
    %swap3A_1617 = arith.constant 5152 : index
    %swap3A_1618 = tpu.vector_load %arg3[%swap3A_1617] {strides = array<i32>} : memref<8192xi32, #tpu.memory_space<vmem>>, vector<16xi32>,
    %swap3A_1619 = vector.shape_cast %swap3A_1618 : vector<16xi32> to vector<16xi32>
    %swap3A_1620 = vector.shape_cast %add3A_1608 : vector<16xi32> to vector<16xi32>
    tpu.vector_store %arg3[%swap3A_1617], %swap3A_1620 {strides = array<i32>} : memref<8192xi32, #tpu.memory_space<vmem>>, vector<16xi32>,
    %swap3A_1621 = arith.constant 5168 : index
    %swap3A_1622 = tpu.vector_load %arg3[%swap3A_1621] {strides = array<i32>} : memref<8192xi32, #tpu.memory_space<vmem>>, vector<16xi32>,
    %swap3A_1623 = vector.shape_cast %swap3A_1622 : vector<16xi32> to vector<16xi32>
    %swap3A_1624 = vector.shape_cast %add3A_1608 : vector<16xi32> to vector<16xi32>
    tpu.vector_store %arg3[%swap3A_1621], %swap3A_1624 {strides = array<i32>} : memref<8192xi32, #tpu.memory_space<vmem>>, vector<16xi32>,
    %add3A_1625 = arith.constant 81 : i32
    %add3A_1626 = arith.addi %mul3A_2, %add3A_1625 : i32
    %add3A_1627 = vector.broadcast %add3A_1626 : i32 to vector<16xi32>
    %add3A_1628 = arith.addi %mul3A_5, %add3A_1627 : vector<16xi32>
    %swap3A_1629 = arith.constant 5184 : index
    %swap3A_1630 = tpu.vector_load %arg3[%swap3A_1629] {strides = array<i32>} : memref<8192xi32, #tpu.memory_space<vmem>>, vector<16xi32>,
    %swap3A_1631 = vector.shape_cast %swap3A_1630 : vector<16xi32> to vector<16xi32>
    %swap3A_1632 = vector.shape_cast %add3A_1628 : vector<16xi32> to vector<16xi32>
    tpu.vector_store %arg3[%swap3A_1629], %swap3A_1632 {strides = array<i32>} : memref<8192xi32, #tpu.memory_space<vmem>>, vector<16xi32>,
    %swap3A_1633 = arith.constant 5200 : index
    %swap3A_1634 = tpu.vector_load %arg3[%swap3A_1633] {strides = array<i32>} : memref<8192xi32, #tpu.memory_space<vmem>>, vector<16xi32>,
    %swap3A_1635 = vector.shape_cast %swap3A_1634 : vector<16xi32> to vector<16xi32>
    %swap3A_1636 = vector.shape_cast %add3A_1628 : vector<16xi32> to vector<16xi32>
    tpu.vector_store %arg3[%swap3A_1633], %swap3A_1636 {strides = array<i32>} : memref<8192xi32, #tpu.memory_space<vmem>>, vector<16xi32>,
    %swap3A_1637 = arith.constant 5216 : index
    %swap3A_1638 = tpu.vector_load %arg3[%swap3A_1637] {strides = array<i32>} : memref<8192xi32, #tpu.memory_space<vmem>>, vector<16xi32>,
    %swap3A_1639 = vector.shape_cast %swap3A_1638 : vector<16xi32> to vector<16xi32>
    %swap3A_1640 = vector.shape_cast %add3A_1628 : vector<16xi32> to vector<16xi32>
    tpu.vector_store %arg3[%swap3A_1637], %swap3A_1640 {strides = array<i32>} : memref<8192xi32, #tpu.memory_space<vmem>>, vector<16xi32>,
    %swap3A_1641 = arith.constant 5232 : index
    %swap3A_1642 = tpu.vector_load %arg3[%swap3A_1641] {strides = array<i32>} : memref<8192xi32, #tpu.memory_space<vmem>>, vector<16xi32>,
    %swap3A_1643 = vector.shape_cast %swap3A_1642 : vector<16xi32> to vector<16xi32>
    %swap3A_1644 = vector.shape_cast %add3A_1628 : vector<16xi32> to vector<16xi32>
    tpu.vector_store %arg3[%swap3A_1641], %swap3A_1644 {strides = array<i32>} : memref<8192xi32, #tpu.memory_space<vmem>>, vector<16xi32>,
    %add3A_1645 = arith.constant 82 : i32
    %add3A_1646 = arith.addi %mul3A_2, %add3A_1645 : i32
    %add3A_1647 = vector.broadcast %add3A_1646 : i32 to vector<16xi32>
    %add3A_1648 = arith.addi %mul3A_5, %add3A_1647 : vector<16xi32>
    %swap3A_1649 = arith.constant 5248 : index
    %swap3A_1650 = tpu.vector_load %arg3[%swap3A_1649] {strides = array<i32>} : memref<8192xi32, #tpu.memory_space<vmem>>, vector<16xi32>,
    %swap3A_1651 = vector.shape_cast %swap3A_1650 : vector<16xi32> to vector<16xi32>
    %swap3A_1652 = vector.shape_cast %add3A_1648 : vector<16xi32> to vector<16xi32>
    tpu.vector_store %arg3[%swap3A_1649], %swap3A_1652 {strides = array<i32>} : memref<8192xi32, #tpu.memory_space<vmem>>, vector<16xi32>,
    %swap3A_1653 = arith.constant 5264 : index
    %swap3A_1654 = tpu.vector_load %arg3[%swap3A_1653] {strides = array<i32>} : memref<8192xi32, #tpu.memory_space<vmem>>, vector<16xi32>,
    %swap3A_1655 = vector.shape_cast %swap3A_1654 : vector<16xi32> to vector<16xi32>
    %swap3A_1656 = vector.shape_cast %add3A_1648 : vector<16xi32> to vector<16xi32>
    tpu.vector_store %arg3[%swap3A_1653], %swap3A_1656 {strides = array<i32>} : memref<8192xi32, #tpu.memory_space<vmem>>, vector<16xi32>,
    %swap3A_1657 = arith.constant 5280 : index
    %swap3A_1658 = tpu.vector_load %arg3[%swap3A_1657] {strides = array<i32>} : memref<8192xi32, #tpu.memory_space<vmem>>, vector<16xi32>,
    %swap3A_1659 = vector.shape_cast %swap3A_1658 : vector<16xi32> to vector<16xi32>
    %swap3A_1660 = vector.shape_cast %add3A_1648 : vector<16xi32> to vector<16xi32>
    tpu.vector_store %arg3[%swap3A_1657], %swap3A_1660 {strides = array<i32>} : memref<8192xi32, #tpu.memory_space<vmem>>, vector<16xi32>,
    %swap3A_1661 = arith.constant 5296 : index
    %swap3A_1662 = tpu.vector_load %arg3[%swap3A_1661] {strides = array<i32>} : memref<8192xi32, #tpu.memory_space<vmem>>, vector<16xi32>,
    %swap3A_1663 = vector.shape_cast %swap3A_1662 : vector<16xi32> to vector<16xi32>
    %swap3A_1664 = vector.shape_cast %add3A_1648 : vector<16xi32> to vector<16xi32>
    tpu.vector_store %arg3[%swap3A_1661], %swap3A_1664 {strides = array<i32>} : memref<8192xi32, #tpu.memory_space<vmem>>, vector<16xi32>,
    %add3A_1665 = arith.constant 83 : i32
    %add3A_1666 = arith.addi %mul3A_2, %add3A_1665 : i32
    %add3A_1667 = vector.broadcast %add3A_1666 : i32 to vector<16xi32>
    %add3A_1668 = arith.addi %mul3A_5, %add3A_1667 : vector<16xi32>
    %swap3A_1669 = arith.constant 5312 : index
    %swap3A_1670 = tpu.vector_load %arg3[%swap3A_1669] {strides = array<i32>} : memref<8192xi32, #tpu.memory_space<vmem>>, vector<16xi32>,
    %swap3A_1671 = vector.shape_cast %swap3A_1670 : vector<16xi32> to vector<16xi32>
    %swap3A_1672 = vector.shape_cast %add3A_1668 : vector<16xi32> to vector<16xi32>
    tpu.vector_store %arg3[%swap3A_1669], %swap3A_1672 {strides = array<i32>} : memref<8192xi32, #tpu.memory_space<vmem>>, vector<16xi32>,
    %swap3A_1673 = arith.constant 5328 : index
    %swap3A_1674 = tpu.vector_load %arg3[%swap3A_1673] {strides = array<i32>} : memref<8192xi32, #tpu.memory_space<vmem>>, vector<16xi32>,
    %swap3A_1675 = vector.shape_cast %swap3A_1674 : vector<16xi32> to vector<16xi32>
    %swap3A_1676 = vector.shape_cast %add3A_1668 : vector<16xi32> to vector<16xi32>
    tpu.vector_store %arg3[%swap3A_1673], %swap3A_1676 {strides = array<i32>} : memref<8192xi32, #tpu.memory_space<vmem>>, vector<16xi32>,
    %swap3A_1677 = arith.constant 5344 : index
    %swap3A_1678 = tpu.vector_load %arg3[%swap3A_1677] {strides = array<i32>} : memref<8192xi32, #tpu.memory_space<vmem>>, vector<16xi32>,
    %swap3A_1679 = vector.shape_cast %swap3A_1678 : vector<16xi32> to vector<16xi32>
    %swap3A_1680 = vector.shape_cast %add3A_1668 : vector<16xi32> to vector<16xi32>
    tpu.vector_store %arg3[%swap3A_1677], %swap3A_1680 {strides = array<i32>} : memref<8192xi32, #tpu.memory_space<vmem>>, vector<16xi32>,
    %swap3A_1681 = arith.constant 5360 : index
    %swap3A_1682 = tpu.vector_load %arg3[%swap3A_1681] {strides = array<i32>} : memref<8192xi32, #tpu.memory_space<vmem>>, vector<16xi32>,
    %swap3A_1683 = vector.shape_cast %swap3A_1682 : vector<16xi32> to vector<16xi32>
    %swap3A_1684 = vector.shape_cast %add3A_1668 : vector<16xi32> to vector<16xi32>
    tpu.vector_store %arg3[%swap3A_1681], %swap3A_1684 {strides = array<i32>} : memref<8192xi32, #tpu.memory_space<vmem>>, vector<16xi32>,
    %add3A_1685 = arith.constant 84 : i32
    %add3A_1686 = arith.addi %mul3A_2, %add3A_1685 : i32
    %add3A_1687 = vector.broadcast %add3A_1686 : i32 to vector<16xi32>
    %add3A_1688 = arith.addi %mul3A_5, %add3A_1687 : vector<16xi32>
    %swap3A_1689 = arith.constant 5376 : index
    %swap3A_1690 = tpu.vector_load %arg3[%swap3A_1689] {strides = array<i32>} : memref<8192xi32, #tpu.memory_space<vmem>>, vector<16xi32>,
    %swap3A_1691 = vector.shape_cast %swap3A_1690 : vector<16xi32> to vector<16xi32>
    %swap3A_1692 = vector.shape_cast %add3A_1688 : vector<16xi32> to vector<16xi32>
    tpu.vector_store %arg3[%swap3A_1689], %swap3A_1692 {strides = array<i32>} : memref<8192xi32, #tpu.memory_space<vmem>>, vector<16xi32>,
    %swap3A_1693 = arith.constant 5392 : index
    %swap3A_1694 = tpu.vector_load %arg3[%swap3A_1693] {strides = array<i32>} : memref<8192xi32, #tpu.memory_space<vmem>>, vector<16xi32>,
    %swap3A_1695 = vector.shape_cast %swap3A_1694 : vector<16xi32> to vector<16xi32>
    %swap3A_1696 = vector.shape_cast %add3A_1688 : vector<16xi32> to vector<16xi32>
    tpu.vector_store %arg3[%swap3A_1693], %swap3A_1696 {strides = array<i32>} : memref<8192xi32, #tpu.memory_space<vmem>>, vector<16xi32>,
    %swap3A_1697 = arith.constant 5408 : index
    %swap3A_1698 = tpu.vector_load %arg3[%swap3A_1697] {strides = array<i32>} : memref<8192xi32, #tpu.memory_space<vmem>>, vector<16xi32>,
    %swap3A_1699 = vector.shape_cast %swap3A_1698 : vector<16xi32> to vector<16xi32>
    %swap3A_1700 = vector.shape_cast %add3A_1688 : vector<16xi32> to vector<16xi32>
    tpu.vector_store %arg3[%swap3A_1697], %swap3A_1700 {strides = array<i32>} : memref<8192xi32, #tpu.memory_space<vmem>>, vector<16xi32>,
    %swap3A_1701 = arith.constant 5424 : index
    %swap3A_1702 = tpu.vector_load %arg3[%swap3A_1701] {strides = array<i32>} : memref<8192xi32, #tpu.memory_space<vmem>>, vector<16xi32>,
    %swap3A_1703 = vector.shape_cast %swap3A_1702 : vector<16xi32> to vector<16xi32>
    %swap3A_1704 = vector.shape_cast %add3A_1688 : vector<16xi32> to vector<16xi32>
    tpu.vector_store %arg3[%swap3A_1701], %swap3A_1704 {strides = array<i32>} : memref<8192xi32, #tpu.memory_space<vmem>>, vector<16xi32>,
    %add3A_1705 = arith.constant 85 : i32
    %add3A_1706 = arith.addi %mul3A_2, %add3A_1705 : i32
    %add3A_1707 = vector.broadcast %add3A_1706 : i32 to vector<16xi32>
    %add3A_1708 = arith.addi %mul3A_5, %add3A_1707 : vector<16xi32>
    %swap3A_1709 = arith.constant 5440 : index
    %swap3A_1710 = tpu.vector_load %arg3[%swap3A_1709] {strides = array<i32>} : memref<8192xi32, #tpu.memory_space<vmem>>, vector<16xi32>,
    %swap3A_1711 = vector.shape_cast %swap3A_1710 : vector<16xi32> to vector<16xi32>
    %swap3A_1712 = vector.shape_cast %add3A_1708 : vector<16xi32> to vector<16xi32>
    tpu.vector_store %arg3[%swap3A_1709], %swap3A_1712 {strides = array<i32>} : memref<8192xi32, #tpu.memory_space<vmem>>, vector<16xi32>,
    %swap3A_1713 = arith.constant 5456 : index
    %swap3A_1714 = tpu.vector_load %arg3[%swap3A_1713] {strides = array<i32>} : memref<8192xi32, #tpu.memory_space<vmem>>, vector<16xi32>,
    %swap3A_1715 = vector.shape_cast %swap3A_1714 : vector<16xi32> to vector<16xi32>
    %swap3A_1716 = vector.shape_cast %add3A_1708 : vector<16xi32> to vector<16xi32>
    tpu.vector_store %arg3[%swap3A_1713], %swap3A_1716 {strides = array<i32>} : memref<8192xi32, #tpu.memory_space<vmem>>, vector<16xi32>,
    %swap3A_1717 = arith.constant 5472 : index
    %swap3A_1718 = tpu.vector_load %arg3[%swap3A_1717] {strides = array<i32>} : memref<8192xi32, #tpu.memory_space<vmem>>, vector<16xi32>,
    %swap3A_1719 = vector.shape_cast %swap3A_1718 : vector<16xi32> to vector<16xi32>
    %swap3A_1720 = vector.shape_cast %add3A_1708 : vector<16xi32> to vector<16xi32>
    tpu.vector_store %arg3[%swap3A_1717], %swap3A_1720 {strides = array<i32>} : memref<8192xi32, #tpu.memory_space<vmem>>, vector<16xi32>,
    %swap3A_1721 = arith.constant 5488 : index
    %swap3A_1722 = tpu.vector_load %arg3[%swap3A_1721] {strides = array<i32>} : memref<8192xi32, #tpu.memory_space<vmem>>, vector<16xi32>,
    %swap3A_1723 = vector.shape_cast %swap3A_1722 : vector<16xi32> to vector<16xi32>
    %swap3A_1724 = vector.shape_cast %add3A_1708 : vector<16xi32> to vector<16xi32>
    tpu.vector_store %arg3[%swap3A_1721], %swap3A_1724 {strides = array<i32>} : memref<8192xi32, #tpu.memory_space<vmem>>, vector<16xi32>,
    %add3A_1725 = arith.constant 86 : i32
    %add3A_1726 = arith.addi %mul3A_2, %add3A_1725 : i32
    %add3A_1727 = vector.broadcast %add3A_1726 : i32 to vector<16xi32>
    %add3A_1728 = arith.addi %mul3A_5, %add3A_1727 : vector<16xi32>
    %swap3A_1729 = arith.constant 5504 : index
    %swap3A_1730 = tpu.vector_load %arg3[%swap3A_1729] {strides = array<i32>} : memref<8192xi32, #tpu.memory_space<vmem>>, vector<16xi32>,
    %swap3A_1731 = vector.shape_cast %swap3A_1730 : vector<16xi32> to vector<16xi32>
    %swap3A_1732 = vector.shape_cast %add3A_1728 : vector<16xi32> to vector<16xi32>
    tpu.vector_store %arg3[%swap3A_1729], %swap3A_1732 {strides = array<i32>} : memref<8192xi32, #tpu.memory_space<vmem>>, vector<16xi32>,
    %swap3A_1733 = arith.constant 5520 : index
    %swap3A_1734 = tpu.vector_load %arg3[%swap3A_1733] {strides = array<i32>} : memref<8192xi32, #tpu.memory_space<vmem>>, vector<16xi32>,
    %swap3A_1735 = vector.shape_cast %swap3A_1734 : vector<16xi32> to vector<16xi32>
    %swap3A_1736 = vector.shape_cast %add3A_1728 : vector<16xi32> to vector<16xi32>
    tpu.vector_store %arg3[%swap3A_1733], %swap3A_1736 {strides = array<i32>} : memref<8192xi32, #tpu.memory_space<vmem>>, vector<16xi32>,
    %swap3A_1737 = arith.constant 5536 : index
    %swap3A_1738 = tpu.vector_load %arg3[%swap3A_1737] {strides = array<i32>} : memref<8192xi32, #tpu.memory_space<vmem>>, vector<16xi32>,
    %swap3A_1739 = vector.shape_cast %swap3A_1738 : vector<16xi32> to vector<16xi32>
    %swap3A_1740 = vector.shape_cast %add3A_1728 : vector<16xi32> to vector<16xi32>
    tpu.vector_store %arg3[%swap3A_1737], %swap3A_1740 {strides = array<i32>} : memref<8192xi32, #tpu.memory_space<vmem>>, vector<16xi32>,
    %swap3A_1741 = arith.constant 5552 : index
    %swap3A_1742 = tpu.vector_load %arg3[%swap3A_1741] {strides = array<i32>} : memref<8192xi32, #tpu.memory_space<vmem>>, vector<16xi32>,
    %swap3A_1743 = vector.shape_cast %swap3A_1742 : vector<16xi32> to vector<16xi32>
    %swap3A_1744 = vector.shape_cast %add3A_1728 : vector<16xi32> to vector<16xi32>
    tpu.vector_store %arg3[%swap3A_1741], %swap3A_1744 {strides = array<i32>} : memref<8192xi32, #tpu.memory_space<vmem>>, vector<16xi32>,
    %add3A_1745 = arith.constant 87 : i32
    %add3A_1746 = arith.addi %mul3A_2, %add3A_1745 : i32
    %add3A_1747 = vector.broadcast %add3A_1746 : i32 to vector<16xi32>
    %add3A_1748 = arith.addi %mul3A_5, %add3A_1747 : vector<16xi32>
    %swap3A_1749 = arith.constant 5568 : index
    %swap3A_1750 = tpu.vector_load %arg3[%swap3A_1749] {strides = array<i32>} : memref<8192xi32, #tpu.memory_space<vmem>>, vector<16xi32>,
    %swap3A_1751 = vector.shape_cast %swap3A_1750 : vector<16xi32> to vector<16xi32>
    %swap3A_1752 = vector.shape_cast %add3A_1748 : vector<16xi32> to vector<16xi32>
    tpu.vector_store %arg3[%swap3A_1749], %swap3A_1752 {strides = array<i32>} : memref<8192xi32, #tpu.memory_space<vmem>>, vector<16xi32>,
    %swap3A_1753 = arith.constant 5584 : index
    %swap3A_1754 = tpu.vector_load %arg3[%swap3A_1753] {strides = array<i32>} : memref<8192xi32, #tpu.memory_space<vmem>>, vector<16xi32>,
    %swap3A_1755 = vector.shape_cast %swap3A_1754 : vector<16xi32> to vector<16xi32>
    %swap3A_1756 = vector.shape_cast %add3A_1748 : vector<16xi32> to vector<16xi32>
    tpu.vector_store %arg3[%swap3A_1753], %swap3A_1756 {strides = array<i32>} : memref<8192xi32, #tpu.memory_space<vmem>>, vector<16xi32>,
    %swap3A_1757 = arith.constant 5600 : index
    %swap3A_1758 = tpu.vector_load %arg3[%swap3A_1757] {strides = array<i32>} : memref<8192xi32, #tpu.memory_space<vmem>>, vector<16xi32>,
    %swap3A_1759 = vector.shape_cast %swap3A_1758 : vector<16xi32> to vector<16xi32>
    %swap3A_1760 = vector.shape_cast %add3A_1748 : vector<16xi32> to vector<16xi32>
    tpu.vector_store %arg3[%swap3A_1757], %swap3A_1760 {strides = array<i32>} : memref<8192xi32, #tpu.memory_space<vmem>>, vector<16xi32>,
    %swap3A_1761 = arith.constant 5616 : index
    %swap3A_1762 = tpu.vector_load %arg3[%swap3A_1761] {strides = array<i32>} : memref<8192xi32, #tpu.memory_space<vmem>>, vector<16xi32>,
    %swap3A_1763 = vector.shape_cast %swap3A_1762 : vector<16xi32> to vector<16xi32>
    %swap3A_1764 = vector.shape_cast %add3A_1748 : vector<16xi32> to vector<16xi32>
    tpu.vector_store %arg3[%swap3A_1761], %swap3A_1764 {strides = array<i32>} : memref<8192xi32, #tpu.memory_space<vmem>>, vector<16xi32>,
    %add3A_1765 = arith.constant 88 : i32
    %add3A_1766 = arith.addi %mul3A_2, %add3A_1765 : i32
    %add3A_1767 = vector.broadcast %add3A_1766 : i32 to vector<16xi32>
    %add3A_1768 = arith.addi %mul3A_5, %add3A_1767 : vector<16xi32>
    %swap3A_1769 = arith.constant 5632 : index
    %swap3A_1770 = tpu.vector_load %arg3[%swap3A_1769] {strides = array<i32>} : memref<8192xi32, #tpu.memory_space<vmem>>, vector<16xi32>,
    %swap3A_1771 = vector.shape_cast %swap3A_1770 : vector<16xi32> to vector<16xi32>
    %swap3A_1772 = vector.shape_cast %add3A_1768 : vector<16xi32> to vector<16xi32>
    tpu.vector_store %arg3[%swap3A_1769], %swap3A_1772 {strides = array<i32>} : memref<8192xi32, #tpu.memory_space<vmem>>, vector<16xi32>,
    %swap3A_1773 = arith.constant 5648 : index
    %swap3A_1774 = tpu.vector_load %arg3[%swap3A_1773] {strides = array<i32>} : memref<8192xi32, #tpu.memory_space<vmem>>, vector<16xi32>,
    %swap3A_1775 = vector.shape_cast %swap3A_1774 : vector<16xi32> to vector<16xi32>
    %swap3A_1776 = vector.shape_cast %add3A_1768 : vector<16xi32> to vector<16xi32>
    tpu.vector_store %arg3[%swap3A_1773], %swap3A_1776 {strides = array<i32>} : memref<8192xi32, #tpu.memory_space<vmem>>, vector<16xi32>,
    %swap3A_1777 = arith.constant 5664 : index
    %swap3A_1778 = tpu.vector_load %arg3[%swap3A_1777] {strides = array<i32>} : memref<8192xi32, #tpu.memory_space<vmem>>, vector<16xi32>,
    %swap3A_1779 = vector.shape_cast %swap3A_1778 : vector<16xi32> to vector<16xi32>
    %swap3A_1780 = vector.shape_cast %add3A_1768 : vector<16xi32> to vector<16xi32>
    tpu.vector_store %arg3[%swap3A_1777], %swap3A_1780 {strides = array<i32>} : memref<8192xi32, #tpu.memory_space<vmem>>, vector<16xi32>,
    %swap3A_1781 = arith.constant 5680 : index
    %swap3A_1782 = tpu.vector_load %arg3[%swap3A_1781] {strides = array<i32>} : memref<8192xi32, #tpu.memory_space<vmem>>, vector<16xi32>,
    %swap3A_1783 = vector.shape_cast %swap3A_1782 : vector<16xi32> to vector<16xi32>
    %swap3A_1784 = vector.shape_cast %add3A_1768 : vector<16xi32> to vector<16xi32>
    tpu.vector_store %arg3[%swap3A_1781], %swap3A_1784 {strides = array<i32>} : memref<8192xi32, #tpu.memory_space<vmem>>, vector<16xi32>,
    %add3A_1785 = arith.constant 89 : i32
    %add3A_1786 = arith.addi %mul3A_2, %add3A_1785 : i32
    %add3A_1787 = vector.broadcast %add3A_1786 : i32 to vector<16xi32>
    %add3A_1788 = arith.addi %mul3A_5, %add3A_1787 : vector<16xi32>
    %swap3A_1789 = arith.constant 5696 : index
    %swap3A_1790 = tpu.vector_load %arg3[%swap3A_1789] {strides = array<i32>} : memref<8192xi32, #tpu.memory_space<vmem>>, vector<16xi32>,
    %swap3A_1791 = vector.shape_cast %swap3A_1790 : vector<16xi32> to vector<16xi32>
    %swap3A_1792 = vector.shape_cast %add3A_1788 : vector<16xi32> to vector<16xi32>
    tpu.vector_store %arg3[%swap3A_1789], %swap3A_1792 {strides = array<i32>} : memref<8192xi32, #tpu.memory_space<vmem>>, vector<16xi32>,
    %swap3A_1793 = arith.constant 5712 : index
    %swap3A_1794 = tpu.vector_load %arg3[%swap3A_1793] {strides = array<i32>} : memref<8192xi32, #tpu.memory_space<vmem>>, vector<16xi32>,
    %swap3A_1795 = vector.shape_cast %swap3A_1794 : vector<16xi32> to vector<16xi32>
    %swap3A_1796 = vector.shape_cast %add3A_1788 : vector<16xi32> to vector<16xi32>
    tpu.vector_store %arg3[%swap3A_1793], %swap3A_1796 {strides = array<i32>} : memref<8192xi32, #tpu.memory_space<vmem>>, vector<16xi32>,
    %swap3A_1797 = arith.constant 5728 : index
    %swap3A_1798 = tpu.vector_load %arg3[%swap3A_1797] {strides = array<i32>} : memref<8192xi32, #tpu.memory_space<vmem>>, vector<16xi32>,
    %swap3A_1799 = vector.shape_cast %swap3A_1798 : vector<16xi32> to vector<16xi32>
    %swap3A_1800 = vector.shape_cast %add3A_1788 : vector<16xi32> to vector<16xi32>
    tpu.vector_store %arg3[%swap3A_1797], %swap3A_1800 {strides = array<i32>} : memref<8192xi32, #tpu.memory_space<vmem>>, vector<16xi32>,
    %swap3A_1801 = arith.constant 5744 : index
    %swap3A_1802 = tpu.vector_load %arg3[%swap3A_1801] {strides = array<i32>} : memref<8192xi32, #tpu.memory_space<vmem>>, vector<16xi32>,
    %swap3A_1803 = vector.shape_cast %swap3A_1802 : vector<16xi32> to vector<16xi32>
    %swap3A_1804 = vector.shape_cast %add3A_1788 : vector<16xi32> to vector<16xi32>
    tpu.vector_store %arg3[%swap3A_1801], %swap3A_1804 {strides = array<i32>} : memref<8192xi32, #tpu.memory_space<vmem>>, vector<16xi32>,
    %add3A_1805 = arith.constant 90 : i32
    %add3A_1806 = arith.addi %mul3A_2, %add3A_1805 : i32
    %add3A_1807 = vector.broadcast %add3A_1806 : i32 to vector<16xi32>
    %add3A_1808 = arith.addi %mul3A_5, %add3A_1807 : vector<16xi32>
    %swap3A_1809 = arith.constant 5760 : index
    %swap3A_1810 = tpu.vector_load %arg3[%swap3A_1809] {strides = array<i32>} : memref<8192xi32, #tpu.memory_space<vmem>>, vector<16xi32>,
    %swap3A_1811 = vector.shape_cast %swap3A_1810 : vector<16xi32> to vector<16xi32>
    %swap3A_1812 = vector.shape_cast %add3A_1808 : vector<16xi32> to vector<16xi32>
    tpu.vector_store %arg3[%swap3A_1809], %swap3A_1812 {strides = array<i32>} : memref<8192xi32, #tpu.memory_space<vmem>>, vector<16xi32>,
    %swap3A_1813 = arith.constant 5776 : index
    %swap3A_1814 = tpu.vector_load %arg3[%swap3A_1813] {strides = array<i32>} : memref<8192xi32, #tpu.memory_space<vmem>>, vector<16xi32>,
    %swap3A_1815 = vector.shape_cast %swap3A_1814 : vector<16xi32> to vector<16xi32>
    %swap3A_1816 = vector.shape_cast %add3A_1808 : vector<16xi32> to vector<16xi32>
    tpu.vector_store %arg3[%swap3A_1813], %swap3A_1816 {strides = array<i32>} : memref<8192xi32, #tpu.memory_space<vmem>>, vector<16xi32>,
    %swap3A_1817 = arith.constant 5792 : index
    %swap3A_1818 = tpu.vector_load %arg3[%swap3A_1817] {strides = array<i32>} : memref<8192xi32, #tpu.memory_space<vmem>>, vector<16xi32>,
    %swap3A_1819 = vector.shape_cast %swap3A_1818 : vector<16xi32> to vector<16xi32>
    %swap3A_1820 = vector.shape_cast %add3A_1808 : vector<16xi32> to vector<16xi32>
    tpu.vector_store %arg3[%swap3A_1817], %swap3A_1820 {strides = array<i32>} : memref<8192xi32, #tpu.memory_space<vmem>>, vector<16xi32>,
    %swap3A_1821 = arith.constant 5808 : index
    %swap3A_1822 = tpu.vector_load %arg3[%swap3A_1821] {strides = array<i32>} : memref<8192xi32, #tpu.memory_space<vmem>>, vector<16xi32>,
    %swap3A_1823 = vector.shape_cast %swap3A_1822 : vector<16xi32> to vector<16xi32>
    %swap3A_1824 = vector.shape_cast %add3A_1808 : vector<16xi32> to vector<16xi32>
    tpu.vector_store %arg3[%swap3A_1821], %swap3A_1824 {strides = array<i32>} : memref<8192xi32, #tpu.memory_space<vmem>>, vector<16xi32>,
    %add3A_1825 = arith.constant 91 : i32
    %add3A_1826 = arith.addi %mul3A_2, %add3A_1825 : i32
    %add3A_1827 = vector.broadcast %add3A_1826 : i32 to vector<16xi32>
    %add3A_1828 = arith.addi %mul3A_5, %add3A_1827 : vector<16xi32>
    %swap3A_1829 = arith.constant 5824 : index
    %swap3A_1830 = tpu.vector_load %arg3[%swap3A_1829] {strides = array<i32>} : memref<8192xi32, #tpu.memory_space<vmem>>, vector<16xi32>,
    %swap3A_1831 = vector.shape_cast %swap3A_1830 : vector<16xi32> to vector<16xi32>
    %swap3A_1832 = vector.shape_cast %add3A_1828 : vector<16xi32> to vector<16xi32>
    tpu.vector_store %arg3[%swap3A_1829], %swap3A_1832 {strides = array<i32>} : memref<8192xi32, #tpu.memory_space<vmem>>, vector<16xi32>,
    %swap3A_1833 = arith.constant 5840 : index
    %swap3A_1834 = tpu.vector_load %arg3[%swap3A_1833] {strides = array<i32>} : memref<8192xi32, #tpu.memory_space<vmem>>, vector<16xi32>,
    %swap3A_1835 = vector.shape_cast %swap3A_1834 : vector<16xi32> to vector<16xi32>
    %swap3A_1836 = vector.shape_cast %add3A_1828 : vector<16xi32> to vector<16xi32>
    tpu.vector_store %arg3[%swap3A_1833], %swap3A_1836 {strides = array<i32>} : memref<8192xi32, #tpu.memory_space<vmem>>, vector<16xi32>,
    %swap3A_1837 = arith.constant 5856 : index
    %swap3A_1838 = tpu.vector_load %arg3[%swap3A_1837] {strides = array<i32>} : memref<8192xi32, #tpu.memory_space<vmem>>, vector<16xi32>,
    %swap3A_1839 = vector.shape_cast %swap3A_1838 : vector<16xi32> to vector<16xi32>
    %swap3A_1840 = vector.shape_cast %add3A_1828 : vector<16xi32> to vector<16xi32>
    tpu.vector_store %arg3[%swap3A_1837], %swap3A_1840 {strides = array<i32>} : memref<8192xi32, #tpu.memory_space<vmem>>, vector<16xi32>,
    %swap3A_1841 = arith.constant 5872 : index
    %swap3A_1842 = tpu.vector_load %arg3[%swap3A_1841] {strides = array<i32>} : memref<8192xi32, #tpu.memory_space<vmem>>, vector<16xi32>,
    %swap3A_1843 = vector.shape_cast %swap3A_1842 : vector<16xi32> to vector<16xi32>
    %swap3A_1844 = vector.shape_cast %add3A_1828 : vector<16xi32> to vector<16xi32>
    tpu.vector_store %arg3[%swap3A_1841], %swap3A_1844 {strides = array<i32>} : memref<8192xi32, #tpu.memory_space<vmem>>, vector<16xi32>,
    %add3A_1845 = arith.constant 92 : i32
    %add3A_1846 = arith.addi %mul3A_2, %add3A_1845 : i32
    %add3A_1847 = vector.broadcast %add3A_1846 : i32 to vector<16xi32>
    %add3A_1848 = arith.addi %mul3A_5, %add3A_1847 : vector<16xi32>
    %swap3A_1849 = arith.constant 5888 : index
    %swap3A_1850 = tpu.vector_load %arg3[%swap3A_1849] {strides = array<i32>} : memref<8192xi32, #tpu.memory_space<vmem>>, vector<16xi32>,
    %swap3A_1851 = vector.shape_cast %swap3A_1850 : vector<16xi32> to vector<16xi32>
    %swap3A_1852 = vector.shape_cast %add3A_1848 : vector<16xi32> to vector<16xi32>
    tpu.vector_store %arg3[%swap3A_1849], %swap3A_1852 {strides = array<i32>} : memref<8192xi32, #tpu.memory_space<vmem>>, vector<16xi32>,
    %swap3A_1853 = arith.constant 5904 : index
    %swap3A_1854 = tpu.vector_load %arg3[%swap3A_1853] {strides = array<i32>} : memref<8192xi32, #tpu.memory_space<vmem>>, vector<16xi32>,
    %swap3A_1855 = vector.shape_cast %swap3A_1854 : vector<16xi32> to vector<16xi32>
    %swap3A_1856 = vector.shape_cast %add3A_1848 : vector<16xi32> to vector<16xi32>
    tpu.vector_store %arg3[%swap3A_1853], %swap3A_1856 {strides = array<i32>} : memref<8192xi32, #tpu.memory_space<vmem>>, vector<16xi32>,
    %swap3A_1857 = arith.constant 5920 : index
    %swap3A_1858 = tpu.vector_load %arg3[%swap3A_1857] {strides = array<i32>} : memref<8192xi32, #tpu.memory_space<vmem>>, vector<16xi32>,
    %swap3A_1859 = vector.shape_cast %swap3A_1858 : vector<16xi32> to vector<16xi32>
    %swap3A_1860 = vector.shape_cast %add3A_1848 : vector<16xi32> to vector<16xi32>
    tpu.vector_store %arg3[%swap3A_1857], %swap3A_1860 {strides = array<i32>} : memref<8192xi32, #tpu.memory_space<vmem>>, vector<16xi32>,
    %swap3A_1861 = arith.constant 5936 : index
    %swap3A_1862 = tpu.vector_load %arg3[%swap3A_1861] {strides = array<i32>} : memref<8192xi32, #tpu.memory_space<vmem>>, vector<16xi32>,
    %swap3A_1863 = vector.shape_cast %swap3A_1862 : vector<16xi32> to vector<16xi32>
    %swap3A_1864 = vector.shape_cast %add3A_1848 : vector<16xi32> to vector<16xi32>
    tpu.vector_store %arg3[%swap3A_1861], %swap3A_1864 {strides = array<i32>} : memref<8192xi32, #tpu.memory_space<vmem>>, vector<16xi32>,
    %add3A_1865 = arith.constant 93 : i32
    %add3A_1866 = arith.addi %mul3A_2, %add3A_1865 : i32
    %add3A_1867 = vector.broadcast %add3A_1866 : i32 to vector<16xi32>
    %add3A_1868 = arith.addi %mul3A_5, %add3A_1867 : vector<16xi32>
    %swap3A_1869 = arith.constant 5952 : index
    %swap3A_1870 = tpu.vector_load %arg3[%swap3A_1869] {strides = array<i32>} : memref<8192xi32, #tpu.memory_space<vmem>>, vector<16xi32>,
    %swap3A_1871 = vector.shape_cast %swap3A_1870 : vector<16xi32> to vector<16xi32>
    %swap3A_1872 = vector.shape_cast %add3A_1868 : vector<16xi32> to vector<16xi32>
    tpu.vector_store %arg3[%swap3A_1869], %swap3A_1872 {strides = array<i32>} : memref<8192xi32, #tpu.memory_space<vmem>>, vector<16xi32>,
    %swap3A_1873 = arith.constant 5968 : index
    %swap3A_1874 = tpu.vector_load %arg3[%swap3A_1873] {strides = array<i32>} : memref<8192xi32, #tpu.memory_space<vmem>>, vector<16xi32>,
    %swap3A_1875 = vector.shape_cast %swap3A_1874 : vector<16xi32> to vector<16xi32>
    %swap3A_1876 = vector.shape_cast %add3A_1868 : vector<16xi32> to vector<16xi32>
    tpu.vector_store %arg3[%swap3A_1873], %swap3A_1876 {strides = array<i32>} : memref<8192xi32, #tpu.memory_space<vmem>>, vector<16xi32>,
    %swap3A_1877 = arith.constant 5984 : index
    %swap3A_1878 = tpu.vector_load %arg3[%swap3A_1877] {strides = array<i32>} : memref<8192xi32, #tpu.memory_space<vmem>>, vector<16xi32>,
    %swap3A_1879 = vector.shape_cast %swap3A_1878 : vector<16xi32> to vector<16xi32>
    %swap3A_1880 = vector.shape_cast %add3A_1868 : vector<16xi32> to vector<16xi32>
    tpu.vector_store %arg3[%swap3A_1877], %swap3A_1880 {strides = array<i32>} : memref<8192xi32, #tpu.memory_space<vmem>>, vector<16xi32>,
    %swap3A_1881 = arith.constant 6000 : index
    %swap3A_1882 = tpu.vector_load %arg3[%swap3A_1881] {strides = array<i32>} : memref<8192xi32, #tpu.memory_space<vmem>>, vector<16xi32>,
    %swap3A_1883 = vector.shape_cast %swap3A_1882 : vector<16xi32> to vector<16xi32>
    %swap3A_1884 = vector.shape_cast %add3A_1868 : vector<16xi32> to vector<16xi32>
    tpu.vector_store %arg3[%swap3A_1881], %swap3A_1884 {strides = array<i32>} : memref<8192xi32, #tpu.memory_space<vmem>>, vector<16xi32>,
    %add3A_1885 = arith.constant 94 : i32
    %add3A_1886 = arith.addi %mul3A_2, %add3A_1885 : i32
    %add3A_1887 = vector.broadcast %add3A_1886 : i32 to vector<16xi32>
    %add3A_1888 = arith.addi %mul3A_5, %add3A_1887 : vector<16xi32>
    %swap3A_1889 = arith.constant 6016 : index
    %swap3A_1890 = tpu.vector_load %arg3[%swap3A_1889] {strides = array<i32>} : memref<8192xi32, #tpu.memory_space<vmem>>, vector<16xi32>,
    %swap3A_1891 = vector.shape_cast %swap3A_1890 : vector<16xi32> to vector<16xi32>
    %swap3A_1892 = vector.shape_cast %add3A_1888 : vector<16xi32> to vector<16xi32>
    tpu.vector_store %arg3[%swap3A_1889], %swap3A_1892 {strides = array<i32>} : memref<8192xi32, #tpu.memory_space<vmem>>, vector<16xi32>,
    %swap3A_1893 = arith.constant 6032 : index
    %swap3A_1894 = tpu.vector_load %arg3[%swap3A_1893] {strides = array<i32>} : memref<8192xi32, #tpu.memory_space<vmem>>, vector<16xi32>,
    %swap3A_1895 = vector.shape_cast %swap3A_1894 : vector<16xi32> to vector<16xi32>
    %swap3A_1896 = vector.shape_cast %add3A_1888 : vector<16xi32> to vector<16xi32>
    tpu.vector_store %arg3[%swap3A_1893], %swap3A_1896 {strides = array<i32>} : memref<8192xi32, #tpu.memory_space<vmem>>, vector<16xi32>,
    %swap3A_1897 = arith.constant 6048 : index
    %swap3A_1898 = tpu.vector_load %arg3[%swap3A_1897] {strides = array<i32>} : memref<8192xi32, #tpu.memory_space<vmem>>, vector<16xi32>,
    %swap3A_1899 = vector.shape_cast %swap3A_1898 : vector<16xi32> to vector<16xi32>
    %swap3A_1900 = vector.shape_cast %add3A_1888 : vector<16xi32> to vector<16xi32>
    tpu.vector_store %arg3[%swap3A_1897], %swap3A_1900 {strides = array<i32>} : memref<8192xi32, #tpu.memory_space<vmem>>, vector<16xi32>,
    %swap3A_1901 = arith.constant 6064 : index
    %swap3A_1902 = tpu.vector_load %arg3[%swap3A_1901] {strides = array<i32>} : memref<8192xi32, #tpu.memory_space<vmem>>, vector<16xi32>,
    %swap3A_1903 = vector.shape_cast %swap3A_1902 : vector<16xi32> to vector<16xi32>
    %swap3A_1904 = vector.shape_cast %add3A_1888 : vector<16xi32> to vector<16xi32>
    tpu.vector_store %arg3[%swap3A_1901], %swap3A_1904 {strides = array<i32>} : memref<8192xi32, #tpu.memory_space<vmem>>, vector<16xi32>,
    %add3A_1905 = arith.constant 95 : i32
    %add3A_1906 = arith.addi %mul3A_2, %add3A_1905 : i32
    %add3A_1907 = vector.broadcast %add3A_1906 : i32 to vector<16xi32>
    %add3A_1908 = arith.addi %mul3A_5, %add3A_1907 : vector<16xi32>
    %swap3A_1909 = arith.constant 6080 : index
    %swap3A_1910 = tpu.vector_load %arg3[%swap3A_1909] {strides = array<i32>} : memref<8192xi32, #tpu.memory_space<vmem>>, vector<16xi32>,
    %swap3A_1911 = vector.shape_cast %swap3A_1910 : vector<16xi32> to vector<16xi32>
    %swap3A_1912 = vector.shape_cast %add3A_1908 : vector<16xi32> to vector<16xi32>
    tpu.vector_store %arg3[%swap3A_1909], %swap3A_1912 {strides = array<i32>} : memref<8192xi32, #tpu.memory_space<vmem>>, vector<16xi32>,
    %swap3A_1913 = arith.constant 6096 : index
    %swap3A_1914 = tpu.vector_load %arg3[%swap3A_1913] {strides = array<i32>} : memref<8192xi32, #tpu.memory_space<vmem>>, vector<16xi32>,
    %swap3A_1915 = vector.shape_cast %swap3A_1914 : vector<16xi32> to vector<16xi32>
    %swap3A_1916 = vector.shape_cast %add3A_1908 : vector<16xi32> to vector<16xi32>
    tpu.vector_store %arg3[%swap3A_1913], %swap3A_1916 {strides = array<i32>} : memref<8192xi32, #tpu.memory_space<vmem>>, vector<16xi32>,
    %swap3A_1917 = arith.constant 6112 : index
    %swap3A_1918 = tpu.vector_load %arg3[%swap3A_1917] {strides = array<i32>} : memref<8192xi32, #tpu.memory_space<vmem>>, vector<16xi32>,
    %swap3A_1919 = vector.shape_cast %swap3A_1918 : vector<16xi32> to vector<16xi32>
    %swap3A_1920 = vector.shape_cast %add3A_1908 : vector<16xi32> to vector<16xi32>
    tpu.vector_store %arg3[%swap3A_1917], %swap3A_1920 {strides = array<i32>} : memref<8192xi32, #tpu.memory_space<vmem>>, vector<16xi32>,
    %swap3A_1921 = arith.constant 6128 : index
    %swap3A_1922 = tpu.vector_load %arg3[%swap3A_1921] {strides = array<i32>} : memref<8192xi32, #tpu.memory_space<vmem>>, vector<16xi32>,
    %swap3A_1923 = vector.shape_cast %swap3A_1922 : vector<16xi32> to vector<16xi32>
    %swap3A_1924 = vector.shape_cast %add3A_1908 : vector<16xi32> to vector<16xi32>
    tpu.vector_store %arg3[%swap3A_1921], %swap3A_1924 {strides = array<i32>} : memref<8192xi32, #tpu.memory_space<vmem>>, vector<16xi32>,
    %add3A_1925 = arith.constant 96 : i32
    %add3A_1926 = arith.addi %mul3A_2, %add3A_1925 : i32
    %add3A_1927 = vector.broadcast %add3A_1926 : i32 to vector<16xi32>
    %add3A_1928 = arith.addi %mul3A_5, %add3A_1927 : vector<16xi32>
    %swap3A_1929 = arith.constant 6144 : index
    %swap3A_1930 = tpu.vector_load %arg3[%swap3A_1929] {strides = array<i32>} : memref<8192xi32, #tpu.memory_space<vmem>>, vector<16xi32>,
    %swap3A_1931 = vector.shape_cast %swap3A_1930 : vector<16xi32> to vector<16xi32>
    %swap3A_1932 = vector.shape_cast %add3A_1928 : vector<16xi32> to vector<16xi32>
    tpu.vector_store %arg3[%swap3A_1929], %swap3A_1932 {strides = array<i32>} : memref<8192xi32, #tpu.memory_space<vmem>>, vector<16xi32>,
    %swap3A_1933 = arith.constant 6160 : index
    %swap3A_1934 = tpu.vector_load %arg3[%swap3A_1933] {strides = array<i32>} : memref<8192xi32, #tpu.memory_space<vmem>>, vector<16xi32>,
    %swap3A_1935 = vector.shape_cast %swap3A_1934 : vector<16xi32> to vector<16xi32>
    %swap3A_1936 = vector.shape_cast %add3A_1928 : vector<16xi32> to vector<16xi32>
    tpu.vector_store %arg3[%swap3A_1933], %swap3A_1936 {strides = array<i32>} : memref<8192xi32, #tpu.memory_space<vmem>>, vector<16xi32>,
    %swap3A_1937 = arith.constant 6176 : index
    %swap3A_1938 = tpu.vector_load %arg3[%swap3A_1937] {strides = array<i32>} : memref<8192xi32, #tpu.memory_space<vmem>>, vector<16xi32>,
    %swap3A_1939 = vector.shape_cast %swap3A_1938 : vector<16xi32> to vector<16xi32>
    %swap3A_1940 = vector.shape_cast %add3A_1928 : vector<16xi32> to vector<16xi32>
    tpu.vector_store %arg3[%swap3A_1937], %swap3A_1940 {strides = array<i32>} : memref<8192xi32, #tpu.memory_space<vmem>>, vector<16xi32>,
    %swap3A_1941 = arith.constant 6192 : index
    %swap3A_1942 = tpu.vector_load %arg3[%swap3A_1941] {strides = array<i32>} : memref<8192xi32, #tpu.memory_space<vmem>>, vector<16xi32>,
    %swap3A_1943 = vector.shape_cast %swap3A_1942 : vector<16xi32> to vector<16xi32>
    %swap3A_1944 = vector.shape_cast %add3A_1928 : vector<16xi32> to vector<16xi32>
    tpu.vector_store %arg3[%swap3A_1941], %swap3A_1944 {strides = array<i32>} : memref<8192xi32, #tpu.memory_space<vmem>>, vector<16xi32>,
    %add3A_1945 = arith.constant 97 : i32
    %add3A_1946 = arith.addi %mul3A_2, %add3A_1945 : i32
    %add3A_1947 = vector.broadcast %add3A_1946 : i32 to vector<16xi32>
    %add3A_1948 = arith.addi %mul3A_5, %add3A_1947 : vector<16xi32>
    %swap3A_1949 = arith.constant 6208 : index
    %swap3A_1950 = tpu.vector_load %arg3[%swap3A_1949] {strides = array<i32>} : memref<8192xi32, #tpu.memory_space<vmem>>, vector<16xi32>,
    %swap3A_1951 = vector.shape_cast %swap3A_1950 : vector<16xi32> to vector<16xi32>
    %swap3A_1952 = vector.shape_cast %add3A_1948 : vector<16xi32> to vector<16xi32>
    tpu.vector_store %arg3[%swap3A_1949], %swap3A_1952 {strides = array<i32>} : memref<8192xi32, #tpu.memory_space<vmem>>, vector<16xi32>,
    %swap3A_1953 = arith.constant 6224 : index
    %swap3A_1954 = tpu.vector_load %arg3[%swap3A_1953] {strides = array<i32>} : memref<8192xi32, #tpu.memory_space<vmem>>, vector<16xi32>,
    %swap3A_1955 = vector.shape_cast %swap3A_1954 : vector<16xi32> to vector<16xi32>
    %swap3A_1956 = vector.shape_cast %add3A_1948 : vector<16xi32> to vector<16xi32>
    tpu.vector_store %arg3[%swap3A_1953], %swap3A_1956 {strides = array<i32>} : memref<8192xi32, #tpu.memory_space<vmem>>, vector<16xi32>,
    %swap3A_1957 = arith.constant 6240 : index
    %swap3A_1958 = tpu.vector_load %arg3[%swap3A_1957] {strides = array<i32>} : memref<8192xi32, #tpu.memory_space<vmem>>, vector<16xi32>,
    %swap3A_1959 = vector.shape_cast %swap3A_1958 : vector<16xi32> to vector<16xi32>
    %swap3A_1960 = vector.shape_cast %add3A_1948 : vector<16xi32> to vector<16xi32>
    tpu.vector_store %arg3[%swap3A_1957], %swap3A_1960 {strides = array<i32>} : memref<8192xi32, #tpu.memory_space<vmem>>, vector<16xi32>,
    %swap3A_1961 = arith.constant 6256 : index
    %swap3A_1962 = tpu.vector_load %arg3[%swap3A_1961] {strides = array<i32>} : memref<8192xi32, #tpu.memory_space<vmem>>, vector<16xi32>,
    %swap3A_1963 = vector.shape_cast %swap3A_1962 : vector<16xi32> to vector<16xi32>
    %swap3A_1964 = vector.shape_cast %add3A_1948 : vector<16xi32> to vector<16xi32>
    tpu.vector_store %arg3[%swap3A_1961], %swap3A_1964 {strides = array<i32>} : memref<8192xi32, #tpu.memory_space<vmem>>, vector<16xi32>,
    %add3A_1965 = arith.constant 98 : i32
    %add3A_1966 = arith.addi %mul3A_2, %add3A_1965 : i32
    %add3A_1967 = vector.broadcast %add3A_1966 : i32 to vector<16xi32>
    %add3A_1968 = arith.addi %mul3A_5, %add3A_1967 : vector<16xi32>
    %swap3A_1969 = arith.constant 6272 : index
    %swap3A_1970 = tpu.vector_load %arg3[%swap3A_1969] {strides = array<i32>} : memref<8192xi32, #tpu.memory_space<vmem>>, vector<16xi32>,
    %swap3A_1971 = vector.shape_cast %swap3A_1970 : vector<16xi32> to vector<16xi32>
    %swap3A_1972 = vector.shape_cast %add3A_1968 : vector<16xi32> to vector<16xi32>
    tpu.vector_store %arg3[%swap3A_1969], %swap3A_1972 {strides = array<i32>} : memref<8192xi32, #tpu.memory_space<vmem>>, vector<16xi32>,
    %swap3A_1973 = arith.constant 6288 : index
    %swap3A_1974 = tpu.vector_load %arg3[%swap3A_1973] {strides = array<i32>} : memref<8192xi32, #tpu.memory_space<vmem>>, vector<16xi32>,
    %swap3A_1975 = vector.shape_cast %swap3A_1974 : vector<16xi32> to vector<16xi32>
    %swap3A_1976 = vector.shape_cast %add3A_1968 : vector<16xi32> to vector<16xi32>
    tpu.vector_store %arg3[%swap3A_1973], %swap3A_1976 {strides = array<i32>} : memref<8192xi32, #tpu.memory_space<vmem>>, vector<16xi32>,
    %swap3A_1977 = arith.constant 6304 : index
    %swap3A_1978 = tpu.vector_load %arg3[%swap3A_1977] {strides = array<i32>} : memref<8192xi32, #tpu.memory_space<vmem>>, vector<16xi32>,
    %swap3A_1979 = vector.shape_cast %swap3A_1978 : vector<16xi32> to vector<16xi32>
    %swap3A_1980 = vector.shape_cast %add3A_1968 : vector<16xi32> to vector<16xi32>
    tpu.vector_store %arg3[%swap3A_1977], %swap3A_1980 {strides = array<i32>} : memref<8192xi32, #tpu.memory_space<vmem>>, vector<16xi32>,
    %swap3A_1981 = arith.constant 6320 : index
    %swap3A_1982 = tpu.vector_load %arg3[%swap3A_1981] {strides = array<i32>} : memref<8192xi32, #tpu.memory_space<vmem>>, vector<16xi32>,
    %swap3A_1983 = vector.shape_cast %swap3A_1982 : vector<16xi32> to vector<16xi32>
    %swap3A_1984 = vector.shape_cast %add3A_1968 : vector<16xi32> to vector<16xi32>
    tpu.vector_store %arg3[%swap3A_1981], %swap3A_1984 {strides = array<i32>} : memref<8192xi32, #tpu.memory_space<vmem>>, vector<16xi32>,
    %add3A_1985 = arith.constant 99 : i32
    %add3A_1986 = arith.addi %mul3A_2, %add3A_1985 : i32
    %add3A_1987 = vector.broadcast %add3A_1986 : i32 to vector<16xi32>
    %add3A_1988 = arith.addi %mul3A_5, %add3A_1987 : vector<16xi32>
    %swap3A_1989 = arith.constant 6336 : index
    %swap3A_1990 = tpu.vector_load %arg3[%swap3A_1989] {strides = array<i32>} : memref<8192xi32, #tpu.memory_space<vmem>>, vector<16xi32>,
    %swap3A_1991 = vector.shape_cast %swap3A_1990 : vector<16xi32> to vector<16xi32>
    %swap3A_1992 = vector.shape_cast %add3A_1988 : vector<16xi32> to vector<16xi32>
    tpu.vector_store %arg3[%swap3A_1989], %swap3A_1992 {strides = array<i32>} : memref<8192xi32, #tpu.memory_space<vmem>>, vector<16xi32>,
    %swap3A_1993 = arith.constant 6352 : index
    %swap3A_1994 = tpu.vector_load %arg3[%swap3A_1993] {strides = array<i32>} : memref<8192xi32, #tpu.memory_space<vmem>>, vector<16xi32>,
    %swap3A_1995 = vector.shape_cast %swap3A_1994 : vector<16xi32> to vector<16xi32>
    %swap3A_1996 = vector.shape_cast %add3A_1988 : vector<16xi32> to vector<16xi32>
    tpu.vector_store %arg3[%swap3A_1993], %swap3A_1996 {strides = array<i32>} : memref<8192xi32, #tpu.memory_space<vmem>>, vector<16xi32>,
    %swap3A_1997 = arith.constant 6368 : index
    %swap3A_1998 = tpu.vector_load %arg3[%swap3A_1997] {strides = array<i32>} : memref<8192xi32, #tpu.memory_space<vmem>>, vector<16xi32>,
    %swap3A_1999 = vector.shape_cast %swap3A_1998 : vector<16xi32> to vector<16xi32>
    %swap3A_2000 = vector.shape_cast %add3A_1988 : vector<16xi32> to vector<16xi32>
    tpu.vector_store %arg3[%swap3A_1997], %swap3A_2000 {strides = array<i32>} : memref<8192xi32, #tpu.memory_space<vmem>>, vector<16xi32>,
    %swap3A_2001 = arith.constant 6384 : index
    %swap3A_2002 = tpu.vector_load %arg3[%swap3A_2001] {strides = array<i32>} : memref<8192xi32, #tpu.memory_space<vmem>>, vector<16xi32>,
    %swap3A_2003 = vector.shape_cast %swap3A_2002 : vector<16xi32> to vector<16xi32>
    %swap3A_2004 = vector.shape_cast %add3A_1988 : vector<16xi32> to vector<16xi32>
    tpu.vector_store %arg3[%swap3A_2001], %swap3A_2004 {strides = array<i32>} : memref<8192xi32, #tpu.memory_space<vmem>>, vector<16xi32>,
    %add3A_2005 = arith.constant 100 : i32
    %add3A_2006 = arith.addi %mul3A_2, %add3A_2005 : i32
    %add3A_2007 = vector.broadcast %add3A_2006 : i32 to vector<16xi32>
    %add3A_2008 = arith.addi %mul3A_5, %add3A_2007 : vector<16xi32>
    %swap3A_2009 = arith.constant 6400 : index
    %swap3A_2010 = tpu.vector_load %arg3[%swap3A_2009] {strides = array<i32>} : memref<8192xi32, #tpu.memory_space<vmem>>, vector<16xi32>,
    %swap3A_2011 = vector.shape_cast %swap3A_2010 : vector<16xi32> to vector<16xi32>
    %swap3A_2012 = vector.shape_cast %add3A_2008 : vector<16xi32> to vector<16xi32>
    tpu.vector_store %arg3[%swap3A_2009], %swap3A_2012 {strides = array<i32>} : memref<8192xi32, #tpu.memory_space<vmem>>, vector<16xi32>,
    %swap3A_2013 = arith.constant 6416 : index
    %swap3A_2014 = tpu.vector_load %arg3[%swap3A_2013] {strides = array<i32>} : memref<8192xi32, #tpu.memory_space<vmem>>, vector<16xi32>,
    %swap3A_2015 = vector.shape_cast %swap3A_2014 : vector<16xi32> to vector<16xi32>
    %swap3A_2016 = vector.shape_cast %add3A_2008 : vector<16xi32> to vector<16xi32>
    tpu.vector_store %arg3[%swap3A_2013], %swap3A_2016 {strides = array<i32>} : memref<8192xi32, #tpu.memory_space<vmem>>, vector<16xi32>,
    %swap3A_2017 = arith.constant 6432 : index
    %swap3A_2018 = tpu.vector_load %arg3[%swap3A_2017] {strides = array<i32>} : memref<8192xi32, #tpu.memory_space<vmem>>, vector<16xi32>,
    %swap3A_2019 = vector.shape_cast %swap3A_2018 : vector<16xi32> to vector<16xi32>
    %swap3A_2020 = vector.shape_cast %add3A_2008 : vector<16xi32> to vector<16xi32>
    tpu.vector_store %arg3[%swap3A_2017], %swap3A_2020 {strides = array<i32>} : memref<8192xi32, #tpu.memory_space<vmem>>, vector<16xi32>,
    %swap3A_2021 = arith.constant 6448 : index
    %swap3A_2022 = tpu.vector_load %arg3[%swap3A_2021] {strides = array<i32>} : memref<8192xi32, #tpu.memory_space<vmem>>, vector<16xi32>,
    %swap3A_2023 = vector.shape_cast %swap3A_2022 : vector<16xi32> to vector<16xi32>
    %swap3A_2024 = vector.shape_cast %add3A_2008 : vector<16xi32> to vector<16xi32>
    tpu.vector_store %arg3[%swap3A_2021], %swap3A_2024 {strides = array<i32>} : memref<8192xi32, #tpu.memory_space<vmem>>, vector<16xi32>,
    %add3A_2025 = arith.constant 101 : i32
    %add3A_2026 = arith.addi %mul3A_2, %add3A_2025 : i32
    %add3A_2027 = vector.broadcast %add3A_2026 : i32 to vector<16xi32>
    %add3A_2028 = arith.addi %mul3A_5, %add3A_2027 : vector<16xi32>
    %swap3A_2029 = arith.constant 6464 : index
    %swap3A_2030 = tpu.vector_load %arg3[%swap3A_2029] {strides = array<i32>} : memref<8192xi32, #tpu.memory_space<vmem>>, vector<16xi32>,
    %swap3A_2031 = vector.shape_cast %swap3A_2030 : vector<16xi32> to vector<16xi32>
    %swap3A_2032 = vector.shape_cast %add3A_2028 : vector<16xi32> to vector<16xi32>
    tpu.vector_store %arg3[%swap3A_2029], %swap3A_2032 {strides = array<i32>} : memref<8192xi32, #tpu.memory_space<vmem>>, vector<16xi32>,
    %swap3A_2033 = arith.constant 6480 : index
    %swap3A_2034 = tpu.vector_load %arg3[%swap3A_2033] {strides = array<i32>} : memref<8192xi32, #tpu.memory_space<vmem>>, vector<16xi32>,
    %swap3A_2035 = vector.shape_cast %swap3A_2034 : vector<16xi32> to vector<16xi32>
    %swap3A_2036 = vector.shape_cast %add3A_2028 : vector<16xi32> to vector<16xi32>
    tpu.vector_store %arg3[%swap3A_2033], %swap3A_2036 {strides = array<i32>} : memref<8192xi32, #tpu.memory_space<vmem>>, vector<16xi32>,
    %swap3A_2037 = arith.constant 6496 : index
    %swap3A_2038 = tpu.vector_load %arg3[%swap3A_2037] {strides = array<i32>} : memref<8192xi32, #tpu.memory_space<vmem>>, vector<16xi32>,
    %swap3A_2039 = vector.shape_cast %swap3A_2038 : vector<16xi32> to vector<16xi32>
    %swap3A_2040 = vector.shape_cast %add3A_2028 : vector<16xi32> to vector<16xi32>
    tpu.vector_store %arg3[%swap3A_2037], %swap3A_2040 {strides = array<i32>} : memref<8192xi32, #tpu.memory_space<vmem>>, vector<16xi32>,
    %swap3A_2041 = arith.constant 6512 : index
    %swap3A_2042 = tpu.vector_load %arg3[%swap3A_2041] {strides = array<i32>} : memref<8192xi32, #tpu.memory_space<vmem>>, vector<16xi32>,
    %swap3A_2043 = vector.shape_cast %swap3A_2042 : vector<16xi32> to vector<16xi32>
    %swap3A_2044 = vector.shape_cast %add3A_2028 : vector<16xi32> to vector<16xi32>
    tpu.vector_store %arg3[%swap3A_2041], %swap3A_2044 {strides = array<i32>} : memref<8192xi32, #tpu.memory_space<vmem>>, vector<16xi32>,
    %add3A_2045 = arith.constant 102 : i32
    %add3A_2046 = arith.addi %mul3A_2, %add3A_2045 : i32
    %add3A_2047 = vector.broadcast %add3A_2046 : i32 to vector<16xi32>
    %add3A_2048 = arith.addi %mul3A_5, %add3A_2047 : vector<16xi32>
    %swap3A_2049 = arith.constant 6528 : index
    %swap3A_2050 = tpu.vector_load %arg3[%swap3A_2049] {strides = array<i32>} : memref<8192xi32, #tpu.memory_space<vmem>>, vector<16xi32>,
    %swap3A_2051 = vector.shape_cast %swap3A_2050 : vector<16xi32> to vector<16xi32>
    %swap3A_2052 = vector.shape_cast %add3A_2048 : vector<16xi32> to vector<16xi32>
    tpu.vector_store %arg3[%swap3A_2049], %swap3A_2052 {strides = array<i32>} : memref<8192xi32, #tpu.memory_space<vmem>>, vector<16xi32>,
    %swap3A_2053 = arith.constant 6544 : index
    %swap3A_2054 = tpu.vector_load %arg3[%swap3A_2053] {strides = array<i32>} : memref<8192xi32, #tpu.memory_space<vmem>>, vector<16xi32>,
    %swap3A_2055 = vector.shape_cast %swap3A_2054 : vector<16xi32> to vector<16xi32>
    %swap3A_2056 = vector.shape_cast %add3A_2048 : vector<16xi32> to vector<16xi32>
    tpu.vector_store %arg3[%swap3A_2053], %swap3A_2056 {strides = array<i32>} : memref<8192xi32, #tpu.memory_space<vmem>>, vector<16xi32>,
    %swap3A_2057 = arith.constant 6560 : index
    %swap3A_2058 = tpu.vector_load %arg3[%swap3A_2057] {strides = array<i32>} : memref<8192xi32, #tpu.memory_space<vmem>>, vector<16xi32>,
    %swap3A_2059 = vector.shape_cast %swap3A_2058 : vector<16xi32> to vector<16xi32>
    %swap3A_2060 = vector.shape_cast %add3A_2048 : vector<16xi32> to vector<16xi32>
    tpu.vector_store %arg3[%swap3A_2057], %swap3A_2060 {strides = array<i32>} : memref<8192xi32, #tpu.memory_space<vmem>>, vector<16xi32>,
    %swap3A_2061 = arith.constant 6576 : index
    %swap3A_2062 = tpu.vector_load %arg3[%swap3A_2061] {strides = array<i32>} : memref<8192xi32, #tpu.memory_space<vmem>>, vector<16xi32>,
    %swap3A_2063 = vector.shape_cast %swap3A_2062 : vector<16xi32> to vector<16xi32>
    %swap3A_2064 = vector.shape_cast %add3A_2048 : vector<16xi32> to vector<16xi32>
    tpu.vector_store %arg3[%swap3A_2061], %swap3A_2064 {strides = array<i32>} : memref<8192xi32, #tpu.memory_space<vmem>>, vector<16xi32>,
    %add3A_2065 = arith.constant 103 : i32
    %add3A_2066 = arith.addi %mul3A_2, %add3A_2065 : i32
    %add3A_2067 = vector.broadcast %add3A_2066 : i32 to vector<16xi32>
    %add3A_2068 = arith.addi %mul3A_5, %add3A_2067 : vector<16xi32>
    %swap3A_2069 = arith.constant 6592 : index
    %swap3A_2070 = tpu.vector_load %arg3[%swap3A_2069] {strides = array<i32>} : memref<8192xi32, #tpu.memory_space<vmem>>, vector<16xi32>,
    %swap3A_2071 = vector.shape_cast %swap3A_2070 : vector<16xi32> to vector<16xi32>
    %swap3A_2072 = vector.shape_cast %add3A_2068 : vector<16xi32> to vector<16xi32>
    tpu.vector_store %arg3[%swap3A_2069], %swap3A_2072 {strides = array<i32>} : memref<8192xi32, #tpu.memory_space<vmem>>, vector<16xi32>,
    %swap3A_2073 = arith.constant 6608 : index
    %swap3A_2074 = tpu.vector_load %arg3[%swap3A_2073] {strides = array<i32>} : memref<8192xi32, #tpu.memory_space<vmem>>, vector<16xi32>,
    %swap3A_2075 = vector.shape_cast %swap3A_2074 : vector<16xi32> to vector<16xi32>
    %swap3A_2076 = vector.shape_cast %add3A_2068 : vector<16xi32> to vector<16xi32>
    tpu.vector_store %arg3[%swap3A_2073], %swap3A_2076 {strides = array<i32>} : memref<8192xi32, #tpu.memory_space<vmem>>, vector<16xi32>,
    %swap3A_2077 = arith.constant 6624 : index
    %swap3A_2078 = tpu.vector_load %arg3[%swap3A_2077] {strides = array<i32>} : memref<8192xi32, #tpu.memory_space<vmem>>, vector<16xi32>,
    %swap3A_2079 = vector.shape_cast %swap3A_2078 : vector<16xi32> to vector<16xi32>
    %swap3A_2080 = vector.shape_cast %add3A_2068 : vector<16xi32> to vector<16xi32>
    tpu.vector_store %arg3[%swap3A_2077], %swap3A_2080 {strides = array<i32>} : memref<8192xi32, #tpu.memory_space<vmem>>, vector<16xi32>,
    %swap3A_2081 = arith.constant 6640 : index
    %swap3A_2082 = tpu.vector_load %arg3[%swap3A_2081] {strides = array<i32>} : memref<8192xi32, #tpu.memory_space<vmem>>, vector<16xi32>,
    %swap3A_2083 = vector.shape_cast %swap3A_2082 : vector<16xi32> to vector<16xi32>
    %swap3A_2084 = vector.shape_cast %add3A_2068 : vector<16xi32> to vector<16xi32>
    tpu.vector_store %arg3[%swap3A_2081], %swap3A_2084 {strides = array<i32>} : memref<8192xi32, #tpu.memory_space<vmem>>, vector<16xi32>,
    %add3A_2085 = arith.constant 104 : i32
    %add3A_2086 = arith.addi %mul3A_2, %add3A_2085 : i32
    %add3A_2087 = vector.broadcast %add3A_2086 : i32 to vector<16xi32>
    %add3A_2088 = arith.addi %mul3A_5, %add3A_2087 : vector<16xi32>
    %swap3A_2089 = arith.constant 6656 : index
    %swap3A_2090 = tpu.vector_load %arg3[%swap3A_2089] {strides = array<i32>} : memref<8192xi32, #tpu.memory_space<vmem>>, vector<16xi32>,
    %swap3A_2091 = vector.shape_cast %swap3A_2090 : vector<16xi32> to vector<16xi32>
    %swap3A_2092 = vector.shape_cast %add3A_2088 : vector<16xi32> to vector<16xi32>
    tpu.vector_store %arg3[%swap3A_2089], %swap3A_2092 {strides = array<i32>} : memref<8192xi32, #tpu.memory_space<vmem>>, vector<16xi32>,
    %swap3A_2093 = arith.constant 6672 : index
    %swap3A_2094 = tpu.vector_load %arg3[%swap3A_2093] {strides = array<i32>} : memref<8192xi32, #tpu.memory_space<vmem>>, vector<16xi32>,
    %swap3A_2095 = vector.shape_cast %swap3A_2094 : vector<16xi32> to vector<16xi32>
    %swap3A_2096 = vector.shape_cast %add3A_2088 : vector<16xi32> to vector<16xi32>
    tpu.vector_store %arg3[%swap3A_2093], %swap3A_2096 {strides = array<i32>} : memref<8192xi32, #tpu.memory_space<vmem>>, vector<16xi32>,
    %swap3A_2097 = arith.constant 6688 : index
    %swap3A_2098 = tpu.vector_load %arg3[%swap3A_2097] {strides = array<i32>} : memref<8192xi32, #tpu.memory_space<vmem>>, vector<16xi32>,
    %swap3A_2099 = vector.shape_cast %swap3A_2098 : vector<16xi32> to vector<16xi32>
    %swap3A_2100 = vector.shape_cast %add3A_2088 : vector<16xi32> to vector<16xi32>
    tpu.vector_store %arg3[%swap3A_2097], %swap3A_2100 {strides = array<i32>} : memref<8192xi32, #tpu.memory_space<vmem>>, vector<16xi32>,
    %swap3A_2101 = arith.constant 6704 : index
    %swap3A_2102 = tpu.vector_load %arg3[%swap3A_2101] {strides = array<i32>} : memref<8192xi32, #tpu.memory_space<vmem>>, vector<16xi32>,
    %swap3A_2103 = vector.shape_cast %swap3A_2102 : vector<16xi32> to vector<16xi32>
    %swap3A_2104 = vector.shape_cast %add3A_2088 : vector<16xi32> to vector<16xi32>
    tpu.vector_store %arg3[%swap3A_2101], %swap3A_2104 {strides = array<i32>} : memref<8192xi32, #tpu.memory_space<vmem>>, vector<16xi32>,
    %add3A_2105 = arith.constant 105 : i32
    %add3A_2106 = arith.addi %mul3A_2, %add3A_2105 : i32
    %add3A_2107 = vector.broadcast %add3A_2106 : i32 to vector<16xi32>
    %add3A_2108 = arith.addi %mul3A_5, %add3A_2107 : vector<16xi32>
    %swap3A_2109 = arith.constant 6720 : index
    %swap3A_2110 = tpu.vector_load %arg3[%swap3A_2109] {strides = array<i32>} : memref<8192xi32, #tpu.memory_space<vmem>>, vector<16xi32>,
    %swap3A_2111 = vector.shape_cast %swap3A_2110 : vector<16xi32> to vector<16xi32>
    %swap3A_2112 = vector.shape_cast %add3A_2108 : vector<16xi32> to vector<16xi32>
    tpu.vector_store %arg3[%swap3A_2109], %swap3A_2112 {strides = array<i32>} : memref<8192xi32, #tpu.memory_space<vmem>>, vector<16xi32>,
    %swap3A_2113 = arith.constant 6736 : index
    %swap3A_2114 = tpu.vector_load %arg3[%swap3A_2113] {strides = array<i32>} : memref<8192xi32, #tpu.memory_space<vmem>>, vector<16xi32>,
    %swap3A_2115 = vector.shape_cast %swap3A_2114 : vector<16xi32> to vector<16xi32>
    %swap3A_2116 = vector.shape_cast %add3A_2108 : vector<16xi32> to vector<16xi32>
    tpu.vector_store %arg3[%swap3A_2113], %swap3A_2116 {strides = array<i32>} : memref<8192xi32, #tpu.memory_space<vmem>>, vector<16xi32>,
    %swap3A_2117 = arith.constant 6752 : index
    %swap3A_2118 = tpu.vector_load %arg3[%swap3A_2117] {strides = array<i32>} : memref<8192xi32, #tpu.memory_space<vmem>>, vector<16xi32>,
    %swap3A_2119 = vector.shape_cast %swap3A_2118 : vector<16xi32> to vector<16xi32>
    %swap3A_2120 = vector.shape_cast %add3A_2108 : vector<16xi32> to vector<16xi32>
    tpu.vector_store %arg3[%swap3A_2117], %swap3A_2120 {strides = array<i32>} : memref<8192xi32, #tpu.memory_space<vmem>>, vector<16xi32>,
    %swap3A_2121 = arith.constant 6768 : index
    %swap3A_2122 = tpu.vector_load %arg3[%swap3A_2121] {strides = array<i32>} : memref<8192xi32, #tpu.memory_space<vmem>>, vector<16xi32>,
    %swap3A_2123 = vector.shape_cast %swap3A_2122 : vector<16xi32> to vector<16xi32>
    %swap3A_2124 = vector.shape_cast %add3A_2108 : vector<16xi32> to vector<16xi32>
    tpu.vector_store %arg3[%swap3A_2121], %swap3A_2124 {strides = array<i32>} : memref<8192xi32, #tpu.memory_space<vmem>>, vector<16xi32>,
    %add3A_2125 = arith.constant 106 : i32
    %add3A_2126 = arith.addi %mul3A_2, %add3A_2125 : i32
    %add3A_2127 = vector.broadcast %add3A_2126 : i32 to vector<16xi32>
    %add3A_2128 = arith.addi %mul3A_5, %add3A_2127 : vector<16xi32>
    %swap3A_2129 = arith.constant 6784 : index
    %swap3A_2130 = tpu.vector_load %arg3[%swap3A_2129] {strides = array<i32>} : memref<8192xi32, #tpu.memory_space<vmem>>, vector<16xi32>,
    %swap3A_2131 = vector.shape_cast %swap3A_2130 : vector<16xi32> to vector<16xi32>
    %swap3A_2132 = vector.shape_cast %add3A_2128 : vector<16xi32> to vector<16xi32>
    tpu.vector_store %arg3[%swap3A_2129], %swap3A_2132 {strides = array<i32>} : memref<8192xi32, #tpu.memory_space<vmem>>, vector<16xi32>,
    %swap3A_2133 = arith.constant 6800 : index
    %swap3A_2134 = tpu.vector_load %arg3[%swap3A_2133] {strides = array<i32>} : memref<8192xi32, #tpu.memory_space<vmem>>, vector<16xi32>,
    %swap3A_2135 = vector.shape_cast %swap3A_2134 : vector<16xi32> to vector<16xi32>
    %swap3A_2136 = vector.shape_cast %add3A_2128 : vector<16xi32> to vector<16xi32>
    tpu.vector_store %arg3[%swap3A_2133], %swap3A_2136 {strides = array<i32>} : memref<8192xi32, #tpu.memory_space<vmem>>, vector<16xi32>,
    %swap3A_2137 = arith.constant 6816 : index
    %swap3A_2138 = tpu.vector_load %arg3[%swap3A_2137] {strides = array<i32>} : memref<8192xi32, #tpu.memory_space<vmem>>, vector<16xi32>,
    %swap3A_2139 = vector.shape_cast %swap3A_2138 : vector<16xi32> to vector<16xi32>
    %swap3A_2140 = vector.shape_cast %add3A_2128 : vector<16xi32> to vector<16xi32>
    tpu.vector_store %arg3[%swap3A_2137], %swap3A_2140 {strides = array<i32>} : memref<8192xi32, #tpu.memory_space<vmem>>, vector<16xi32>,
    %swap3A_2141 = arith.constant 6832 : index
    %swap3A_2142 = tpu.vector_load %arg3[%swap3A_2141] {strides = array<i32>} : memref<8192xi32, #tpu.memory_space<vmem>>, vector<16xi32>,
    %swap3A_2143 = vector.shape_cast %swap3A_2142 : vector<16xi32> to vector<16xi32>
    %swap3A_2144 = vector.shape_cast %add3A_2128 : vector<16xi32> to vector<16xi32>
    tpu.vector_store %arg3[%swap3A_2141], %swap3A_2144 {strides = array<i32>} : memref<8192xi32, #tpu.memory_space<vmem>>, vector<16xi32>,
    %add3A_2145 = arith.constant 107 : i32
    %add3A_2146 = arith.addi %mul3A_2, %add3A_2145 : i32
    %add3A_2147 = vector.broadcast %add3A_2146 : i32 to vector<16xi32>
    %add3A_2148 = arith.addi %mul3A_5, %add3A_2147 : vector<16xi32>
    %swap3A_2149 = arith.constant 6848 : index
    %swap3A_2150 = tpu.vector_load %arg3[%swap3A_2149] {strides = array<i32>} : memref<8192xi32, #tpu.memory_space<vmem>>, vector<16xi32>,
    %swap3A_2151 = vector.shape_cast %swap3A_2150 : vector<16xi32> to vector<16xi32>
    %swap3A_2152 = vector.shape_cast %add3A_2148 : vector<16xi32> to vector<16xi32>
    tpu.vector_store %arg3[%swap3A_2149], %swap3A_2152 {strides = array<i32>} : memref<8192xi32, #tpu.memory_space<vmem>>, vector<16xi32>,
    %swap3A_2153 = arith.constant 6864 : index
    %swap3A_2154 = tpu.vector_load %arg3[%swap3A_2153] {strides = array<i32>} : memref<8192xi32, #tpu.memory_space<vmem>>, vector<16xi32>,
    %swap3A_2155 = vector.shape_cast %swap3A_2154 : vector<16xi32> to vector<16xi32>
    %swap3A_2156 = vector.shape_cast %add3A_2148 : vector<16xi32> to vector<16xi32>
    tpu.vector_store %arg3[%swap3A_2153], %swap3A_2156 {strides = array<i32>} : memref<8192xi32, #tpu.memory_space<vmem>>, vector<16xi32>,
    %swap3A_2157 = arith.constant 6880 : index
    %swap3A_2158 = tpu.vector_load %arg3[%swap3A_2157] {strides = array<i32>} : memref<8192xi32, #tpu.memory_space<vmem>>, vector<16xi32>,
    %swap3A_2159 = vector.shape_cast %swap3A_2158 : vector<16xi32> to vector<16xi32>
    %swap3A_2160 = vector.shape_cast %add3A_2148 : vector<16xi32> to vector<16xi32>
    tpu.vector_store %arg3[%swap3A_2157], %swap3A_2160 {strides = array<i32>} : memref<8192xi32, #tpu.memory_space<vmem>>, vector<16xi32>,
    %swap3A_2161 = arith.constant 6896 : index
    %swap3A_2162 = tpu.vector_load %arg3[%swap3A_2161] {strides = array<i32>} : memref<8192xi32, #tpu.memory_space<vmem>>, vector<16xi32>,
    %swap3A_2163 = vector.shape_cast %swap3A_2162 : vector<16xi32> to vector<16xi32>
    %swap3A_2164 = vector.shape_cast %add3A_2148 : vector<16xi32> to vector<16xi32>
    tpu.vector_store %arg3[%swap3A_2161], %swap3A_2164 {strides = array<i32>} : memref<8192xi32, #tpu.memory_space<vmem>>, vector<16xi32>,
    %add3A_2165 = arith.constant 108 : i32
    %add3A_2166 = arith.addi %mul3A_2, %add3A_2165 : i32
    %add3A_2167 = vector.broadcast %add3A_2166 : i32 to vector<16xi32>
    %add3A_2168 = arith.addi %mul3A_5, %add3A_2167 : vector<16xi32>
    %swap3A_2169 = arith.constant 6912 : index
    %swap3A_2170 = tpu.vector_load %arg3[%swap3A_2169] {strides = array<i32>} : memref<8192xi32, #tpu.memory_space<vmem>>, vector<16xi32>,
    %swap3A_2171 = vector.shape_cast %swap3A_2170 : vector<16xi32> to vector<16xi32>
    %swap3A_2172 = vector.shape_cast %add3A_2168 : vector<16xi32> to vector<16xi32>
    tpu.vector_store %arg3[%swap3A_2169], %swap3A_2172 {strides = array<i32>} : memref<8192xi32, #tpu.memory_space<vmem>>, vector<16xi32>,
    %swap3A_2173 = arith.constant 6928 : index
    %swap3A_2174 = tpu.vector_load %arg3[%swap3A_2173] {strides = array<i32>} : memref<8192xi32, #tpu.memory_space<vmem>>, vector<16xi32>,
    %swap3A_2175 = vector.shape_cast %swap3A_2174 : vector<16xi32> to vector<16xi32>
    %swap3A_2176 = vector.shape_cast %add3A_2168 : vector<16xi32> to vector<16xi32>
    tpu.vector_store %arg3[%swap3A_2173], %swap3A_2176 {strides = array<i32>} : memref<8192xi32, #tpu.memory_space<vmem>>, vector<16xi32>,
    %swap3A_2177 = arith.constant 6944 : index
    %swap3A_2178 = tpu.vector_load %arg3[%swap3A_2177] {strides = array<i32>} : memref<8192xi32, #tpu.memory_space<vmem>>, vector<16xi32>,
    %swap3A_2179 = vector.shape_cast %swap3A_2178 : vector<16xi32> to vector<16xi32>
    %swap3A_2180 = vector.shape_cast %add3A_2168 : vector<16xi32> to vector<16xi32>
    tpu.vector_store %arg3[%swap3A_2177], %swap3A_2180 {strides = array<i32>} : memref<8192xi32, #tpu.memory_space<vmem>>, vector<16xi32>,
    %swap3A_2181 = arith.constant 6960 : index
    %swap3A_2182 = tpu.vector_load %arg3[%swap3A_2181] {strides = array<i32>} : memref<8192xi32, #tpu.memory_space<vmem>>, vector<16xi32>,
    %swap3A_2183 = vector.shape_cast %swap3A_2182 : vector<16xi32> to vector<16xi32>
    %swap3A_2184 = vector.shape_cast %add3A_2168 : vector<16xi32> to vector<16xi32>
    tpu.vector_store %arg3[%swap3A_2181], %swap3A_2184 {strides = array<i32>} : memref<8192xi32, #tpu.memory_space<vmem>>, vector<16xi32>,
    %add3A_2185 = arith.constant 109 : i32
    %add3A_2186 = arith.addi %mul3A_2, %add3A_2185 : i32
    %add3A_2187 = vector.broadcast %add3A_2186 : i32 to vector<16xi32>
    %add3A_2188 = arith.addi %mul3A_5, %add3A_2187 : vector<16xi32>
    %swap3A_2189 = arith.constant 6976 : index
    %swap3A_2190 = tpu.vector_load %arg3[%swap3A_2189] {strides = array<i32>} : memref<8192xi32, #tpu.memory_space<vmem>>, vector<16xi32>,
    %swap3A_2191 = vector.shape_cast %swap3A_2190 : vector<16xi32> to vector<16xi32>
    %swap3A_2192 = vector.shape_cast %add3A_2188 : vector<16xi32> to vector<16xi32>
    tpu.vector_store %arg3[%swap3A_2189], %swap3A_2192 {strides = array<i32>} : memref<8192xi32, #tpu.memory_space<vmem>>, vector<16xi32>,
    %swap3A_2193 = arith.constant 6992 : index
    %swap3A_2194 = tpu.vector_load %arg3[%swap3A_2193] {strides = array<i32>} : memref<8192xi32, #tpu.memory_space<vmem>>, vector<16xi32>,
    %swap3A_2195 = vector.shape_cast %swap3A_2194 : vector<16xi32> to vector<16xi32>
    %swap3A_2196 = vector.shape_cast %add3A_2188 : vector<16xi32> to vector<16xi32>
    tpu.vector_store %arg3[%swap3A_2193], %swap3A_2196 {strides = array<i32>} : memref<8192xi32, #tpu.memory_space<vmem>>, vector<16xi32>,
    %swap3A_2197 = arith.constant 7008 : index
    %swap3A_2198 = tpu.vector_load %arg3[%swap3A_2197] {strides = array<i32>} : memref<8192xi32, #tpu.memory_space<vmem>>, vector<16xi32>,
    %swap3A_2199 = vector.shape_cast %swap3A_2198 : vector<16xi32> to vector<16xi32>
    %swap3A_2200 = vector.shape_cast %add3A_2188 : vector<16xi32> to vector<16xi32>
    tpu.vector_store %arg3[%swap3A_2197], %swap3A_2200 {strides = array<i32>} : memref<8192xi32, #tpu.memory_space<vmem>>, vector<16xi32>,
    %swap3A_2201 = arith.constant 7024 : index
    %swap3A_2202 = tpu.vector_load %arg3[%swap3A_2201] {strides = array<i32>} : memref<8192xi32, #tpu.memory_space<vmem>>, vector<16xi32>,
    %swap3A_2203 = vector.shape_cast %swap3A_2202 : vector<16xi32> to vector<16xi32>
    %swap3A_2204 = vector.shape_cast %add3A_2188 : vector<16xi32> to vector<16xi32>
    tpu.vector_store %arg3[%swap3A_2201], %swap3A_2204 {strides = array<i32>} : memref<8192xi32, #tpu.memory_space<vmem>>, vector<16xi32>,
    %add3A_2205 = arith.constant 110 : i32
    %add3A_2206 = arith.addi %mul3A_2, %add3A_2205 : i32
    %add3A_2207 = vector.broadcast %add3A_2206 : i32 to vector<16xi32>
    %add3A_2208 = arith.addi %mul3A_5, %add3A_2207 : vector<16xi32>
    %swap3A_2209 = arith.constant 7040 : index
    %swap3A_2210 = tpu.vector_load %arg3[%swap3A_2209] {strides = array<i32>} : memref<8192xi32, #tpu.memory_space<vmem>>, vector<16xi32>,
    %swap3A_2211 = vector.shape_cast %swap3A_2210 : vector<16xi32> to vector<16xi32>
    %swap3A_2212 = vector.shape_cast %add3A_2208 : vector<16xi32> to vector<16xi32>
    tpu.vector_store %arg3[%swap3A_2209], %swap3A_2212 {strides = array<i32>} : memref<8192xi32, #tpu.memory_space<vmem>>, vector<16xi32>,
    %swap3A_2213 = arith.constant 7056 : index
    %swap3A_2214 = tpu.vector_load %arg3[%swap3A_2213] {strides = array<i32>} : memref<8192xi32, #tpu.memory_space<vmem>>, vector<16xi32>,
    %swap3A_2215 = vector.shape_cast %swap3A_2214 : vector<16xi32> to vector<16xi32>
    %swap3A_2216 = vector.shape_cast %add3A_2208 : vector<16xi32> to vector<16xi32>
    tpu.vector_store %arg3[%swap3A_2213], %swap3A_2216 {strides = array<i32>} : memref<8192xi32, #tpu.memory_space<vmem>>, vector<16xi32>,
    %swap3A_2217 = arith.constant 7072 : index
    %swap3A_2218 = tpu.vector_load %arg3[%swap3A_2217] {strides = array<i32>} : memref<8192xi32, #tpu.memory_space<vmem>>, vector<16xi32>,
    %swap3A_2219 = vector.shape_cast %swap3A_2218 : vector<16xi32> to vector<16xi32>
    %swap3A_2220 = vector.shape_cast %add3A_2208 : vector<16xi32> to vector<16xi32>
    tpu.vector_store %arg3[%swap3A_2217], %swap3A_2220 {strides = array<i32>} : memref<8192xi32, #tpu.memory_space<vmem>>, vector<16xi32>,
    %swap3A_2221 = arith.constant 7088 : index
    %swap3A_2222 = tpu.vector_load %arg3[%swap3A_2221] {strides = array<i32>} : memref<8192xi32, #tpu.memory_space<vmem>>, vector<16xi32>,
    %swap3A_2223 = vector.shape_cast %swap3A_2222 : vector<16xi32> to vector<16xi32>
    %swap3A_2224 = vector.shape_cast %add3A_2208 : vector<16xi32> to vector<16xi32>
    tpu.vector_store %arg3[%swap3A_2221], %swap3A_2224 {strides = array<i32>} : memref<8192xi32, #tpu.memory_space<vmem>>, vector<16xi32>,
    %add3A_2225 = arith.constant 111 : i32
    %add3A_2226 = arith.addi %mul3A_2, %add3A_2225 : i32
    %add3A_2227 = vector.broadcast %add3A_2226 : i32 to vector<16xi32>
    %add3A_2228 = arith.addi %mul3A_5, %add3A_2227 : vector<16xi32>
    %swap3A_2229 = arith.constant 7104 : index
    %swap3A_2230 = tpu.vector_load %arg3[%swap3A_2229] {strides = array<i32>} : memref<8192xi32, #tpu.memory_space<vmem>>, vector<16xi32>,
    %swap3A_2231 = vector.shape_cast %swap3A_2230 : vector<16xi32> to vector<16xi32>
    %swap3A_2232 = vector.shape_cast %add3A_2228 : vector<16xi32> to vector<16xi32>
    tpu.vector_store %arg3[%swap3A_2229], %swap3A_2232 {strides = array<i32>} : memref<8192xi32, #tpu.memory_space<vmem>>, vector<16xi32>,
    %swap3A_2233 = arith.constant 7120 : index
    %swap3A_2234 = tpu.vector_load %arg3[%swap3A_2233] {strides = array<i32>} : memref<8192xi32, #tpu.memory_space<vmem>>, vector<16xi32>,
    %swap3A_2235 = vector.shape_cast %swap3A_2234 : vector<16xi32> to vector<16xi32>
    %swap3A_2236 = vector.shape_cast %add3A_2228 : vector<16xi32> to vector<16xi32>
    tpu.vector_store %arg3[%swap3A_2233], %swap3A_2236 {strides = array<i32>} : memref<8192xi32, #tpu.memory_space<vmem>>, vector<16xi32>,
    %swap3A_2237 = arith.constant 7136 : index
    %swap3A_2238 = tpu.vector_load %arg3[%swap3A_2237] {strides = array<i32>} : memref<8192xi32, #tpu.memory_space<vmem>>, vector<16xi32>,
    %swap3A_2239 = vector.shape_cast %swap3A_2238 : vector<16xi32> to vector<16xi32>
    %swap3A_2240 = vector.shape_cast %add3A_2228 : vector<16xi32> to vector<16xi32>
    tpu.vector_store %arg3[%swap3A_2237], %swap3A_2240 {strides = array<i32>} : memref<8192xi32, #tpu.memory_space<vmem>>, vector<16xi32>,
    %swap3A_2241 = arith.constant 7152 : index
    %swap3A_2242 = tpu.vector_load %arg3[%swap3A_2241] {strides = array<i32>} : memref<8192xi32, #tpu.memory_space<vmem>>, vector<16xi32>,
    %swap3A_2243 = vector.shape_cast %swap3A_2242 : vector<16xi32> to vector<16xi32>
    %swap3A_2244 = vector.shape_cast %add3A_2228 : vector<16xi32> to vector<16xi32>
    tpu.vector_store %arg3[%swap3A_2241], %swap3A_2244 {strides = array<i32>} : memref<8192xi32, #tpu.memory_space<vmem>>, vector<16xi32>,
    %add3A_2245 = arith.constant 112 : i32
    %add3A_2246 = arith.addi %mul3A_2, %add3A_2245 : i32
    %add3A_2247 = vector.broadcast %add3A_2246 : i32 to vector<16xi32>
    %add3A_2248 = arith.addi %mul3A_5, %add3A_2247 : vector<16xi32>
    %swap3A_2249 = arith.constant 7168 : index
    %swap3A_2250 = tpu.vector_load %arg3[%swap3A_2249] {strides = array<i32>} : memref<8192xi32, #tpu.memory_space<vmem>>, vector<16xi32>,
    %swap3A_2251 = vector.shape_cast %swap3A_2250 : vector<16xi32> to vector<16xi32>
    %swap3A_2252 = vector.shape_cast %add3A_2248 : vector<16xi32> to vector<16xi32>
    tpu.vector_store %arg3[%swap3A_2249], %swap3A_2252 {strides = array<i32>} : memref<8192xi32, #tpu.memory_space<vmem>>, vector<16xi32>,
    %swap3A_2253 = arith.constant 7184 : index
    %swap3A_2254 = tpu.vector_load %arg3[%swap3A_2253] {strides = array<i32>} : memref<8192xi32, #tpu.memory_space<vmem>>, vector<16xi32>,
    %swap3A_2255 = vector.shape_cast %swap3A_2254 : vector<16xi32> to vector<16xi32>
    %swap3A_2256 = vector.shape_cast %add3A_2248 : vector<16xi32> to vector<16xi32>
    tpu.vector_store %arg3[%swap3A_2253], %swap3A_2256 {strides = array<i32>} : memref<8192xi32, #tpu.memory_space<vmem>>, vector<16xi32>,
    %swap3A_2257 = arith.constant 7200 : index
    %swap3A_2258 = tpu.vector_load %arg3[%swap3A_2257] {strides = array<i32>} : memref<8192xi32, #tpu.memory_space<vmem>>, vector<16xi32>,
    %swap3A_2259 = vector.shape_cast %swap3A_2258 : vector<16xi32> to vector<16xi32>
    %swap3A_2260 = vector.shape_cast %add3A_2248 : vector<16xi32> to vector<16xi32>
    tpu.vector_store %arg3[%swap3A_2257], %swap3A_2260 {strides = array<i32>} : memref<8192xi32, #tpu.memory_space<vmem>>, vector<16xi32>,
    %swap3A_2261 = arith.constant 7216 : index
    %swap3A_2262 = tpu.vector_load %arg3[%swap3A_2261] {strides = array<i32>} : memref<8192xi32, #tpu.memory_space<vmem>>, vector<16xi32>,
    %swap3A_2263 = vector.shape_cast %swap3A_2262 : vector<16xi32> to vector<16xi32>
    %swap3A_2264 = vector.shape_cast %add3A_2248 : vector<16xi32> to vector<16xi32>
    tpu.vector_store %arg3[%swap3A_2261], %swap3A_2264 {strides = array<i32>} : memref<8192xi32, #tpu.memory_space<vmem>>, vector<16xi32>,
    %add3A_2265 = arith.constant 113 : i32
    %add3A_2266 = arith.addi %mul3A_2, %add3A_2265 : i32
    %add3A_2267 = vector.broadcast %add3A_2266 : i32 to vector<16xi32>
    %add3A_2268 = arith.addi %mul3A_5, %add3A_2267 : vector<16xi32>
    %swap3A_2269 = arith.constant 7232 : index
    %swap3A_2270 = tpu.vector_load %arg3[%swap3A_2269] {strides = array<i32>} : memref<8192xi32, #tpu.memory_space<vmem>>, vector<16xi32>,
    %swap3A_2271 = vector.shape_cast %swap3A_2270 : vector<16xi32> to vector<16xi32>
    %swap3A_2272 = vector.shape_cast %add3A_2268 : vector<16xi32> to vector<16xi32>
    tpu.vector_store %arg3[%swap3A_2269], %swap3A_2272 {strides = array<i32>} : memref<8192xi32, #tpu.memory_space<vmem>>, vector<16xi32>,
    %swap3A_2273 = arith.constant 7248 : index
    %swap3A_2274 = tpu.vector_load %arg3[%swap3A_2273] {strides = array<i32>} : memref<8192xi32, #tpu.memory_space<vmem>>, vector<16xi32>,
    %swap3A_2275 = vector.shape_cast %swap3A_2274 : vector<16xi32> to vector<16xi32>
    %swap3A_2276 = vector.shape_cast %add3A_2268 : vector<16xi32> to vector<16xi32>
    tpu.vector_store %arg3[%swap3A_2273], %swap3A_2276 {strides = array<i32>} : memref<8192xi32, #tpu.memory_space<vmem>>, vector<16xi32>,
    %swap3A_2277 = arith.constant 7264 : index
    %swap3A_2278 = tpu.vector_load %arg3[%swap3A_2277] {strides = array<i32>} : memref<8192xi32, #tpu.memory_space<vmem>>, vector<16xi32>,
    %swap3A_2279 = vector.shape_cast %swap3A_2278 : vector<16xi32> to vector<16xi32>
    %swap3A_2280 = vector.shape_cast %add3A_2268 : vector<16xi32> to vector<16xi32>
    tpu.vector_store %arg3[%swap3A_2277], %swap3A_2280 {strides = array<i32>} : memref<8192xi32, #tpu.memory_space<vmem>>, vector<16xi32>,
    %swap3A_2281 = arith.constant 7280 : index
    %swap3A_2282 = tpu.vector_load %arg3[%swap3A_2281] {strides = array<i32>} : memref<8192xi32, #tpu.memory_space<vmem>>, vector<16xi32>,
    %swap3A_2283 = vector.shape_cast %swap3A_2282 : vector<16xi32> to vector<16xi32>
    %swap3A_2284 = vector.shape_cast %add3A_2268 : vector<16xi32> to vector<16xi32>
    tpu.vector_store %arg3[%swap3A_2281], %swap3A_2284 {strides = array<i32>} : memref<8192xi32, #tpu.memory_space<vmem>>, vector<16xi32>,
    %add3A_2285 = arith.constant 114 : i32
    %add3A_2286 = arith.addi %mul3A_2, %add3A_2285 : i32
    %add3A_2287 = vector.broadcast %add3A_2286 : i32 to vector<16xi32>
    %add3A_2288 = arith.addi %mul3A_5, %add3A_2287 : vector<16xi32>
    %swap3A_2289 = arith.constant 7296 : index
    %swap3A_2290 = tpu.vector_load %arg3[%swap3A_2289] {strides = array<i32>} : memref<8192xi32, #tpu.memory_space<vmem>>, vector<16xi32>,
    %swap3A_2291 = vector.shape_cast %swap3A_2290 : vector<16xi32> to vector<16xi32>
    %swap3A_2292 = vector.shape_cast %add3A_2288 : vector<16xi32> to vector<16xi32>
    tpu.vector_store %arg3[%swap3A_2289], %swap3A_2292 {strides = array<i32>} : memref<8192xi32, #tpu.memory_space<vmem>>, vector<16xi32>,
    %swap3A_2293 = arith.constant 7312 : index
    %swap3A_2294 = tpu.vector_load %arg3[%swap3A_2293] {strides = array<i32>} : memref<8192xi32, #tpu.memory_space<vmem>>, vector<16xi32>,
    %swap3A_2295 = vector.shape_cast %swap3A_2294 : vector<16xi32> to vector<16xi32>
    %swap3A_2296 = vector.shape_cast %add3A_2288 : vector<16xi32> to vector<16xi32>
    tpu.vector_store %arg3[%swap3A_2293], %swap3A_2296 {strides = array<i32>} : memref<8192xi32, #tpu.memory_space<vmem>>, vector<16xi32>,
    %swap3A_2297 = arith.constant 7328 : index
    %swap3A_2298 = tpu.vector_load %arg3[%swap3A_2297] {strides = array<i32>} : memref<8192xi32, #tpu.memory_space<vmem>>, vector<16xi32>,
    %swap3A_2299 = vector.shape_cast %swap3A_2298 : vector<16xi32> to vector<16xi32>
    %swap3A_2300 = vector.shape_cast %add3A_2288 : vector<16xi32> to vector<16xi32>
    tpu.vector_store %arg3[%swap3A_2297], %swap3A_2300 {strides = array<i32>} : memref<8192xi32, #tpu.memory_space<vmem>>, vector<16xi32>,
    %swap3A_2301 = arith.constant 7344 : index
    %swap3A_2302 = tpu.vector_load %arg3[%swap3A_2301] {strides = array<i32>} : memref<8192xi32, #tpu.memory_space<vmem>>, vector<16xi32>,
    %swap3A_2303 = vector.shape_cast %swap3A_2302 : vector<16xi32> to vector<16xi32>
    %swap3A_2304 = vector.shape_cast %add3A_2288 : vector<16xi32> to vector<16xi32>
    tpu.vector_store %arg3[%swap3A_2301], %swap3A_2304 {strides = array<i32>} : memref<8192xi32, #tpu.memory_space<vmem>>, vector<16xi32>,
    %add3A_2305 = arith.constant 115 : i32
    %add3A_2306 = arith.addi %mul3A_2, %add3A_2305 : i32
    %add3A_2307 = vector.broadcast %add3A_2306 : i32 to vector<16xi32>
    %add3A_2308 = arith.addi %mul3A_5, %add3A_2307 : vector<16xi32>
    %swap3A_2309 = arith.constant 7360 : index
    %swap3A_2310 = tpu.vector_load %arg3[%swap3A_2309] {strides = array<i32>} : memref<8192xi32, #tpu.memory_space<vmem>>, vector<16xi32>,
    %swap3A_2311 = vector.shape_cast %swap3A_2310 : vector<16xi32> to vector<16xi32>
    %swap3A_2312 = vector.shape_cast %add3A_2308 : vector<16xi32> to vector<16xi32>
    tpu.vector_store %arg3[%swap3A_2309], %swap3A_2312 {strides = array<i32>} : memref<8192xi32, #tpu.memory_space<vmem>>, vector<16xi32>,
    %swap3A_2313 = arith.constant 7376 : index
    %swap3A_2314 = tpu.vector_load %arg3[%swap3A_2313] {strides = array<i32>} : memref<8192xi32, #tpu.memory_space<vmem>>, vector<16xi32>,
    %swap3A_2315 = vector.shape_cast %swap3A_2314 : vector<16xi32> to vector<16xi32>
    %swap3A_2316 = vector.shape_cast %add3A_2308 : vector<16xi32> to vector<16xi32>
    tpu.vector_store %arg3[%swap3A_2313], %swap3A_2316 {strides = array<i32>} : memref<8192xi32, #tpu.memory_space<vmem>>, vector<16xi32>,
    %swap3A_2317 = arith.constant 7392 : index
    %swap3A_2318 = tpu.vector_load %arg3[%swap3A_2317] {strides = array<i32>} : memref<8192xi32, #tpu.memory_space<vmem>>, vector<16xi32>,
    %swap3A_2319 = vector.shape_cast %swap3A_2318 : vector<16xi32> to vector<16xi32>
    %swap3A_2320 = vector.shape_cast %add3A_2308 : vector<16xi32> to vector<16xi32>
    tpu.vector_store %arg3[%swap3A_2317], %swap3A_2320 {strides = array<i32>} : memref<8192xi32, #tpu.memory_space<vmem>>, vector<16xi32>,
    %swap3A_2321 = arith.constant 7408 : index
    %swap3A_2322 = tpu.vector_load %arg3[%swap3A_2321] {strides = array<i32>} : memref<8192xi32, #tpu.memory_space<vmem>>, vector<16xi32>,
    %swap3A_2323 = vector.shape_cast %swap3A_2322 : vector<16xi32> to vector<16xi32>
    %swap3A_2324 = vector.shape_cast %add3A_2308 : vector<16xi32> to vector<16xi32>
    tpu.vector_store %arg3[%swap3A_2321], %swap3A_2324 {strides = array<i32>} : memref<8192xi32, #tpu.memory_space<vmem>>, vector<16xi32>,
    %add3A_2325 = arith.constant 116 : i32
    %add3A_2326 = arith.addi %mul3A_2, %add3A_2325 : i32
    %add3A_2327 = vector.broadcast %add3A_2326 : i32 to vector<16xi32>
    %add3A_2328 = arith.addi %mul3A_5, %add3A_2327 : vector<16xi32>
    %swap3A_2329 = arith.constant 7424 : index
    %swap3A_2330 = tpu.vector_load %arg3[%swap3A_2329] {strides = array<i32>} : memref<8192xi32, #tpu.memory_space<vmem>>, vector<16xi32>,
    %swap3A_2331 = vector.shape_cast %swap3A_2330 : vector<16xi32> to vector<16xi32>
    %swap3A_2332 = vector.shape_cast %add3A_2328 : vector<16xi32> to vector<16xi32>
    tpu.vector_store %arg3[%swap3A_2329], %swap3A_2332 {strides = array<i32>} : memref<8192xi32, #tpu.memory_space<vmem>>, vector<16xi32>,
    %swap3A_2333 = arith.constant 7440 : index
    %swap3A_2334 = tpu.vector_load %arg3[%swap3A_2333] {strides = array<i32>} : memref<8192xi32, #tpu.memory_space<vmem>>, vector<16xi32>,
    %swap3A_2335 = vector.shape_cast %swap3A_2334 : vector<16xi32> to vector<16xi32>
    %swap3A_2336 = vector.shape_cast %add3A_2328 : vector<16xi32> to vector<16xi32>
    tpu.vector_store %arg3[%swap3A_2333], %swap3A_2336 {strides = array<i32>} : memref<8192xi32, #tpu.memory_space<vmem>>, vector<16xi32>,
    %swap3A_2337 = arith.constant 7456 : index
    %swap3A_2338 = tpu.vector_load %arg3[%swap3A_2337] {strides = array<i32>} : memref<8192xi32, #tpu.memory_space<vmem>>, vector<16xi32>,
    %swap3A_2339 = vector.shape_cast %swap3A_2338 : vector<16xi32> to vector<16xi32>
    %swap3A_2340 = vector.shape_cast %add3A_2328 : vector<16xi32> to vector<16xi32>
    tpu.vector_store %arg3[%swap3A_2337], %swap3A_2340 {strides = array<i32>} : memref<8192xi32, #tpu.memory_space<vmem>>, vector<16xi32>,
    %swap3A_2341 = arith.constant 7472 : index
    %swap3A_2342 = tpu.vector_load %arg3[%swap3A_2341] {strides = array<i32>} : memref<8192xi32, #tpu.memory_space<vmem>>, vector<16xi32>,
    %swap3A_2343 = vector.shape_cast %swap3A_2342 : vector<16xi32> to vector<16xi32>
    %swap3A_2344 = vector.shape_cast %add3A_2328 : vector<16xi32> to vector<16xi32>
    tpu.vector_store %arg3[%swap3A_2341], %swap3A_2344 {strides = array<i32>} : memref<8192xi32, #tpu.memory_space<vmem>>, vector<16xi32>,
    %add3A_2345 = arith.constant 117 : i32
    %add3A_2346 = arith.addi %mul3A_2, %add3A_2345 : i32
    %add3A_2347 = vector.broadcast %add3A_2346 : i32 to vector<16xi32>
    %add3A_2348 = arith.addi %mul3A_5, %add3A_2347 : vector<16xi32>
    %swap3A_2349 = arith.constant 7488 : index
    %swap3A_2350 = tpu.vector_load %arg3[%swap3A_2349] {strides = array<i32>} : memref<8192xi32, #tpu.memory_space<vmem>>, vector<16xi32>,
    %swap3A_2351 = vector.shape_cast %swap3A_2350 : vector<16xi32> to vector<16xi32>
    %swap3A_2352 = vector.shape_cast %add3A_2348 : vector<16xi32> to vector<16xi32>
    tpu.vector_store %arg3[%swap3A_2349], %swap3A_2352 {strides = array<i32>} : memref<8192xi32, #tpu.memory_space<vmem>>, vector<16xi32>,
    %swap3A_2353 = arith.constant 7504 : index
    %swap3A_2354 = tpu.vector_load %arg3[%swap3A_2353] {strides = array<i32>} : memref<8192xi32, #tpu.memory_space<vmem>>, vector<16xi32>,
    %swap3A_2355 = vector.shape_cast %swap3A_2354 : vector<16xi32> to vector<16xi32>
    %swap3A_2356 = vector.shape_cast %add3A_2348 : vector<16xi32> to vector<16xi32>
    tpu.vector_store %arg3[%swap3A_2353], %swap3A_2356 {strides = array<i32>} : memref<8192xi32, #tpu.memory_space<vmem>>, vector<16xi32>,
    %swap3A_2357 = arith.constant 7520 : index
    %swap3A_2358 = tpu.vector_load %arg3[%swap3A_2357] {strides = array<i32>} : memref<8192xi32, #tpu.memory_space<vmem>>, vector<16xi32>,
    %swap3A_2359 = vector.shape_cast %swap3A_2358 : vector<16xi32> to vector<16xi32>
    %swap3A_2360 = vector.shape_cast %add3A_2348 : vector<16xi32> to vector<16xi32>
    tpu.vector_store %arg3[%swap3A_2357], %swap3A_2360 {strides = array<i32>} : memref<8192xi32, #tpu.memory_space<vmem>>, vector<16xi32>,
    %swap3A_2361 = arith.constant 7536 : index
    %swap3A_2362 = tpu.vector_load %arg3[%swap3A_2361] {strides = array<i32>} : memref<8192xi32, #tpu.memory_space<vmem>>, vector<16xi32>,
    %swap3A_2363 = vector.shape_cast %swap3A_2362 : vector<16xi32> to vector<16xi32>
    %swap3A_2364 = vector.shape_cast %add3A_2348 : vector<16xi32> to vector<16xi32>
    tpu.vector_store %arg3[%swap3A_2361], %swap3A_2364 {strides = array<i32>} : memref<8192xi32, #tpu.memory_space<vmem>>, vector<16xi32>,
    %add3A_2365 = arith.constant 118 : i32
    %add3A_2366 = arith.addi %mul3A_2, %add3A_2365 : i32
    %add3A_2367 = vector.broadcast %add3A_2366 : i32 to vector<16xi32>
    %add3A_2368 = arith.addi %mul3A_5, %add3A_2367 : vector<16xi32>
    %swap3A_2369 = arith.constant 7552 : index
    %swap3A_2370 = tpu.vector_load %arg3[%swap3A_2369] {strides = array<i32>} : memref<8192xi32, #tpu.memory_space<vmem>>, vector<16xi32>,
    %swap3A_2371 = vector.shape_cast %swap3A_2370 : vector<16xi32> to vector<16xi32>
    %swap3A_2372 = vector.shape_cast %add3A_2368 : vector<16xi32> to vector<16xi32>
    tpu.vector_store %arg3[%swap3A_2369], %swap3A_2372 {strides = array<i32>} : memref<8192xi32, #tpu.memory_space<vmem>>, vector<16xi32>,
    %swap3A_2373 = arith.constant 7568 : index
    %swap3A_2374 = tpu.vector_load %arg3[%swap3A_2373] {strides = array<i32>} : memref<8192xi32, #tpu.memory_space<vmem>>, vector<16xi32>,
    %swap3A_2375 = vector.shape_cast %swap3A_2374 : vector<16xi32> to vector<16xi32>
    %swap3A_2376 = vector.shape_cast %add3A_2368 : vector<16xi32> to vector<16xi32>
    tpu.vector_store %arg3[%swap3A_2373], %swap3A_2376 {strides = array<i32>} : memref<8192xi32, #tpu.memory_space<vmem>>, vector<16xi32>,
    %swap3A_2377 = arith.constant 7584 : index
    %swap3A_2378 = tpu.vector_load %arg3[%swap3A_2377] {strides = array<i32>} : memref<8192xi32, #tpu.memory_space<vmem>>, vector<16xi32>,
    %swap3A_2379 = vector.shape_cast %swap3A_2378 : vector<16xi32> to vector<16xi32>
    %swap3A_2380 = vector.shape_cast %add3A_2368 : vector<16xi32> to vector<16xi32>
    tpu.vector_store %arg3[%swap3A_2377], %swap3A_2380 {strides = array<i32>} : memref<8192xi32, #tpu.memory_space<vmem>>, vector<16xi32>,
    %swap3A_2381 = arith.constant 7600 : index
    %swap3A_2382 = tpu.vector_load %arg3[%swap3A_2381] {strides = array<i32>} : memref<8192xi32, #tpu.memory_space<vmem>>, vector<16xi32>,
    %swap3A_2383 = vector.shape_cast %swap3A_2382 : vector<16xi32> to vector<16xi32>
    %swap3A_2384 = vector.shape_cast %add3A_2368 : vector<16xi32> to vector<16xi32>
    tpu.vector_store %arg3[%swap3A_2381], %swap3A_2384 {strides = array<i32>} : memref<8192xi32, #tpu.memory_space<vmem>>, vector<16xi32>,
    %add3A_2385 = arith.constant 119 : i32
    %add3A_2386 = arith.addi %mul3A_2, %add3A_2385 : i32
    %add3A_2387 = vector.broadcast %add3A_2386 : i32 to vector<16xi32>
    %add3A_2388 = arith.addi %mul3A_5, %add3A_2387 : vector<16xi32>
    %swap3A_2389 = arith.constant 7616 : index
    %swap3A_2390 = tpu.vector_load %arg3[%swap3A_2389] {strides = array<i32>} : memref<8192xi32, #tpu.memory_space<vmem>>, vector<16xi32>,
    %swap3A_2391 = vector.shape_cast %swap3A_2390 : vector<16xi32> to vector<16xi32>
    %swap3A_2392 = vector.shape_cast %add3A_2388 : vector<16xi32> to vector<16xi32>
    tpu.vector_store %arg3[%swap3A_2389], %swap3A_2392 {strides = array<i32>} : memref<8192xi32, #tpu.memory_space<vmem>>, vector<16xi32>,
    %swap3A_2393 = arith.constant 7632 : index
    %swap3A_2394 = tpu.vector_load %arg3[%swap3A_2393] {strides = array<i32>} : memref<8192xi32, #tpu.memory_space<vmem>>, vector<16xi32>,
    %swap3A_2395 = vector.shape_cast %swap3A_2394 : vector<16xi32> to vector<16xi32>
    %swap3A_2396 = vector.shape_cast %add3A_2388 : vector<16xi32> to vector<16xi32>
    tpu.vector_store %arg3[%swap3A_2393], %swap3A_2396 {strides = array<i32>} : memref<8192xi32, #tpu.memory_space<vmem>>, vector<16xi32>,
    %swap3A_2397 = arith.constant 7648 : index
    %swap3A_2398 = tpu.vector_load %arg3[%swap3A_2397] {strides = array<i32>} : memref<8192xi32, #tpu.memory_space<vmem>>, vector<16xi32>,
    %swap3A_2399 = vector.shape_cast %swap3A_2398 : vector<16xi32> to vector<16xi32>
    %swap3A_2400 = vector.shape_cast %add3A_2388 : vector<16xi32> to vector<16xi32>
    tpu.vector_store %arg3[%swap3A_2397], %swap3A_2400 {strides = array<i32>} : memref<8192xi32, #tpu.memory_space<vmem>>, vector<16xi32>,
    %swap3A_2401 = arith.constant 7664 : index
    %swap3A_2402 = tpu.vector_load %arg3[%swap3A_2401] {strides = array<i32>} : memref<8192xi32, #tpu.memory_space<vmem>>, vector<16xi32>,
    %swap3A_2403 = vector.shape_cast %swap3A_2402 : vector<16xi32> to vector<16xi32>
    %swap3A_2404 = vector.shape_cast %add3A_2388 : vector<16xi32> to vector<16xi32>
    tpu.vector_store %arg3[%swap3A_2401], %swap3A_2404 {strides = array<i32>} : memref<8192xi32, #tpu.memory_space<vmem>>, vector<16xi32>,
    %add3A_2405 = arith.constant 120 : i32
    %add3A_2406 = arith.addi %mul3A_2, %add3A_2405 : i32
    %add3A_2407 = vector.broadcast %add3A_2406 : i32 to vector<16xi32>
    %add3A_2408 = arith.addi %mul3A_5, %add3A_2407 : vector<16xi32>
    %swap3A_2409 = arith.constant 7680 : index
    %swap3A_2410 = tpu.vector_load %arg3[%swap3A_2409] {strides = array<i32>} : memref<8192xi32, #tpu.memory_space<vmem>>, vector<16xi32>,
    %swap3A_2411 = vector.shape_cast %swap3A_2410 : vector<16xi32> to vector<16xi32>
    %swap3A_2412 = vector.shape_cast %add3A_2408 : vector<16xi32> to vector<16xi32>
    tpu.vector_store %arg3[%swap3A_2409], %swap3A_2412 {strides = array<i32>} : memref<8192xi32, #tpu.memory_space<vmem>>, vector<16xi32>,
    %swap3A_2413 = arith.constant 7696 : index
    %swap3A_2414 = tpu.vector_load %arg3[%swap3A_2413] {strides = array<i32>} : memref<8192xi32, #tpu.memory_space<vmem>>, vector<16xi32>,
    %swap3A_2415 = vector.shape_cast %swap3A_2414 : vector<16xi32> to vector<16xi32>
    %swap3A_2416 = vector.shape_cast %add3A_2408 : vector<16xi32> to vector<16xi32>
    tpu.vector_store %arg3[%swap3A_2413], %swap3A_2416 {strides = array<i32>} : memref<8192xi32, #tpu.memory_space<vmem>>, vector<16xi32>,
    %swap3A_2417 = arith.constant 7712 : index
    %swap3A_2418 = tpu.vector_load %arg3[%swap3A_2417] {strides = array<i32>} : memref<8192xi32, #tpu.memory_space<vmem>>, vector<16xi32>,
    %swap3A_2419 = vector.shape_cast %swap3A_2418 : vector<16xi32> to vector<16xi32>
    %swap3A_2420 = vector.shape_cast %add3A_2408 : vector<16xi32> to vector<16xi32>
    tpu.vector_store %arg3[%swap3A_2417], %swap3A_2420 {strides = array<i32>} : memref<8192xi32, #tpu.memory_space<vmem>>, vector<16xi32>,
    %swap3A_2421 = arith.constant 7728 : index
    %swap3A_2422 = tpu.vector_load %arg3[%swap3A_2421] {strides = array<i32>} : memref<8192xi32, #tpu.memory_space<vmem>>, vector<16xi32>,
    %swap3A_2423 = vector.shape_cast %swap3A_2422 : vector<16xi32> to vector<16xi32>
    %swap3A_2424 = vector.shape_cast %add3A_2408 : vector<16xi32> to vector<16xi32>
    tpu.vector_store %arg3[%swap3A_2421], %swap3A_2424 {strides = array<i32>} : memref<8192xi32, #tpu.memory_space<vmem>>, vector<16xi32>,
    %add3A_2425 = arith.constant 121 : i32
    %add3A_2426 = arith.addi %mul3A_2, %add3A_2425 : i32
    %add3A_2427 = vector.broadcast %add3A_2426 : i32 to vector<16xi32>
    %add3A_2428 = arith.addi %mul3A_5, %add3A_2427 : vector<16xi32>
    %swap3A_2429 = arith.constant 7744 : index
    %swap3A_2430 = tpu.vector_load %arg3[%swap3A_2429] {strides = array<i32>} : memref<8192xi32, #tpu.memory_space<vmem>>, vector<16xi32>,
    %swap3A_2431 = vector.shape_cast %swap3A_2430 : vector<16xi32> to vector<16xi32>
    %swap3A_2432 = vector.shape_cast %add3A_2428 : vector<16xi32> to vector<16xi32>
    tpu.vector_store %arg3[%swap3A_2429], %swap3A_2432 {strides = array<i32>} : memref<8192xi32, #tpu.memory_space<vmem>>, vector<16xi32>,
    %swap3A_2433 = arith.constant 7760 : index
    %swap3A_2434 = tpu.vector_load %arg3[%swap3A_2433] {strides = array<i32>} : memref<8192xi32, #tpu.memory_space<vmem>>, vector<16xi32>,
    %swap3A_2435 = vector.shape_cast %swap3A_2434 : vector<16xi32> to vector<16xi32>
    %swap3A_2436 = vector.shape_cast %add3A_2428 : vector<16xi32> to vector<16xi32>
    tpu.vector_store %arg3[%swap3A_2433], %swap3A_2436 {strides = array<i32>} : memref<8192xi32, #tpu.memory_space<vmem>>, vector<16xi32>,
    %swap3A_2437 = arith.constant 7776 : index
    %swap3A_2438 = tpu.vector_load %arg3[%swap3A_2437] {strides = array<i32>} : memref<8192xi32, #tpu.memory_space<vmem>>, vector<16xi32>,
    %swap3A_2439 = vector.shape_cast %swap3A_2438 : vector<16xi32> to vector<16xi32>
    %swap3A_2440 = vector.shape_cast %add3A_2428 : vector<16xi32> to vector<16xi32>
    tpu.vector_store %arg3[%swap3A_2437], %swap3A_2440 {strides = array<i32>} : memref<8192xi32, #tpu.memory_space<vmem>>, vector<16xi32>,
    %swap3A_2441 = arith.constant 7792 : index
    %swap3A_2442 = tpu.vector_load %arg3[%swap3A_2441] {strides = array<i32>} : memref<8192xi32, #tpu.memory_space<vmem>>, vector<16xi32>,
    %swap3A_2443 = vector.shape_cast %swap3A_2442 : vector<16xi32> to vector<16xi32>
    %swap3A_2444 = vector.shape_cast %add3A_2428 : vector<16xi32> to vector<16xi32>
    tpu.vector_store %arg3[%swap3A_2441], %swap3A_2444 {strides = array<i32>} : memref<8192xi32, #tpu.memory_space<vmem>>, vector<16xi32>,
    %add3A_2445 = arith.constant 122 : i32
    %add3A_2446 = arith.addi %mul3A_2, %add3A_2445 : i32
    %add3A_2447 = vector.broadcast %add3A_2446 : i32 to vector<16xi32>
    %add3A_2448 = arith.addi %mul3A_5, %add3A_2447 : vector<16xi32>
    %swap3A_2449 = arith.constant 7808 : index
    %swap3A_2450 = tpu.vector_load %arg3[%swap3A_2449] {strides = array<i32>} : memref<8192xi32, #tpu.memory_space<vmem>>, vector<16xi32>,
    %swap3A_2451 = vector.shape_cast %swap3A_2450 : vector<16xi32> to vector<16xi32>
    %swap3A_2452 = vector.shape_cast %add3A_2448 : vector<16xi32> to vector<16xi32>
    tpu.vector_store %arg3[%swap3A_2449], %swap3A_2452 {strides = array<i32>} : memref<8192xi32, #tpu.memory_space<vmem>>, vector<16xi32>,
    %swap3A_2453 = arith.constant 7824 : index
    %swap3A_2454 = tpu.vector_load %arg3[%swap3A_2453] {strides = array<i32>} : memref<8192xi32, #tpu.memory_space<vmem>>, vector<16xi32>,
    %swap3A_2455 = vector.shape_cast %swap3A_2454 : vector<16xi32> to vector<16xi32>
    %swap3A_2456 = vector.shape_cast %add3A_2448 : vector<16xi32> to vector<16xi32>
    tpu.vector_store %arg3[%swap3A_2453], %swap3A_2456 {strides = array<i32>} : memref<8192xi32, #tpu.memory_space<vmem>>, vector<16xi32>,
    %swap3A_2457 = arith.constant 7840 : index
    %swap3A_2458 = tpu.vector_load %arg3[%swap3A_2457] {strides = array<i32>} : memref<8192xi32, #tpu.memory_space<vmem>>, vector<16xi32>,
    %swap3A_2459 = vector.shape_cast %swap3A_2458 : vector<16xi32> to vector<16xi32>
    %swap3A_2460 = vector.shape_cast %add3A_2448 : vector<16xi32> to vector<16xi32>
    tpu.vector_store %arg3[%swap3A_2457], %swap3A_2460 {strides = array<i32>} : memref<8192xi32, #tpu.memory_space<vmem>>, vector<16xi32>,
    %swap3A_2461 = arith.constant 7856 : index
    %swap3A_2462 = tpu.vector_load %arg3[%swap3A_2461] {strides = array<i32>} : memref<8192xi32, #tpu.memory_space<vmem>>, vector<16xi32>,
    %swap3A_2463 = vector.shape_cast %swap3A_2462 : vector<16xi32> to vector<16xi32>
    %swap3A_2464 = vector.shape_cast %add3A_2448 : vector<16xi32> to vector<16xi32>
    tpu.vector_store %arg3[%swap3A_2461], %swap3A_2464 {strides = array<i32>} : memref<8192xi32, #tpu.memory_space<vmem>>, vector<16xi32>,
    %add3A_2465 = arith.constant 123 : i32
    %add3A_2466 = arith.addi %mul3A_2, %add3A_2465 : i32
    %add3A_2467 = vector.broadcast %add3A_2466 : i32 to vector<16xi32>
    %add3A_2468 = arith.addi %mul3A_5, %add3A_2467 : vector<16xi32>
    %swap3A_2469 = arith.constant 7872 : index
    %swap3A_2470 = tpu.vector_load %arg3[%swap3A_2469] {strides = array<i32>} : memref<8192xi32, #tpu.memory_space<vmem>>, vector<16xi32>,
    %swap3A_2471 = vector.shape_cast %swap3A_2470 : vector<16xi32> to vector<16xi32>
    %swap3A_2472 = vector.shape_cast %add3A_2468 : vector<16xi32> to vector<16xi32>
    tpu.vector_store %arg3[%swap3A_2469], %swap3A_2472 {strides = array<i32>} : memref<8192xi32, #tpu.memory_space<vmem>>, vector<16xi32>,
    %swap3A_2473 = arith.constant 7888 : index
    %swap3A_2474 = tpu.vector_load %arg3[%swap3A_2473] {strides = array<i32>} : memref<8192xi32, #tpu.memory_space<vmem>>, vector<16xi32>,
    %swap3A_2475 = vector.shape_cast %swap3A_2474 : vector<16xi32> to vector<16xi32>
    %swap3A_2476 = vector.shape_cast %add3A_2468 : vector<16xi32> to vector<16xi32>
    tpu.vector_store %arg3[%swap3A_2473], %swap3A_2476 {strides = array<i32>} : memref<8192xi32, #tpu.memory_space<vmem>>, vector<16xi32>,
    %swap3A_2477 = arith.constant 7904 : index
    %swap3A_2478 = tpu.vector_load %arg3[%swap3A_2477] {strides = array<i32>} : memref<8192xi32, #tpu.memory_space<vmem>>, vector<16xi32>,
    %swap3A_2479 = vector.shape_cast %swap3A_2478 : vector<16xi32> to vector<16xi32>
    %swap3A_2480 = vector.shape_cast %add3A_2468 : vector<16xi32> to vector<16xi32>
    tpu.vector_store %arg3[%swap3A_2477], %swap3A_2480 {strides = array<i32>} : memref<8192xi32, #tpu.memory_space<vmem>>, vector<16xi32>,
    %swap3A_2481 = arith.constant 7920 : index
    %swap3A_2482 = tpu.vector_load %arg3[%swap3A_2481] {strides = array<i32>} : memref<8192xi32, #tpu.memory_space<vmem>>, vector<16xi32>,
    %swap3A_2483 = vector.shape_cast %swap3A_2482 : vector<16xi32> to vector<16xi32>
    %swap3A_2484 = vector.shape_cast %add3A_2468 : vector<16xi32> to vector<16xi32>
    tpu.vector_store %arg3[%swap3A_2481], %swap3A_2484 {strides = array<i32>} : memref<8192xi32, #tpu.memory_space<vmem>>, vector<16xi32>,
    %add3A_2485 = arith.constant 124 : i32
    %add3A_2486 = arith.addi %mul3A_2, %add3A_2485 : i32
    %add3A_2487 = vector.broadcast %add3A_2486 : i32 to vector<16xi32>
    %add3A_2488 = arith.addi %mul3A_5, %add3A_2487 : vector<16xi32>
    %swap3A_2489 = arith.constant 7936 : index
    %swap3A_2490 = tpu.vector_load %arg3[%swap3A_2489] {strides = array<i32>} : memref<8192xi32, #tpu.memory_space<vmem>>, vector<16xi32>,
    %swap3A_2491 = vector.shape_cast %swap3A_2490 : vector<16xi32> to vector<16xi32>
    %swap3A_2492 = vector.shape_cast %add3A_2488 : vector<16xi32> to vector<16xi32>
    tpu.vector_store %arg3[%swap3A_2489], %swap3A_2492 {strides = array<i32>} : memref<8192xi32, #tpu.memory_space<vmem>>, vector<16xi32>,
    %swap3A_2493 = arith.constant 7952 : index
    %swap3A_2494 = tpu.vector_load %arg3[%swap3A_2493] {strides = array<i32>} : memref<8192xi32, #tpu.memory_space<vmem>>, vector<16xi32>,
    %swap3A_2495 = vector.shape_cast %swap3A_2494 : vector<16xi32> to vector<16xi32>
    %swap3A_2496 = vector.shape_cast %add3A_2488 : vector<16xi32> to vector<16xi32>
    tpu.vector_store %arg3[%swap3A_2493], %swap3A_2496 {strides = array<i32>} : memref<8192xi32, #tpu.memory_space<vmem>>, vector<16xi32>,
    %swap3A_2497 = arith.constant 7968 : index
    %swap3A_2498 = tpu.vector_load %arg3[%swap3A_2497] {strides = array<i32>} : memref<8192xi32, #tpu.memory_space<vmem>>, vector<16xi32>,
    %swap3A_2499 = vector.shape_cast %swap3A_2498 : vector<16xi32> to vector<16xi32>
    %swap3A_2500 = vector.shape_cast %add3A_2488 : vector<16xi32> to vector<16xi32>
    tpu.vector_store %arg3[%swap3A_2497], %swap3A_2500 {strides = array<i32>} : memref<8192xi32, #tpu.memory_space<vmem>>, vector<16xi32>,
    %swap3A_2501 = arith.constant 7984 : index
    %swap3A_2502 = tpu.vector_load %arg3[%swap3A_2501] {strides = array<i32>} : memref<8192xi32, #tpu.memory_space<vmem>>, vector<16xi32>,
    %swap3A_2503 = vector.shape_cast %swap3A_2502 : vector<16xi32> to vector<16xi32>
    %swap3A_2504 = vector.shape_cast %add3A_2488 : vector<16xi32> to vector<16xi32>
    tpu.vector_store %arg3[%swap3A_2501], %swap3A_2504 {strides = array<i32>} : memref<8192xi32, #tpu.memory_space<vmem>>, vector<16xi32>,
    %add3A_2505 = arith.constant 125 : i32
    %add3A_2506 = arith.addi %mul3A_2, %add3A_2505 : i32
    %add3A_2507 = vector.broadcast %add3A_2506 : i32 to vector<16xi32>
    %add3A_2508 = arith.addi %mul3A_5, %add3A_2507 : vector<16xi32>
    %swap3A_2509 = arith.constant 8000 : index
    %swap3A_2510 = tpu.vector_load %arg3[%swap3A_2509] {strides = array<i32>} : memref<8192xi32, #tpu.memory_space<vmem>>, vector<16xi32>,
    %swap3A_2511 = vector.shape_cast %swap3A_2510 : vector<16xi32> to vector<16xi32>
    %swap3A_2512 = vector.shape_cast %add3A_2508 : vector<16xi32> to vector<16xi32>
    tpu.vector_store %arg3[%swap3A_2509], %swap3A_2512 {strides = array<i32>} : memref<8192xi32, #tpu.memory_space<vmem>>, vector<16xi32>,
    %swap3A_2513 = arith.constant 8016 : index
    %swap3A_2514 = tpu.vector_load %arg3[%swap3A_2513] {strides = array<i32>} : memref<8192xi32, #tpu.memory_space<vmem>>, vector<16xi32>,
    %swap3A_2515 = vector.shape_cast %swap3A_2514 : vector<16xi32> to vector<16xi32>
    %swap3A_2516 = vector.shape_cast %add3A_2508 : vector<16xi32> to vector<16xi32>
    tpu.vector_store %arg3[%swap3A_2513], %swap3A_2516 {strides = array<i32>} : memref<8192xi32, #tpu.memory_space<vmem>>, vector<16xi32>,
    %swap3A_2517 = arith.constant 8032 : index
    %swap3A_2518 = tpu.vector_load %arg3[%swap3A_2517] {strides = array<i32>} : memref<8192xi32, #tpu.memory_space<vmem>>, vector<16xi32>,
    %swap3A_2519 = vector.shape_cast %swap3A_2518 : vector<16xi32> to vector<16xi32>
    %swap3A_2520 = vector.shape_cast %add3A_2508 : vector<16xi32> to vector<16xi32>
    tpu.vector_store %arg3[%swap3A_2517], %swap3A_2520 {strides = array<i32>} : memref<8192xi32, #tpu.memory_space<vmem>>, vector<16xi32>,
    %swap3A_2521 = arith.constant 8048 : index
    %swap3A_2522 = tpu.vector_load %arg3[%swap3A_2521] {strides = array<i32>} : memref<8192xi32, #tpu.memory_space<vmem>>, vector<16xi32>,
    %swap3A_2523 = vector.shape_cast %swap3A_2522 : vector<16xi32> to vector<16xi32>
    %swap3A_2524 = vector.shape_cast %add3A_2508 : vector<16xi32> to vector<16xi32>
    tpu.vector_store %arg3[%swap3A_2521], %swap3A_2524 {strides = array<i32>} : memref<8192xi32, #tpu.memory_space<vmem>>, vector<16xi32>,
    %add3A_2525 = arith.constant 126 : i32
    %add3A_2526 = arith.addi %mul3A_2, %add3A_2525 : i32
    %add3A_2527 = vector.broadcast %add3A_2526 : i32 to vector<16xi32>
    %add3A_2528 = arith.addi %mul3A_5, %add3A_2527 : vector<16xi32>
    %swap3A_2529 = arith.constant 8064 : index
    %swap3A_2530 = tpu.vector_load %arg3[%swap3A_2529] {strides = array<i32>} : memref<8192xi32, #tpu.memory_space<vmem>>, vector<16xi32>,
    %swap3A_2531 = vector.shape_cast %swap3A_2530 : vector<16xi32> to vector<16xi32>
    %swap3A_2532 = vector.shape_cast %add3A_2528 : vector<16xi32> to vector<16xi32>
    tpu.vector_store %arg3[%swap3A_2529], %swap3A_2532 {strides = array<i32>} : memref<8192xi32, #tpu.memory_space<vmem>>, vector<16xi32>,
    %swap3A_2533 = arith.constant 8080 : index
    %swap3A_2534 = tpu.vector_load %arg3[%swap3A_2533] {strides = array<i32>} : memref<8192xi32, #tpu.memory_space<vmem>>, vector<16xi32>,
    %swap3A_2535 = vector.shape_cast %swap3A_2534 : vector<16xi32> to vector<16xi32>
    %swap3A_2536 = vector.shape_cast %add3A_2528 : vector<16xi32> to vector<16xi32>
    tpu.vector_store %arg3[%swap3A_2533], %swap3A_2536 {strides = array<i32>} : memref<8192xi32, #tpu.memory_space<vmem>>, vector<16xi32>,
    %swap3A_2537 = arith.constant 8096 : index
    %swap3A_2538 = tpu.vector_load %arg3[%swap3A_2537] {strides = array<i32>} : memref<8192xi32, #tpu.memory_space<vmem>>, vector<16xi32>,
    %swap3A_2539 = vector.shape_cast %swap3A_2538 : vector<16xi32> to vector<16xi32>
    %swap3A_2540 = vector.shape_cast %add3A_2528 : vector<16xi32> to vector<16xi32>
    tpu.vector_store %arg3[%swap3A_2537], %swap3A_2540 {strides = array<i32>} : memref<8192xi32, #tpu.memory_space<vmem>>, vector<16xi32>,
    %swap3A_2541 = arith.constant 8112 : index
    %swap3A_2542 = tpu.vector_load %arg3[%swap3A_2541] {strides = array<i32>} : memref<8192xi32, #tpu.memory_space<vmem>>, vector<16xi32>,
    %swap3A_2543 = vector.shape_cast %swap3A_2542 : vector<16xi32> to vector<16xi32>
    %swap3A_2544 = vector.shape_cast %add3A_2528 : vector<16xi32> to vector<16xi32>
    tpu.vector_store %arg3[%swap3A_2541], %swap3A_2544 {strides = array<i32>} : memref<8192xi32, #tpu.memory_space<vmem>>, vector<16xi32>,
    %add3A_2545 = arith.constant 127 : i32
    %add3A_2546 = arith.addi %mul3A_2, %add3A_2545 : i32
    %add3A_2547 = vector.broadcast %add3A_2546 : i32 to vector<16xi32>
    %add3A_2548 = arith.addi %mul3A_5, %add3A_2547 : vector<16xi32>
    %swap3A_2549 = arith.constant 8128 : index
    %swap3A_2550 = tpu.vector_load %arg3[%swap3A_2549] {strides = array<i32>} : memref<8192xi32, #tpu.memory_space<vmem>>, vector<16xi32>,
    %swap3A_2551 = vector.shape_cast %swap3A_2550 : vector<16xi32> to vector<16xi32>
    %swap3A_2552 = vector.shape_cast %add3A_2548 : vector<16xi32> to vector<16xi32>
    tpu.vector_store %arg3[%swap3A_2549], %swap3A_2552 {strides = array<i32>} : memref<8192xi32, #tpu.memory_space<vmem>>, vector<16xi32>,
    %swap3A_2553 = arith.constant 8144 : index
    %swap3A_2554 = tpu.vector_load %arg3[%swap3A_2553] {strides = array<i32>} : memref<8192xi32, #tpu.memory_space<vmem>>, vector<16xi32>,
    %swap3A_2555 = vector.shape_cast %swap3A_2554 : vector<16xi32> to vector<16xi32>
    %swap3A_2556 = vector.shape_cast %add3A_2548 : vector<16xi32> to vector<16xi32>
    tpu.vector_store %arg3[%swap3A_2553], %swap3A_2556 {strides = array<i32>} : memref<8192xi32, #tpu.memory_space<vmem>>, vector<16xi32>,
    %swap3A_2557 = arith.constant 8160 : index
    %swap3A_2558 = tpu.vector_load %arg3[%swap3A_2557] {strides = array<i32>} : memref<8192xi32, #tpu.memory_space<vmem>>, vector<16xi32>,
    %swap3A_2559 = vector.shape_cast %swap3A_2558 : vector<16xi32> to vector<16xi32>
    %swap3A_2560 = vector.shape_cast %add3A_2548 : vector<16xi32> to vector<16xi32>
    tpu.vector_store %arg3[%swap3A_2557], %swap3A_2560 {strides = array<i32>} : memref<8192xi32, #tpu.memory_space<vmem>>, vector<16xi32>,
    %swap3A_2561 = arith.constant 8176 : index
    %swap3A_2562 = tpu.vector_load %arg3[%swap3A_2561] {strides = array<i32>} : memref<8192xi32, #tpu.memory_space<vmem>>, vector<16xi32>,
    %swap3A_2563 = vector.shape_cast %swap3A_2562 : vector<16xi32> to vector<16xi32>
    %swap3A_2564 = vector.shape_cast %add3A_2548 : vector<16xi32> to vector<16xi32>
    tpu.vector_store %arg3[%swap3A_2561], %swap3A_2564 {strides = array<i32>} : memref<8192xi32, #tpu.memory_space<vmem>>, vector<16xi32>,
    %mul3A_2565 = arith.constant 64 : i32
    %mul3A_2566 = arith.muli %mul3A_2, %mul3A_2565 : i32
    "tpu.region"() ({
      %run_scoped3A = tpu.sem_alloc : memref<!tpu.dma_semaphore, #tpu.memory_space<semaphore_mem>>
      %dma_start3A = tpu.memref_slice %arg2[%mul3A_2566] : memref<262144xi32, #tpu.memory_space<hbm>> -> memref<8192xi32, #tpu.memory_space<hbm>>
      %dma_start3A_2567 = tpu.memref_slice %arg2[%mul3A_2566] : memref<262144xi32, #tpu.memory_space<hbm>> -> memref<8192xi32, #tpu.memory_space<hbm>>
      tpu.enqueue_dma source(%arg3 : memref<8192xi32, #tpu.memory_space<vmem>>) target(%dma_start3A_2567 : memref<8192xi32, #tpu.memory_space<hbm>>) target_semaphore(%run_scoped3A : memref<!tpu.dma_semaphore, #tpu.memory_space<semaphore_mem>>)
      %dma_wait3A = tpu.memref_slice %arg2[%mul3A_2566] : memref<262144xi32, #tpu.memory_space<hbm>> -> memref<8192xi32, #tpu.memory_space<hbm>>
      %dma_wait3A_2568 = tpu.memref_slice %arg2[%mul3A_2566] : memref<262144xi32, #tpu.memory_space<hbm>> -> memref<8192xi32, #tpu.memory_space<hbm>>
      tpu.wait_dma2 semaphore(%run_scoped3A : memref<!tpu.dma_semaphore, #tpu.memory_space<semaphore_mem>>) src(%arg3 : memref<8192xi32, #tpu.memory_space<vmem>>) dst(%dma_wait3A_2568 : memref<8192xi32, #tpu.memory_space<hbm>>)
      tpu.yield
    }) : () -> ()
    return
  }
}

module attributes {stable_mosaic.version = 14 : i64} {
  func.func @_tc_body(%arg0: i32, %arg1: memref<256x161xf32, #tpu.memory_space<vmem>>, %arg2: memref<164x512xf32, #tpu.memory_space<vmem>>, %arg3: memref<164x512xf32, #tpu.memory_space<vmem>>, %arg4: memref<164x512xf32, #tpu.memory_space<vmem>>, %arg5: memref<256x64x8xf32, #tpu.memory_space<vmem>>, %arg6: memref<256x2xf32, #tpu.memory_space<vmem>>) attributes {dimension_semantics = [#tpu.dimension_semantics<arbitrary>], iteration_bounds = array<i64: 16>, scalar_prefetch = 0 : i64, scratch_operands = 0 : i64, tpu.core_type = #tpu.core_type<tc>, window_params = [{transform_indices = @transform_0, window_bounds = array<i64: 256, 161>}, {pipeline_mode = #tpu.pipeline_mode<synchronous>, transform_indices = @transform_1, window_bounds = array<i64: 164, 512>}, {pipeline_mode = #tpu.pipeline_mode<synchronous>, transform_indices = @transform_2, window_bounds = array<i64: 164, 512>}, {pipeline_mode = #tpu.pipeline_mode<synchronous>, transform_indices = @transform_3, window_bounds = array<i64: 164, 512>}, {transform_indices = @transform_4, window_bounds = array<i64: 256, 64, 8>}, {transform_indices = @transform_5, window_bounds = array<i64: 256, 2>}]} {
    %get3A = arith.constant 0 : index
    %get3A_0 = arith.constant 0 : index
    %get3A_1 = vector.load %arg1[%get3A, %get3A_0] : memref<256x161xf32, #tpu.memory_space<vmem>>, vector<256x161xf32>
    %slice3A = vector.extract_strided_slice %get3A_1 {offsets = [0, 0], sizes = [256, 2], strides = [1, 1]} : vector<256x161xf32> to vector<256x2xf32>
    %add3A = arith.constant 1.000000e-03 : f32
    %add3A_2 = vector.broadcast %add3A : f32 to vector<256x2xf32>
    %add3A_3 = arith.addf %add3A_2, %slice3A : vector<256x2xf32>
    %div3A = arith.constant 1.000000e+00 : f32
    %div3A_4 = vector.broadcast %div3A : f32 to vector<256x2xf32>
    %div3A_5 = arith.divf %div3A_4, %add3A_3 : vector<256x2xf32>
    %broadcast_in_dim3A = arith.constant 1.000000e+00 : f32
    %broadcast_in_dim3A_6 = vector.broadcast %broadcast_in_dim3A : f32 to vector<256x1xf32>
    %concatenate3A = tpu.concatenate %get3A_1, %div3A_5, %broadcast_in_dim3A_6 in 1 : vector<256x161xf32>, vector<256x2xf32>, vector<256x1xf32> -> vector<256x164xf32>
    %get3A_7 = arith.constant 0 : index
    %get3A_8 = arith.constant 0 : index
    %get3A_9 = vector.load %arg2[%get3A_7, %get3A_8] : memref<164x512xf32, #tpu.memory_space<vmem>>, vector<164x512xf32>
    %dot_general3A = arith.constant dense<0.000000e+00> : vector<256x512xf32>
    %dot_general3A_10 = tpu.matmul %concatenate3A, %get3A_9, %dot_general3A {dimension_numbers = #tpu.dot_dimension_numbers<[1], [0], [0], [1], [0, 0, 1, 1], [], []>, precision = #tpu.contract_precision<fp32>, transpose_lhs_hint = false} : vector<256x164xf32>, vector<164x512xf32>, vector<256x512xf32> -> vector<256x512xf32>
    %get3A_11 = arith.constant 0 : index
    %get3A_12 = arith.constant 0 : index
    %get3A_13 = vector.load %arg3[%get3A_11, %get3A_12] : memref<164x512xf32, #tpu.memory_space<vmem>>, vector<164x512xf32>
    %dot_general3A_14 = arith.constant dense<0.000000e+00> : vector<256x512xf32>
    %dot_general3A_15 = tpu.matmul %concatenate3A, %get3A_13, %dot_general3A_14 {dimension_numbers = #tpu.dot_dimension_numbers<[1], [0], [0], [1], [0, 0, 1, 1], [], []>, precision = #tpu.contract_precision<fp32>, transpose_lhs_hint = false} : vector<256x164xf32>, vector<164x512xf32>, vector<256x512xf32> -> vector<256x512xf32>
    %get3A_16 = arith.constant 0 : index
    %get3A_17 = arith.constant 0 : index
    %get3A_18 = vector.load %arg4[%get3A_16, %get3A_17] : memref<164x512xf32, #tpu.memory_space<vmem>>, vector<164x512xf32>
    %dot_general3A_19 = arith.constant dense<0.000000e+00> : vector<256x512xf32>
    %dot_general3A_20 = tpu.matmul %concatenate3A, %get3A_18, %dot_general3A_19 {dimension_numbers = #tpu.dot_dimension_numbers<[1], [0], [0], [1], [0, 0, 1, 1], [], []>, precision = #tpu.contract_precision<fp32>, transpose_lhs_hint = false} : vector<256x164xf32>, vector<164x512xf32>, vector<256x512xf32> -> vector<256x512xf32>
    %mul3A = arith.mulf %dot_general3A_15, %dot_general3A_20 : vector<256x512xf32>
    %add3A_21 = arith.addf %dot_general3A_10, %mul3A : vector<256x512xf32>
    %reshape3A = vector.shape_cast %add3A_21 : vector<256x512xf32> to vector<256x64x8xf32>
    %swap3A = arith.constant 0 : index
    %swap3A_22 = arith.constant 0 : index
    %swap3A_23 = arith.constant 0 : index
    %swap3A_24 = vector.load %arg5[%swap3A, %swap3A_22, %swap3A_23] : memref<256x64x8xf32, #tpu.memory_space<vmem>>, vector<256x64x8xf32>
    tpu.vector_store %arg5[%swap3A, %swap3A_22, %swap3A_23], %reshape3A {strides = array<i32>} : memref<256x64x8xf32, #tpu.memory_space<vmem>>, vector<256x64x8xf32>,
    %slice3A_25 = vector.extract_strided_slice %add3A_21 {offsets = [0, 0], sizes = [256, 8], strides = [1, 1]} : vector<256x512xf32> to vector<256x8xf32>
    %slice3A_26 = vector.extract_strided_slice %add3A_21 {offsets = [0, 8], sizes = [256, 8], strides = [1, 1]} : vector<256x512xf32> to vector<256x8xf32>
    %sub3A = arith.subf %slice3A_25, %slice3A_26 : vector<256x8xf32>
    %slice3A_27 = vector.extract_strided_slice %add3A_21 {offsets = [0, 0], sizes = [256, 8], strides = [1, 1]} : vector<256x512xf32> to vector<256x8xf32>
    %slice3A_28 = vector.extract_strided_slice %add3A_21 {offsets = [0, 16], sizes = [256, 8], strides = [1, 1]} : vector<256x512xf32> to vector<256x8xf32>
    %sub3A_29 = arith.subf %slice3A_27, %slice3A_28 : vector<256x8xf32>
    %mul3A_30 = arith.mulf %sub3A, %sub3A : vector<256x8xf32>
    %reduce_sum3A = arith.constant dense<0.000000e+00> : vector<256xf32>
    %reduce_sum3A_31 = vector.multi_reduction <add>, %mul3A_30, %reduce_sum3A [1] : vector<256x8xf32> to vector<256xf32>
    %broadcast_in_dim3A_32 = vector.shape_cast %reduce_sum3A_31 : vector<256xf32> to vector<256x1xf32>
    %mul3A_33 = arith.mulf %sub3A_29, %sub3A_29 : vector<256x8xf32>
    %reduce_sum3A_34 = arith.constant dense<0.000000e+00> : vector<256xf32>
    %reduce_sum3A_35 = vector.multi_reduction <add>, %mul3A_33, %reduce_sum3A_34 [1] : vector<256x8xf32> to vector<256xf32>
    %broadcast_in_dim3A_36 = vector.shape_cast %reduce_sum3A_35 : vector<256xf32> to vector<256x1xf32>
    %concatenate3A_37 = tpu.concatenate %broadcast_in_dim3A_32, %broadcast_in_dim3A_36 in 1 : vector<256x1xf32>, vector<256x1xf32> -> vector<256x2xf32>
    %sqrt3A = math.sqrt %concatenate3A_37 : vector<256x2xf32>
    %swap3A_38 = arith.constant 0 : index
    %swap3A_39 = arith.constant 0 : index
    %swap3A_40 = vector.load %arg6[%swap3A_38, %swap3A_39] : memref<256x2xf32, #tpu.memory_space<vmem>>, vector<256x2xf32>
    tpu.vector_store %arg6[%swap3A_38, %swap3A_39], %sqrt3A {strides = array<i32>} : memref<256x2xf32, #tpu.memory_space<vmem>>, vector<256x2xf32>,
    return
  }
  func.func @transform_0(%arg0: i32) -> (i32, i32) {
    %c0_i32 = arith.constant 0 : i32
    %c0_i32_0 = arith.constant 0 : i32
    return %arg0, %c0_i32 : i32, i32
  }
  func.func @transform_1(%arg0: i32) -> (i32, i32) {
    %c0_i32 = arith.constant 0 : i32
    %c0_i32_0 = arith.constant 0 : i32
    %c0_i32_1 = arith.constant 0 : i32
    return %c0_i32, %c0_i32_0 : i32, i32
  }
  func.func @transform_2(%arg0: i32) -> (i32, i32) {
    %c0_i32 = arith.constant 0 : i32
    %c0_i32_0 = arith.constant 0 : i32
    %c0_i32_1 = arith.constant 0 : i32
    return %c0_i32, %c0_i32_0 : i32, i32
  }
  func.func @transform_3(%arg0: i32) -> (i32, i32) {
    %c0_i32 = arith.constant 0 : i32
    %c0_i32_0 = arith.constant 0 : i32
    %c0_i32_1 = arith.constant 0 : i32
    return %c0_i32, %c0_i32_0 : i32, i32
  }
  func.func @transform_4(%arg0: i32) -> (i32, i32, i32) {
    %c0_i32 = arith.constant 0 : i32
    %c0_i32_0 = arith.constant 0 : i32
    %c0_i32_1 = arith.constant 0 : i32
    return %arg0, %c0_i32, %c0_i32_0 : i32, i32, i32
  }
  func.func @transform_5(%arg0: i32) -> (i32, i32) {
    %c0_i32 = arith.constant 0 : i32
    %c0_i32_0 = arith.constant 0 : i32
    return %arg0, %c0_i32 : i32, i32
  }
}

module attributes {stable_mosaic.version = 14 : i64} {
  func.func @_ei_body(%arg0: i32, %arg1: memref<2x129024xi32, #tpu.memory_space<vmem>>, %arg2: memref<2x129024xi32, #tpu.memory_space<vmem>>) attributes {dimension_semantics = [#tpu.dimension_semantics<arbitrary>], iteration_bounds = array<i64: 64>, scalar_prefetch = 0 : i64, scratch_operands = 0 : i64, tpu.core_type = #tpu.core_type<tc>, window_params = [{pipeline_mode = #tpu.pipeline_mode<synchronous>, transform_indices = @transform_0, window_bounds = array<i64: 2, 129024>}, {transform_indices = @transform_1, window_bounds = array<i64: 2, 129024>}]} {
    %mul3A = arith.constant 4096 : i32
    %mul3A_0 = arith.muli %arg0, %mul3A : i32
    %get3A = arith.constant 0 : index
    %get3A_1 = arith.constant 0 : index
    %get3A_2 = vector.load %arg1[%get3A, %get3A_1] : memref<2x129024xi32, #tpu.memory_space<vmem>>, vector<2x129024xi32>
    %add3A = vector.broadcast %mul3A_0 : i32 to vector<2x129024xi32>
    %add3A_3 = arith.addi %get3A_2, %add3A : vector<2x129024xi32>
    %swap3A = arith.constant 0 : index
    %swap3A_4 = arith.constant 0 : index
    %swap3A_5 = vector.load %arg2[%swap3A, %swap3A_4] : memref<2x129024xi32, #tpu.memory_space<vmem>>, vector<2x129024xi32>
    tpu.vector_store %arg2[%swap3A, %swap3A_4], %add3A_3 {strides = array<i32>} : memref<2x129024xi32, #tpu.memory_space<vmem>>, vector<2x129024xi32>,
    return
  }
  func.func @transform_0(%arg0: i32) -> (i32, i32) {
    %c0_i32 = arith.constant 0 : i32
    %c0_i32_0 = arith.constant 0 : i32
    %c0_i32_1 = arith.constant 0 : i32
    return %c0_i32, %c0_i32_0 : i32, i32
  }
  func.func @transform_1(%arg0: i32) -> (i32, i32) {
    %c0_i32 = arith.constant 0 : i32
    %c0_i32_0 = arith.constant 0 : i32
    return %c0_i32, %arg0 : i32, i32
  }
}

</mosaic_0001>

<sc_bundles>
// kernel: kernel.5.cloned.1.call-start
scs
__scs_entry_jumppad:
0x0: {  	(pc) =	sbr.rel $0x88, $3  }
0x1: {  	(tag) =	ssettag $0x0;
	lr =	simm.s32 $0x1  }
0x2: {  	[smem:$0x3FA0] =	sst lr;
	_ =	strace $0xD0000000  }
0x3: {  	_ = 	snop  }
0x4: {  	_ = 	snop  }
0x5: {  	_ = 	snop  }
0x6: {  	_ = 	snop  }
0x7: {  	_ = 	snop  }
__scs_overlays_trampoline_lowered:
0x8: {  	[smem:$0x3FAF] =	sst s0  }
0x9: {  	[smem:$0x3FB0] =	sst s1  }
0xa: {  	[smem:$0x3FB1] =	sst s2  }
0xb: {  	[smem:$0x3FB2] =	sst s3  }
0xc: {  	[smem:$0x3FB3] =	sst s4  }
0xd: {  	[smem:$0x3FB4] =	sst s5  }
0xe: {  	[smem:$0x3FB5] =	sst s6  }
0xf: {  	[smem:$0x3FB6] =	sst s7  }
0x10: {  	[smem:$0x3FB7] =	sst s8  }
0x11: {  	[smem:$0x3FB8] =	sst s9;
	s0 =	simm.s32 @!p0 $0x0  }
0x12: {  	s1 =	sld [smem:$0x3F9E];
	s0 =	simm.s32 @p0 $0x1  }
0x13: {  	[smem:$0x3FB9] =	sst s0;
	s0 =	simm.s32 @!p1 $0x0  }
0x14: {  	s2 =	sld [smem:$0x3F9D];
	s0 =	simm.s32 @p1 $0x1  }
0x15: {  	[smem:$0x3FBA] =	sst s0;
	s0 =	simm.s32 @!p2 $0x0  }
0x16: {  	s3 =	sld [smem:$0x3FDB];
	s0 =	simm.s32 @p2 $0x1  }
0x17: {  	s4 =	simm.s32 $0x1BF5;
	[smem:$0x3FBC] =	sst s0  }
0x18: {  	s0 =	sld [smem:$0x3F9F];
	_ =	swait.ge [sflag:s4], $0x0  }
0x19: {  	s7 =	sld [smem:$0x3FA0]  }
0x1a: {  	s8 =	sadd.s32 $0xFFFFE003, lr  }
0x1b: {  	s9 =	sadd.s32 $0xFFFFFEF7, lr;
	s5 =	simm.s32 $0xFFFFFFFF;
	p2 =	slt.u32 s8, $0xFFFFF086  }
0x1c: {  	p1 =	slt.u32 s9, $0xF7A;
	s5 =	simm.s32 @!p2 $0x0  }
0x1d: {  	s5 =	simm.s32 @p1 $0x1;
	p0 =	seq.s32 s7, s2  }
0x1e: {  	s7 =	smul.u32 @!p0 $0xF7A, s2;
	p2 =	seq.s32 @!p0 s5, $0x0  }
0x1f: {  	s9 =	smul.u32 $0xF7A, s1;
	s8 =	simm.s32 @!p0 $0x1BF5;
	p2 =	por !p2, p0  }
0x20: {  	[sflag:s8] =	ssyncset.s32 @!p0 $0xFFFFF086;
	s6 =	sadd.s32 @!p0 s3, s7;
	s7 =	simm.s32 @!p0 $0x108  }
0x21: {  	s3 =	sadd.s32 s3, s9;
	s6 =	sadd.s32 @!p0 $0x88, s6;
	s7 =	simm.s32 @p2 $0x1082  }
0x22: {  	[simem:s7], [sflag:s8] =	dma.local @!p0 [hbm:s6], $0xF7A  }
0x23: {  	s9 =	sor.u32 $0xD0000000, s2;
	s6 =	simm.s32 $0x108;
	_ =	swait.ge @!p0 [sflag:s8], $0x0  }
0x24: {  	s3 =	sadd.s32 $0x88, s3;
	s6 =	simm.s32 @!p1 $0x1082;
	[sflag:s4] =	ssyncset.s32 $0xFFFFF086  }
0x25: {  	[simem:s6], [sflag:s4] =	dma.local [hbm:s3], $0xF7A  }
0x26: {  	[smem:$0x3FA0] =	sst s1;
	(tag) =	ssettag s2;
	_ =	strace s9  }
0x27: {  	s1 =	sld [smem:$0x3FB0]  }
0x28: {  	s2 =	sld [smem:$0x3FB1]  }
0x29: {  	s4 =	sld [smem:$0x3FB3]  }
0x2a: {  	p0 =	seq.s32 s5, $0x0;
	s5 =	sld [smem:$0x3FB4]  }
0x2b: {  	s6 =	sld [smem:$0x3FB5]  }
0x2c: {  	s7 =	sld [smem:$0x3FB6]  }
0x2d: {  	s3 =	simm.s32 $0x108;
	s8 =	sld [smem:$0x3FB7]  }
0x2e: {  	s3 =	simm.s32 @!p0 $0x1082;
	s9 =	sld [smem:$0x3FB8]  }
0x2f: {  	lr =	sadd.s32 s0, s3;
	s0 =	sld [smem:$0x3FAF]  }
0x30: {  	s3 =	sld [smem:$0x3FB2]  }
0x31: {  	[smem:$0x3FBB] =	sst s10  }
0x32: {  	s10 =	sld [smem:$0x3FB9];
	_ =	sdelay $0x3  }
0x33: {  	p0 =	seq.s32 s10, $0x1;
	s10 =	sld [smem:$0x3FBB];
	_ =	sdelay $0x3  }
0x34: {  	[smem:$0x3FBB] =	sst s10  }
0x35: {  	s10 =	sld [smem:$0x3FBA];
	_ =	sdelay $0x3  }
0x36: {  	p1 =	seq.s32 s10, $0x1;
	s10 =	sld [smem:$0x3FBB];
	_ =	sdelay $0x3  }
0x37: {  	[smem:$0x3FBB] =	sst s10  }
0x38: {  	s10 =	sld [smem:$0x3FBC]  }
0x39: {  	_ = 	snop;
	(pc) =	sbr.ind lr, $3  }
0x3a: {  	_ = 	snop  }
0x3b: {  	_ = 	snop  }
0x3c: {  	p2 =	seq.s32 s10, $0x1;
	s10 =	sld [smem:$0x3FBB]  }
0x3d: {  	_ =	shalt  }
0x3e: {  	_ =	shalt  }
0x3f: {  	_ =	shalt  }
0x40: {  	_ =	shalt  }
0x41: {  	_ =	shalt  }
0x42: {  	_ =	shalt  }
0x43: {  	_ =	shalt  }
0x44: {  	_ =	shalt  }
0x45: {  	_ =	shalt  }
0x46: {  	_ =	shalt  }
0x47: {  	_ =	shalt  }
0x48: {  	_ =	shalt  }
0x49: {  	_ =	shalt  }
0x4a: {  	_ =	shalt  }
0x4b: {  	_ =	shalt  }
0x4c: {  	_ =	shalt  }
0x4d: {  	_ =	shalt  }
0x4e: {  	_ =	shalt  }
0x4f: {  	_ =	shalt  }
0x50: {  	_ =	shalt  }
0x51: {  	_ =	shalt  }
0x52: {  	_ =	shalt  }
0x53: {  	_ =	shalt  }
0x54: {  	_ =	shalt  }
0x55: {  	_ =	shalt  }
0x56: {  	_ =	shalt  }
0x57: {  	_ =	shalt  }
0x58: {  	_ =	shalt  }
0x59: {  	_ =	shalt  }
0x5a: {  	_ =	shalt  }
0x5b: {  	_ =	shalt  }
0x5c: {  	_ =	shalt  }
0x5d: {  	_ =	shalt  }
0x5e: {  	_ =	shalt  }
0x5f: {  	_ =	shalt  }
0x60: {  	_ =	shalt  }
0x61: {  	_ =	shalt  }
0x62: {  	_ =	shalt  }
0x63: {  	_ =	shalt  }
0x64: {  	_ =	shalt  }
0x65: {  	_ =	shalt  }
0x66: {  	_ =	shalt  }
0x67: {  	_ =	shalt  }
0x68: {  	_ =	shalt  }
0x69: {  	_ =	shalt  }
0x6a: {  	_ =	shalt  }
0x6b: {  	_ =	shalt  }
0x6c: {  	_ =	shalt  }
0x6d: {  	_ =	shalt  }
0x6e: {  	_ =	shalt  }
0x6f: {  	_ =	shalt  }
0x70: {  	_ =	shalt  }
0x71: {  	_ =	shalt  }
0x72: {  	_ =	shalt  }
0x73: {  	_ =	shalt  }
0x74: {  	_ =	shalt  }
0x75: {  	_ =	shalt  }
0x76: {  	_ =	shalt  }
0x77: {  	_ =	shalt  }
0x78: {  	_ =	shalt  }
0x79: {  	_ =	shalt  }
0x7a: {  	_ =	shalt  }
0x7b: {  	_ =	shalt  }
0x7c: {  	_ =	shalt  }
0x7d: {  	_ =	shalt  }
0x7e: {  	_ =	shalt  }
0x7f: {  	_ =	shalt  }
0x80: {  	_ =	shalt  }
0x81: {  	_ =	shalt  }
0x82: {  	_ =	shalt  }
0x83: {  	_ =	shalt  }
0x84: {  	_ =	shalt  }
0x85: {  	_ =	shalt  }
0x86: {  	_ =	shalt  }
0x87: {  	_ =	shalt  }
.Lfunc_end0:
.L_simem_size_0:
called_computation_lowered:
.L_overlay_start_0:
0x88: {  	s2 =	sld [smem:$0x3FD9]  }
0x89: {  	s3 =	sld [smem:$0x3FFE];
	_ =	sdelay $0x1  }
0x8a: {  	s1 =	srdreg.scid  }
0x8b: {  	s0 =	sand.u32 $0x1, s1  }
0x8c: {  	s15 =	sshll.u32 s0, $0xA;
	s2 =	sadd.s32 s3, s2  }
0x8d: {  	s2 =	sadd.s32 s2, s15  }
0x8e: {  	[smem:$0x3FC7] =	sst s2  }
0x8f: {  	_ = 	snop  }
0x90: {  	s2 =	sld [smem:$0x3FD0];
	_ =	sdelay $0x2  }
0x91: {  	s16 =	simm.s32 $0xA;
	s4 =	simm.s32 $0x10  }
0x92: {  	[smem:s4], [sflag:s16] =	dma.local [hbm:s2], $0x1  }
0x93: {  	_ =	swait.eq [sflag:s16], $0x1  }
0x94: {  	[sflag:s16] =	ssyncset.done $0x0  }
0x95: {  	[sflag:s16] =	ssyncadd.s32 $0xFFFFFFFF  }
0x96: {  	s17 =	sld [smem:$0x13];
	(tm) =	ssettm $0x1  }
0x97: {  	s18 =	sld [smem:$0x3FFB];
	_ =	sdelay $0x3  }
0x98: {  	_ =	strace s18  }
0x99: {  	s3 =	sld [smem:$0x3FFC];
	_ =	sdelay $0x3  }
0x9a: {  	_ =	strace s3  }
0x9b: {  	s3 =	sld [smem:$0x3FFD];
	_ =	sdelay $0x3  }
0x9c: {  	_ =	strace s3  }
0x9d: {  	_ =	strace $0x8FFFFFFF  }
0x9e: {  	s19 =	sld [smem:$0x3FDB];
	_ =	sdelay $0x1  }
0x9f: {  	s20 =	simm.s32 $_scs_section_size  }
0xa0: {  	s5 =	simm.s32 $_size__tile_overlayer_lowered;
	s6 =	simm.s32 $_tile_overlayer_lowered  }
0xa1: {  	s23 =	simm.s32 $0x1BFF;
	s22 =	sshll.u32 s6, $0x1;
	s3 =	sadd.s32 s20, s19  }
0xa2: {  	s7 =	simm.s32 $0x0;
	s21 =	sshll.u32 s5, $0x1;
	s5 =	sadd.s32 s22, s3  }
0xa3: {  	[timem:s7], [sflag:s23] =	dma.local [hbm:s5], s21  }
0xa4: {  	_ =	swait.ge [sflag:s23], s21  }
0xa5: {  	s4 =	ssub.s32 $0x0, s21;
	[sflag:s23] =	ssyncset.done $0x0  }
0xa6: {  	[sflag:s23] =	ssyncadd.s32 s4;
	_ =	sdelay $0x1  }
0xa7: {  	s24 =	simm.s32 $0x1B8B  }
0xa8: {  	_ =	swait.ge [sflag:s24], $0x1  }
0xa9: {  	[sflag:s24] =	ssyncset.done $0x0  }
0xaa: {  	s25 =	simm.s32 $0x1B8E;
	[sflag:s24] =	ssyncadd.s32 $0xFFFFFFFF  }
0xab: {  	s26 =	simm.s32 $execute0_lowered;
	[smem:$0x3FD2] =	sst s25  }
0xac: {  	s4 =	sshll.u32 s26, $0x1;
	_ =	strace $0x80000046;
	[dreg:$0x1] =	wrdreg $0xFFFFFFFF  }
0xad: {  	s28 =	simm.s32 $_size_execute0_lowered;
	s3 =	sadd.s32 s3, s4;
	[dreg:$0x0] =	wrdreg $0x0  }
0xae: {  	s4 =	sshll.u32 s28, $0x1;
	[dreg:$0x2] =	wrdreg s3  }
0xaf: {  	[dreg:$0x3] =	wrdreg s4  }
0xb0: {  	[dreg:$0x4] =	wrdreg $0xC0  }
0xb1: {  	_ =	task [dreg:s7], $0x5FFFF  }
0xb2: {  	[dreg:$0x1] =	wrdreg $0xFFFFFFFF  }
0xb3: {  	[dreg:$0x0] =	wrdreg $0x60  }
0xb4: {  	[dreg:$0x2] =	wrdreg s17  }
0xb5: {  	[dreg:$0x3] =	wrdreg $0x9  }
0xb6: {  	_ =	task.clear_ibuf [dreg:s7], $0x4FFFF;
	_ =	strace $0x90000046  }
0xb7: {  	s29 =	simm.s32 $0x9;
	_ =	strace $0x80000048  }
0xb8: {  	_ =	swait.ge [sflag:s29], $0x1  }
0xb9: {  	[sflag:s29] =	ssyncadd.s32 $0xFFFFFFFF  }
0xba: {  	_ =	strace $0x90000048  }
0xbb: {  	_ =	sfence  }
0xbc: {  	s30 =	sld [smem:$0x0];
	_ =	sdelay $0x2  }
0xbd: {  	s31 =	sshll.u32 s1, $0xD;
	s1 =	sshrl.u32 s1, $0x2  }
0xbe: {  	s3 =	sand.u32 $0x4000, s31;
	s1 =	sadd.s32 s1, s30  }
0xbf: {  	s0 =	sor.u32 s3, s0;
	s1 =	sshll.u32 s1, $0x11  }
0xc0: {  	s0 =	sor.u32 s1, s0  }
0xc1: {  	s0 =	sadd.s32 $0x8F2B, s0  }
0xc2: {  	[sflag:s0] =	ssyncadd.remote.s32 $0x1  }
0xc3: {  	_ =	sfence.sel $0xFFFF  }
0xc4: {  	[dreg:$0x0] =	wrdreg $0xFFFFFFFF;
	(pc) =	sbr.abs _section_cstart, $3  }
0xc5: {  	[dreg:$0x1] =	wrdreg $0xFFFFFFFF  }
0xc6: {  	_ =	task.clear_ibuf [dreg:s7], $0x2FFFF;
	_ =	strace $0x9FFFFFFF  }
0xc7: {  	(tm) =	ssettm $0x7FFFFFFF  }
tec
execute0_lowered:
.L_overlay_start_1:
0x0: {  	(tag) =	ssettag $0x1  }
0x1: {  	s4 =	srdreg.scid;
	s1 =	stileid.u32  }
0x2: {  	s4 =	sand.u32 $0x1, s4;
	s5 =	sshll.u32 s1, $0x1  }
0x3: {  	s5 =	sor.u32 s4, s5  }
0x4: {  	s6 =	sshll.u32 s5, $0x7  }
0x5: {  	s3 =	rddreg [dreg:$0x0];
	s2 =	simm.s32 $0x0;
	s29 =	sor.u32 $0x1, s6  }
0x6: {  	[smem:$0x7FF] =	sst s2;
	s8 =	sor.u32 $0x2, s6;
	v0 =	vmov s29  }
0x7: {  	s0 =	rddreg [dreg:$0x1];
	_ =	strace $0x80000047;
	s30 =	sor.u32 $0x3, s6;
	[tilespmem:$0x1FBF0] =	vst v0;
	v0 =	vmov s8  }
0x8: {  	s31 =	sor.u32 $0x4, s6;
	[tilespmem:$0x1FC00] =	vst v0;
	v0 =	vmov s30  }
0x9: {  	s9 =	sor.u32 $0x5, s6;
	[tilespmem:$0x1FC10] =	vst v0;
	v0 =	vmov s31  }
0xa: {  	s10 =	sor.u32 $0x6, s6;
	[tilespmem:$0x1FC20] =	vst v0;
	v0 =	vmov s9  }
0xb: {  	s11 =	sor.u32 $0x7, s6;
	[tilespmem:$0x1FC30] =	vst v0;
	v0 =	vmov s10  }
0xc: {  	s12 =	sor.u32 $0x8, s6;
	[tilespmem:$0x1FC40] =	vst v0;
	v0 =	vmov s11  }
0xd: {  	s13 =	sor.u32 $0x9, s6;
	[tilespmem:$0x1FC50] =	vst v0;
	v0 =	vmov s12  }
0xe: {  	s14 =	sor.u32 $0xA, s6;
	[tilespmem:$0x1FC60] =	vst v0;
	v0 =	vmov s13  }
0xf: {  	s15 =	sor.u32 $0xB, s6;
	[tilespmem:$0x1FC70] =	vst v0;
	v0 =	vmov s14  }
0x10: {  	s16 =	sor.u32 $0xC, s6;
	[tilespmem:$0x1FC80] =	vst v0;
	v0 =	vmov s15  }
0x11: {  	s17 =	sor.u32 $0xD, s6;
	[tilespmem:$0x1FC90] =	vst v0;
	v0 =	vmov s16  }
0x12: {  	s18 =	sor.u32 $0xE, s6;
	[tilespmem:$0x1FCA0] =	vst v0;
	v0 =	vmov s17  }
0x13: {  	s19 =	sor.u32 $0xF, s6;
	[tilespmem:$0x1FCB0] =	vst v0;
	v0 =	vmov s18  }
0x14: {  	s20 =	sor.u32 $0x10, s6;
	[tilespmem:$0x1FCC0] =	vst v0;
	v0 =	vmov s19  }
0x15: {  	s21 =	sor.u32 $0x11, s6;
	[tilespmem:$0x1FCD0] =	vst v0;
	v0 =	vmov s20  }
0x16: {  	s22 =	sor.u32 $0x12, s6;
	[tilespmem:$0x1FCE0] =	vst v0;
	v0 =	vmov s21  }
0x17: {  	s23 =	sor.u32 $0x13, s6;
	[tilespmem:$0x1FCF0] =	vst v0;
	v0 =	vmov s22  }
0x18: {  	s24 =	sor.u32 $0x14, s6;
	[tilespmem:$0x1FD00] =	vst v0;
	v0 =	vmov s23  }
0x19: {  	s7 =	ssub.s32 $0x2, s4;
	s25 =	sor.u32 $0x15, s6;
	[tilespmem:$0x1FD10] =	vst v0;
	v0 =	vmov s24  }
0x1a: {  	s28 =	sshrl.u32 s7, $0x1;
	s26 =	sor.u32 $0x16, s6;
	[tilespmem:$0x1FD20] =	vst v0;
	v0 =	vmov s25  }
0x1b: {  	s4 =	ssub.s32 s7, s28;
	s28 =	sor.u32 $0x17, s6;
	[tilespmem:$0x1FD30] =	vst v0;
	v0 =	vmov s26  }
0x1c: {  	s29 =	sor.u32 $0x18, s6;
	[tilespmem:$0x1FD40] =	vst v0;
	v0 =	vmov s28  }
0x1d: {  	s30 =	sor.u32 $0x19, s6;
	[tilespmem:$0x1FD50] =	vst v0;
	v0 =	vmov s29  }
0x1e: {  	s31 =	sor.u32 $0x1A, s6;
	[tilespmem:$0x1FD60] =	vst v0;
	v0 =	vmov s30  }
0x1f: {  	s10 =	sor.u32 $0x1B, s6;
	[tilespmem:$0x1FD70] =	vst v0;
	v0 =	vmov s31  }
0x20: {  	s11 =	sor.u32 $0x1C, s6;
	[tilespmem:$0x1FD80] =	vst v0;
	v0 =	vmov s10  }
0x21: {  	s12 =	sor.u32 $0x1D, s6;
	[tilespmem:$0x1FD90] =	vst v0;
	v0 =	vmov s11  }
0x22: {  	s13 =	sor.u32 $0x1E, s6;
	[tilespmem:$0x1FDA0] =	vst v0;
	v0 =	vmov s12  }
0x23: {  	s14 =	sor.u32 $0x1F, s6;
	[tilespmem:$0x1FDB0] =	vst v0;
	v0 =	vmov s13  }
0x24: {  	s15 =	sor.u32 $0x20, s6;
	[tilespmem:$0x1FDC0] =	vst v0;
	v0 =	vmov s14  }
0x25: {  	s16 =	sor.u32 $0x21, s6;
	[tilespmem:$0x1FDD0] =	vst v0;
	v0 =	vmov s15  }
0x26: {  	s17 =	sor.u32 $0x22, s6;
	[tilespmem:$0x1FDE0] =	vst v0;
	v0 =	vmov s16  }
0x27: {  	s18 =	sor.u32 $0x23, s6;
	[tilespmem:$0x1FDF0] =	vst v0;
	v0 =	vmov s17  }
0x28: {  	s19 =	sor.u32 $0x24, s6;
	[tilespmem:$0x1FE00] =	vst v0;
	v0 =	vmov s18  }
0x29: {  	s20 =	sor.u32 $0x25, s6;
	[tilespmem:$0x1FE10] =	vst v0;
	v0 =	vmov s19  }
0x2a: {  	s21 =	sor.u32 $0x26, s6;
	[tilespmem:$0x1FE20] =	vst v0;
	v0 =	vmov s20  }
0x2b: {  	s22 =	sor.u32 $0x27, s6;
	[tilespmem:$0x1FE30] =	vst v0;
	v0 =	vmov s21  }
0x2c: {  	s23 =	sor.u32 $0x28, s6;
	[tilespmem:$0x1FE40] =	vst v0;
	v0 =	vmov s22  }
0x2d: {  	s24 =	sor.u32 $0x29, s6;
	[tilespmem:$0x1FE50] =	vst v0;
	v0 =	vmov s23  }
0x2e: {  	s25 =	sor.u32 $0x2A, s6;
	[tilespmem:$0x1FE60] =	vst v0;
	v0 =	vmov s24  }
0x2f: {  	s26 =	sor.u32 $0x2B, s6;
	[tilespmem:$0x1FE70] =	vst v0;
	v0 =	vmov s25  }
0x30: {  	s28 =	sor.u32 $0x2C, s6;
	[tilespmem:$0x1FE80] =	vst v0;
	v0 =	vmov s26  }
0x31: {  	s29 =	sor.u32 $0x2D, s6;
	[tilespmem:$0x1FE90] =	vst v0;
	v0 =	vmov s28  }
0x32: {  	s30 =	sor.u32 $0x2E, s6;
	s31 =	sor.u32 $0x2F, s6;
	[tilespmem:$0x1FEA0] =	vst v0;
	v0 =	vmov s29  }
0x33: {  	v56 =	vmov s6;
	s10 =	sor.u32 $0x30, s6;
	s29 =	sor.u32 $0x42, s6;
	[tilespmem:$0x1FEB0] =	vst v0;
	v0 =	vmov s30;
	s30 =	sor.u32 $0x43, s6  }
0x34: {  	s11 =	sor.u32 $0x31, s6;
	v1 =	vmov s29;
	s29 =	sor.u32 $0x57, s6;
	[tilespmem:$0x1FEC0] =	vst v0;
	v0 =	vmov s31;
	s31 =	sor.u32 $0x45, s6;
	v2 =	vmov s30  }
0x35: {  	s12 =	sor.u32 $0x32, s6;
	s30 =	sor.u32 $0x58, s6;
	v22 =	vmov s29;
	s29 =	sor.u32 $0x69, s6;
	[tilespmem:$0x1FED0] =	vst v0;
	v0 =	vmov s10;
	v4 =	vmov s31  }
0x36: {  	s10 =	sor.u32 $0x44, s6;
	s31 =	sor.u32 $0x59, s6;
	v23 =	vmov s30;
	s30 =	sor.u32 $0x6A, s6;
	v40 =	vmov s29;
	[tilespmem:$0x1FEE0] =	vst v0;
	v0 =	vmov s11  }
0x37: {  	s13 =	sor.u32 $0x33, s6;
	s29 =	sor.u32 $0x7C, s6;
	s11 =	sor.u32 $0x46, s6;
	v3 =	vmov s10;
	v24 =	vmov s31;
	v41 =	vmov s30  }
0x38: {  	s14 =	sor.u32 $0x34, s6;
	s31 =	sor.u32 $0x6B, s6;
	s10 =	sor.u32 $0x6C, s6;
	v60 =	vmov s29;
	[tilespmem:$0x1FEF0] =	vst v0;
	v0 =	vmov s12;
	v5 =	vmov s11  }
0x39: {  	s15 =	sor.u32 $0x35, s6;
	s30 =	sor.u32 $0x7D, s6;
	s12 =	sor.u32 $0x47, s6;
	v42 =	vmov s31;
	v43 =	vmov s10;
	[tilespmem:$0x1FF00] =	vst v0;
	v0 =	vmov s13  }
0x3a: {  	s16 =	sor.u32 $0x36, s6;
	s31 =	sshllo.u32 s5, $0x7;
	v61 =	vmov s30;
	s13 =	sor.u32 $0x48, s6;
	v6 =	vmov s12;
	[tilespmem:$0x1FF10] =	vst v0;
	v0 =	vmov s14  }
0x3b: {  	s17 =	sor.u32 $0x37, s6;
	v63 =	vmov s31;
	s14 =	sor.u32 $0x49, s6;
	v7 =	vmov s13;
	s13 =	sor.u32 $0x5A, s6;
	[tilespmem:$0x1FF20] =	vst v0;
	v0 =	vmov s15  }
0x3c: {  	s15 =	sor.u32 $0x4A, s6;
	v8 =	vmov s14;
	s14 =	sor.u32 $0x5B, s6;
	v25 =	vmov s13;
	s13 =	sor.u32 $0x6D, s6;
	[tilespmem:$0x1FF30] =	vst v0;
	v0 =	vmov s16  }
0x3d: {  	s18 =	sor.u32 $0x38, s6;
	s16 =	sor.u32 $0x4B, s6;
	v9 =	vmov s15;
	s15 =	sor.u32 $0x5C, s6;
	v26 =	vmov s14;
	v44 =	vmov s13  }
0x3e: {  	s19 =	sor.u32 $0x39, s6;
	s14 =	sor.u32 $0x6E, s6;
	[tilespmem:$0x1FF40] =	vst v0;
	v0 =	vmov s17;
	s17 =	sor.u32 $0x4C, s6;
	v10 =	vmov s16;
	v27 =	vmov s15  }
0x3f: {  	s20 =	sor.u32 $0x3A, s6;
	s16 =	sor.u32 $0x5D, s6;
	s15 =	sor.u32 $0x6F, s6;
	v45 =	vmov s14;
	[tilespmem:$0x1FF50] =	vst v0;
	v0 =	vmov s18;
	v11 =	vmov s17  }
0x40: {  	s18 =	sor.u32 $0x4D, s6;
	s17 =	sor.u32 $0x5E, s6;
	v28 =	vmov s16;
	s16 =	sor.u32 $0x70, s6;
	v46 =	vmov s15;
	[tilespmem:$0x1FF60] =	vst v0;
	v0 =	vmov s19  }
0x41: {  	s21 =	sor.u32 $0x3B, s6;
	s19 =	sor.u32 $0x4E, s6;
	v12 =	vmov s18;
	s18 =	sor.u32 $0x5F, s6;
	v29 =	vmov s17;
	v47 =	vmov s16  }
0x42: {  	s22 =	sor.u32 $0x3C, s6;
	s17 =	sor.u32 $0x71, s6;
	[tilespmem:$0x1FF70] =	vst v0;
	v0 =	vmov s20;
	s20 =	sor.u32 $0x4F, s6;
	v13 =	vmov s19;
	v30 =	vmov s18  }
0x43: {  	s23 =	sor.u32 $0x3D, s6;
	s19 =	sor.u32 $0x60, s6;
	s18 =	sor.u32 $0x72, s6;
	v48 =	vmov s17;
	[tilespmem:$0x1FF80] =	vst v0;
	v0 =	vmov s21;
	v14 =	vmov s20  }
0x44: {  	s21 =	sor.u32 $0x50, s6;
	s20 =	sor.u32 $0x61, s6;
	v31 =	vmov s19;
	s19 =	sor.u32 $0x73, s6;
	v49 =	vmov s18;
	[tilespmem:$0x1FF90] =	vst v0;
	v0 =	vmov s22  }
0x45: {  	s24 =	sor.u32 $0x3E, s6;
	s22 =	sor.u32 $0x51, s6;
	v15 =	vmov s21;
	s21 =	sor.u32 $0x62, s6;
	v32 =	vmov s20;
	v50 =	vmov s19  }
0x46: {  	s25 =	sor.u32 $0x3F, s6;
	s20 =	sor.u32 $0x74, s6;
	[tilespmem:$0x1FFA0] =	vst v0;
	v0 =	vmov s23;
	s23 =	sor.u32 $0x52, s6;
	v16 =	vmov s22;
	v33 =	vmov s21  }
0x47: {  	s26 =	sor.u32 $0x40, s6;
	s22 =	sor.u32 $0x63, s6;
	s21 =	sor.u32 $0x75, s6;
	v51 =	vmov s20;
	[tilespmem:$0x1FFB0] =	vst v0;
	v0 =	vmov s24;
	v17 =	vmov s23  }
0x48: {  	s24 =	sor.u32 $0x53, s6;
	s23 =	sor.u32 $0x64, s6;
	v34 =	vmov s22;
	s22 =	sor.u32 $0x76, s6;
	v52 =	vmov s21;
	[tilespmem:$0x1FFC0] =	vst v0;
	v0 =	vmov s25  }
0x49: {  	s28 =	sor.u32 $0x41, s6;
	s25 =	sor.u32 $0x54, s6;
	v18 =	vmov s24;
	s24 =	sor.u32 $0x65, s6;
	v35 =	vmov s23;
	v53 =	vmov s22  }
0x4a: {  	s5 =	sshll.u32 s5, $0xA;
	s23 =	sor.u32 $0x77, s6;
	[tilespmem:$0x1FFD0] =	vst v0;
	v0 =	vmov s26;
	s26 =	sor.u32 $0x55, s6;
	v19 =	vmov s25;
	v36 =	vmov s24  }
0x4b: {  	s25 =	sor.u32 $0x66, s6;
	s24 =	sor.u32 $0x78, s6;
	v54 =	vmov s23;
	[tilespmem:$0x1FFE0] =	vst v0;
	v0 =	vmov s28;
	s28 =	sor.u32 $0x56, s6;
	v20 =	vmov s26  }
0x4c: {  	s26 =	sor.u32 $0x67, s6;
	v37 =	vmov s25;
	s25 =	sor.u32 $0x79, s6;
	v55 =	vmov s24;
	v21 =	vmov s28;
	s28 =	sor.u32 $0x68, s6  }
0x4d: {  	v38 =	vmov s26;
	s26 =	sor.u32 $0x7A, s6;
	v57 =	vmov s25;
	v39 =	vmov s28;
	s28 =	sor.u32 $0x7B, s6;
	s6 =	sor.u32 $0x7E, s6  }
0x4e: {  	s4 =	smax.u32 s4, $0x1;
	s3 =	sadd.s32 s3, s5;
	s5 =	simm.s32 $0x1;
	[tilespmem:$0x1FFF0] =	vst v0;
	v58 =	vmov s26;
	v59 =	vmov s28;
	v62 =	vmov s6  }
.LBB2_1:
0x4f: {  	v0 =	vld [tilespmem:$0x1FBF0];
	_ =	sdelay $0x4  }
0x50: {  	[tilespmem:$0x40] =	vst v0  }
0x51: {  	[tilespmem:$0x50] =	vst v0  }
0x52: {  	[tilespmem:$0x60] =	vst v0  }
0x53: {  	[tilespmem:$0x70] =	vst v0;
	v0 =	vld [tilespmem:$0x1FC00];
	_ =	sdelay $0x4  }
0x54: {  	[tilespmem:$0x80] =	vst v0  }
0x55: {  	[tilespmem:$0x90] =	vst v0  }
0x56: {  	[tilespmem:$0xA0] =	vst v0  }
0x57: {  	[tilespmem:$0xB0] =	vst v0;
	v0 =	vld [tilespmem:$0x1FC10];
	_ =	sdelay $0x4  }
0x58: {  	[tilespmem:$0xC0] =	vst v0  }
0x59: {  	[tilespmem:$0xD0] =	vst v0  }
0x5a: {  	[tilespmem:$0xE0] =	vst v0  }
0x5b: {  	[tilespmem:$0xF0] =	vst v0;
	v0 =	vld [tilespmem:$0x1FC20];
	_ =	sdelay $0x4  }
0x5c: {  	[tilespmem:$0x100] =	vst v0  }
0x5d: {  	[tilespmem:$0x110] =	vst v0  }
0x5e: {  	[tilespmem:$0x120] =	vst v0  }
0x5f: {  	[tilespmem:$0x130] =	vst v0;
	v0 =	vld [tilespmem:$0x1FC30];
	_ =	sdelay $0x4  }
0x60: {  	[tilespmem:$0x140] =	vst v0  }
0x61: {  	[tilespmem:$0x150] =	vst v0  }
0x62: {  	[tilespmem:$0x160] =	vst v0  }
0x63: {  	[tilespmem:$0x170] =	vst v0;
	v0 =	vld [tilespmem:$0x1FC40];
	_ =	sdelay $0x4  }
0x64: {  	[tilespmem:$0x180] =	vst v0  }
0x65: {  	[tilespmem:$0x190] =	vst v0  }
0x66: {  	[tilespmem:$0x1A0] =	vst v0  }
0x67: {  	[tilespmem:$0x1B0] =	vst v0;
	v0 =	vld [tilespmem:$0x1FC50];
	_ =	sdelay $0x4  }
0x68: {  	[tilespmem:$0x1C0] =	vst v0  }
0x69: {  	[tilespmem:$0x1D0] =	vst v0  }
0x6a: {  	[tilespmem:$0x1E0] =	vst v0  }
0x6b: {  	[tilespmem:$0x1F0] =	vst v0;
	v0 =	vld [tilespmem:$0x1FC60];
	_ =	sdelay $0x4  }
0x6c: {  	[tilespmem:$0x200] =	vst v0  }
0x6d: {  	[tilespmem:$0x210] =	vst v0  }
0x6e: {  	[tilespmem:$0x220] =	vst v0  }
0x6f: {  	[tilespmem:$0x230] =	vst v0;
	v0 =	vld [tilespmem:$0x1FC70];
	_ =	sdelay $0x4  }
0x70: {  	[tilespmem:$0x240] =	vst v0  }
0x71: {  	[tilespmem:$0x250] =	vst v0  }
0x72: {  	[tilespmem:$0x260] =	vst v0  }
0x73: {  	[tilespmem:$0x270] =	vst v0;
	v0 =	vld [tilespmem:$0x1FC80];
	_ =	sdelay $0x4  }
0x74: {  	[tilespmem:$0x280] =	vst v0  }
0x75: {  	[tilespmem:$0x290] =	vst v0  }
0x76: {  	[tilespmem:$0x2A0] =	vst v0  }
0x77: {  	[tilespmem:$0x2B0] =	vst v0;
	v0 =	vld [tilespmem:$0x1FC90];
	_ =	sdelay $0x4  }
0x78: {  	[tilespmem:$0x2C0] =	vst v0  }
0x79: {  	[tilespmem:$0x2D0] =	vst v0  }
0x7a: {  	[tilespmem:$0x2E0] =	vst v0  }
0x7b: {  	[tilespmem:$0x2F0] =	vst v0;
	v0 =	vld [tilespmem:$0x1FCA0];
	_ =	sdelay $0x4  }
0x7c: {  	[tilespmem:$0x300] =	vst v0  }
0x7d: {  	[tilespmem:$0x310] =	vst v0  }
0x7e: {  	[tilespmem:$0x320] =	vst v0  }
0x7f: {  	[tilespmem:$0x330] =	vst v0;
	v0 =	vld [tilespmem:$0x1FCB0];
	_ =	sdelay $0x4  }
0x80: {  	[tilespmem:$0x340] =	vst v0  }
0x81: {  	[tilespmem:$0x350] =	vst v0  }
0x82: {  	[tilespmem:$0x360] =	vst v0  }
0x83: {  	[tilespmem:$0x370] =	vst v0;
	v0 =	vld [tilespmem:$0x1FCC0];
	_ =	sdelay $0x4  }
0x84: {  	[tilespmem:$0x380] =	vst v0  }
0x85: {  	[tilespmem:$0x390] =	vst v0  }
0x86: {  	[tilespmem:$0x3A0] =	vst v0  }
0x87: {  	[tilespmem:$0x3B0] =	vst v0;
	v0 =	vld [tilespmem:$0x1FCD0];
	_ =	sdelay $0x4  }
0x88: {  	[tilespmem:$0x3C0] =	vst v0  }
0x89: {  	[tilespmem:$0x3D0] =	vst v0  }
0x8a: {  	[tilespmem:$0x3E0] =	vst v0  }
0x8b: {  	[tilespmem:$0x3F0] =	vst v0;
	v0 =	vld [tilespmem:$0x1FCE0]  }
0x8c: {  	[tilespmem:$0x0] =	vst v56  }
0x8d: {  	[tilespmem:$0x10] =	vst v56  }
0x8e: {  	[tilespmem:$0x20] =	vst v56  }
0x8f: {  	[tilespmem:$0x30] =	vst v56  }
0x90: {  	[tilespmem:$0x400] =	vst v0  }
0x91: {  	[tilespmem:$0x410] =	vst v0  }
0x92: {  	[tilespmem:$0x420] =	vst v0  }
0x93: {  	[tilespmem:$0x430] =	vst v0  }
0x94: {  	[tilespmem:$0x1080] =	vst v1  }
0x95: {  	[tilespmem:$0x1090] =	vst v1  }
0x96: {  	[tilespmem:$0x10A0] =	vst v1  }
0x97: {  	[tilespmem:$0x10B0] =	vst v1  }
0x98: {  	[tilespmem:$0x10C0] =	vst v2  }
0x99: {  	[tilespmem:$0x10D0] =	vst v2  }
0x9a: {  	[tilespmem:$0x10E0] =	vst v2  }
0x9b: {  	[tilespmem:$0x1FE0] =	vst v63  }
0x9c: {  	[tilespmem:$0x1FD0] =	vst v63  }
0x9d: {  	[tilespmem:$0x1FC0] =	vst v63  }
0x9e: {  	[tilespmem:$0x1FB0] =	vst v62  }
0x9f: {  	[tilespmem:$0x1FA0] =	vst v62  }
0xa0: {  	[tilespmem:$0x1F90] =	vst v62  }
0xa1: {  	[tilespmem:$0x1F80] =	vst v62  }
0xa2: {  	[tilespmem:$0x1F70] =	vst v61  }
0xa3: {  	[tilespmem:$0x1F60] =	vst v61  }
0xa4: {  	[tilespmem:$0x1F50] =	vst v61  }
0xa5: {  	[tilespmem:$0x1F40] =	vst v61  }
0xa6: {  	[tilespmem:$0x1F30] =	vst v60  }
0xa7: {  	[tilespmem:$0x1F20] =	vst v60  }
0xa8: {  	[tilespmem:$0x1F10] =	vst v60  }
0xa9: {  	[tilespmem:$0x1F00] =	vst v60  }
0xaa: {  	[tilespmem:$0x1EF0] =	vst v59  }
0xab: {  	[tilespmem:$0x1EE0] =	vst v59  }
0xac: {  	[tilespmem:$0x1ED0] =	vst v59  }
0xad: {  	[tilespmem:$0x1EC0] =	vst v59  }
0xae: {  	[tilespmem:$0x1EB0] =	vst v58  }
0xaf: {  	[tilespmem:$0x1EA0] =	vst v58  }
0xb0: {  	[tilespmem:$0x1E90] =	vst v58  }
0xb1: {  	[tilespmem:$0x1E80] =	vst v58  }
0xb2: {  	[tilespmem:$0x1E70] =	vst v57  }
0xb3: {  	[tilespmem:$0x1E60] =	vst v57  }
0xb4: {  	[tilespmem:$0x1E50] =	vst v57  }
0xb5: {  	[tilespmem:$0x1E40] =	vst v57  }
0xb6: {  	[tilespmem:$0x1E30] =	vst v55  }
0xb7: {  	[tilespmem:$0x1E20] =	vst v55  }
0xb8: {  	[tilespmem:$0x1E10] =	vst v55  }
0xb9: {  	[tilespmem:$0x1E00] =	vst v55  }
0xba: {  	[tilespmem:$0x1DF0] =	vst v54  }
0xbb: {  	[tilespmem:$0x1DE0] =	vst v54  }
0xbc: {  	[tilespmem:$0x1DD0] =	vst v54  }
0xbd: {  	[tilespmem:$0x1DC0] =	vst v54  }
0xbe: {  	[tilespmem:$0x1DB0] =	vst v53  }
0xbf: {  	[tilespmem:$0x1DA0] =	vst v53  }
0xc0: {  	[tilespmem:$0x1D90] =	vst v53  }
0xc1: {  	[tilespmem:$0x1D80] =	vst v53  }
0xc2: {  	[tilespmem:$0x1D70] =	vst v52  }
0xc3: {  	[tilespmem:$0x1D60] =	vst v52  }
0xc4: {  	[tilespmem:$0x1D50] =	vst v52  }
0xc5: {  	[tilespmem:$0x1D40] =	vst v52  }
0xc6: {  	[tilespmem:$0x1D30] =	vst v51  }
0xc7: {  	[tilespmem:$0x1D20] =	vst v51;
	v0 =	vld [tilespmem:$0x1FCF0]  }
0xc8: {  	[tilespmem:$0x1D10] =	vst v51  }
0xc9: {  	[tilespmem:$0x1D00] =	vst v51  }
0xca: {  	[tilespmem:$0x1CF0] =	vst v50  }
0xcb: {  	[tilespmem:$0x1CE0] =	vst v50  }
0xcc: {  	[tilespmem:$0x440] =	vst v0  }
0xcd: {  	[tilespmem:$0x450] =	vst v0  }
0xce: {  	[tilespmem:$0x460] =	vst v0  }
0xcf: {  	[tilespmem:$0x470] =	vst v0;
	v0 =	vld [tilespmem:$0x1FD00]  }
0xd0: {  	[tilespmem:$0x1CD0] =	vst v50  }
0xd1: {  	[tilespmem:$0x1CC0] =	vst v50  }
0xd2: {  	[tilespmem:$0x1CB0] =	vst v49  }
0xd3: {  	[tilespmem:$0x1CA0] =	vst v49  }
0xd4: {  	[tilespmem:$0x480] =	vst v0  }
0xd5: {  	[tilespmem:$0x490] =	vst v0  }
0xd6: {  	[tilespmem:$0x4A0] =	vst v0  }
0xd7: {  	[tilespmem:$0x4B0] =	vst v0;
	v0 =	vld [tilespmem:$0x1FD10]  }
0xd8: {  	[tilespmem:$0x1C90] =	vst v49  }
0xd9: {  	[tilespmem:$0x1C80] =	vst v49  }
0xda: {  	[tilespmem:$0x1C70] =	vst v48  }
0xdb: {  	[tilespmem:$0x1C60] =	vst v48  }
0xdc: {  	[tilespmem:$0x4C0] =	vst v0  }
0xdd: {  	[tilespmem:$0x4D0] =	vst v0  }
0xde: {  	[tilespmem:$0x4E0] =	vst v0  }
0xdf: {  	[tilespmem:$0x4F0] =	vst v0;
	v0 =	vld [tilespmem:$0x1FD20]  }
0xe0: {  	[tilespmem:$0x1C50] =	vst v48  }
0xe1: {  	[tilespmem:$0x1C40] =	vst v48  }
0xe2: {  	[tilespmem:$0x1C30] =	vst v47  }
0xe3: {  	[tilespmem:$0x1C20] =	vst v47  }
0xe4: {  	[tilespmem:$0x500] =	vst v0  }
0xe5: {  	[tilespmem:$0x510] =	vst v0  }
0xe6: {  	[tilespmem:$0x520] =	vst v0  }
0xe7: {  	[tilespmem:$0x530] =	vst v0;
	v0 =	vld [tilespmem:$0x1FD30]  }
0xe8: {  	[tilespmem:$0x1C10] =	vst v47  }
0xe9: {  	[tilespmem:$0x1C00] =	vst v47  }
0xea: {  	[tilespmem:$0x1BF0] =	vst v46  }
0xeb: {  	[tilespmem:$0x1BE0] =	vst v46  }
0xec: {  	[tilespmem:$0x540] =	vst v0  }
0xed: {  	[tilespmem:$0x550] =	vst v0  }
0xee: {  	[tilespmem:$0x560] =	vst v0  }
0xef: {  	[tilespmem:$0x570] =	vst v0;
	v0 =	vld [tilespmem:$0x1FD40]  }
0xf0: {  	[tilespmem:$0x1BD0] =	vst v46  }
0xf1: {  	[tilespmem:$0x1BC0] =	vst v46  }
0xf2: {  	[tilespmem:$0x1BB0] =	vst v45  }
0xf3: {  	[tilespmem:$0x1BA0] =	vst v45  }
0xf4: {  	[tilespmem:$0x580] =	vst v0  }
0xf5: {  	[tilespmem:$0x590] =	vst v0  }
0xf6: {  	[tilespmem:$0x5A0] =	vst v0  }
0xf7: {  	[tilespmem:$0x5B0] =	vst v0;
	v0 =	vld [tilespmem:$0x1FD50]  }
0xf8: {  	[tilespmem:$0x1B90] =	vst v45  }
0xf9: {  	[tilespmem:$0x1B80] =	vst v45  }
0xfa: {  	[tilespmem:$0x1B70] =	vst v44  }
0xfb: {  	[tilespmem:$0x1B60] =	vst v44  }
0xfc: {  	[tilespmem:$0x5C0] =	vst v0  }
0xfd: {  	[tilespmem:$0x5D0] =	vst v0  }
0xfe: {  	[tilespmem:$0x5E0] =	vst v0  }
0xff: {  	[tilespmem:$0x5F0] =	vst v0;
	v0 =	vld [tilespmem:$0x1FD60]  }
0x100: {  	[tilespmem:$0x1B50] =	vst v44  }
0x101: {  	[tilespmem:$0x1B40] =	vst v44  }
0x102: {  	[tilespmem:$0x1B30] =	vst v43  }
0x103: {  	[tilespmem:$0x1B20] =	vst v43  }
0x104: {  	[tilespmem:$0x600] =	vst v0  }
0x105: {  	[tilespmem:$0x610] =	vst v0  }
0x106: {  	[tilespmem:$0x620] =	vst v0  }
0x107: {  	[tilespmem:$0x630] =	vst v0;
	v0 =	vld [tilespmem:$0x1FD70]  }
0x108: {  	[tilespmem:$0x1B10] =	vst v43  }
0x109: {  	[tilespmem:$0x1B00] =	vst v43  }
0x10a: {  	[tilespmem:$0x1AF0] =	vst v42  }
0x10b: {  	[tilespmem:$0x1AE0] =	vst v42  }
0x10c: {  	[tilespmem:$0x640] =	vst v0  }
0x10d: {  	[tilespmem:$0x650] =	vst v0  }
0x10e: {  	[tilespmem:$0x660] =	vst v0  }
0x10f: {  	[tilespmem:$0x670] =	vst v0;
	v0 =	vld [tilespmem:$0x1FD80]  }
0x110: {  	[tilespmem:$0x1AD0] =	vst v42  }
0x111: {  	[tilespmem:$0x1AC0] =	vst v42  }
0x112: {  	[tilespmem:$0x1AB0] =	vst v41  }
0x113: {  	[tilespmem:$0x1AA0] =	vst v41  }
0x114: {  	[tilespmem:$0x680] =	vst v0  }
0x115: {  	[tilespmem:$0x690] =	vst v0  }
0x116: {  	[tilespmem:$0x6A0] =	vst v0  }
0x117: {  	[tilespmem:$0x6B0] =	vst v0;
	v0 =	vld [tilespmem:$0x1FD90]  }
0x118: {  	[tilespmem:$0x1A90] =	vst v41  }
0x119: {  	[tilespmem:$0x1A80] =	vst v41  }
0x11a: {  	[tilespmem:$0x1A70] =	vst v40  }
0x11b: {  	[tilespmem:$0x1A60] =	vst v40  }
0x11c: {  	[tilespmem:$0x6C0] =	vst v0  }
0x11d: {  	[tilespmem:$0x6D0] =	vst v0  }
0x11e: {  	[tilespmem:$0x6E0] =	vst v0  }
0x11f: {  	[tilespmem:$0x6F0] =	vst v0;
	v0 =	vld [tilespmem:$0x1FDA0]  }
0x120: {  	[tilespmem:$0x1A50] =	vst v40  }
0x121: {  	[tilespmem:$0x1A40] =	vst v40  }
0x122: {  	[tilespmem:$0x1A30] =	vst v39  }
0x123: {  	[tilespmem:$0x1A20] =	vst v39  }
0x124: {  	[tilespmem:$0x700] =	vst v0  }
0x125: {  	[tilespmem:$0x710] =	vst v0  }
0x126: {  	[tilespmem:$0x720] =	vst v0  }
0x127: {  	[tilespmem:$0x730] =	vst v0;
	v0 =	vld [tilespmem:$0x1FDB0]  }
0x128: {  	[tilespmem:$0x1A10] =	vst v39  }
0x129: {  	[tilespmem:$0x1A00] =	vst v39  }
0x12a: {  	[tilespmem:$0x19F0] =	vst v38  }
0x12b: {  	[tilespmem:$0x19E0] =	vst v38  }
0x12c: {  	[tilespmem:$0x740] =	vst v0  }
0x12d: {  	[tilespmem:$0x750] =	vst v0  }
0x12e: {  	[tilespmem:$0x760] =	vst v0  }
0x12f: {  	[tilespmem:$0x770] =	vst v0;
	v0 =	vld [tilespmem:$0x1FDC0]  }
0x130: {  	[tilespmem:$0x19D0] =	vst v38  }
0x131: {  	[tilespmem:$0x19C0] =	vst v38  }
0x132: {  	[tilespmem:$0x19B0] =	vst v37  }
0x133: {  	[tilespmem:$0x19A0] =	vst v37  }
0x134: {  	[tilespmem:$0x780] =	vst v0  }
0x135: {  	[tilespmem:$0x790] =	vst v0  }
0x136: {  	[tilespmem:$0x7A0] =	vst v0  }
0x137: {  	[tilespmem:$0x7B0] =	vst v0;
	v0 =	vld [tilespmem:$0x1FDD0]  }
0x138: {  	[tilespmem:$0x1990] =	vst v37  }
0x139: {  	[tilespmem:$0x1980] =	vst v37  }
0x13a: {  	[tilespmem:$0x1970] =	vst v36  }
0x13b: {  	[tilespmem:$0x1960] =	vst v36  }
0x13c: {  	[tilespmem:$0x7C0] =	vst v0  }
0x13d: {  	[tilespmem:$0x7D0] =	vst v0  }
0x13e: {  	[tilespmem:$0x7E0] =	vst v0  }
0x13f: {  	[tilespmem:$0x7F0] =	vst v0;
	v0 =	vld [tilespmem:$0x1FDE0]  }
0x140: {  	[tilespmem:$0x1950] =	vst v36  }
0x141: {  	[tilespmem:$0x1940] =	vst v36  }
0x142: {  	[tilespmem:$0x1930] =	vst v35  }
0x143: {  	[tilespmem:$0x1920] =	vst v35  }
0x144: {  	[tilespmem:$0x800] =	vst v0  }
0x145: {  	[tilespmem:$0x810] =	vst v0  }
0x146: {  	[tilespmem:$0x820] =	vst v0  }
0x147: {  	[tilespmem:$0x830] =	vst v0;
	v0 =	vld [tilespmem:$0x1FDF0]  }
0x148: {  	[tilespmem:$0x1910] =	vst v35  }
0x149: {  	[tilespmem:$0x1900] =	vst v35  }
0x14a: {  	[tilespmem:$0x18F0] =	vst v34  }
0x14b: {  	[tilespmem:$0x18E0] =	vst v34  }
0x14c: {  	[tilespmem:$0x840] =	vst v0  }
0x14d: {  	[tilespmem:$0x850] =	vst v0  }
0x14e: {  	[tilespmem:$0x860] =	vst v0  }
0x14f: {  	[tilespmem:$0x870] =	vst v0;
	v0 =	vld [tilespmem:$0x1FE00]  }
0x150: {  	[tilespmem:$0x18D0] =	vst v34  }
0x151: {  	[tilespmem:$0x18C0] =	vst v34  }
0x152: {  	[tilespmem:$0x18B0] =	vst v33  }
0x153: {  	[tilespmem:$0x18A0] =	vst v33  }
0x154: {  	[tilespmem:$0x880] =	vst v0  }
0x155: {  	[tilespmem:$0x890] =	vst v0  }
0x156: {  	[tilespmem:$0x8A0] =	vst v0  }
0x157: {  	[tilespmem:$0x8B0] =	vst v0;
	v0 =	vld [tilespmem:$0x1FE10]  }
0x158: {  	[tilespmem:$0x1890] =	vst v33  }
0x159: {  	[tilespmem:$0x1880] =	vst v33  }
0x15a: {  	[tilespmem:$0x1870] =	vst v32  }
0x15b: {  	[tilespmem:$0x1860] =	vst v32  }
0x15c: {  	[tilespmem:$0x8C0] =	vst v0  }
0x15d: {  	[tilespmem:$0x8D0] =	vst v0  }
0x15e: {  	[tilespmem:$0x8E0] =	vst v0  }
0x15f: {  	[tilespmem:$0x8F0] =	vst v0;
	v0 =	vld [tilespmem:$0x1FE20]  }
0x160: {  	[tilespmem:$0x1850] =	vst v32  }
0x161: {  	[tilespmem:$0x1840] =	vst v32  }
0x162: {  	[tilespmem:$0x1830] =	vst v31  }
0x163: {  	[tilespmem:$0x1820] =	vst v31  }
0x164: {  	[tilespmem:$0x900] =	vst v0  }
0x165: {  	[tilespmem:$0x910] =	vst v0  }
0x166: {  	[tilespmem:$0x920] =	vst v0  }
0x167: {  	[tilespmem:$0x930] =	vst v0;
	v0 =	vld [tilespmem:$0x1FE30]  }
0x168: {  	[tilespmem:$0x1810] =	vst v31  }
0x169: {  	[tilespmem:$0x1800] =	vst v31  }
0x16a: {  	[tilespmem:$0x17F0] =	vst v30  }
0x16b: {  	[tilespmem:$0x17E0] =	vst v30  }
0x16c: {  	[tilespmem:$0x940] =	vst v0  }
0x16d: {  	[tilespmem:$0x950] =	vst v0  }
0x16e: {  	[tilespmem:$0x960] =	vst v0  }
0x16f: {  	[tilespmem:$0x970] =	vst v0;
	v0 =	vld [tilespmem:$0x1FE40]  }
0x170: {  	[tilespmem:$0x17D0] =	vst v30  }
0x171: {  	[tilespmem:$0x17C0] =	vst v30  }
0x172: {  	[tilespmem:$0x17B0] =	vst v29  }
0x173: {  	[tilespmem:$0x17A0] =	vst v29  }
0x174: {  	[tilespmem:$0x980] =	vst v0  }
0x175: {  	[tilespmem:$0x990] =	vst v0  }
0x176: {  	[tilespmem:$0x9A0] =	vst v0  }
0x177: {  	[tilespmem:$0x9B0] =	vst v0;
	v0 =	vld [tilespmem:$0x1FE50]  }
0x178: {  	[tilespmem:$0x1790] =	vst v29  }
0x179: {  	[tilespmem:$0x1780] =	vst v29  }
0x17a: {  	[tilespmem:$0x1770] =	vst v28  }
0x17b: {  	[tilespmem:$0x1760] =	vst v28  }
0x17c: {  	[tilespmem:$0x9C0] =	vst v0  }
0x17d: {  	[tilespmem:$0x9D0] =	vst v0  }
0x17e: {  	[tilespmem:$0x9E0] =	vst v0  }
0x17f: {  	[tilespmem:$0x9F0] =	vst v0;
	v0 =	vld [tilespmem:$0x1FE60]  }
0x180: {  	[tilespmem:$0x1750] =	vst v28  }
0x181: {  	[tilespmem:$0x1740] =	vst v28  }
0x182: {  	[tilespmem:$0x1730] =	vst v27  }
0x183: {  	[tilespmem:$0x1720] =	vst v27  }
0x184: {  	[tilespmem:$0xA00] =	vst v0  }
0x185: {  	[tilespmem:$0xA10] =	vst v0  }
0x186: {  	[tilespmem:$0xA20] =	vst v0  }
0x187: {  	[tilespmem:$0xA30] =	vst v0;
	v0 =	vld [tilespmem:$0x1FE70]  }
0x188: {  	[tilespmem:$0x1710] =	vst v27  }
0x189: {  	[tilespmem:$0x1700] =	vst v27  }
0x18a: {  	[tilespmem:$0x16F0] =	vst v26  }
0x18b: {  	[tilespmem:$0x16E0] =	vst v26  }
0x18c: {  	[tilespmem:$0xA40] =	vst v0  }
0x18d: {  	[tilespmem:$0xA50] =	vst v0  }
0x18e: {  	[tilespmem:$0xA60] =	vst v0  }
0x18f: {  	[tilespmem:$0xA70] =	vst v0;
	v0 =	vld [tilespmem:$0x1FE80]  }
0x190: {  	[tilespmem:$0x16D0] =	vst v26  }
0x191: {  	[tilespmem:$0x16C0] =	vst v26  }
0x192: {  	[tilespmem:$0x16B0] =	vst v25  }
0x193: {  	[tilespmem:$0x16A0] =	vst v25  }
0x194: {  	[tilespmem:$0xA80] =	vst v0  }
0x195: {  	[tilespmem:$0xA90] =	vst v0  }
0x196: {  	[tilespmem:$0xAA0] =	vst v0  }
0x197: {  	[tilespmem:$0xAB0] =	vst v0;
	v0 =	vld [tilespmem:$0x1FE90]  }
0x198: {  	[tilespmem:$0x1690] =	vst v25  }
0x199: {  	[tilespmem:$0x1680] =	vst v25  }
0x19a: {  	[tilespmem:$0x1670] =	vst v24  }
0x19b: {  	[tilespmem:$0x1660] =	vst v24  }
0x19c: {  	[tilespmem:$0xAC0] =	vst v0  }
0x19d: {  	[tilespmem:$0xAD0] =	vst v0  }
0x19e: {  	[tilespmem:$0xAE0] =	vst v0  }
0x19f: {  	[tilespmem:$0xAF0] =	vst v0;
	v0 =	vld [tilespmem:$0x1FEA0]  }
0x1a0: {  	[tilespmem:$0x1650] =	vst v24  }
0x1a1: {  	[tilespmem:$0x1640] =	vst v24  }
0x1a2: {  	[tilespmem:$0x1630] =	vst v23  }
0x1a3: {  	[tilespmem:$0x1620] =	vst v23  }
0x1a4: {  	[tilespmem:$0xB00] =	vst v0  }
0x1a5: {  	[tilespmem:$0xB10] =	vst v0  }
0x1a6: {  	[tilespmem:$0xB20] =	vst v0  }
0x1a7: {  	[tilespmem:$0xB30] =	vst v0;
	v0 =	vld [tilespmem:$0x1FEB0]  }
0x1a8: {  	[tilespmem:$0x1610] =	vst v23  }
0x1a9: {  	[tilespmem:$0x1600] =	vst v23  }
0x1aa: {  	[tilespmem:$0x15F0] =	vst v22  }
0x1ab: {  	[tilespmem:$0x15E0] =	vst v22  }
0x1ac: {  	[tilespmem:$0xB40] =	vst v0  }
0x1ad: {  	[tilespmem:$0xB50] =	vst v0  }
0x1ae: {  	[tilespmem:$0xB60] =	vst v0  }
0x1af: {  	[tilespmem:$0xB70] =	vst v0;
	v0 =	vld [tilespmem:$0x1FEC0]  }
0x1b0: {  	[tilespmem:$0x15D0] =	vst v22  }
0x1b1: {  	[tilespmem:$0x15C0] =	vst v22  }
0x1b2: {  	[tilespmem:$0x15B0] =	vst v21  }
0x1b3: {  	[tilespmem:$0x15A0] =	vst v21  }
0x1b4: {  	[tilespmem:$0xB80] =	vst v0  }
0x1b5: {  	[tilespmem:$0xB90] =	vst v0  }
0x1b6: {  	[tilespmem:$0xBA0] =	vst v0  }
0x1b7: {  	[tilespmem:$0xBB0] =	vst v0;
	v0 =	vld [tilespmem:$0x1FED0]  }
0x1b8: {  	[tilespmem:$0x1590] =	vst v21  }
0x1b9: {  	[tilespmem:$0x1580] =	vst v21  }
0x1ba: {  	[tilespmem:$0x1570] =	vst v20  }
0x1bb: {  	[tilespmem:$0x1560] =	vst v20  }
0x1bc: {  	[tilespmem:$0xBC0] =	vst v0  }
0x1bd: {  	[tilespmem:$0xBD0] =	vst v0  }
0x1be: {  	[tilespmem:$0xBE0] =	vst v0  }
0x1bf: {  	[tilespmem:$0xBF0] =	vst v0;
	v0 =	vld [tilespmem:$0x1FEE0]  }
0x1c0: {  	[tilespmem:$0x1550] =	vst v20  }
0x1c1: {  	[tilespmem:$0x1540] =	vst v20  }
0x1c2: {  	[tilespmem:$0x1530] =	vst v19  }
0x1c3: {  	[tilespmem:$0x1520] =	vst v19  }
0x1c4: {  	[tilespmem:$0xC00] =	vst v0  }
0x1c5: {  	[tilespmem:$0xC10] =	vst v0  }
0x1c6: {  	[tilespmem:$0xC20] =	vst v0  }
0x1c7: {  	[tilespmem:$0xC30] =	vst v0;
	v0 =	vld [tilespmem:$0x1FEF0]  }
0x1c8: {  	[tilespmem:$0x1510] =	vst v19  }
0x1c9: {  	[tilespmem:$0x1500] =	vst v19  }
0x1ca: {  	[tilespmem:$0x14F0] =	vst v18  }
0x1cb: {  	[tilespmem:$0x14E0] =	vst v18  }
0x1cc: {  	[tilespmem:$0xC40] =	vst v0  }
0x1cd: {  	[tilespmem:$0xC50] =	vst v0  }
0x1ce: {  	[tilespmem:$0xC60] =	vst v0  }
0x1cf: {  	[tilespmem:$0xC70] =	vst v0;
	v0 =	vld [tilespmem:$0x1FF00]  }
0x1d0: {  	[tilespmem:$0x14D0] =	vst v18  }
0x1d1: {  	[tilespmem:$0x14C0] =	vst v18  }
0x1d2: {  	[tilespmem:$0x14B0] =	vst v17  }
0x1d3: {  	[tilespmem:$0x14A0] =	vst v17  }
0x1d4: {  	[tilespmem:$0xC80] =	vst v0  }
0x1d5: {  	[tilespmem:$0xC90] =	vst v0  }
0x1d6: {  	[tilespmem:$0xCA0] =	vst v0  }
0x1d7: {  	[tilespmem:$0xCB0] =	vst v0;
	v0 =	vld [tilespmem:$0x1FF10]  }
0x1d8: {  	[tilespmem:$0x1490] =	vst v17  }
0x1d9: {  	[tilespmem:$0x1480] =	vst v17  }
0x1da: {  	[tilespmem:$0x1470] =	vst v16  }
0x1db: {  	[tilespmem:$0x1460] =	vst v16  }
0x1dc: {  	[tilespmem:$0xCC0] =	vst v0  }
0x1dd: {  	[tilespmem:$0xCD0] =	vst v0  }
0x1de: {  	[tilespmem:$0xCE0] =	vst v0  }
0x1df: {  	[tilespmem:$0xCF0] =	vst v0;
	v0 =	vld [tilespmem:$0x1FF20]  }
0x1e0: {  	[tilespmem:$0x1450] =	vst v16  }
0x1e1: {  	[tilespmem:$0x1440] =	vst v16  }
0x1e2: {  	[tilespmem:$0x1430] =	vst v15  }
0x1e3: {  	[tilespmem:$0x1420] =	vst v15  }
0x1e4: {  	[tilespmem:$0xD00] =	vst v0  }
0x1e5: {  	[tilespmem:$0xD10] =	vst v0  }
0x1e6: {  	[tilespmem:$0xD20] =	vst v0  }
0x1e7: {  	[tilespmem:$0xD30] =	vst v0;
	v0 =	vld [tilespmem:$0x1FF30]  }
0x1e8: {  	[tilespmem:$0x1410] =	vst v15  }
0x1e9: {  	[tilespmem:$0x1400] =	vst v15  }
0x1ea: {  	[tilespmem:$0x13F0] =	vst v14  }
0x1eb: {  	[tilespmem:$0x13E0] =	vst v14  }
0x1ec: {  	[tilespmem:$0xD40] =	vst v0  }
0x1ed: {  	[tilespmem:$0xD50] =	vst v0  }
0x1ee: {  	[tilespmem:$0xD60] =	vst v0  }
0x1ef: {  	[tilespmem:$0xD70] =	vst v0;
	v0 =	vld [tilespmem:$0x1FF40]  }
0x1f0: {  	[tilespmem:$0x13D0] =	vst v14  }
0x1f1: {  	[tilespmem:$0x13C0] =	vst v14  }
0x1f2: {  	[tilespmem:$0x13B0] =	vst v13  }
0x1f3: {  	[tilespmem:$0x13A0] =	vst v13  }
0x1f4: {  	[tilespmem:$0xD80] =	vst v0  }
0x1f5: {  	[tilespmem:$0xD90] =	vst v0  }
0x1f6: {  	[tilespmem:$0xDA0] =	vst v0  }
0x1f7: {  	[tilespmem:$0xDB0] =	vst v0;
	v0 =	vld [tilespmem:$0x1FF50]  }
0x1f8: {  	[tilespmem:$0x1390] =	vst v13  }
0x1f9: {  	[tilespmem:$0x1380] =	vst v13  }
0x1fa: {  	[tilespmem:$0x1370] =	vst v12  }
0x1fb: {  	[tilespmem:$0x1360] =	vst v12  }
0x1fc: {  	[tilespmem:$0xDC0] =	vst v0  }
0x1fd: {  	[tilespmem:$0xDD0] =	vst v0  }
0x1fe: {  	[tilespmem:$0xDE0] =	vst v0  }
0x1ff: {  	[tilespmem:$0xDF0] =	vst v0;
	v0 =	vld [tilespmem:$0x1FF60]  }
0x200: {  	[tilespmem:$0x1350] =	vst v12  }
0x201: {  	[tilespmem:$0x1340] =	vst v12  }
0x202: {  	[tilespmem:$0x1330] =	vst v11  }
0x203: {  	[tilespmem:$0x1320] =	vst v11  }
0x204: {  	[tilespmem:$0xE00] =	vst v0  }
0x205: {  	[tilespmem:$0xE10] =	vst v0  }
0x206: {  	[tilespmem:$0xE20] =	vst v0  }
0x207: {  	[tilespmem:$0xE30] =	vst v0;
	v0 =	vld [tilespmem:$0x1FF70]  }
0x208: {  	[tilespmem:$0x1310] =	vst v11  }
0x209: {  	[tilespmem:$0x1300] =	vst v11  }
0x20a: {  	[tilespmem:$0x12F0] =	vst v10  }
0x20b: {  	[tilespmem:$0x12E0] =	vst v10  }
0x20c: {  	[tilespmem:$0xE40] =	vst v0  }
0x20d: {  	[tilespmem:$0xE50] =	vst v0  }
0x20e: {  	[tilespmem:$0xE60] =	vst v0  }
0x20f: {  	[tilespmem:$0xE70] =	vst v0;
	v0 =	vld [tilespmem:$0x1FF80]  }
0x210: {  	[tilespmem:$0x12D0] =	vst v10  }
0x211: {  	[tilespmem:$0x12C0] =	vst v10  }
0x212: {  	[tilespmem:$0x12B0] =	vst v9  }
0x213: {  	[tilespmem:$0x12A0] =	vst v9  }
0x214: {  	[tilespmem:$0xE80] =	vst v0  }
0x215: {  	[tilespmem:$0xE90] =	vst v0  }
0x216: {  	[tilespmem:$0xEA0] =	vst v0  }
0x217: {  	[tilespmem:$0xEB0] =	vst v0;
	v0 =	vld [tilespmem:$0x1FF90]  }
0x218: {  	[tilespmem:$0x1290] =	vst v9  }
0x219: {  	[tilespmem:$0x1280] =	vst v9  }
0x21a: {  	[tilespmem:$0x1270] =	vst v8  }
0x21b: {  	[tilespmem:$0x1260] =	vst v8  }
0x21c: {  	[tilespmem:$0xEC0] =	vst v0  }
0x21d: {  	[tilespmem:$0xED0] =	vst v0  }
0x21e: {  	[tilespmem:$0xEE0] =	vst v0  }
0x21f: {  	[tilespmem:$0xEF0] =	vst v0;
	v0 =	vld [tilespmem:$0x1FFA0]  }
0x220: {  	[tilespmem:$0x1250] =	vst v8  }
0x221: {  	[tilespmem:$0x1240] =	vst v8  }
0x222: {  	[tilespmem:$0x1230] =	vst v7  }
0x223: {  	[tilespmem:$0x1220] =	vst v7  }
0x224: {  	[tilespmem:$0xF00] =	vst v0  }
0x225: {  	[tilespmem:$0xF10] =	vst v0  }
0x226: {  	[tilespmem:$0xF20] =	vst v0  }
0x227: {  	[tilespmem:$0xF30] =	vst v0;
	v0 =	vld [tilespmem:$0x1FFB0]  }
0x228: {  	[tilespmem:$0x1210] =	vst v7  }
0x229: {  	[tilespmem:$0x1200] =	vst v7  }
0x22a: {  	[tilespmem:$0x11F0] =	vst v6  }
0x22b: {  	[tilespmem:$0x11E0] =	vst v6  }
0x22c: {  	[tilespmem:$0xF40] =	vst v0  }
0x22d: {  	[tilespmem:$0xF50] =	vst v0  }
0x22e: {  	[tilespmem:$0xF60] =	vst v0  }
0x22f: {  	[tilespmem:$0xF70] =	vst v0;
	v0 =	vld [tilespmem:$0x1FFC0]  }
0x230: {  	[tilespmem:$0x11D0] =	vst v6  }
0x231: {  	[tilespmem:$0x11C0] =	vst v6  }
0x232: {  	[tilespmem:$0x11B0] =	vst v5  }
0x233: {  	[tilespmem:$0x11A0] =	vst v5  }
0x234: {  	[tilespmem:$0xF80] =	vst v0  }
0x235: {  	[tilespmem:$0xF90] =	vst v0  }
0x236: {  	[tilespmem:$0xFA0] =	vst v0  }
0x237: {  	[tilespmem:$0xFB0] =	vst v0;
	v0 =	vld [tilespmem:$0x1FFD0]  }
0x238: {  	[tilespmem:$0x1190] =	vst v5  }
0x239: {  	[tilespmem:$0x1180] =	vst v5  }
0x23a: {  	[tilespmem:$0x1170] =	vst v4  }
0x23b: {  	[tilespmem:$0x1160] =	vst v4  }
0x23c: {  	[tilespmem:$0xFC0] =	vst v0  }
0x23d: {  	[tilespmem:$0xFD0] =	vst v0  }
0x23e: {  	[tilespmem:$0xFE0] =	vst v0  }
0x23f: {  	[tilespmem:$0xFF0] =	vst v0;
	v0 =	vld [tilespmem:$0x1FFE0]  }
0x240: {  	[tilespmem:$0x1150] =	vst v4  }
0x241: {  	[tilespmem:$0x1140] =	vst v4  }
0x242: {  	[tilespmem:$0x1130] =	vst v3  }
0x243: {  	[tilespmem:$0x1120] =	vst v3  }
0x244: {  	[tilespmem:$0x1000] =	vst v0  }
0x245: {  	[tilespmem:$0x1010] =	vst v0  }
0x246: {  	[tilespmem:$0x1020] =	vst v0  }
0x247: {  	[tilespmem:$0x1030] =	vst v0;
	v0 =	vld [tilespmem:$0x1FFF0]  }
0x248: {  	[tilespmem:$0x1110] =	vst v3  }
0x249: {  	[tilespmem:$0x1100] =	vst v3  }
0x24a: {  	[tilespmem:$0x10F0] =	vst v2  }
0x24b: {  	[tilespmem:$0x1FF0] =	vst v63  }
0x24c: {  	[tilespmem:$0x1040] =	vst v0  }
0x24d: {  	[tilespmem:$0x1050] =	vst v0  }
0x24e: {  	p0 =	sne.s32 s4, $0x1;
	[tilespmem:$0x1060] =	vst v0  }
.Ltmp0:
0x24f: {  	[tilespmem:$0x1070] =	vst v0;
	(pc) =	sbr.rel @p0 .LBB2_1-.Ltmp0, $4  }
0x250: {  	[hbm4b:s3+s2] =	stream.linear.scatter [tilespmem:s2], [sflag:$0x1], $0x2000, $0x38;
	[tilespmem:$0x2000] =	vst v63  }
0x251: {  	_ =	swait.ge [sflag:s5], $0x2000  }
0x252: {  	[sflag:s5] =	ssyncset.done $0x0  }
0x253: {  	s4 =	sadd.s32 $0xFFFFFFFF, s4;
	[sflag:s5] =	ssyncadd.s32 $0xFFFFE000  }
0x254: {  	_ =	sfence.sel $0x180000  }
0x255: {  	[bflag:$0x0] =	sbarrier.arrive $0xFFFF  }
0x256: {  	p0 =	sne.s32 s1, $0x0;
	_ =	strace $0x90000047  }
0x257: {  	s0 =	sadd.s32 @!p0 $0x100000, s0;
	[bflag:$0x2] =	sbarrier.arrive $0xFFFF  }
0x258: {  	[sflag:s0] =	ssyncadd.tile.s32 @!p0 $0x1;
	_ =	shalt  }
.Lfunc_end2:
_tile_overlayer_lowered:
.L_overlay_start_2:
0x259: {  	(tag) =	ssettag $0x2  }
0x25a: {  	s0 =	rddreg [dreg:$0x0];
	s2 =	stileid.u32  }
0x25b: {  	s1 =	rddreg [dreg:$0x1];
	p0 =	sne.s32 s2, $0x0  }
0x25c: {  	s3 =	rddreg [dreg:$0x2];
	[bflag:$0x3] =	sbarrier.arrive $0xFFFF;
	s2 =	simm.s32 @!p0 $0x1C01  }
0x25d: {  	[timem:s3], [sflag:s2] =	dma.local @!p0 [hbm:s0], s1  }
0x25e: {  	s0 =	simm.s32 @!p0 $0x1  }
0x25f: {  	_ =	swait.ge @!p0 [sflag:s0], s1  }
0x260: {  	s1 =	ssub.s32 @!p0 $0x0, s1;
	[sflag:s0] =	ssyncset.done @!p0 $0x0  }
0x261: {  	[sflag:s0] =	ssyncadd.s32 @!p0 s1  }
0x262: {  	[bflag:$0x3] =	sbarrier.arrive $0xFFFF  }
0x263: {  	_ =	shalt  }

</sc_bundles>
